<compile_context>
chip_gen: v7x
topology: tpu7x:2x2x1
jax: 0.10.2.dev20260603
libtpu: 0.0.44.dev20260713+nightly
codegen_flags: <defaults>
</compile_context>

<pallas_src>
import functools

import jax
import jax.numpy as jnp
from jax import lax
from jax.experimental import pallas as pl
from jax.experimental.pallas import tpu as pltpu
from jax.experimental.pallas import tpu_sc as plsc

HID = 128
PPAD = 16
NC, NS = 2, 16
NW = NC * NS
C = 80
L = 16


def _silu(x):
  one = jnp.asarray(1.0, x.dtype)
  return x / (one + jnp.exp(-x))


def _sc_gather_body(epw, nchunk, tbl_hbm, row_hbm, col_hbm,
                    hr_hbm, hc_hbm,
                    idx_r, idx_c, buf_r, buf_c, sem):
  wid = lax.axis_index("s") * NC + lax.axis_index("c")
  base = wid * epw

  pltpu.sync_copy(row_hbm.at[pl.ds(base, epw)], idx_r)
  pltpu.sync_copy(col_hbm.at[pl.ds(base, epw)], idx_c)

  def chunk(i, carry):
    off = base + i * C
    d1 = pltpu.async_copy(tbl_hbm.at[idx_r.at[pl.ds(i * C, C)]], buf_r, sem)
    d2 = pltpu.async_copy(tbl_hbm.at[idx_c.at[pl.ds(i * C, C)]], buf_c, sem)
    d1.wait()
    d2.wait()
    pltpu.sync_copy(buf_r, hr_hbm.at[pl.ds(off, C)])
    pltpu.sync_copy(buf_c, hc_hbm.at[pl.ds(off, C)])
    return carry

  lax.fori_loop(0, nchunk, chunk, 0)


def _sc_gather(tbl, row, col):
  e = row.shape[0]
  epw = e // NW
  nchunk = epw // C
  mesh = plsc.VectorSubcoreMesh(core_axis_name="c", subcore_axis_name="s",
                                num_cores=NC, num_subcores=NS)
  f = pl.kernel(
      functools.partial(_sc_gather_body, epw, nchunk),
      out_type=(
          jax.ShapeDtypeStruct((e, HID), jnp.int32),
          jax.ShapeDtypeStruct((e, HID), jnp.int32),
      ),
      mesh=mesh,
      scratch_types=(
          pltpu.VMEM((epw,), jnp.int32),
          pltpu.VMEM((epw,), jnp.int32),
          pltpu.VMEM((C, HID), jnp.int32),
          pltpu.VMEM((C, HID), jnp.int32),
          pltpu.SemaphoreType.DMA,
      ),
  )
  return f(tbl, row, col)


def _sc_scatter_m_body(epw, nchunk, row_hbm, m2_hbm, zm_hbm, aggm_hbm,
                       idx, mbuf, accm, sem):
  cid = lax.axis_index("c")
  sid = lax.axis_index("s")
  wid = sid * NC + cid

  @pl.when(sid == 0)
  def _zero():
    pltpu.sync_copy(zm_hbm, accm)

  plsc.subcore_barrier()

  base = wid * epw

  def chunk(i, carry):
    off = base + i * C
    pltpu.sync_copy(row_hbm.at[pl.ds(off, C)], idx)
    pltpu.sync_copy(m2_hbm.at[pl.ds(off, C)], mbuf)
    pltpu.sync_copy(mbuf, accm.at[idx], add=True)
    return carry

  lax.fori_loop(0, nchunk, chunk, 0)

  plsc.subcore_barrier()

  @pl.when(sid == 0)
  def _flush():
    pltpu.sync_copy(accm, aggm_hbm.at[cid])


def _sc_scatter_m(row, m2, n):
  e = row.shape[0]
  epw = e // NW
  nchunk = epw // C
  zm = jnp.zeros((n, HID), jnp.float32)
  mesh = plsc.VectorSubcoreMesh(core_axis_name="c", subcore_axis_name="s",
                                num_cores=NC, num_subcores=NS)
  f = pl.kernel(
      functools.partial(_sc_scatter_m_body, epw, nchunk),
      out_type=jax.ShapeDtypeStruct((NC, n, HID), jnp.float32),
      mesh=mesh,
      scratch_types=(
          pltpu.VMEM((C,), jnp.int32),
          pltpu.VMEM((C, HID), jnp.float32),
          pltpu.VMEM_SHARED((n, HID), jnp.float32),
          pltpu.SemaphoreType.DMA,
      ),
  )
  return f(row, m2, zm)


def _sc_scatter_c_body(epw, nchunk, row2_hbm, col_hbm, s_hbm,
                       px_hbm, py_hbm, pz_hbm, zc_hbm, aggc_hbm,
                       idx_r2, colbuf, sbuf, cbuf, px_v, py_v, pz_v, accc,
                       sem):
  cid = lax.axis_index("c")
  sid = lax.axis_index("s")
  wid = sid * NC + cid

  pltpu.sync_copy(px_hbm, px_v)
  pltpu.sync_copy(py_hbm, py_v)
  pltpu.sync_copy(pz_hbm, pz_v)

  @pl.when(sid == 0)
  def _zero():
    pltpu.sync_copy(zc_hbm, accc)

  pltpu.sync_copy(zc_hbm.at[pl.ds(0, C)], cbuf)

  pltpu.sync_copy(row2_hbm.at[pl.ds(wid * nchunk, nchunk)], idx_r2)
  pltpu.sync_copy(col_hbm.at[pl.ds(wid * epw, epw)], colbuf)
  pltpu.sync_copy(s_hbm.at[pl.ds(wid * epw, epw)], sbuf)

  plsc.subcore_barrier()

  lane = lax.iota(jnp.int32, L)
  zero16 = jnp.zeros((L,), jnp.int32)

  def chunk(i, carry):
    for j in range(C // L):
      ir = idx_r2[i, pl.ds(j * L, L)]
      ic = colbuf[pl.ds(i * C + j * L, L)]
      sv = sbuf[pl.ds(i * C + j * L, L)]
      dx = plsc.load_gather(px_v, [ir]) - plsc.load_gather(px_v, [ic])
      dy = plsc.load_gather(py_v, [ir]) - plsc.load_gather(py_v, [ic])
      dz = plsc.load_gather(pz_v, [ir]) - plsc.load_gather(pz_v, [ic])
      rowi = lane + j * L
      plsc.store_scatter(cbuf, [rowi, zero16], sv * dx)
      plsc.store_scatter(cbuf, [rowi, zero16 + 1], sv * dy)
      plsc.store_scatter(cbuf, [rowi, zero16 + 2], sv * dz)
    pltpu.sync_copy(cbuf, accc.at[idx_r2.at[i]], add=True)
    return carry

  lax.fori_loop(0, nchunk, chunk, 0)

  plsc.subcore_barrier()

  @pl.when(sid == 0)
  def _flush():
    pltpu.sync_copy(accc, aggc_hbm.at[cid])


def _sc_scatter_c(row, col, s, px, py, pz, n):
  e = row.shape[0]
  epw = e // NW
  nchunk = epw // C
  row2 = row.reshape(e // C, C)
  zc = jnp.zeros((n, PPAD), jnp.float32)
  mesh = plsc.VectorSubcoreMesh(core_axis_name="c", subcore_axis_name="s",
                                num_cores=NC, num_subcores=NS)
  f = pl.kernel(
      functools.partial(_sc_scatter_c_body, epw, nchunk),
      compiler_params=pltpu.CompilerParams(use_tc_tiling_on_sc=False,
                                           needs_layout_passes=False),
      out_type=jax.ShapeDtypeStruct((NC, n, PPAD), jnp.float32),
      mesh=mesh,
      scratch_types=(
          pltpu.VMEM((nchunk, C), jnp.int32),
          pltpu.VMEM((epw,), jnp.int32),
          pltpu.VMEM((epw,), jnp.float32),
          pltpu.VMEM((C, PPAD), jnp.float32),
          pltpu.VMEM((n,), jnp.float32),
          pltpu.VMEM((n,), jnp.float32),
          pltpu.VMEM((n,), jnp.float32),
          pltpu.VMEM_SHARED((n, PPAD), jnp.float32),
          pltpu.SemaphoreType.DMA,
      ),
  )
  return f(row2, col, s, px, py, pz, zc)


def _unpack_bf16(x32):
  lo = jax.lax.bitcast_convert_type(x32 << 16, jnp.float32)
  hi = jax.lax.bitcast_convert_type(x32 & jnp.int32(-65536), jnp.float32)
  return jnp.concatenate([lo, hi], axis=1).astype(jnp.bfloat16)


def _tc_edge_body(hr, hc, w1a, w1d, b1, w2, b2, wc1, bc1, wc2,
                  m2_out, s_out):
  hrv = hr[...]
  hcv = hc[...]
  dx = (jax.lax.bitcast_convert_type(hrv[:, 64:65], jnp.float32)
        - jax.lax.bitcast_convert_type(hcv[:, 64:65], jnp.float32))
  dy = (jax.lax.bitcast_convert_type(hrv[:, 65:66], jnp.float32)
        - jax.lax.bitcast_convert_type(hcv[:, 65:66], jnp.float32))
  dz = (jax.lax.bitcast_convert_type(hrv[:, 66:67], jnp.float32)
        - jax.lax.bitcast_convert_type(hcv[:, 66:67], jnp.float32))
  d2 = dx * dx + dy * dy + dz * dz
  dist = jnp.sqrt(d2 + 1e-8)
  hb = jnp.concatenate([_unpack_bf16(hrv[:, :64]), _unpack_bf16(hcv[:, :64])],
                       axis=1)
  x = jnp.dot(hb, w1a[...], preferred_element_type=jnp.float32)
  x = (x + dist * w1d[...] + b1[...]).astype(jnp.bfloat16)
  m1 = _silu(x)
  y = jnp.dot(m1, w2[...], preferred_element_type=jnp.float32) + b2[...]
  m2 = _silu(y)
  m2b = m2.astype(jnp.bfloat16)
  z = _silu((jnp.dot(m2b, wc1[...], preferred_element_type=jnp.float32)
             + bc1[...]).astype(jnp.bfloat16)).astype(jnp.float32)
  cw = jnp.sum(z * wc2[...], axis=1, keepdims=True)
  s = cw / (dist + 1e-8)
  m2_out[...] = m2
  s_out[...] = jnp.reshape(s, (s.shape[0],))


def _tc_edge(hr, hc, w1a, w1d, b1, w2, b2, wc1, bc1, wc2):
  e = hr.shape[0]
  be = 512
  grid = (e // be,)
  blk = lambda r, c: pl.BlockSpec((r, c), lambda i: (i, 0))
  wblk = lambda r, c: pl.BlockSpec((r, c), lambda i: (0, 0))
  return pl.pallas_call(
      _tc_edge_body,
      grid=grid,
      in_specs=[
          blk(be, HID), blk(be, HID),
          wblk(2 * HID, HID), wblk(1, HID), wblk(1, HID),
          wblk(HID, HID), wblk(1, HID),
          wblk(HID, HID), wblk(1, HID), wblk(1, HID),
      ],
      out_specs=[blk(be, HID), pl.BlockSpec((be,), lambda i: (i,))],
      out_shape=[
          jax.ShapeDtypeStruct((e, HID), jnp.float32),
          jax.ShapeDtypeStruct((e,), jnp.float32),
      ],
  )(hr, hc, w1a, w1d, b1, w2, b2, wc1, bc1, wc2)


def _tc_node_body(h, posp, aggm, aggc, wn1a, wn1b, bn1, wn2, bn2, g, b,
                  h_out, posp_out):
  agg = aggm[0]
  for p in range(1, aggm.shape[0]):
    agg = agg + aggm[p]
  x = jnp.dot(h[...], wn1a[...], preferred_element_type=jnp.float32)
  x = x + jnp.dot(agg, wn1b[...], preferred_element_type=jnp.float32)
  x = _silu(x + bn1[...])
  hupd = jnp.dot(x, wn2[...], preferred_element_type=jnp.float32) + bn2[...]
  y = h[...] + hupd
  mu = jnp.mean(y, axis=1, keepdims=True)
  var = jnp.mean((y - mu) * (y - mu), axis=1, keepdims=True)
  h_out[...] = (y - mu) * jax.lax.rsqrt(var + 1e-5) * g[...] + b[...]
  pout = posp[...]
  for p in range(aggc.shape[0]):
    pout = pout + aggc[p]
  posp_out[...] = pout


def _tc_node(h, posp, aggm, aggc, wn1a, wn1b, bn1, wn2, bn2, g, b):
  n = h.shape[0]
  npart = aggm.shape[0]
  bn = 1000
  grid = (n // bn,)
  blk = lambda r, c: pl.BlockSpec((r, c), lambda i: (i, 0))
  wblk = lambda r, c: pl.BlockSpec((r, c), lambda i: (0, 0))
  blk3 = lambda r, c: pl.BlockSpec((npart, r, c), lambda i: (0, i, 0))
  return pl.pallas_call(
      _tc_node_body,
      grid=grid,
      in_specs=[
          blk(bn, HID), blk(bn, PPAD), blk3(bn, HID), blk3(bn, PPAD),
          wblk(HID, HID), wblk(HID, HID), wblk(1, HID),
          wblk(HID, HID), wblk(1, HID), wblk(1, HID), wblk(1, HID),
      ],
      out_specs=[blk(bn, HID), blk(bn, PPAD)],
      out_shape=[
          jax.ShapeDtypeStruct((n, HID), jnp.float32),
          jax.ShapeDtypeStruct((n, PPAD), jnp.float32),
      ],
  )(h, posp, aggm, aggc, wn1a, wn1b, bn1, wn2, bn2, g, b)


@jax.jit
def kernel(h, pos, edge_index, W_e1, b_e1, W_e2, b_e2, W_n1, b_n1, W_n2,
           b_n2, W_c1, b_c1, W_c2, ln_gamma, ln_beta):
  n = h.shape[0]
  row = edge_index[0].astype(jnp.int32)
  col = edge_index[1].astype(jnp.int32)
  posp = jnp.zeros((n, PPAD), jnp.float32).at[:, :3].set(pos)

  hpacked = jax.lax.bitcast_convert_type(
      h.astype(jnp.bfloat16).reshape(n, HID // 2, 2), jnp.int32)
  posbits = jax.lax.bitcast_convert_type(pos, jnp.int32)
  tbl = jnp.concatenate(
      [hpacked, posbits, jnp.zeros((n, HID - HID // 2 - 3), jnp.int32)],
      axis=1)

  wa = W_e1[:HID]
  wb = W_e1[HID:2 * HID]
  w1a = jnp.concatenate([wa[0::2], wa[1::2], wb[0::2], wb[1::2]],
                        axis=0).astype(jnp.bfloat16)
  w1d = W_e1[2 * HID].reshape(1, HID)

  e = row.shape[0]
  quantum = NW * C
  nq = e // quantum
  splits = [q for q in (nq // 4, nq // 2, 3 * nq // 4) if 0 < q < nq]
  bounds = [0] + [q * quantum for q in splits] + [e]

  aggms = []
  aggcs = []
  for lo, hi in zip(bounds[:-1], bounds[1:]):
    rk = lax.slice_in_dim(row, lo, hi)
    ck = lax.slice_in_dim(col, lo, hi)
    hr32, hc32 = _sc_gather(tbl, rk, ck)
    m2, s = _tc_edge(hr32, hc32, w1a, w1d, b_e1.reshape(1, HID),
                     W_e2.astype(jnp.bfloat16), b_e2.reshape(1, HID),
                     W_c1.astype(jnp.bfloat16), b_c1.reshape(1, HID),
                     W_c2.reshape(1, HID))
    aggms.append(_sc_scatter_m(rk, m2, n))
    aggcs.append(_sc_scatter_c(rk, ck, s, pos[:, 0], pos[:, 1], pos[:, 2], n))

  aggm = jnp.concatenate(aggms, axis=0)
  aggc = jnp.concatenate(aggcs, axis=0)

  h_out, posp_out = _tc_node(h, posp, aggm, aggc, W_n1[:HID], W_n1[HID:],
                             b_n1.reshape(1, HID), W_n2,
                             b_n2.reshape(1, HID), ln_gamma.reshape(1, HID),
                             ln_beta.reshape(1, HID))
  return h_out, posp_out[:, :3]

# --- scband reference (transcript-rebuilt; emitter-appended) ---
"""Pipeline reference for scband-egnnlayer-73993696575521 (READ-ONLY COPY).

The authoritative reference and input builder live on the scoring server;
editing this copy changes nothing except your own understanding.
"""

import jax, jax.numpy as jnp
import numpy as np

HID = 128
N = 10000
E = 320000


def silu(x):
    return x * jax.nn.sigmoid(x)


def layer_norm(x, gamma, beta, eps=1e-5):
    mu = jnp.mean(x, axis=-1, keepdims=True)
    var = jnp.mean((x - mu) ** 2, axis=-1, keepdims=True)
    return (x - mu) / jnp.sqrt(var + eps) * gamma + beta


def _lin_init(key, fan_in, fan_out):
    k1, k2 = jax.random.split(key)
    bound = 1.0 / np.sqrt(fan_in)
    W = jax.random.uniform(k1, (fan_in, fan_out), minval=-bound, maxval=bound, dtype=jnp.float32)
    b = jax.random.uniform(k2, (fan_out,), minval=-bound, maxval=bound, dtype=jnp.float32)
    return W, b


def setup_inputs(seed: int = 0) -> dict:
    key = jax.random.key(seed)
    ks = jax.random.split(key, 12)
    h = jax.random.normal(ks[0], (N, HID), dtype=jnp.float32)
    pos = jax.random.normal(ks[1], (N, 3), dtype=jnp.float32)
    edge_index = jax.random.randint(ks[2], (2, E), 0, N, dtype=jnp.int64 if jax.config.jax_enable_x64 else jnp.int32)
    W_e1, b_e1 = _lin_init(ks[3], 2 * HID + 1, HID)
    W_e2, b_e2 = _lin_init(ks[4], HID, HID)
    W_n1, b_n1 = _lin_init(ks[5], 2 * HID, HID)
    W_n2, b_n2 = _lin_init(ks[6], HID, HID)
    W_c1, b_c1 = _lin_init(ks[7], HID, HID)
    W_c2, _ = _lin_init(ks[8], HID, 1)
    ln_gamma = jnp.ones((HID,), dtype=jnp.float32)
    ln_beta = jnp.zeros((HID,), dtype=jnp.float32)
    return {
        "h": h, "pos": pos, "edge_index": edge_index,
        "W_e1": W_e1, "b_e1": b_e1, "W_e2": W_e2, "b_e2": b_e2,
        "W_n1": W_n1, "b_n1": b_n1, "W_n2": W_n2, "b_n2": b_n2,
        "W_c1": W_c1, "b_c1": b_c1, "W_c2": W_c2,
        "ln_gamma": ln_gamma, "ln_beta": ln_beta,
    }


def reference(h, pos, edge_index, W_e1, b_e1, W_e2, b_e2, W_n1, b_n1, W_n2, b_n2, W_c1, b_c1, W_c2, ln_gamma, ln_beta):
    row = edge_index[0]
    col = edge_index[1]
    diff = pos[row] - pos[col]
    dist = jnp.sqrt(jnp.sum(diff ** 2, axis=-1, keepdims=True) + 1e-8)
    edge_feat = jnp.concatenate([h[row], h[col], dist], axis=-1)
    m_ij = silu(edge_feat @ W_e1 + b_e1)
    m_ij = silu(m_ij @ W_e2 + b_e2)
    coord_weights = silu(m_ij @ W_c1 + b_c1) @ W_c2
    coord_diff = diff / (dist + 1e-8)
    agg_coords = jnp.zeros_like(pos).at[row].add(coord_weights * coord_diff)
    pos_out = pos + agg_coords
    agg_msg = jnp.zeros_like(h).at[row].add(m_ij)
    hcat = jnp.concatenate([h, agg_msg], axis=-1)
    h_upd = silu(hcat @ W_n1 + b_n1) @ W_n2 + b_n2
    h_out = layer_norm(h + h_upd, ln_gamma, ln_beta)
    return (h_out, pos_out)

if __name__ == "__main__":
    import jax
    _d = setup_inputs()
    print(jax.jit(kernel)(*tuple(_d.values())))

</pallas_src>

<mosaic_0001>
#map = affine_map<(d0, d1) -> (0, 0)>
#map1 = affine_map<(d0, d1) -> (0)>
module attributes {stable_mosaic.version = 14 : i64} {
  func.func @_sc_gather_body(%arg0: i32, %arg1: i32, %arg2: memref<10000x128xi32, #tpu.memory_space<hbm>>, %arg3: memref<81920xi32, #tpu.memory_space<hbm>>, %arg4: memref<81920xi32, #tpu.memory_space<hbm>>, %arg5: memref<81920x128xi32, #tpu.memory_space<hbm>>, %arg6: memref<81920x128xi32, #tpu.memory_space<hbm>>, %arg7: memref<2560xi32, #tpu.memory_space<vmem>>, %arg8: memref<2560xi32, #tpu.memory_space<vmem>>, %arg9: memref<80x128xi32, #tpu.memory_space<vmem>>, %arg10: memref<80x128xi32, #tpu.memory_space<vmem>>, %arg11: memref<!tpu.dma_semaphore, #tpu.memory_space<semaphore_mem>>) attributes {dimension_semantics = [#tpu.dimension_semantics<core_parallel>, #tpu.dimension_semantics<subcore_parallel>], iteration_bounds = array<i64: 2, 16>, scalar_prefetch = 0 : i64, scratch_operands = 5 : i64, tpu.core_type = #tpu.core_type<sc_vector_subcore>, window_params = [{transform_indices = #map}, {transform_indices = #map1}, {transform_indices = #map1}, {transform_indices = #map}, {transform_indices = #map}]} {
    %mul3A = arith.constant 2 : i32
    %mul3A_0 = arith.muli %arg1, %mul3A : i32
    %add3A = arith.addi %mul3A_0, %arg0 : i32
    %mul3A_1 = arith.constant 2560 : i32
    %mul3A_2 = arith.muli %add3A, %mul3A_1 : i32
    "tpu.region"() ({
      %run_scoped3A = tpu.sem_alloc : memref<!tpu.dma_semaphore, #tpu.memory_space<semaphore_mem>>
      %dma_start3A = tpu.memref_slice %arg3[%mul3A_2] : memref<81920xi32, #tpu.memory_space<hbm>> -> memref<2560xi32, #tpu.memory_space<hbm>>
      %dma_start3A_8 = tpu.memref_slice %arg3[%mul3A_2] : memref<81920xi32, #tpu.memory_space<hbm>> -> memref<2560xi32, #tpu.memory_space<hbm>>
      tpu.enqueue_dma source(%dma_start3A_8 : memref<2560xi32, #tpu.memory_space<hbm>>) target(%arg7 : memref<2560xi32, #tpu.memory_space<vmem>>) target_semaphore(%run_scoped3A : memref<!tpu.dma_semaphore, #tpu.memory_space<semaphore_mem>>)
      %dma_wait3A = tpu.memref_slice %arg3[%mul3A_2] : memref<81920xi32, #tpu.memory_space<hbm>> -> memref<2560xi32, #tpu.memory_space<hbm>>
      %dma_wait3A_9 = tpu.memref_slice %arg3[%mul3A_2] : memref<81920xi32, #tpu.memory_space<hbm>> -> memref<2560xi32, #tpu.memory_space<hbm>>
      tpu.wait_dma2 semaphore(%run_scoped3A : memref<!tpu.dma_semaphore, #tpu.memory_space<semaphore_mem>>) src(%dma_wait3A_9 : memref<2560xi32, #tpu.memory_space<hbm>>) dst(%arg7 : memref<2560xi32, #tpu.memory_space<vmem>>)
      tpu.yield
    }) : () -> ()
    "tpu.region"() ({
      %run_scoped3A = tpu.sem_alloc : memref<!tpu.dma_semaphore, #tpu.memory_space<semaphore_mem>>
      %dma_start3A = tpu.memref_slice %arg4[%mul3A_2] : memref<81920xi32, #tpu.memory_space<hbm>> -> memref<2560xi32, #tpu.memory_space<hbm>>
      %dma_start3A_8 = tpu.memref_slice %arg4[%mul3A_2] : memref<81920xi32, #tpu.memory_space<hbm>> -> memref<2560xi32, #tpu.memory_space<hbm>>
      tpu.enqueue_dma source(%dma_start3A_8 : memref<2560xi32, #tpu.memory_space<hbm>>) target(%arg8 : memref<2560xi32, #tpu.memory_space<vmem>>) target_semaphore(%run_scoped3A : memref<!tpu.dma_semaphore, #tpu.memory_space<semaphore_mem>>)
      %dma_wait3A = tpu.memref_slice %arg4[%mul3A_2] : memref<81920xi32, #tpu.memory_space<hbm>> -> memref<2560xi32, #tpu.memory_space<hbm>>
      %dma_wait3A_9 = tpu.memref_slice %arg4[%mul3A_2] : memref<81920xi32, #tpu.memory_space<hbm>> -> memref<2560xi32, #tpu.memory_space<hbm>>
      tpu.wait_dma2 semaphore(%run_scoped3A : memref<!tpu.dma_semaphore, #tpu.memory_space<semaphore_mem>>) src(%dma_wait3A_9 : memref<2560xi32, #tpu.memory_space<hbm>>) dst(%arg8 : memref<2560xi32, #tpu.memory_space<vmem>>)
      tpu.yield
    }) : () -> ()
    %scan3A = arith.constant 0 : i32
    %scan3A_3 = arith.constant 0 : i32
    %scan3A_4 = arith.constant 32 : i32
    %scan3A_5 = arith.addi %scan3A_3, %scan3A_4 : i32
    %scan3A_6 = arith.constant 1 : i32
    scf.for %scan3A_8 = %scan3A_3 to %scan3A_5 step %scan3A_6  : i32 {
      %mul3A_9 = arith.constant 80 : i32
      %mul3A_10 = arith.muli %scan3A_8, %mul3A_9 : i32
      %add3A_11 = arith.addi %mul3A_2, %mul3A_10 : i32
      %mul3A_12 = arith.constant 80 : i32
      %mul3A_13 = arith.muli %scan3A_8, %mul3A_12 : i32
      %dma_start3A = tpu.memref_slice %arg7[%mul3A_13] : memref<2560xi32, #tpu.memory_space<vmem>> -> memref<80xi32, #tpu.memory_space<vmem>>
      %dma_start3A_14 = arith.constant 0 : i32
      %dma_start3A_15 = arith.constant 0 : i32
      %dma_start3A_16 = tpu.memref_slice %arg2[%dma_start3A_14, %dma_start3A_15] : memref<10000x128xi32, #tpu.memory_space<hbm>> -> memref<10000x128xi32, #tpu.memory_space<hbm>>
      tpu.enqueue_indirect_dma source(%dma_start3A_16 : memref<10000x128xi32, #tpu.memory_space<hbm>>) target(%arg9 : memref<80x128xi32, #tpu.memory_space<vmem>>) offsets(%dma_start3A : memref<80xi32, #tpu.memory_space<vmem>>) semaphore(%arg11 : memref<!tpu.dma_semaphore, #tpu.memory_space<semaphore_mem>>)
      %mul3A_17 = arith.constant 80 : i32
      %mul3A_18 = arith.muli %scan3A_8, %mul3A_17 : i32
      %dma_start3A_19 = tpu.memref_slice %arg8[%mul3A_18] : memref<2560xi32, #tpu.memory_space<vmem>> -> memref<80xi32, #tpu.memory_space<vmem>>
      %dma_start3A_20 = arith.constant 0 : i32
      %dma_start3A_21 = arith.constant 0 : i32
      %dma_start3A_22 = tpu.memref_slice %arg2[%dma_start3A_20, %dma_start3A_21] : memref<10000x128xi32, #tpu.memory_space<hbm>> -> memref<10000x128xi32, #tpu.memory_space<hbm>>
      tpu.enqueue_indirect_dma source(%dma_start3A_22 : memref<10000x128xi32, #tpu.memory_space<hbm>>) target(%arg10 : memref<80x128xi32, #tpu.memory_space<vmem>>) offsets(%dma_start3A_19 : memref<80xi32, #tpu.memory_space<vmem>>) semaphore(%arg11 : memref<!tpu.dma_semaphore, #tpu.memory_space<semaphore_mem>>)
      %dma_wait3A = tpu.memref_slice %arg7[%mul3A_13] : memref<2560xi32, #tpu.memory_space<vmem>> -> memref<80xi32, #tpu.memory_space<vmem>>
      %dma_wait3A_23 = arith.constant 0 : i32
      %dma_wait3A_24 = arith.constant 0 : i32
      %dma_wait3A_25 = tpu.memref_slice %arg2[%dma_wait3A_23, %dma_wait3A_24] : memref<10000x128xi32, #tpu.memory_space<hbm>> -> memref<10000x128xi32, #tpu.memory_space<hbm>>
      tpu.wait_indirect_dma semaphore(%arg11 : memref<!tpu.dma_semaphore, #tpu.memory_space<semaphore_mem>>) src(%dma_wait3A_25 : memref<10000x128xi32, #tpu.memory_space<hbm>>) dst(%arg9 : memref<80x128xi32, #tpu.memory_space<vmem>>)
      %dma_wait3A_26 = tpu.memref_slice %arg8[%mul3A_18] : memref<2560xi32, #tpu.memory_space<vmem>> -> memref<80xi32, #tpu.memory_space<vmem>>
      %dma_wait3A_27 = arith.constant 0 : i32
      %dma_wait3A_28 = arith.constant 0 : i32
      %dma_wait3A_29 = tpu.memref_slice %arg2[%dma_wait3A_27, %dma_wait3A_28] : memref<10000x128xi32, #tpu.memory_space<hbm>> -> memref<10000x128xi32, #tpu.memory_space<hbm>>
      tpu.wait_indirect_dma semaphore(%arg11 : memref<!tpu.dma_semaphore, #tpu.memory_space<semaphore_mem>>) src(%dma_wait3A_29 : memref<10000x128xi32, #tpu.memory_space<hbm>>) dst(%arg10 : memref<80x128xi32, #tpu.memory_space<vmem>>)
      "tpu.region"() ({
        %run_scoped3A = tpu.sem_alloc : memref<!tpu.dma_semaphore, #tpu.memory_space<semaphore_mem>>
        %dma_start3A_30 = arith.constant 0 : i32
        %dma_start3A_31 = tpu.memref_slice %arg5[%add3A_11, %dma_start3A_30] : memref<81920x128xi32, #tpu.memory_space<hbm>> -> memref<80x128xi32, #tpu.memory_space<hbm>>
        %dma_start3A_32 = arith.constant 0 : i32
        %dma_start3A_33 = tpu.memref_slice %arg5[%add3A_11, %dma_start3A_32] : memref<81920x128xi32, #tpu.memory_space<hbm>> -> memref<80x128xi32, #tpu.memory_space<hbm>>
        tpu.enqueue_dma source(%arg9 : memref<80x128xi32, #tpu.memory_space<vmem>>) target(%dma_start3A_33 : memref<80x128xi32, #tpu.memory_space<hbm>>) target_semaphore(%run_scoped3A : memref<!tpu.dma_semaphore, #tpu.memory_space<semaphore_mem>>)
        %dma_wait3A_34 = arith.constant 0 : i32
        %dma_wait3A_35 = tpu.memref_slice %arg5[%add3A_11, %dma_wait3A_34] : memref<81920x128xi32, #tpu.memory_space<hbm>> -> memref<80x128xi32, #tpu.memory_space<hbm>>
        %dma_wait3A_36 = arith.constant 0 : i32
        %dma_wait3A_37 = tpu.memref_slice %arg5[%add3A_11, %dma_wait3A_36] : memref<81920x128xi32, #tpu.memory_space<hbm>> -> memref<80x128xi32, #tpu.memory_space<hbm>>
        tpu.wait_dma2 semaphore(%run_scoped3A : memref<!tpu.dma_semaphore, #tpu.memory_space<semaphore_mem>>) src(%arg9 : memref<80x128xi32, #tpu.memory_space<vmem>>) dst(%dma_wait3A_37 : memref<80x128xi32, #tpu.memory_space<hbm>>)
        tpu.yield
      }) : () -> ()
      "tpu.region"() ({
        %run_scoped3A = tpu.sem_alloc : memref<!tpu.dma_semaphore, #tpu.memory_space<semaphore_mem>>
        %dma_start3A_30 = arith.constant 0 : i32
        %dma_start3A_31 = tpu.memref_slice %arg6[%add3A_11, %dma_start3A_30] : memref<81920x128xi32, #tpu.memory_space<hbm>> -> memref<80x128xi32, #tpu.memory_space<hbm>>
        %dma_start3A_32 = arith.constant 0 : i32
        %dma_start3A_33 = tpu.memref_slice %arg6[%add3A_11, %dma_start3A_32] : memref<81920x128xi32, #tpu.memory_space<hbm>> -> memref<80x128xi32, #tpu.memory_space<hbm>>
        tpu.enqueue_dma source(%arg10 : memref<80x128xi32, #tpu.memory_space<vmem>>) target(%dma_start3A_33 : memref<80x128xi32, #tpu.memory_space<hbm>>) target_semaphore(%run_scoped3A : memref<!tpu.dma_semaphore, #tpu.memory_space<semaphore_mem>>)
        %dma_wait3A_34 = arith.constant 0 : i32
        %dma_wait3A_35 = tpu.memref_slice %arg6[%add3A_11, %dma_wait3A_34] : memref<81920x128xi32, #tpu.memory_space<hbm>> -> memref<80x128xi32, #tpu.memory_space<hbm>>
        %dma_wait3A_36 = arith.constant 0 : i32
        %dma_wait3A_37 = tpu.memref_slice %arg6[%add3A_11, %dma_wait3A_36] : memref<81920x128xi32, #tpu.memory_space<hbm>> -> memref<80x128xi32, #tpu.memory_space<hbm>>
        tpu.wait_dma2 semaphore(%run_scoped3A : memref<!tpu.dma_semaphore, #tpu.memory_space<semaphore_mem>>) src(%arg10 : memref<80x128xi32, #tpu.memory_space<vmem>>) dst(%dma_wait3A_37 : memref<80x128xi32, #tpu.memory_space<hbm>>)
        tpu.yield
      }) : () -> ()
    }
    %scan3A_7 = arith.constant 32 : i32
    return
  }
}

#map = affine_map<(d0, d1) -> (0, 0)>
#map1 = affine_map<(d0, d1) -> (0)>
module attributes {stable_mosaic.version = 14 : i64} {
  func.func @_sc_gather_body(%arg0: i32, %arg1: i32, %arg2: memref<10000x128xi32, #tpu.memory_space<hbm>>, %arg3: memref<79360xi32, #tpu.memory_space<hbm>>, %arg4: memref<79360xi32, #tpu.memory_space<hbm>>, %arg5: memref<79360x128xi32, #tpu.memory_space<hbm>>, %arg6: memref<79360x128xi32, #tpu.memory_space<hbm>>, %arg7: memref<2480xi32, #tpu.memory_space<vmem>>, %arg8: memref<2480xi32, #tpu.memory_space<vmem>>, %arg9: memref<80x128xi32, #tpu.memory_space<vmem>>, %arg10: memref<80x128xi32, #tpu.memory_space<vmem>>, %arg11: memref<!tpu.dma_semaphore, #tpu.memory_space<semaphore_mem>>) attributes {dimension_semantics = [#tpu.dimension_semantics<core_parallel>, #tpu.dimension_semantics<subcore_parallel>], iteration_bounds = array<i64: 2, 16>, scalar_prefetch = 0 : i64, scratch_operands = 5 : i64, tpu.core_type = #tpu.core_type<sc_vector_subcore>, window_params = [{transform_indices = #map}, {transform_indices = #map1}, {transform_indices = #map1}, {transform_indices = #map}, {transform_indices = #map}]} {
    %mul3A = arith.constant 2 : i32
    %mul3A_0 = arith.muli %arg1, %mul3A : i32
    %add3A = arith.addi %mul3A_0, %arg0 : i32
    %mul3A_1 = arith.constant 2480 : i32
    %mul3A_2 = arith.muli %add3A, %mul3A_1 : i32
    "tpu.region"() ({
      %run_scoped3A = tpu.sem_alloc : memref<!tpu.dma_semaphore, #tpu.memory_space<semaphore_mem>>
      %dma_start3A = tpu.memref_slice %arg3[%mul3A_2] : memref<79360xi32, #tpu.memory_space<hbm>> -> memref<2480xi32, #tpu.memory_space<hbm>>
      %dma_start3A_8 = tpu.memref_slice %arg3[%mul3A_2] : memref<79360xi32, #tpu.memory_space<hbm>> -> memref<2480xi32, #tpu.memory_space<hbm>>
      tpu.enqueue_dma source(%dma_start3A_8 : memref<2480xi32, #tpu.memory_space<hbm>>) target(%arg7 : memref<2480xi32, #tpu.memory_space<vmem>>) target_semaphore(%run_scoped3A : memref<!tpu.dma_semaphore, #tpu.memory_space<semaphore_mem>>)
      %dma_wait3A = tpu.memref_slice %arg3[%mul3A_2] : memref<79360xi32, #tpu.memory_space<hbm>> -> memref<2480xi32, #tpu.memory_space<hbm>>
      %dma_wait3A_9 = tpu.memref_slice %arg3[%mul3A_2] : memref<79360xi32, #tpu.memory_space<hbm>> -> memref<2480xi32, #tpu.memory_space<hbm>>
      tpu.wait_dma2 semaphore(%run_scoped3A : memref<!tpu.dma_semaphore, #tpu.memory_space<semaphore_mem>>) src(%dma_wait3A_9 : memref<2480xi32, #tpu.memory_space<hbm>>) dst(%arg7 : memref<2480xi32, #tpu.memory_space<vmem>>)
      tpu.yield
    }) : () -> ()
    "tpu.region"() ({
      %run_scoped3A = tpu.sem_alloc : memref<!tpu.dma_semaphore, #tpu.memory_space<semaphore_mem>>
      %dma_start3A = tpu.memref_slice %arg4[%mul3A_2] : memref<79360xi32, #tpu.memory_space<hbm>> -> memref<2480xi32, #tpu.memory_space<hbm>>
      %dma_start3A_8 = tpu.memref_slice %arg4[%mul3A_2] : memref<79360xi32, #tpu.memory_space<hbm>> -> memref<2480xi32, #tpu.memory_space<hbm>>
      tpu.enqueue_dma source(%dma_start3A_8 : memref<2480xi32, #tpu.memory_space<hbm>>) target(%arg8 : memref<2480xi32, #tpu.memory_space<vmem>>) target_semaphore(%run_scoped3A : memref<!tpu.dma_semaphore, #tpu.memory_space<semaphore_mem>>)
      %dma_wait3A = tpu.memref_slice %arg4[%mul3A_2] : memref<79360xi32, #tpu.memory_space<hbm>> -> memref<2480xi32, #tpu.memory_space<hbm>>
      %dma_wait3A_9 = tpu.memref_slice %arg4[%mul3A_2] : memref<79360xi32, #tpu.memory_space<hbm>> -> memref<2480xi32, #tpu.memory_space<hbm>>
      tpu.wait_dma2 semaphore(%run_scoped3A : memref<!tpu.dma_semaphore, #tpu.memory_space<semaphore_mem>>) src(%dma_wait3A_9 : memref<2480xi32, #tpu.memory_space<hbm>>) dst(%arg8 : memref<2480xi32, #tpu.memory_space<vmem>>)
      tpu.yield
    }) : () -> ()
    %scan3A = arith.constant 0 : i32
    %scan3A_3 = arith.constant 0 : i32
    %scan3A_4 = arith.constant 31 : i32
    %scan3A_5 = arith.addi %scan3A_3, %scan3A_4 : i32
    %scan3A_6 = arith.constant 1 : i32
    scf.for %scan3A_8 = %scan3A_3 to %scan3A_5 step %scan3A_6  : i32 {
      %mul3A_9 = arith.constant 80 : i32
      %mul3A_10 = arith.muli %scan3A_8, %mul3A_9 : i32
      %add3A_11 = arith.addi %mul3A_2, %mul3A_10 : i32
      %mul3A_12 = arith.constant 80 : i32
      %mul3A_13 = arith.muli %scan3A_8, %mul3A_12 : i32
      %dma_start3A = tpu.memref_slice %arg7[%mul3A_13] : memref<2480xi32, #tpu.memory_space<vmem>> -> memref<80xi32, #tpu.memory_space<vmem>>
      %dma_start3A_14 = arith.constant 0 : i32
      %dma_start3A_15 = arith.constant 0 : i32
      %dma_start3A_16 = tpu.memref_slice %arg2[%dma_start3A_14, %dma_start3A_15] : memref<10000x128xi32, #tpu.memory_space<hbm>> -> memref<10000x128xi32, #tpu.memory_space<hbm>>
      tpu.enqueue_indirect_dma source(%dma_start3A_16 : memref<10000x128xi32, #tpu.memory_space<hbm>>) target(%arg9 : memref<80x128xi32, #tpu.memory_space<vmem>>) offsets(%dma_start3A : memref<80xi32, #tpu.memory_space<vmem>>) semaphore(%arg11 : memref<!tpu.dma_semaphore, #tpu.memory_space<semaphore_mem>>)
      %mul3A_17 = arith.constant 80 : i32
      %mul3A_18 = arith.muli %scan3A_8, %mul3A_17 : i32
      %dma_start3A_19 = tpu.memref_slice %arg8[%mul3A_18] : memref<2480xi32, #tpu.memory_space<vmem>> -> memref<80xi32, #tpu.memory_space<vmem>>
      %dma_start3A_20 = arith.constant 0 : i32
      %dma_start3A_21 = arith.constant 0 : i32
      %dma_start3A_22 = tpu.memref_slice %arg2[%dma_start3A_20, %dma_start3A_21] : memref<10000x128xi32, #tpu.memory_space<hbm>> -> memref<10000x128xi32, #tpu.memory_space<hbm>>
      tpu.enqueue_indirect_dma source(%dma_start3A_22 : memref<10000x128xi32, #tpu.memory_space<hbm>>) target(%arg10 : memref<80x128xi32, #tpu.memory_space<vmem>>) offsets(%dma_start3A_19 : memref<80xi32, #tpu.memory_space<vmem>>) semaphore(%arg11 : memref<!tpu.dma_semaphore, #tpu.memory_space<semaphore_mem>>)
      %dma_wait3A = tpu.memref_slice %arg7[%mul3A_13] : memref<2480xi32, #tpu.memory_space<vmem>> -> memref<80xi32, #tpu.memory_space<vmem>>
      %dma_wait3A_23 = arith.constant 0 : i32
      %dma_wait3A_24 = arith.constant 0 : i32
      %dma_wait3A_25 = tpu.memref_slice %arg2[%dma_wait3A_23, %dma_wait3A_24] : memref<10000x128xi32, #tpu.memory_space<hbm>> -> memref<10000x128xi32, #tpu.memory_space<hbm>>
      tpu.wait_indirect_dma semaphore(%arg11 : memref<!tpu.dma_semaphore, #tpu.memory_space<semaphore_mem>>) src(%dma_wait3A_25 : memref<10000x128xi32, #tpu.memory_space<hbm>>) dst(%arg9 : memref<80x128xi32, #tpu.memory_space<vmem>>)
      %dma_wait3A_26 = tpu.memref_slice %arg8[%mul3A_18] : memref<2480xi32, #tpu.memory_space<vmem>> -> memref<80xi32, #tpu.memory_space<vmem>>
      %dma_wait3A_27 = arith.constant 0 : i32
      %dma_wait3A_28 = arith.constant 0 : i32
      %dma_wait3A_29 = tpu.memref_slice %arg2[%dma_wait3A_27, %dma_wait3A_28] : memref<10000x128xi32, #tpu.memory_space<hbm>> -> memref<10000x128xi32, #tpu.memory_space<hbm>>
      tpu.wait_indirect_dma semaphore(%arg11 : memref<!tpu.dma_semaphore, #tpu.memory_space<semaphore_mem>>) src(%dma_wait3A_29 : memref<10000x128xi32, #tpu.memory_space<hbm>>) dst(%arg10 : memref<80x128xi32, #tpu.memory_space<vmem>>)
      "tpu.region"() ({
        %run_scoped3A = tpu.sem_alloc : memref<!tpu.dma_semaphore, #tpu.memory_space<semaphore_mem>>
        %dma_start3A_30 = arith.constant 0 : i32
        %dma_start3A_31 = tpu.memref_slice %arg5[%add3A_11, %dma_start3A_30] : memref<79360x128xi32, #tpu.memory_space<hbm>> -> memref<80x128xi32, #tpu.memory_space<hbm>>
        %dma_start3A_32 = arith.constant 0 : i32
        %dma_start3A_33 = tpu.memref_slice %arg5[%add3A_11, %dma_start3A_32] : memref<79360x128xi32, #tpu.memory_space<hbm>> -> memref<80x128xi32, #tpu.memory_space<hbm>>
        tpu.enqueue_dma source(%arg9 : memref<80x128xi32, #tpu.memory_space<vmem>>) target(%dma_start3A_33 : memref<80x128xi32, #tpu.memory_space<hbm>>) target_semaphore(%run_scoped3A : memref<!tpu.dma_semaphore, #tpu.memory_space<semaphore_mem>>)
        %dma_wait3A_34 = arith.constant 0 : i32
        %dma_wait3A_35 = tpu.memref_slice %arg5[%add3A_11, %dma_wait3A_34] : memref<79360x128xi32, #tpu.memory_space<hbm>> -> memref<80x128xi32, #tpu.memory_space<hbm>>
        %dma_wait3A_36 = arith.constant 0 : i32
        %dma_wait3A_37 = tpu.memref_slice %arg5[%add3A_11, %dma_wait3A_36] : memref<79360x128xi32, #tpu.memory_space<hbm>> -> memref<80x128xi32, #tpu.memory_space<hbm>>
        tpu.wait_dma2 semaphore(%run_scoped3A : memref<!tpu.dma_semaphore, #tpu.memory_space<semaphore_mem>>) src(%arg9 : memref<80x128xi32, #tpu.memory_space<vmem>>) dst(%dma_wait3A_37 : memref<80x128xi32, #tpu.memory_space<hbm>>)
        tpu.yield
      }) : () -> ()
      "tpu.region"() ({
        %run_scoped3A = tpu.sem_alloc : memref<!tpu.dma_semaphore, #tpu.memory_space<semaphore_mem>>
        %dma_start3A_30 = arith.constant 0 : i32
        %dma_start3A_31 = tpu.memref_slice %arg6[%add3A_11, %dma_start3A_30] : memref<79360x128xi32, #tpu.memory_space<hbm>> -> memref<80x128xi32, #tpu.memory_space<hbm>>
        %dma_start3A_32 = arith.constant 0 : i32
        %dma_start3A_33 = tpu.memref_slice %arg6[%add3A_11, %dma_start3A_32] : memref<79360x128xi32, #tpu.memory_space<hbm>> -> memref<80x128xi32, #tpu.memory_space<hbm>>
        tpu.enqueue_dma source(%arg10 : memref<80x128xi32, #tpu.memory_space<vmem>>) target(%dma_start3A_33 : memref<80x128xi32, #tpu.memory_space<hbm>>) target_semaphore(%run_scoped3A : memref<!tpu.dma_semaphore, #tpu.memory_space<semaphore_mem>>)
        %dma_wait3A_34 = arith.constant 0 : i32
        %dma_wait3A_35 = tpu.memref_slice %arg6[%add3A_11, %dma_wait3A_34] : memref<79360x128xi32, #tpu.memory_space<hbm>> -> memref<80x128xi32, #tpu.memory_space<hbm>>
        %dma_wait3A_36 = arith.constant 0 : i32
        %dma_wait3A_37 = tpu.memref_slice %arg6[%add3A_11, %dma_wait3A_36] : memref<79360x128xi32, #tpu.memory_space<hbm>> -> memref<80x128xi32, #tpu.memory_space<hbm>>
        tpu.wait_dma2 semaphore(%run_scoped3A : memref<!tpu.dma_semaphore, #tpu.memory_space<semaphore_mem>>) src(%arg10 : memref<80x128xi32, #tpu.memory_space<vmem>>) dst(%dma_wait3A_37 : memref<80x128xi32, #tpu.memory_space<hbm>>)
        tpu.yield
      }) : () -> ()
    }
    %scan3A_7 = arith.constant 31 : i32
    return
  }
}

#map = affine_map<(d0, d1) -> (0, 0)>
#map1 = affine_map<(d0, d1) -> (0)>
module attributes {stable_mosaic.version = 14 : i64} {
  func.func @_sc_gather_body(%arg0: i32, %arg1: i32, %arg2: memref<10000x128xi32, #tpu.memory_space<hbm>>, %arg3: memref<79360xi32, #tpu.memory_space<hbm>>, %arg4: memref<79360xi32, #tpu.memory_space<hbm>>, %arg5: memref<79360x128xi32, #tpu.memory_space<hbm>>, %arg6: memref<79360x128xi32, #tpu.memory_space<hbm>>, %arg7: memref<2480xi32, #tpu.memory_space<vmem>>, %arg8: memref<2480xi32, #tpu.memory_space<vmem>>, %arg9: memref<80x128xi32, #tpu.memory_space<vmem>>, %arg10: memref<80x128xi32, #tpu.memory_space<vmem>>, %arg11: memref<!tpu.dma_semaphore, #tpu.memory_space<semaphore_mem>>) attributes {dimension_semantics = [#tpu.dimension_semantics<core_parallel>, #tpu.dimension_semantics<subcore_parallel>], iteration_bounds = array<i64: 2, 16>, scalar_prefetch = 0 : i64, scratch_operands = 5 : i64, tpu.core_type = #tpu.core_type<sc_vector_subcore>, window_params = [{transform_indices = #map}, {transform_indices = #map1}, {transform_indices = #map1}, {transform_indices = #map}, {transform_indices = #map}]} {
    %mul3A = arith.constant 2 : i32
    %mul3A_0 = arith.muli %arg1, %mul3A : i32
    %add3A = arith.addi %mul3A_0, %arg0 : i32
    %mul3A_1 = arith.constant 2480 : i32
    %mul3A_2 = arith.muli %add3A, %mul3A_1 : i32
    "tpu.region"() ({
      %run_scoped3A = tpu.sem_alloc : memref<!tpu.dma_semaphore, #tpu.memory_space<semaphore_mem>>
      %dma_start3A = tpu.memref_slice %arg3[%mul3A_2] : memref<79360xi32, #tpu.memory_space<hbm>> -> memref<2480xi32, #tpu.memory_space<hbm>>
      %dma_start3A_8 = tpu.memref_slice %arg3[%mul3A_2] : memref<79360xi32, #tpu.memory_space<hbm>> -> memref<2480xi32, #tpu.memory_space<hbm>>
      tpu.enqueue_dma source(%dma_start3A_8 : memref<2480xi32, #tpu.memory_space<hbm>>) target(%arg7 : memref<2480xi32, #tpu.memory_space<vmem>>) target_semaphore(%run_scoped3A : memref<!tpu.dma_semaphore, #tpu.memory_space<semaphore_mem>>)
      %dma_wait3A = tpu.memref_slice %arg3[%mul3A_2] : memref<79360xi32, #tpu.memory_space<hbm>> -> memref<2480xi32, #tpu.memory_space<hbm>>
      %dma_wait3A_9 = tpu.memref_slice %arg3[%mul3A_2] : memref<79360xi32, #tpu.memory_space<hbm>> -> memref<2480xi32, #tpu.memory_space<hbm>>
      tpu.wait_dma2 semaphore(%run_scoped3A : memref<!tpu.dma_semaphore, #tpu.memory_space<semaphore_mem>>) src(%dma_wait3A_9 : memref<2480xi32, #tpu.memory_space<hbm>>) dst(%arg7 : memref<2480xi32, #tpu.memory_space<vmem>>)
      tpu.yield
    }) : () -> ()
    "tpu.region"() ({
      %run_scoped3A = tpu.sem_alloc : memref<!tpu.dma_semaphore, #tpu.memory_space<semaphore_mem>>
      %dma_start3A = tpu.memref_slice %arg4[%mul3A_2] : memref<79360xi32, #tpu.memory_space<hbm>> -> memref<2480xi32, #tpu.memory_space<hbm>>
      %dma_start3A_8 = tpu.memref_slice %arg4[%mul3A_2] : memref<79360xi32, #tpu.memory_space<hbm>> -> memref<2480xi32, #tpu.memory_space<hbm>>
      tpu.enqueue_dma source(%dma_start3A_8 : memref<2480xi32, #tpu.memory_space<hbm>>) target(%arg8 : memref<2480xi32, #tpu.memory_space<vmem>>) target_semaphore(%run_scoped3A : memref<!tpu.dma_semaphore, #tpu.memory_space<semaphore_mem>>)
      %dma_wait3A = tpu.memref_slice %arg4[%mul3A_2] : memref<79360xi32, #tpu.memory_space<hbm>> -> memref<2480xi32, #tpu.memory_space<hbm>>
      %dma_wait3A_9 = tpu.memref_slice %arg4[%mul3A_2] : memref<79360xi32, #tpu.memory_space<hbm>> -> memref<2480xi32, #tpu.memory_space<hbm>>
      tpu.wait_dma2 semaphore(%run_scoped3A : memref<!tpu.dma_semaphore, #tpu.memory_space<semaphore_mem>>) src(%dma_wait3A_9 : memref<2480xi32, #tpu.memory_space<hbm>>) dst(%arg8 : memref<2480xi32, #tpu.memory_space<vmem>>)
      tpu.yield
    }) : () -> ()
    %scan3A = arith.constant 0 : i32
    %scan3A_3 = arith.constant 0 : i32
    %scan3A_4 = arith.constant 31 : i32
    %scan3A_5 = arith.addi %scan3A_3, %scan3A_4 : i32
    %scan3A_6 = arith.constant 1 : i32
    scf.for %scan3A_8 = %scan3A_3 to %scan3A_5 step %scan3A_6  : i32 {
      %mul3A_9 = arith.constant 80 : i32
      %mul3A_10 = arith.muli %scan3A_8, %mul3A_9 : i32
      %add3A_11 = arith.addi %mul3A_2, %mul3A_10 : i32
      %mul3A_12 = arith.constant 80 : i32
      %mul3A_13 = arith.muli %scan3A_8, %mul3A_12 : i32
      %dma_start3A = tpu.memref_slice %arg7[%mul3A_13] : memref<2480xi32, #tpu.memory_space<vmem>> -> memref<80xi32, #tpu.memory_space<vmem>>
      %dma_start3A_14 = arith.constant 0 : i32
      %dma_start3A_15 = arith.constant 0 : i32
      %dma_start3A_16 = tpu.memref_slice %arg2[%dma_start3A_14, %dma_start3A_15] : memref<10000x128xi32, #tpu.memory_space<hbm>> -> memref<10000x128xi32, #tpu.memory_space<hbm>>
      tpu.enqueue_indirect_dma source(%dma_start3A_16 : memref<10000x128xi32, #tpu.memory_space<hbm>>) target(%arg9 : memref<80x128xi32, #tpu.memory_space<vmem>>) offsets(%dma_start3A : memref<80xi32, #tpu.memory_space<vmem>>) semaphore(%arg11 : memref<!tpu.dma_semaphore, #tpu.memory_space<semaphore_mem>>)
      %mul3A_17 = arith.constant 80 : i32
      %mul3A_18 = arith.muli %scan3A_8, %mul3A_17 : i32
      %dma_start3A_19 = tpu.memref_slice %arg8[%mul3A_18] : memref<2480xi32, #tpu.memory_space<vmem>> -> memref<80xi32, #tpu.memory_space<vmem>>
      %dma_start3A_20 = arith.constant 0 : i32
      %dma_start3A_21 = arith.constant 0 : i32
      %dma_start3A_22 = tpu.memref_slice %arg2[%dma_start3A_20, %dma_start3A_21] : memref<10000x128xi32, #tpu.memory_space<hbm>> -> memref<10000x128xi32, #tpu.memory_space<hbm>>
      tpu.enqueue_indirect_dma source(%dma_start3A_22 : memref<10000x128xi32, #tpu.memory_space<hbm>>) target(%arg10 : memref<80x128xi32, #tpu.memory_space<vmem>>) offsets(%dma_start3A_19 : memref<80xi32, #tpu.memory_space<vmem>>) semaphore(%arg11 : memref<!tpu.dma_semaphore, #tpu.memory_space<semaphore_mem>>)
      %dma_wait3A = tpu.memref_slice %arg7[%mul3A_13] : memref<2480xi32, #tpu.memory_space<vmem>> -> memref<80xi32, #tpu.memory_space<vmem>>
      %dma_wait3A_23 = arith.constant 0 : i32
      %dma_wait3A_24 = arith.constant 0 : i32
      %dma_wait3A_25 = tpu.memref_slice %arg2[%dma_wait3A_23, %dma_wait3A_24] : memref<10000x128xi32, #tpu.memory_space<hbm>> -> memref<10000x128xi32, #tpu.memory_space<hbm>>
      tpu.wait_indirect_dma semaphore(%arg11 : memref<!tpu.dma_semaphore, #tpu.memory_space<semaphore_mem>>) src(%dma_wait3A_25 : memref<10000x128xi32, #tpu.memory_space<hbm>>) dst(%arg9 : memref<80x128xi32, #tpu.memory_space<vmem>>)
      %dma_wait3A_26 = tpu.memref_slice %arg8[%mul3A_18] : memref<2480xi32, #tpu.memory_space<vmem>> -> memref<80xi32, #tpu.memory_space<vmem>>
      %dma_wait3A_27 = arith.constant 0 : i32
      %dma_wait3A_28 = arith.constant 0 : i32
      %dma_wait3A_29 = tpu.memref_slice %arg2[%dma_wait3A_27, %dma_wait3A_28] : memref<10000x128xi32, #tpu.memory_space<hbm>> -> memref<10000x128xi32, #tpu.memory_space<hbm>>
      tpu.wait_indirect_dma semaphore(%arg11 : memref<!tpu.dma_semaphore, #tpu.memory_space<semaphore_mem>>) src(%dma_wait3A_29 : memref<10000x128xi32, #tpu.memory_space<hbm>>) dst(%arg10 : memref<80x128xi32, #tpu.memory_space<vmem>>)
      "tpu.region"() ({
        %run_scoped3A = tpu.sem_alloc : memref<!tpu.dma_semaphore, #tpu.memory_space<semaphore_mem>>
        %dma_start3A_30 = arith.constant 0 : i32
        %dma_start3A_31 = tpu.memref_slice %arg5[%add3A_11, %dma_start3A_30] : memref<79360x128xi32, #tpu.memory_space<hbm>> -> memref<80x128xi32, #tpu.memory_space<hbm>>
        %dma_start3A_32 = arith.constant 0 : i32
        %dma_start3A_33 = tpu.memref_slice %arg5[%add3A_11, %dma_start3A_32] : memref<79360x128xi32, #tpu.memory_space<hbm>> -> memref<80x128xi32, #tpu.memory_space<hbm>>
        tpu.enqueue_dma source(%arg9 : memref<80x128xi32, #tpu.memory_space<vmem>>) target(%dma_start3A_33 : memref<80x128xi32, #tpu.memory_space<hbm>>) target_semaphore(%run_scoped3A : memref<!tpu.dma_semaphore, #tpu.memory_space<semaphore_mem>>)
        %dma_wait3A_34 = arith.constant 0 : i32
        %dma_wait3A_35 = tpu.memref_slice %arg5[%add3A_11, %dma_wait3A_34] : memref<79360x128xi32, #tpu.memory_space<hbm>> -> memref<80x128xi32, #tpu.memory_space<hbm>>
        %dma_wait3A_36 = arith.constant 0 : i32
        %dma_wait3A_37 = tpu.memref_slice %arg5[%add3A_11, %dma_wait3A_36] : memref<79360x128xi32, #tpu.memory_space<hbm>> -> memref<80x128xi32, #tpu.memory_space<hbm>>
        tpu.wait_dma2 semaphore(%run_scoped3A : memref<!tpu.dma_semaphore, #tpu.memory_space<semaphore_mem>>) src(%arg9 : memref<80x128xi32, #tpu.memory_space<vmem>>) dst(%dma_wait3A_37 : memref<80x128xi32, #tpu.memory_space<hbm>>)
        tpu.yield
      }) : () -> ()
      "tpu.region"() ({
        %run_scoped3A = tpu.sem_alloc : memref<!tpu.dma_semaphore, #tpu.memory_space<semaphore_mem>>
        %dma_start3A_30 = arith.constant 0 : i32
        %dma_start3A_31 = tpu.memref_slice %arg6[%add3A_11, %dma_start3A_30] : memref<79360x128xi32, #tpu.memory_space<hbm>> -> memref<80x128xi32, #tpu.memory_space<hbm>>
        %dma_start3A_32 = arith.constant 0 : i32
        %dma_start3A_33 = tpu.memref_slice %arg6[%add3A_11, %dma_start3A_32] : memref<79360x128xi32, #tpu.memory_space<hbm>> -> memref<80x128xi32, #tpu.memory_space<hbm>>
        tpu.enqueue_dma source(%arg10 : memref<80x128xi32, #tpu.memory_space<vmem>>) target(%dma_start3A_33 : memref<80x128xi32, #tpu.memory_space<hbm>>) target_semaphore(%run_scoped3A : memref<!tpu.dma_semaphore, #tpu.memory_space<semaphore_mem>>)
        %dma_wait3A_34 = arith.constant 0 : i32
        %dma_wait3A_35 = tpu.memref_slice %arg6[%add3A_11, %dma_wait3A_34] : memref<79360x128xi32, #tpu.memory_space<hbm>> -> memref<80x128xi32, #tpu.memory_space<hbm>>
        %dma_wait3A_36 = arith.constant 0 : i32
        %dma_wait3A_37 = tpu.memref_slice %arg6[%add3A_11, %dma_wait3A_36] : memref<79360x128xi32, #tpu.memory_space<hbm>> -> memref<80x128xi32, #tpu.memory_space<hbm>>
        tpu.wait_dma2 semaphore(%run_scoped3A : memref<!tpu.dma_semaphore, #tpu.memory_space<semaphore_mem>>) src(%arg10 : memref<80x128xi32, #tpu.memory_space<vmem>>) dst(%dma_wait3A_37 : memref<80x128xi32, #tpu.memory_space<hbm>>)
        tpu.yield
      }) : () -> ()
    }
    %scan3A_7 = arith.constant 31 : i32
    return
  }
}

#map = affine_map<(d0, d1) -> (0, 0)>
#map1 = affine_map<(d0, d1) -> (0)>
module attributes {stable_mosaic.version = 14 : i64} {
  func.func @_sc_gather_body(%arg0: i32, %arg1: i32, %arg2: memref<10000x128xi32, #tpu.memory_space<hbm>>, %arg3: memref<79360xi32, #tpu.memory_space<hbm>>, %arg4: memref<79360xi32, #tpu.memory_space<hbm>>, %arg5: memref<79360x128xi32, #tpu.memory_space<hbm>>, %arg6: memref<79360x128xi32, #tpu.memory_space<hbm>>, %arg7: memref<2480xi32, #tpu.memory_space<vmem>>, %arg8: memref<2480xi32, #tpu.memory_space<vmem>>, %arg9: memref<80x128xi32, #tpu.memory_space<vmem>>, %arg10: memref<80x128xi32, #tpu.memory_space<vmem>>, %arg11: memref<!tpu.dma_semaphore, #tpu.memory_space<semaphore_mem>>) attributes {dimension_semantics = [#tpu.dimension_semantics<core_parallel>, #tpu.dimension_semantics<subcore_parallel>], iteration_bounds = array<i64: 2, 16>, scalar_prefetch = 0 : i64, scratch_operands = 5 : i64, tpu.core_type = #tpu.core_type<sc_vector_subcore>, window_params = [{transform_indices = #map}, {transform_indices = #map1}, {transform_indices = #map1}, {transform_indices = #map}, {transform_indices = #map}]} {
    %mul3A = arith.constant 2 : i32
    %mul3A_0 = arith.muli %arg1, %mul3A : i32
    %add3A = arith.addi %mul3A_0, %arg0 : i32
    %mul3A_1 = arith.constant 2480 : i32
    %mul3A_2 = arith.muli %add3A, %mul3A_1 : i32
    "tpu.region"() ({
      %run_scoped3A = tpu.sem_alloc : memref<!tpu.dma_semaphore, #tpu.memory_space<semaphore_mem>>
      %dma_start3A = tpu.memref_slice %arg3[%mul3A_2] : memref<79360xi32, #tpu.memory_space<hbm>> -> memref<2480xi32, #tpu.memory_space<hbm>>
      %dma_start3A_8 = tpu.memref_slice %arg3[%mul3A_2] : memref<79360xi32, #tpu.memory_space<hbm>> -> memref<2480xi32, #tpu.memory_space<hbm>>
      tpu.enqueue_dma source(%dma_start3A_8 : memref<2480xi32, #tpu.memory_space<hbm>>) target(%arg7 : memref<2480xi32, #tpu.memory_space<vmem>>) target_semaphore(%run_scoped3A : memref<!tpu.dma_semaphore, #tpu.memory_space<semaphore_mem>>)
      %dma_wait3A = tpu.memref_slice %arg3[%mul3A_2] : memref<79360xi32, #tpu.memory_space<hbm>> -> memref<2480xi32, #tpu.memory_space<hbm>>
      %dma_wait3A_9 = tpu.memref_slice %arg3[%mul3A_2] : memref<79360xi32, #tpu.memory_space<hbm>> -> memref<2480xi32, #tpu.memory_space<hbm>>
      tpu.wait_dma2 semaphore(%run_scoped3A : memref<!tpu.dma_semaphore, #tpu.memory_space<semaphore_mem>>) src(%dma_wait3A_9 : memref<2480xi32, #tpu.memory_space<hbm>>) dst(%arg7 : memref<2480xi32, #tpu.memory_space<vmem>>)
      tpu.yield
    }) : () -> ()
    "tpu.region"() ({
      %run_scoped3A = tpu.sem_alloc : memref<!tpu.dma_semaphore, #tpu.memory_space<semaphore_mem>>
      %dma_start3A = tpu.memref_slice %arg4[%mul3A_2] : memref<79360xi32, #tpu.memory_space<hbm>> -> memref<2480xi32, #tpu.memory_space<hbm>>
      %dma_start3A_8 = tpu.memref_slice %arg4[%mul3A_2] : memref<79360xi32, #tpu.memory_space<hbm>> -> memref<2480xi32, #tpu.memory_space<hbm>>
      tpu.enqueue_dma source(%dma_start3A_8 : memref<2480xi32, #tpu.memory_space<hbm>>) target(%arg8 : memref<2480xi32, #tpu.memory_space<vmem>>) target_semaphore(%run_scoped3A : memref<!tpu.dma_semaphore, #tpu.memory_space<semaphore_mem>>)
      %dma_wait3A = tpu.memref_slice %arg4[%mul3A_2] : memref<79360xi32, #tpu.memory_space<hbm>> -> memref<2480xi32, #tpu.memory_space<hbm>>
      %dma_wait3A_9 = tpu.memref_slice %arg4[%mul3A_2] : memref<79360xi32, #tpu.memory_space<hbm>> -> memref<2480xi32, #tpu.memory_space<hbm>>
      tpu.wait_dma2 semaphore(%run_scoped3A : memref<!tpu.dma_semaphore, #tpu.memory_space<semaphore_mem>>) src(%dma_wait3A_9 : memref<2480xi32, #tpu.memory_space<hbm>>) dst(%arg8 : memref<2480xi32, #tpu.memory_space<vmem>>)
      tpu.yield
    }) : () -> ()
    %scan3A = arith.constant 0 : i32
    %scan3A_3 = arith.constant 0 : i32
    %scan3A_4 = arith.constant 31 : i32
    %scan3A_5 = arith.addi %scan3A_3, %scan3A_4 : i32
    %scan3A_6 = arith.constant 1 : i32
    scf.for %scan3A_8 = %scan3A_3 to %scan3A_5 step %scan3A_6  : i32 {
      %mul3A_9 = arith.constant 80 : i32
      %mul3A_10 = arith.muli %scan3A_8, %mul3A_9 : i32
      %add3A_11 = arith.addi %mul3A_2, %mul3A_10 : i32
      %mul3A_12 = arith.constant 80 : i32
      %mul3A_13 = arith.muli %scan3A_8, %mul3A_12 : i32
      %dma_start3A = tpu.memref_slice %arg7[%mul3A_13] : memref<2480xi32, #tpu.memory_space<vmem>> -> memref<80xi32, #tpu.memory_space<vmem>>
      %dma_start3A_14 = arith.constant 0 : i32
      %dma_start3A_15 = arith.constant 0 : i32
      %dma_start3A_16 = tpu.memref_slice %arg2[%dma_start3A_14, %dma_start3A_15] : memref<10000x128xi32, #tpu.memory_space<hbm>> -> memref<10000x128xi32, #tpu.memory_space<hbm>>
      tpu.enqueue_indirect_dma source(%dma_start3A_16 : memref<10000x128xi32, #tpu.memory_space<hbm>>) target(%arg9 : memref<80x128xi32, #tpu.memory_space<vmem>>) offsets(%dma_start3A : memref<80xi32, #tpu.memory_space<vmem>>) semaphore(%arg11 : memref<!tpu.dma_semaphore, #tpu.memory_space<semaphore_mem>>)
      %mul3A_17 = arith.constant 80 : i32
      %mul3A_18 = arith.muli %scan3A_8, %mul3A_17 : i32
      %dma_start3A_19 = tpu.memref_slice %arg8[%mul3A_18] : memref<2480xi32, #tpu.memory_space<vmem>> -> memref<80xi32, #tpu.memory_space<vmem>>
      %dma_start3A_20 = arith.constant 0 : i32
      %dma_start3A_21 = arith.constant 0 : i32
      %dma_start3A_22 = tpu.memref_slice %arg2[%dma_start3A_20, %dma_start3A_21] : memref<10000x128xi32, #tpu.memory_space<hbm>> -> memref<10000x128xi32, #tpu.memory_space<hbm>>
      tpu.enqueue_indirect_dma source(%dma_start3A_22 : memref<10000x128xi32, #tpu.memory_space<hbm>>) target(%arg10 : memref<80x128xi32, #tpu.memory_space<vmem>>) offsets(%dma_start3A_19 : memref<80xi32, #tpu.memory_space<vmem>>) semaphore(%arg11 : memref<!tpu.dma_semaphore, #tpu.memory_space<semaphore_mem>>)
      %dma_wait3A = tpu.memref_slice %arg7[%mul3A_13] : memref<2480xi32, #tpu.memory_space<vmem>> -> memref<80xi32, #tpu.memory_space<vmem>>
      %dma_wait3A_23 = arith.constant 0 : i32
      %dma_wait3A_24 = arith.constant 0 : i32
      %dma_wait3A_25 = tpu.memref_slice %arg2[%dma_wait3A_23, %dma_wait3A_24] : memref<10000x128xi32, #tpu.memory_space<hbm>> -> memref<10000x128xi32, #tpu.memory_space<hbm>>
      tpu.wait_indirect_dma semaphore(%arg11 : memref<!tpu.dma_semaphore, #tpu.memory_space<semaphore_mem>>) src(%dma_wait3A_25 : memref<10000x128xi32, #tpu.memory_space<hbm>>) dst(%arg9 : memref<80x128xi32, #tpu.memory_space<vmem>>)
      %dma_wait3A_26 = tpu.memref_slice %arg8[%mul3A_18] : memref<2480xi32, #tpu.memory_space<vmem>> -> memref<80xi32, #tpu.memory_space<vmem>>
      %dma_wait3A_27 = arith.constant 0 : i32
      %dma_wait3A_28 = arith.constant 0 : i32
      %dma_wait3A_29 = tpu.memref_slice %arg2[%dma_wait3A_27, %dma_wait3A_28] : memref<10000x128xi32, #tpu.memory_space<hbm>> -> memref<10000x128xi32, #tpu.memory_space<hbm>>
      tpu.wait_indirect_dma semaphore(%arg11 : memref<!tpu.dma_semaphore, #tpu.memory_space<semaphore_mem>>) src(%dma_wait3A_29 : memref<10000x128xi32, #tpu.memory_space<hbm>>) dst(%arg10 : memref<80x128xi32, #tpu.memory_space<vmem>>)
      "tpu.region"() ({
        %run_scoped3A = tpu.sem_alloc : memref<!tpu.dma_semaphore, #tpu.memory_space<semaphore_mem>>
        %dma_start3A_30 = arith.constant 0 : i32
        %dma_start3A_31 = tpu.memref_slice %arg5[%add3A_11, %dma_start3A_30] : memref<79360x128xi32, #tpu.memory_space<hbm>> -> memref<80x128xi32, #tpu.memory_space<hbm>>
        %dma_start3A_32 = arith.constant 0 : i32
        %dma_start3A_33 = tpu.memref_slice %arg5[%add3A_11, %dma_start3A_32] : memref<79360x128xi32, #tpu.memory_space<hbm>> -> memref<80x128xi32, #tpu.memory_space<hbm>>
        tpu.enqueue_dma source(%arg9 : memref<80x128xi32, #tpu.memory_space<vmem>>) target(%dma_start3A_33 : memref<80x128xi32, #tpu.memory_space<hbm>>) target_semaphore(%run_scoped3A : memref<!tpu.dma_semaphore, #tpu.memory_space<semaphore_mem>>)
        %dma_wait3A_34 = arith.constant 0 : i32
        %dma_wait3A_35 = tpu.memref_slice %arg5[%add3A_11, %dma_wait3A_34] : memref<79360x128xi32, #tpu.memory_space<hbm>> -> memref<80x128xi32, #tpu.memory_space<hbm>>
        %dma_wait3A_36 = arith.constant 0 : i32
        %dma_wait3A_37 = tpu.memref_slice %arg5[%add3A_11, %dma_wait3A_36] : memref<79360x128xi32, #tpu.memory_space<hbm>> -> memref<80x128xi32, #tpu.memory_space<hbm>>
        tpu.wait_dma2 semaphore(%run_scoped3A : memref<!tpu.dma_semaphore, #tpu.memory_space<semaphore_mem>>) src(%arg9 : memref<80x128xi32, #tpu.memory_space<vmem>>) dst(%dma_wait3A_37 : memref<80x128xi32, #tpu.memory_space<hbm>>)
        tpu.yield
      }) : () -> ()
      "tpu.region"() ({
        %run_scoped3A = tpu.sem_alloc : memref<!tpu.dma_semaphore, #tpu.memory_space<semaphore_mem>>
        %dma_start3A_30 = arith.constant 0 : i32
        %dma_start3A_31 = tpu.memref_slice %arg6[%add3A_11, %dma_start3A_30] : memref<79360x128xi32, #tpu.memory_space<hbm>> -> memref<80x128xi32, #tpu.memory_space<hbm>>
        %dma_start3A_32 = arith.constant 0 : i32
        %dma_start3A_33 = tpu.memref_slice %arg6[%add3A_11, %dma_start3A_32] : memref<79360x128xi32, #tpu.memory_space<hbm>> -> memref<80x128xi32, #tpu.memory_space<hbm>>
        tpu.enqueue_dma source(%arg10 : memref<80x128xi32, #tpu.memory_space<vmem>>) target(%dma_start3A_33 : memref<80x128xi32, #tpu.memory_space<hbm>>) target_semaphore(%run_scoped3A : memref<!tpu.dma_semaphore, #tpu.memory_space<semaphore_mem>>)
        %dma_wait3A_34 = arith.constant 0 : i32
        %dma_wait3A_35 = tpu.memref_slice %arg6[%add3A_11, %dma_wait3A_34] : memref<79360x128xi32, #tpu.memory_space<hbm>> -> memref<80x128xi32, #tpu.memory_space<hbm>>
        %dma_wait3A_36 = arith.constant 0 : i32
        %dma_wait3A_37 = tpu.memref_slice %arg6[%add3A_11, %dma_wait3A_36] : memref<79360x128xi32, #tpu.memory_space<hbm>> -> memref<80x128xi32, #tpu.memory_space<hbm>>
        tpu.wait_dma2 semaphore(%run_scoped3A : memref<!tpu.dma_semaphore, #tpu.memory_space<semaphore_mem>>) src(%arg10 : memref<80x128xi32, #tpu.memory_space<vmem>>) dst(%dma_wait3A_37 : memref<80x128xi32, #tpu.memory_space<hbm>>)
        tpu.yield
      }) : () -> ()
    }
    %scan3A_7 = arith.constant 31 : i32
    return
  }
}

#map = affine_map<(d0, d1) -> (0, 0)>
#map1 = affine_map<(d0, d1) -> (0)>
#map2 = affine_map<(d0, d1) -> (0, 0, 0)>
module attributes {stable_mosaic.version = 14 : i64} {
  func.func @_sc_scatter_c_body(%arg0: i32, %arg1: i32, %arg2: memref<1024x80xi32, #tpu.memory_space<hbm>>, %arg3: memref<81920xi32, #tpu.memory_space<hbm>>, %arg4: memref<81920xf32, #tpu.memory_space<hbm>>, %arg5: memref<10000xf32, #tpu.memory_space<hbm>>, %arg6: memref<10000xf32, #tpu.memory_space<hbm>>, %arg7: memref<10000xf32, #tpu.memory_space<hbm>>, %arg8: memref<10000x16xf32, #tpu.memory_space<hbm>>, %arg9: memref<2x10000x16xf32, #tpu.memory_space<hbm>>, %arg10: memref<32x80xi32, #tpu.memory_space<vmem>>, %arg11: memref<2560xi32, #tpu.memory_space<vmem>>, %arg12: memref<2560xf32, #tpu.memory_space<vmem>>, %arg13: memref<80x16xf32, #tpu.memory_space<vmem>>, %arg14: memref<10000xf32, #tpu.memory_space<vmem>>, %arg15: memref<10000xf32, #tpu.memory_space<vmem>>, %arg16: memref<10000xf32, #tpu.memory_space<vmem>>, %arg17: memref<10000x16xf32, #tpu.memory_space<vmem_shared>>, %arg18: memref<!tpu.dma_semaphore, #tpu.memory_space<semaphore_mem>>) attributes {dimension_semantics = [#tpu.dimension_semantics<core_parallel>, #tpu.dimension_semantics<subcore_parallel>], iteration_bounds = array<i64: 2, 16>, scalar_prefetch = 0 : i64, scratch_operands = 9 : i64, tpu.core_type = #tpu.core_type<sc_vector_subcore>, window_params = [{transform_indices = #map}, {transform_indices = #map1}, {transform_indices = #map1}, {transform_indices = #map1}, {transform_indices = #map1}, {transform_indices = #map1}, {transform_indices = #map}, {transform_indices = #map2}]} {
    %mul3A = arith.constant 2 : i32
    %mul3A_0 = arith.muli %arg1, %mul3A : i32
    %add3A = arith.addi %mul3A_0, %arg0 : i32
    "tpu.region"() ({
      %run_scoped3A = tpu.sem_alloc : memref<!tpu.dma_semaphore, #tpu.memory_space<semaphore_mem>>
      tpu.enqueue_dma source(%arg5 : memref<10000xf32, #tpu.memory_space<hbm>>) target(%arg14 : memref<10000xf32, #tpu.memory_space<vmem>>) target_semaphore(%run_scoped3A : memref<!tpu.dma_semaphore, #tpu.memory_space<semaphore_mem>>)
      tpu.wait_dma2 semaphore(%run_scoped3A : memref<!tpu.dma_semaphore, #tpu.memory_space<semaphore_mem>>) src(%arg5 : memref<10000xf32, #tpu.memory_space<hbm>>) dst(%arg14 : memref<10000xf32, #tpu.memory_space<vmem>>)
      tpu.yield
    }) : () -> ()
    "tpu.region"() ({
      %run_scoped3A = tpu.sem_alloc : memref<!tpu.dma_semaphore, #tpu.memory_space<semaphore_mem>>
      tpu.enqueue_dma source(%arg6 : memref<10000xf32, #tpu.memory_space<hbm>>) target(%arg15 : memref<10000xf32, #tpu.memory_space<vmem>>) target_semaphore(%run_scoped3A : memref<!tpu.dma_semaphore, #tpu.memory_space<semaphore_mem>>)
      tpu.wait_dma2 semaphore(%run_scoped3A : memref<!tpu.dma_semaphore, #tpu.memory_space<semaphore_mem>>) src(%arg6 : memref<10000xf32, #tpu.memory_space<hbm>>) dst(%arg15 : memref<10000xf32, #tpu.memory_space<vmem>>)
      tpu.yield
    }) : () -> ()
    "tpu.region"() ({
      %run_scoped3A = tpu.sem_alloc : memref<!tpu.dma_semaphore, #tpu.memory_space<semaphore_mem>>
      tpu.enqueue_dma source(%arg7 : memref<10000xf32, #tpu.memory_space<hbm>>) target(%arg16 : memref<10000xf32, #tpu.memory_space<vmem>>) target_semaphore(%run_scoped3A : memref<!tpu.dma_semaphore, #tpu.memory_space<semaphore_mem>>)
      tpu.wait_dma2 semaphore(%run_scoped3A : memref<!tpu.dma_semaphore, #tpu.memory_space<semaphore_mem>>) src(%arg7 : memref<10000xf32, #tpu.memory_space<hbm>>) dst(%arg16 : memref<10000xf32, #tpu.memory_space<vmem>>)
      tpu.yield
    }) : () -> ()
    %eq3A = arith.constant 0 : i32
    %eq3A_1 = arith.cmpi eq, %arg1, %eq3A : i32
    %convert_element_type3A = arith.extui %eq3A_1 : i1 to i32
    %cond3A = arith.constant 0 : i32
    %cond3A_2 = arith.cmpi ne, %convert_element_type3A, %cond3A : i32
    scf.if %cond3A_2 {
      "tpu.region"() ({
        %run_scoped3A = tpu.sem_alloc : memref<!tpu.dma_semaphore, #tpu.memory_space<semaphore_mem>>
        tpu.enqueue_dma source(%arg8 : memref<10000x16xf32, #tpu.memory_space<hbm>>) target(%arg17 : memref<10000x16xf32, #tpu.memory_space<vmem_shared>>) target_semaphore(%run_scoped3A : memref<!tpu.dma_semaphore, #tpu.memory_space<semaphore_mem>>)
        tpu.wait_dma2 semaphore(%run_scoped3A : memref<!tpu.dma_semaphore, #tpu.memory_space<semaphore_mem>>) src(%arg8 : memref<10000x16xf32, #tpu.memory_space<hbm>>) dst(%arg17 : memref<10000x16xf32, #tpu.memory_space<vmem_shared>>)
        tpu.yield
      }) : () -> ()
    } else {
    }
    "tpu.region"() ({
      %run_scoped3A = tpu.sem_alloc : memref<!tpu.dma_semaphore, #tpu.memory_space<semaphore_mem>>
      %dma_start3A = arith.constant 0 : i32
      %dma_start3A_21 = arith.constant 0 : i32
      %dma_start3A_22 = tpu.memref_slice %arg8[%dma_start3A, %dma_start3A_21] : memref<10000x16xf32, #tpu.memory_space<hbm>> -> memref<80x16xf32, #tpu.memory_space<hbm>>
      %dma_start3A_23 = arith.constant 0 : i32
      %dma_start3A_24 = arith.constant 0 : i32
      %dma_start3A_25 = tpu.memref_slice %arg8[%dma_start3A_23, %dma_start3A_24] : memref<10000x16xf32, #tpu.memory_space<hbm>> -> memref<80x16xf32, #tpu.memory_space<hbm>>
      tpu.enqueue_dma source(%dma_start3A_25 : memref<80x16xf32, #tpu.memory_space<hbm>>) target(%arg13 : memref<80x16xf32, #tpu.memory_space<vmem>>) target_semaphore(%run_scoped3A : memref<!tpu.dma_semaphore, #tpu.memory_space<semaphore_mem>>)
      %dma_wait3A = arith.constant 0 : i32
      %dma_wait3A_26 = arith.constant 0 : i32
      %dma_wait3A_27 = tpu.memref_slice %arg8[%dma_wait3A, %dma_wait3A_26] : memref<10000x16xf32, #tpu.memory_space<hbm>> -> memref<80x16xf32, #tpu.memory_space<hbm>>
      %dma_wait3A_28 = arith.constant 0 : i32
      %dma_wait3A_29 = arith.constant 0 : i32
      %dma_wait3A_30 = tpu.memref_slice %arg8[%dma_wait3A_28, %dma_wait3A_29] : memref<10000x16xf32, #tpu.memory_space<hbm>> -> memref<80x16xf32, #tpu.memory_space<hbm>>
      tpu.wait_dma2 semaphore(%run_scoped3A : memref<!tpu.dma_semaphore, #tpu.memory_space<semaphore_mem>>) src(%dma_wait3A_30 : memref<80x16xf32, #tpu.memory_space<hbm>>) dst(%arg13 : memref<80x16xf32, #tpu.memory_space<vmem>>)
      tpu.yield
    }) : () -> ()
    %mul3A_3 = arith.constant 32 : i32
    %mul3A_4 = arith.muli %add3A, %mul3A_3 : i32
    "tpu.region"() ({
      %run_scoped3A = tpu.sem_alloc : memref<!tpu.dma_semaphore, #tpu.memory_space<semaphore_mem>>
      %dma_start3A = arith.constant 0 : i32
      %dma_start3A_21 = tpu.memref_slice %arg2[%mul3A_4, %dma_start3A] : memref<1024x80xi32, #tpu.memory_space<hbm>> -> memref<32x80xi32, #tpu.memory_space<hbm>>
      %dma_start3A_22 = arith.constant 0 : i32
      %dma_start3A_23 = tpu.memref_slice %arg2[%mul3A_4, %dma_start3A_22] : memref<1024x80xi32, #tpu.memory_space<hbm>> -> memref<32x80xi32, #tpu.memory_space<hbm>>
      tpu.enqueue_dma source(%dma_start3A_23 : memref<32x80xi32, #tpu.memory_space<hbm>>) target(%arg10 : memref<32x80xi32, #tpu.memory_space<vmem>>) target_semaphore(%run_scoped3A : memref<!tpu.dma_semaphore, #tpu.memory_space<semaphore_mem>>)
      %dma_wait3A = arith.constant 0 : i32
      %dma_wait3A_24 = tpu.memref_slice %arg2[%mul3A_4, %dma_wait3A] : memref<1024x80xi32, #tpu.memory_space<hbm>> -> memref<32x80xi32, #tpu.memory_space<hbm>>
      %dma_wait3A_25 = arith.constant 0 : i32
      %dma_wait3A_26 = tpu.memref_slice %arg2[%mul3A_4, %dma_wait3A_25] : memref<1024x80xi32, #tpu.memory_space<hbm>> -> memref<32x80xi32, #tpu.memory_space<hbm>>
      tpu.wait_dma2 semaphore(%run_scoped3A : memref<!tpu.dma_semaphore, #tpu.memory_space<semaphore_mem>>) src(%dma_wait3A_26 : memref<32x80xi32, #tpu.memory_space<hbm>>) dst(%arg10 : memref<32x80xi32, #tpu.memory_space<vmem>>)
      tpu.yield
    }) : () -> ()
    %mul3A_5 = arith.constant 2560 : i32
    %mul3A_6 = arith.muli %add3A, %mul3A_5 : i32
    "tpu.region"() ({
      %run_scoped3A = tpu.sem_alloc : memref<!tpu.dma_semaphore, #tpu.memory_space<semaphore_mem>>
      %dma_start3A = tpu.memref_slice %arg3[%mul3A_6] : memref<81920xi32, #tpu.memory_space<hbm>> -> memref<2560xi32, #tpu.memory_space<hbm>>
      %dma_start3A_21 = tpu.memref_slice %arg3[%mul3A_6] : memref<81920xi32, #tpu.memory_space<hbm>> -> memref<2560xi32, #tpu.memory_space<hbm>>
      tpu.enqueue_dma source(%dma_start3A_21 : memref<2560xi32, #tpu.memory_space<hbm>>) target(%arg11 : memref<2560xi32, #tpu.memory_space<vmem>>) target_semaphore(%run_scoped3A : memref<!tpu.dma_semaphore, #tpu.memory_space<semaphore_mem>>)
      %dma_wait3A = tpu.memref_slice %arg3[%mul3A_6] : memref<81920xi32, #tpu.memory_space<hbm>> -> memref<2560xi32, #tpu.memory_space<hbm>>
      %dma_wait3A_22 = tpu.memref_slice %arg3[%mul3A_6] : memref<81920xi32, #tpu.memory_space<hbm>> -> memref<2560xi32, #tpu.memory_space<hbm>>
      tpu.wait_dma2 semaphore(%run_scoped3A : memref<!tpu.dma_semaphore, #tpu.memory_space<semaphore_mem>>) src(%dma_wait3A_22 : memref<2560xi32, #tpu.memory_space<hbm>>) dst(%arg11 : memref<2560xi32, #tpu.memory_space<vmem>>)
      tpu.yield
    }) : () -> ()
    %mul3A_7 = arith.constant 2560 : i32
    %mul3A_8 = arith.muli %add3A, %mul3A_7 : i32
    "tpu.region"() ({
      %run_scoped3A = tpu.sem_alloc : memref<!tpu.dma_semaphore, #tpu.memory_space<semaphore_mem>>
      %dma_start3A = tpu.memref_slice %arg4[%mul3A_8] : memref<81920xf32, #tpu.memory_space<hbm>> -> memref<2560xf32, #tpu.memory_space<hbm>>
      %dma_start3A_21 = tpu.memref_slice %arg4[%mul3A_8] : memref<81920xf32, #tpu.memory_space<hbm>> -> memref<2560xf32, #tpu.memory_space<hbm>>
      tpu.enqueue_dma source(%dma_start3A_21 : memref<2560xf32, #tpu.memory_space<hbm>>) target(%arg12 : memref<2560xf32, #tpu.memory_space<vmem>>) target_semaphore(%run_scoped3A : memref<!tpu.dma_semaphore, #tpu.memory_space<semaphore_mem>>)
      %dma_wait3A = tpu.memref_slice %arg4[%mul3A_8] : memref<81920xf32, #tpu.memory_space<hbm>> -> memref<2560xf32, #tpu.memory_space<hbm>>
      %dma_wait3A_22 = tpu.memref_slice %arg4[%mul3A_8] : memref<81920xf32, #tpu.memory_space<hbm>> -> memref<2560xf32, #tpu.memory_space<hbm>>
      tpu.wait_dma2 semaphore(%run_scoped3A : memref<!tpu.dma_semaphore, #tpu.memory_space<semaphore_mem>>) src(%dma_wait3A_22 : memref<2560xf32, #tpu.memory_space<hbm>>) dst(%arg12 : memref<2560xf32, #tpu.memory_space<vmem>>)
      tpu.yield
    }) : () -> ()
    %barrier3A = arith.constant 0 : index
    tpu.barrier barrier_id(%barrier3A)
    %iota3A = tpu.iota {dimensions = array<i32: 0>} : vector<16xi32>
    %broadcast_in_dim3A = arith.constant 0 : i32
    %broadcast_in_dim3A_9 = vector.broadcast %broadcast_in_dim3A : i32 to vector<16xi32>
    %scan3A = arith.constant 0 : i32
    %scan3A_10 = arith.constant 0 : i32
    %scan3A_11 = arith.constant 32 : i32
    %scan3A_12 = arith.addi %scan3A_10, %scan3A_11 : i32
    %scan3A_13 = arith.constant 1 : i32
    scf.for %scan3A_21 = %scan3A_10 to %scan3A_12 step %scan3A_13  : i32 {
      %get3A = arith.index_cast %scan3A_21 : i32 to index
      %get3A_22 = arith.constant 0 : index
      %get3A_23 = tpu.vector_load %arg10[%get3A, %get3A_22] {strides = array<i32>} : memref<32x80xi32, #tpu.memory_space<vmem>>, vector<16xi32>,
      %mul3A_24 = arith.constant 80 : i32
      %mul3A_25 = arith.muli %scan3A_21, %mul3A_24 : i32
      %add3A_26 = arith.constant 0 : i32
      %add3A_27 = arith.addi %mul3A_25, %add3A_26 : i32
      %get3A_28 = arith.index_cast %add3A_27 : i32 to index
      %get3A_29 = tpu.vector_load %arg11[%get3A_28] {strides = array<i32>} : memref<2560xi32, #tpu.memory_space<vmem>>, vector<16xi32>,
      %mul3A_30 = arith.constant 80 : i32
      %mul3A_31 = arith.muli %scan3A_21, %mul3A_30 : i32
      %add3A_32 = arith.constant 0 : i32
      %add3A_33 = arith.addi %mul3A_31, %add3A_32 : i32
      %get3A_34 = arith.index_cast %add3A_33 : i32 to index
      %get3A_35 = tpu.vector_load %arg12[%get3A_34] {strides = array<i32>} : memref<2560xf32, #tpu.memory_space<vmem>>, vector<16xf32>,
      %gather3A = tpu.vector_load_idx %arg14[%get3A_23] : memref<10000xf32, #tpu.memory_space<vmem>>[vector<16xi32>], vector<16xf32>,
      %gather3A_36 = tpu.vector_load_idx %arg14[%get3A_29] : memref<10000xf32, #tpu.memory_space<vmem>>[vector<16xi32>], vector<16xf32>,
      %sub3A = arith.subf %gather3A, %gather3A_36 : vector<16xf32>
      %gather3A_37 = tpu.vector_load_idx %arg15[%get3A_23] : memref<10000xf32, #tpu.memory_space<vmem>>[vector<16xi32>], vector<16xf32>,
      %gather3A_38 = tpu.vector_load_idx %arg15[%get3A_29] : memref<10000xf32, #tpu.memory_space<vmem>>[vector<16xi32>], vector<16xf32>,
      %sub3A_39 = arith.subf %gather3A_37, %gather3A_38 : vector<16xf32>
      %gather3A_40 = tpu.vector_load_idx %arg16[%get3A_23] : memref<10000xf32, #tpu.memory_space<vmem>>[vector<16xi32>], vector<16xf32>,
      %gather3A_41 = tpu.vector_load_idx %arg16[%get3A_29] : memref<10000xf32, #tpu.memory_space<vmem>>[vector<16xi32>], vector<16xf32>,
      %sub3A_42 = arith.subf %gather3A_40, %gather3A_41 : vector<16xf32>
      %add3A_43 = arith.constant 0 : i32
      %add3A_44 = vector.broadcast %add3A_43 : i32 to vector<16xi32>
      %add3A_45 = arith.addi %iota3A, %add3A_44 : vector<16xi32>
      %mul3A_46 = arith.mulf %get3A_35, %sub3A : vector<16xf32>
      tpu.vector_store_idx %arg13[%add3A_45, %broadcast_in_dim3A_9], %mul3A_46 : memref<80x16xf32, #tpu.memory_space<vmem>>[vector<16xi32>, vector<16xi32>], vector<16xf32>,
      %add3A_47 = arith.constant 1 : i32
      %add3A_48 = vector.broadcast %add3A_47 : i32 to vector<16xi32>
      %add3A_49 = arith.addi %broadcast_in_dim3A_9, %add3A_48 : vector<16xi32>
      %mul3A_50 = arith.mulf %get3A_35, %sub3A_39 : vector<16xf32>
      tpu.vector_store_idx %arg13[%add3A_45, %add3A_49], %mul3A_50 : memref<80x16xf32, #tpu.memory_space<vmem>>[vector<16xi32>, vector<16xi32>], vector<16xf32>,
      %add3A_51 = arith.constant 2 : i32
      %add3A_52 = vector.broadcast %add3A_51 : i32 to vector<16xi32>
      %add3A_53 = arith.addi %broadcast_in_dim3A_9, %add3A_52 : vector<16xi32>
      %mul3A_54 = arith.mulf %get3A_35, %sub3A_42 : vector<16xf32>
      tpu.vector_store_idx %arg13[%add3A_45, %add3A_53], %mul3A_54 : memref<80x16xf32, #tpu.memory_space<vmem>>[vector<16xi32>, vector<16xi32>], vector<16xf32>,
      %get3A_55 = arith.index_cast %scan3A_21 : i32 to index
      %get3A_56 = arith.constant 16 : index
      %get3A_57 = tpu.vector_load %arg10[%get3A_55, %get3A_56] {strides = array<i32>} : memref<32x80xi32, #tpu.memory_space<vmem>>, vector<16xi32>,
      %mul3A_58 = arith.constant 80 : i32
      %mul3A_59 = arith.muli %scan3A_21, %mul3A_58 : i32
      %add3A_60 = arith.constant 16 : i32
      %add3A_61 = arith.addi %mul3A_59, %add3A_60 : i32
      %get3A_62 = arith.index_cast %add3A_61 : i32 to index
      %get3A_63 = tpu.vector_load %arg11[%get3A_62] {strides = array<i32>} : memref<2560xi32, #tpu.memory_space<vmem>>, vector<16xi32>,
      %mul3A_64 = arith.constant 80 : i32
      %mul3A_65 = arith.muli %scan3A_21, %mul3A_64 : i32
      %add3A_66 = arith.constant 16 : i32
      %add3A_67 = arith.addi %mul3A_65, %add3A_66 : i32
      %get3A_68 = arith.index_cast %add3A_67 : i32 to index
      %get3A_69 = tpu.vector_load %arg12[%get3A_68] {strides = array<i32>} : memref<2560xf32, #tpu.memory_space<vmem>>, vector<16xf32>,
      %gather3A_70 = tpu.vector_load_idx %arg14[%get3A_57] : memref<10000xf32, #tpu.memory_space<vmem>>[vector<16xi32>], vector<16xf32>,
      %gather3A_71 = tpu.vector_load_idx %arg14[%get3A_63] : memref<10000xf32, #tpu.memory_space<vmem>>[vector<16xi32>], vector<16xf32>,
      %sub3A_72 = arith.subf %gather3A_70, %gather3A_71 : vector<16xf32>
      %gather3A_73 = tpu.vector_load_idx %arg15[%get3A_57] : memref<10000xf32, #tpu.memory_space<vmem>>[vector<16xi32>], vector<16xf32>,
      %gather3A_74 = tpu.vector_load_idx %arg15[%get3A_63] : memref<10000xf32, #tpu.memory_space<vmem>>[vector<16xi32>], vector<16xf32>,
      %sub3A_75 = arith.subf %gather3A_73, %gather3A_74 : vector<16xf32>
      %gather3A_76 = tpu.vector_load_idx %arg16[%get3A_57] : memref<10000xf32, #tpu.memory_space<vmem>>[vector<16xi32>], vector<16xf32>,
      %gather3A_77 = tpu.vector_load_idx %arg16[%get3A_63] : memref<10000xf32, #tpu.memory_space<vmem>>[vector<16xi32>], vector<16xf32>,
      %sub3A_78 = arith.subf %gather3A_76, %gather3A_77 : vector<16xf32>
      %add3A_79 = arith.constant 16 : i32
      %add3A_80 = vector.broadcast %add3A_79 : i32 to vector<16xi32>
      %add3A_81 = arith.addi %iota3A, %add3A_80 : vector<16xi32>
      %mul3A_82 = arith.mulf %get3A_69, %sub3A_72 : vector<16xf32>
      tpu.vector_store_idx %arg13[%add3A_81, %broadcast_in_dim3A_9], %mul3A_82 : memref<80x16xf32, #tpu.memory_space<vmem>>[vector<16xi32>, vector<16xi32>], vector<16xf32>,
      %add3A_83 = arith.constant 1 : i32
      %add3A_84 = vector.broadcast %add3A_83 : i32 to vector<16xi32>
      %add3A_85 = arith.addi %broadcast_in_dim3A_9, %add3A_84 : vector<16xi32>
      %mul3A_86 = arith.mulf %get3A_69, %sub3A_75 : vector<16xf32>
      tpu.vector_store_idx %arg13[%add3A_81, %add3A_85], %mul3A_86 : memref<80x16xf32, #tpu.memory_space<vmem>>[vector<16xi32>, vector<16xi32>], vector<16xf32>,
      %add3A_87 = arith.constant 2 : i32
      %add3A_88 = vector.broadcast %add3A_87 : i32 to vector<16xi32>
      %add3A_89 = arith.addi %broadcast_in_dim3A_9, %add3A_88 : vector<16xi32>
      %mul3A_90 = arith.mulf %get3A_69, %sub3A_78 : vector<16xf32>
      tpu.vector_store_idx %arg13[%add3A_81, %add3A_89], %mul3A_90 : memref<80x16xf32, #tpu.memory_space<vmem>>[vector<16xi32>, vector<16xi32>], vector<16xf32>,
      %get3A_91 = arith.index_cast %scan3A_21 : i32 to index
      %get3A_92 = arith.constant 32 : index
      %get3A_93 = tpu.vector_load %arg10[%get3A_91, %get3A_92] {strides = array<i32>} : memref<32x80xi32, #tpu.memory_space<vmem>>, vector<16xi32>,
      %mul3A_94 = arith.constant 80 : i32
      %mul3A_95 = arith.muli %scan3A_21, %mul3A_94 : i32
      %add3A_96 = arith.constant 32 : i32
      %add3A_97 = arith.addi %mul3A_95, %add3A_96 : i32
      %get3A_98 = arith.index_cast %add3A_97 : i32 to index
      %get3A_99 = tpu.vector_load %arg11[%get3A_98] {strides = array<i32>} : memref<2560xi32, #tpu.memory_space<vmem>>, vector<16xi32>,
      %mul3A_100 = arith.constant 80 : i32
      %mul3A_101 = arith.muli %scan3A_21, %mul3A_100 : i32
      %add3A_102 = arith.constant 32 : i32
      %add3A_103 = arith.addi %mul3A_101, %add3A_102 : i32
      %get3A_104 = arith.index_cast %add3A_103 : i32 to index
      %get3A_105 = tpu.vector_load %arg12[%get3A_104] {strides = array<i32>} : memref<2560xf32, #tpu.memory_space<vmem>>, vector<16xf32>,
      %gather3A_106 = tpu.vector_load_idx %arg14[%get3A_93] : memref<10000xf32, #tpu.memory_space<vmem>>[vector<16xi32>], vector<16xf32>,
      %gather3A_107 = tpu.vector_load_idx %arg14[%get3A_99] : memref<10000xf32, #tpu.memory_space<vmem>>[vector<16xi32>], vector<16xf32>,
      %sub3A_108 = arith.subf %gather3A_106, %gather3A_107 : vector<16xf32>
      %gather3A_109 = tpu.vector_load_idx %arg15[%get3A_93] : memref<10000xf32, #tpu.memory_space<vmem>>[vector<16xi32>], vector<16xf32>,
      %gather3A_110 = tpu.vector_load_idx %arg15[%get3A_99] : memref<10000xf32, #tpu.memory_space<vmem>>[vector<16xi32>], vector<16xf32>,
      %sub3A_111 = arith.subf %gather3A_109, %gather3A_110 : vector<16xf32>
      %gather3A_112 = tpu.vector_load_idx %arg16[%get3A_93] : memref<10000xf32, #tpu.memory_space<vmem>>[vector<16xi32>], vector<16xf32>,
      %gather3A_113 = tpu.vector_load_idx %arg16[%get3A_99] : memref<10000xf32, #tpu.memory_space<vmem>>[vector<16xi32>], vector<16xf32>,
      %sub3A_114 = arith.subf %gather3A_112, %gather3A_113 : vector<16xf32>
      %add3A_115 = arith.constant 32 : i32
      %add3A_116 = vector.broadcast %add3A_115 : i32 to vector<16xi32>
      %add3A_117 = arith.addi %iota3A, %add3A_116 : vector<16xi32>
      %mul3A_118 = arith.mulf %get3A_105, %sub3A_108 : vector<16xf32>
      tpu.vector_store_idx %arg13[%add3A_117, %broadcast_in_dim3A_9], %mul3A_118 : memref<80x16xf32, #tpu.memory_space<vmem>>[vector<16xi32>, vector<16xi32>], vector<16xf32>,
      %add3A_119 = arith.constant 1 : i32
      %add3A_120 = vector.broadcast %add3A_119 : i32 to vector<16xi32>
      %add3A_121 = arith.addi %broadcast_in_dim3A_9, %add3A_120 : vector<16xi32>
      %mul3A_122 = arith.mulf %get3A_105, %sub3A_111 : vector<16xf32>
      tpu.vector_store_idx %arg13[%add3A_117, %add3A_121], %mul3A_122 : memref<80x16xf32, #tpu.memory_space<vmem>>[vector<16xi32>, vector<16xi32>], vector<16xf32>,
      %add3A_123 = arith.constant 2 : i32
      %add3A_124 = vector.broadcast %add3A_123 : i32 to vector<16xi32>
      %add3A_125 = arith.addi %broadcast_in_dim3A_9, %add3A_124 : vector<16xi32>
      %mul3A_126 = arith.mulf %get3A_105, %sub3A_114 : vector<16xf32>
      tpu.vector_store_idx %arg13[%add3A_117, %add3A_125], %mul3A_126 : memref<80x16xf32, #tpu.memory_space<vmem>>[vector<16xi32>, vector<16xi32>], vector<16xf32>,
      %get3A_127 = arith.index_cast %scan3A_21 : i32 to index
      %get3A_128 = arith.constant 48 : index
      %get3A_129 = tpu.vector_load %arg10[%get3A_127, %get3A_128] {strides = array<i32>} : memref<32x80xi32, #tpu.memory_space<vmem>>, vector<16xi32>,
      %mul3A_130 = arith.constant 80 : i32
      %mul3A_131 = arith.muli %scan3A_21, %mul3A_130 : i32
      %add3A_132 = arith.constant 48 : i32
      %add3A_133 = arith.addi %mul3A_131, %add3A_132 : i32
      %get3A_134 = arith.index_cast %add3A_133 : i32 to index
      %get3A_135 = tpu.vector_load %arg11[%get3A_134] {strides = array<i32>} : memref<2560xi32, #tpu.memory_space<vmem>>, vector<16xi32>,
      %mul3A_136 = arith.constant 80 : i32
      %mul3A_137 = arith.muli %scan3A_21, %mul3A_136 : i32
      %add3A_138 = arith.constant 48 : i32
      %add3A_139 = arith.addi %mul3A_137, %add3A_138 : i32
      %get3A_140 = arith.index_cast %add3A_139 : i32 to index
      %get3A_141 = tpu.vector_load %arg12[%get3A_140] {strides = array<i32>} : memref<2560xf32, #tpu.memory_space<vmem>>, vector<16xf32>,
      %gather3A_142 = tpu.vector_load_idx %arg14[%get3A_129] : memref<10000xf32, #tpu.memory_space<vmem>>[vector<16xi32>], vector<16xf32>,
      %gather3A_143 = tpu.vector_load_idx %arg14[%get3A_135] : memref<10000xf32, #tpu.memory_space<vmem>>[vector<16xi32>], vector<16xf32>,
      %sub3A_144 = arith.subf %gather3A_142, %gather3A_143 : vector<16xf32>
      %gather3A_145 = tpu.vector_load_idx %arg15[%get3A_129] : memref<10000xf32, #tpu.memory_space<vmem>>[vector<16xi32>], vector<16xf32>,
      %gather3A_146 = tpu.vector_load_idx %arg15[%get3A_135] : memref<10000xf32, #tpu.memory_space<vmem>>[vector<16xi32>], vector<16xf32>,
      %sub3A_147 = arith.subf %gather3A_145, %gather3A_146 : vector<16xf32>
      %gather3A_148 = tpu.vector_load_idx %arg16[%get3A_129] : memref<10000xf32, #tpu.memory_space<vmem>>[vector<16xi32>], vector<16xf32>,
      %gather3A_149 = tpu.vector_load_idx %arg16[%get3A_135] : memref<10000xf32, #tpu.memory_space<vmem>>[vector<16xi32>], vector<16xf32>,
      %sub3A_150 = arith.subf %gather3A_148, %gather3A_149 : vector<16xf32>
      %add3A_151 = arith.constant 48 : i32
      %add3A_152 = vector.broadcast %add3A_151 : i32 to vector<16xi32>
      %add3A_153 = arith.addi %iota3A, %add3A_152 : vector<16xi32>
      %mul3A_154 = arith.mulf %get3A_141, %sub3A_144 : vector<16xf32>
      tpu.vector_store_idx %arg13[%add3A_153, %broadcast_in_dim3A_9], %mul3A_154 : memref<80x16xf32, #tpu.memory_space<vmem>>[vector<16xi32>, vector<16xi32>], vector<16xf32>,
      %add3A_155 = arith.constant 1 : i32
      %add3A_156 = vector.broadcast %add3A_155 : i32 to vector<16xi32>
      %add3A_157 = arith.addi %broadcast_in_dim3A_9, %add3A_156 : vector<16xi32>
      %mul3A_158 = arith.mulf %get3A_141, %sub3A_147 : vector<16xf32>
      tpu.vector_store_idx %arg13[%add3A_153, %add3A_157], %mul3A_158 : memref<80x16xf32, #tpu.memory_space<vmem>>[vector<16xi32>, vector<16xi32>], vector<16xf32>,
      %add3A_159 = arith.constant 2 : i32
      %add3A_160 = vector.broadcast %add3A_159 : i32 to vector<16xi32>
      %add3A_161 = arith.addi %broadcast_in_dim3A_9, %add3A_160 : vector<16xi32>
      %mul3A_162 = arith.mulf %get3A_141, %sub3A_150 : vector<16xf32>
      tpu.vector_store_idx %arg13[%add3A_153, %add3A_161], %mul3A_162 : memref<80x16xf32, #tpu.memory_space<vmem>>[vector<16xi32>, vector<16xi32>], vector<16xf32>,
      %get3A_163 = arith.index_cast %scan3A_21 : i32 to index
      %get3A_164 = arith.constant 64 : index
      %get3A_165 = tpu.vector_load %arg10[%get3A_163, %get3A_164] {strides = array<i32>} : memref<32x80xi32, #tpu.memory_space<vmem>>, vector<16xi32>,
      %mul3A_166 = arith.constant 80 : i32
      %mul3A_167 = arith.muli %scan3A_21, %mul3A_166 : i32
      %add3A_168 = arith.constant 64 : i32
      %add3A_169 = arith.addi %mul3A_167, %add3A_168 : i32
      %get3A_170 = arith.index_cast %add3A_169 : i32 to index
      %get3A_171 = tpu.vector_load %arg11[%get3A_170] {strides = array<i32>} : memref<2560xi32, #tpu.memory_space<vmem>>, vector<16xi32>,
      %mul3A_172 = arith.constant 80 : i32
      %mul3A_173 = arith.muli %scan3A_21, %mul3A_172 : i32
      %add3A_174 = arith.constant 64 : i32
      %add3A_175 = arith.addi %mul3A_173, %add3A_174 : i32
      %get3A_176 = arith.index_cast %add3A_175 : i32 to index
      %get3A_177 = tpu.vector_load %arg12[%get3A_176] {strides = array<i32>} : memref<2560xf32, #tpu.memory_space<vmem>>, vector<16xf32>,
      %gather3A_178 = tpu.vector_load_idx %arg14[%get3A_165] : memref<10000xf32, #tpu.memory_space<vmem>>[vector<16xi32>], vector<16xf32>,
      %gather3A_179 = tpu.vector_load_idx %arg14[%get3A_171] : memref<10000xf32, #tpu.memory_space<vmem>>[vector<16xi32>], vector<16xf32>,
      %sub3A_180 = arith.subf %gather3A_178, %gather3A_179 : vector<16xf32>
      %gather3A_181 = tpu.vector_load_idx %arg15[%get3A_165] : memref<10000xf32, #tpu.memory_space<vmem>>[vector<16xi32>], vector<16xf32>,
      %gather3A_182 = tpu.vector_load_idx %arg15[%get3A_171] : memref<10000xf32, #tpu.memory_space<vmem>>[vector<16xi32>], vector<16xf32>,
      %sub3A_183 = arith.subf %gather3A_181, %gather3A_182 : vector<16xf32>
      %gather3A_184 = tpu.vector_load_idx %arg16[%get3A_165] : memref<10000xf32, #tpu.memory_space<vmem>>[vector<16xi32>], vector<16xf32>,
      %gather3A_185 = tpu.vector_load_idx %arg16[%get3A_171] : memref<10000xf32, #tpu.memory_space<vmem>>[vector<16xi32>], vector<16xf32>,
      %sub3A_186 = arith.subf %gather3A_184, %gather3A_185 : vector<16xf32>
      %add3A_187 = arith.constant 64 : i32
      %add3A_188 = vector.broadcast %add3A_187 : i32 to vector<16xi32>
      %add3A_189 = arith.addi %iota3A, %add3A_188 : vector<16xi32>
      %mul3A_190 = arith.mulf %get3A_177, %sub3A_180 : vector<16xf32>
      tpu.vector_store_idx %arg13[%add3A_189, %broadcast_in_dim3A_9], %mul3A_190 : memref<80x16xf32, #tpu.memory_space<vmem>>[vector<16xi32>, vector<16xi32>], vector<16xf32>,
      %add3A_191 = arith.constant 1 : i32
      %add3A_192 = vector.broadcast %add3A_191 : i32 to vector<16xi32>
      %add3A_193 = arith.addi %broadcast_in_dim3A_9, %add3A_192 : vector<16xi32>
      %mul3A_194 = arith.mulf %get3A_177, %sub3A_183 : vector<16xf32>
      tpu.vector_store_idx %arg13[%add3A_189, %add3A_193], %mul3A_194 : memref<80x16xf32, #tpu.memory_space<vmem>>[vector<16xi32>, vector<16xi32>], vector<16xf32>,
      %add3A_195 = arith.constant 2 : i32
      %add3A_196 = vector.broadcast %add3A_195 : i32 to vector<16xi32>
      %add3A_197 = arith.addi %broadcast_in_dim3A_9, %add3A_196 : vector<16xi32>
      %mul3A_198 = arith.mulf %get3A_177, %sub3A_186 : vector<16xf32>
      tpu.vector_store_idx %arg13[%add3A_189, %add3A_197], %mul3A_198 : memref<80x16xf32, #tpu.memory_space<vmem>>[vector<16xi32>, vector<16xi32>], vector<16xf32>,
      "tpu.region"() ({
        %run_scoped3A = tpu.sem_alloc : memref<!tpu.dma_semaphore, #tpu.memory_space<semaphore_mem>>
        %dma_start3A = arith.constant 0 : i32
        %dma_start3A_199 = tpu.memref_slice %arg10[%scan3A_21, %dma_start3A] : memref<32x80xi32, #tpu.memory_space<vmem>> -> memref<1x80xi32, #tpu.memory_space<vmem>>
        %dma_start3A_200 = tpu.memref_squeeze %dma_start3A_199 : memref<1x80xi32, #tpu.memory_space<vmem>> -> memref<80xi32, #tpu.memory_space<vmem>>
        %dma_start3A_201 = arith.constant 0 : i32
        %dma_start3A_202 = arith.constant 0 : i32
        %dma_start3A_203 = tpu.memref_slice %arg17[%dma_start3A_201, %dma_start3A_202] : memref<10000x16xf32, #tpu.memory_space<vmem_shared>> -> memref<10000x16xf32, #tpu.memory_space<vmem_shared>>
        tpu.enqueue_indirect_dma source(%arg13 : memref<80x16xf32, #tpu.memory_space<vmem>>) target(%dma_start3A_203 : memref<10000x16xf32, #tpu.memory_space<vmem_shared>>) offsets(%dma_start3A_200 : memref<80xi32, #tpu.memory_space<vmem>>) semaphore(%run_scoped3A : memref<!tpu.dma_semaphore, #tpu.memory_space<semaphore_mem>>) {add = true}
        %dma_wait3A = arith.constant 0 : i32
        %dma_wait3A_204 = tpu.memref_slice %arg10[%scan3A_21, %dma_wait3A] : memref<32x80xi32, #tpu.memory_space<vmem>> -> memref<1x80xi32, #tpu.memory_space<vmem>>
        %dma_wait3A_205 = tpu.memref_squeeze %dma_wait3A_204 : memref<1x80xi32, #tpu.memory_space<vmem>> -> memref<80xi32, #tpu.memory_space<vmem>>
        %dma_wait3A_206 = arith.constant 0 : i32
        %dma_wait3A_207 = arith.constant 0 : i32
        %dma_wait3A_208 = tpu.memref_slice %arg17[%dma_wait3A_206, %dma_wait3A_207] : memref<10000x16xf32, #tpu.memory_space<vmem_shared>> -> memref<10000x16xf32, #tpu.memory_space<vmem_shared>>
        tpu.wait_indirect_dma semaphore(%run_scoped3A : memref<!tpu.dma_semaphore, #tpu.memory_space<semaphore_mem>>) src(%arg13 : memref<80x16xf32, #tpu.memory_space<vmem>>) dst(%dma_wait3A_208 : memref<10000x16xf32, #tpu.memory_space<vmem_shared>>)
        tpu.yield
      }) : () -> ()
    }
    %scan3A_14 = arith.constant 32 : i32
    %barrier3A_15 = arith.constant 0 : index
    tpu.barrier barrier_id(%barrier3A_15)
    %eq3A_16 = arith.constant 0 : i32
    %eq3A_17 = arith.cmpi eq, %arg1, %eq3A_16 : i32
    %convert_element_type3A_18 = arith.extui %eq3A_17 : i1 to i32
    %cond3A_19 = arith.constant 0 : i32
    %cond3A_20 = arith.cmpi ne, %convert_element_type3A_18, %cond3A_19 : i32
    scf.if %cond3A_20 {
      "tpu.region"() ({
        %run_scoped3A = tpu.sem_alloc : memref<!tpu.dma_semaphore, #tpu.memory_space<semaphore_mem>>
        %dma_start3A = arith.constant 0 : i32
        %dma_start3A_21 = arith.constant 0 : i32
        %dma_start3A_22 = tpu.memref_slice %arg9[%arg0, %dma_start3A, %dma_start3A_21] : memref<2x10000x16xf32, #tpu.memory_space<hbm>> -> memref<1x10000x16xf32, #tpu.memory_space<hbm>>
        %dma_start3A_23 = tpu.memref_squeeze %dma_start3A_22 : memref<1x10000x16xf32, #tpu.memory_space<hbm>> -> memref<10000x16xf32, #tpu.memory_space<hbm>>
        tpu.enqueue_dma source(%arg17 : memref<10000x16xf32, #tpu.memory_space<vmem_shared>>) target(%dma_start3A_23 : memref<10000x16xf32, #tpu.memory_space<hbm>>) target_semaphore(%run_scoped3A : memref<!tpu.dma_semaphore, #tpu.memory_space<semaphore_mem>>)
        %dma_wait3A = arith.constant 0 : i32
        %dma_wait3A_24 = arith.constant 0 : i32
        %dma_wait3A_25 = tpu.memref_slice %arg9[%arg0, %dma_wait3A, %dma_wait3A_24] : memref<2x10000x16xf32, #tpu.memory_space<hbm>> -> memref<1x10000x16xf32, #tpu.memory_space<hbm>>
        %dma_wait3A_26 = tpu.memref_squeeze %dma_wait3A_25 : memref<1x10000x16xf32, #tpu.memory_space<hbm>> -> memref<10000x16xf32, #tpu.memory_space<hbm>>
        tpu.wait_dma2 semaphore(%run_scoped3A : memref<!tpu.dma_semaphore, #tpu.memory_space<semaphore_mem>>) src(%arg17 : memref<10000x16xf32, #tpu.memory_space<vmem_shared>>) dst(%dma_wait3A_26 : memref<10000x16xf32, #tpu.memory_space<hbm>>)
        tpu.yield
      }) : () -> ()
    } else {
    }
    return
  }
}

#map = affine_map<(d0, d1) -> (0, 0)>
#map1 = affine_map<(d0, d1) -> (0)>
#map2 = affine_map<(d0, d1) -> (0, 0, 0)>
module attributes {stable_mosaic.version = 14 : i64} {
  func.func @_sc_scatter_c_body(%arg0: i32, %arg1: i32, %arg2: memref<992x80xi32, #tpu.memory_space<hbm>>, %arg3: memref<79360xi32, #tpu.memory_space<hbm>>, %arg4: memref<79360xf32, #tpu.memory_space<hbm>>, %arg5: memref<10000xf32, #tpu.memory_space<hbm>>, %arg6: memref<10000xf32, #tpu.memory_space<hbm>>, %arg7: memref<10000xf32, #tpu.memory_space<hbm>>, %arg8: memref<10000x16xf32, #tpu.memory_space<hbm>>, %arg9: memref<2x10000x16xf32, #tpu.memory_space<hbm>>, %arg10: memref<31x80xi32, #tpu.memory_space<vmem>>, %arg11: memref<2480xi32, #tpu.memory_space<vmem>>, %arg12: memref<2480xf32, #tpu.memory_space<vmem>>, %arg13: memref<80x16xf32, #tpu.memory_space<vmem>>, %arg14: memref<10000xf32, #tpu.memory_space<vmem>>, %arg15: memref<10000xf32, #tpu.memory_space<vmem>>, %arg16: memref<10000xf32, #tpu.memory_space<vmem>>, %arg17: memref<10000x16xf32, #tpu.memory_space<vmem_shared>>, %arg18: memref<!tpu.dma_semaphore, #tpu.memory_space<semaphore_mem>>) attributes {dimension_semantics = [#tpu.dimension_semantics<core_parallel>, #tpu.dimension_semantics<subcore_parallel>], iteration_bounds = array<i64: 2, 16>, scalar_prefetch = 0 : i64, scratch_operands = 9 : i64, tpu.core_type = #tpu.core_type<sc_vector_subcore>, window_params = [{transform_indices = #map}, {transform_indices = #map1}, {transform_indices = #map1}, {transform_indices = #map1}, {transform_indices = #map1}, {transform_indices = #map1}, {transform_indices = #map}, {transform_indices = #map2}]} {
    %mul3A = arith.constant 2 : i32
    %mul3A_0 = arith.muli %arg1, %mul3A : i32
    %add3A = arith.addi %mul3A_0, %arg0 : i32
    "tpu.region"() ({
      %run_scoped3A = tpu.sem_alloc : memref<!tpu.dma_semaphore, #tpu.memory_space<semaphore_mem>>
      tpu.enqueue_dma source(%arg5 : memref<10000xf32, #tpu.memory_space<hbm>>) target(%arg14 : memref<10000xf32, #tpu.memory_space<vmem>>) target_semaphore(%run_scoped3A : memref<!tpu.dma_semaphore, #tpu.memory_space<semaphore_mem>>)
      tpu.wait_dma2 semaphore(%run_scoped3A : memref<!tpu.dma_semaphore, #tpu.memory_space<semaphore_mem>>) src(%arg5 : memref<10000xf32, #tpu.memory_space<hbm>>) dst(%arg14 : memref<10000xf32, #tpu.memory_space<vmem>>)
      tpu.yield
    }) : () -> ()
    "tpu.region"() ({
      %run_scoped3A = tpu.sem_alloc : memref<!tpu.dma_semaphore, #tpu.memory_space<semaphore_mem>>
      tpu.enqueue_dma source(%arg6 : memref<10000xf32, #tpu.memory_space<hbm>>) target(%arg15 : memref<10000xf32, #tpu.memory_space<vmem>>) target_semaphore(%run_scoped3A : memref<!tpu.dma_semaphore, #tpu.memory_space<semaphore_mem>>)
      tpu.wait_dma2 semaphore(%run_scoped3A : memref<!tpu.dma_semaphore, #tpu.memory_space<semaphore_mem>>) src(%arg6 : memref<10000xf32, #tpu.memory_space<hbm>>) dst(%arg15 : memref<10000xf32, #tpu.memory_space<vmem>>)
      tpu.yield
    }) : () -> ()
    "tpu.region"() ({
      %run_scoped3A = tpu.sem_alloc : memref<!tpu.dma_semaphore, #tpu.memory_space<semaphore_mem>>
      tpu.enqueue_dma source(%arg7 : memref<10000xf32, #tpu.memory_space<hbm>>) target(%arg16 : memref<10000xf32, #tpu.memory_space<vmem>>) target_semaphore(%run_scoped3A : memref<!tpu.dma_semaphore, #tpu.memory_space<semaphore_mem>>)
      tpu.wait_dma2 semaphore(%run_scoped3A : memref<!tpu.dma_semaphore, #tpu.memory_space<semaphore_mem>>) src(%arg7 : memref<10000xf32, #tpu.memory_space<hbm>>) dst(%arg16 : memref<10000xf32, #tpu.memory_space<vmem>>)
      tpu.yield
    }) : () -> ()
    %eq3A = arith.constant 0 : i32
    %eq3A_1 = arith.cmpi eq, %arg1, %eq3A : i32
    %convert_element_type3A = arith.extui %eq3A_1 : i1 to i32
    %cond3A = arith.constant 0 : i32
    %cond3A_2 = arith.cmpi ne, %convert_element_type3A, %cond3A : i32
    scf.if %cond3A_2 {
      "tpu.region"() ({
        %run_scoped3A = tpu.sem_alloc : memref<!tpu.dma_semaphore, #tpu.memory_space<semaphore_mem>>
        tpu.enqueue_dma source(%arg8 : memref<10000x16xf32, #tpu.memory_space<hbm>>) target(%arg17 : memref<10000x16xf32, #tpu.memory_space<vmem_shared>>) target_semaphore(%run_scoped3A : memref<!tpu.dma_semaphore, #tpu.memory_space<semaphore_mem>>)
        tpu.wait_dma2 semaphore(%run_scoped3A : memref<!tpu.dma_semaphore, #tpu.memory_space<semaphore_mem>>) src(%arg8 : memref<10000x16xf32, #tpu.memory_space<hbm>>) dst(%arg17 : memref<10000x16xf32, #tpu.memory_space<vmem_shared>>)
        tpu.yield
      }) : () -> ()
    } else {
    }
    "tpu.region"() ({
      %run_scoped3A = tpu.sem_alloc : memref<!tpu.dma_semaphore, #tpu.memory_space<semaphore_mem>>
      %dma_start3A = arith.constant 0 : i32
      %dma_start3A_21 = arith.constant 0 : i32
      %dma_start3A_22 = tpu.memref_slice %arg8[%dma_start3A, %dma_start3A_21] : memref<10000x16xf32, #tpu.memory_space<hbm>> -> memref<80x16xf32, #tpu.memory_space<hbm>>
      %dma_start3A_23 = arith.constant 0 : i32
      %dma_start3A_24 = arith.constant 0 : i32
      %dma_start3A_25 = tpu.memref_slice %arg8[%dma_start3A_23, %dma_start3A_24] : memref<10000x16xf32, #tpu.memory_space<hbm>> -> memref<80x16xf32, #tpu.memory_space<hbm>>
      tpu.enqueue_dma source(%dma_start3A_25 : memref<80x16xf32, #tpu.memory_space<hbm>>) target(%arg13 : memref<80x16xf32, #tpu.memory_space<vmem>>) target_semaphore(%run_scoped3A : memref<!tpu.dma_semaphore, #tpu.memory_space<semaphore_mem>>)
      %dma_wait3A = arith.constant 0 : i32
      %dma_wait3A_26 = arith.constant 0 : i32
      %dma_wait3A_27 = tpu.memref_slice %arg8[%dma_wait3A, %dma_wait3A_26] : memref<10000x16xf32, #tpu.memory_space<hbm>> -> memref<80x16xf32, #tpu.memory_space<hbm>>
      %dma_wait3A_28 = arith.constant 0 : i32
      %dma_wait3A_29 = arith.constant 0 : i32
      %dma_wait3A_30 = tpu.memref_slice %arg8[%dma_wait3A_28, %dma_wait3A_29] : memref<10000x16xf32, #tpu.memory_space<hbm>> -> memref<80x16xf32, #tpu.memory_space<hbm>>
      tpu.wait_dma2 semaphore(%run_scoped3A : memref<!tpu.dma_semaphore, #tpu.memory_space<semaphore_mem>>) src(%dma_wait3A_30 : memref<80x16xf32, #tpu.memory_space<hbm>>) dst(%arg13 : memref<80x16xf32, #tpu.memory_space<vmem>>)
      tpu.yield
    }) : () -> ()
    %mul3A_3 = arith.constant 31 : i32
    %mul3A_4 = arith.muli %add3A, %mul3A_3 : i32
    "tpu.region"() ({
      %run_scoped3A = tpu.sem_alloc : memref<!tpu.dma_semaphore, #tpu.memory_space<semaphore_mem>>
      %dma_start3A = arith.constant 0 : i32
      %dma_start3A_21 = tpu.memref_slice %arg2[%mul3A_4, %dma_start3A] : memref<992x80xi32, #tpu.memory_space<hbm>> -> memref<31x80xi32, #tpu.memory_space<hbm>>
      %dma_start3A_22 = arith.constant 0 : i32
      %dma_start3A_23 = tpu.memref_slice %arg2[%mul3A_4, %dma_start3A_22] : memref<992x80xi32, #tpu.memory_space<hbm>> -> memref<31x80xi32, #tpu.memory_space<hbm>>
      tpu.enqueue_dma source(%dma_start3A_23 : memref<31x80xi32, #tpu.memory_space<hbm>>) target(%arg10 : memref<31x80xi32, #tpu.memory_space<vmem>>) target_semaphore(%run_scoped3A : memref<!tpu.dma_semaphore, #tpu.memory_space<semaphore_mem>>)
      %dma_wait3A = arith.constant 0 : i32
      %dma_wait3A_24 = tpu.memref_slice %arg2[%mul3A_4, %dma_wait3A] : memref<992x80xi32, #tpu.memory_space<hbm>> -> memref<31x80xi32, #tpu.memory_space<hbm>>
      %dma_wait3A_25 = arith.constant 0 : i32
      %dma_wait3A_26 = tpu.memref_slice %arg2[%mul3A_4, %dma_wait3A_25] : memref<992x80xi32, #tpu.memory_space<hbm>> -> memref<31x80xi32, #tpu.memory_space<hbm>>
      tpu.wait_dma2 semaphore(%run_scoped3A : memref<!tpu.dma_semaphore, #tpu.memory_space<semaphore_mem>>) src(%dma_wait3A_26 : memref<31x80xi32, #tpu.memory_space<hbm>>) dst(%arg10 : memref<31x80xi32, #tpu.memory_space<vmem>>)
      tpu.yield
    }) : () -> ()
    %mul3A_5 = arith.constant 2480 : i32
    %mul3A_6 = arith.muli %add3A, %mul3A_5 : i32
    "tpu.region"() ({
      %run_scoped3A = tpu.sem_alloc : memref<!tpu.dma_semaphore, #tpu.memory_space<semaphore_mem>>
      %dma_start3A = tpu.memref_slice %arg3[%mul3A_6] : memref<79360xi32, #tpu.memory_space<hbm>> -> memref<2480xi32, #tpu.memory_space<hbm>>
      %dma_start3A_21 = tpu.memref_slice %arg3[%mul3A_6] : memref<79360xi32, #tpu.memory_space<hbm>> -> memref<2480xi32, #tpu.memory_space<hbm>>
      tpu.enqueue_dma source(%dma_start3A_21 : memref<2480xi32, #tpu.memory_space<hbm>>) target(%arg11 : memref<2480xi32, #tpu.memory_space<vmem>>) target_semaphore(%run_scoped3A : memref<!tpu.dma_semaphore, #tpu.memory_space<semaphore_mem>>)
      %dma_wait3A = tpu.memref_slice %arg3[%mul3A_6] : memref<79360xi32, #tpu.memory_space<hbm>> -> memref<2480xi32, #tpu.memory_space<hbm>>
      %dma_wait3A_22 = tpu.memref_slice %arg3[%mul3A_6] : memref<79360xi32, #tpu.memory_space<hbm>> -> memref<2480xi32, #tpu.memory_space<hbm>>
      tpu.wait_dma2 semaphore(%run_scoped3A : memref<!tpu.dma_semaphore, #tpu.memory_space<semaphore_mem>>) src(%dma_wait3A_22 : memref<2480xi32, #tpu.memory_space<hbm>>) dst(%arg11 : memref<2480xi32, #tpu.memory_space<vmem>>)
      tpu.yield
    }) : () -> ()
    %mul3A_7 = arith.constant 2480 : i32
    %mul3A_8 = arith.muli %add3A, %mul3A_7 : i32
    "tpu.region"() ({
      %run_scoped3A = tpu.sem_alloc : memref<!tpu.dma_semaphore, #tpu.memory_space<semaphore_mem>>
      %dma_start3A = tpu.memref_slice %arg4[%mul3A_8] : memref<79360xf32, #tpu.memory_space<hbm>> -> memref<2480xf32, #tpu.memory_space<hbm>>
      %dma_start3A_21 = tpu.memref_slice %arg4[%mul3A_8] : memref<79360xf32, #tpu.memory_space<hbm>> -> memref<2480xf32, #tpu.memory_space<hbm>>
      tpu.enqueue_dma source(%dma_start3A_21 : memref<2480xf32, #tpu.memory_space<hbm>>) target(%arg12 : memref<2480xf32, #tpu.memory_space<vmem>>) target_semaphore(%run_scoped3A : memref<!tpu.dma_semaphore, #tpu.memory_space<semaphore_mem>>)
      %dma_wait3A = tpu.memref_slice %arg4[%mul3A_8] : memref<79360xf32, #tpu.memory_space<hbm>> -> memref<2480xf32, #tpu.memory_space<hbm>>
      %dma_wait3A_22 = tpu.memref_slice %arg4[%mul3A_8] : memref<79360xf32, #tpu.memory_space<hbm>> -> memref<2480xf32, #tpu.memory_space<hbm>>
      tpu.wait_dma2 semaphore(%run_scoped3A : memref<!tpu.dma_semaphore, #tpu.memory_space<semaphore_mem>>) src(%dma_wait3A_22 : memref<2480xf32, #tpu.memory_space<hbm>>) dst(%arg12 : memref<2480xf32, #tpu.memory_space<vmem>>)
      tpu.yield
    }) : () -> ()
    %barrier3A = arith.constant 0 : index
    tpu.barrier barrier_id(%barrier3A)
    %iota3A = tpu.iota {dimensions = array<i32: 0>} : vector<16xi32>
    %broadcast_in_dim3A = arith.constant 0 : i32
    %broadcast_in_dim3A_9 = vector.broadcast %broadcast_in_dim3A : i32 to vector<16xi32>
    %scan3A = arith.constant 0 : i32
    %scan3A_10 = arith.constant 0 : i32
    %scan3A_11 = arith.constant 31 : i32
    %scan3A_12 = arith.addi %scan3A_10, %scan3A_11 : i32
    %scan3A_13 = arith.constant 1 : i32
    scf.for %scan3A_21 = %scan3A_10 to %scan3A_12 step %scan3A_13  : i32 {
      %get3A = arith.index_cast %scan3A_21 : i32 to index
      %get3A_22 = arith.constant 0 : index
      %get3A_23 = tpu.vector_load %arg10[%get3A, %get3A_22] {strides = array<i32>} : memref<31x80xi32, #tpu.memory_space<vmem>>, vector<16xi32>,
      %mul3A_24 = arith.constant 80 : i32
      %mul3A_25 = arith.muli %scan3A_21, %mul3A_24 : i32
      %add3A_26 = arith.constant 0 : i32
      %add3A_27 = arith.addi %mul3A_25, %add3A_26 : i32
      %get3A_28 = arith.index_cast %add3A_27 : i32 to index
      %get3A_29 = tpu.vector_load %arg11[%get3A_28] {strides = array<i32>} : memref<2480xi32, #tpu.memory_space<vmem>>, vector<16xi32>,
      %mul3A_30 = arith.constant 80 : i32
      %mul3A_31 = arith.muli %scan3A_21, %mul3A_30 : i32
      %add3A_32 = arith.constant 0 : i32
      %add3A_33 = arith.addi %mul3A_31, %add3A_32 : i32
      %get3A_34 = arith.index_cast %add3A_33 : i32 to index
      %get3A_35 = tpu.vector_load %arg12[%get3A_34] {strides = array<i32>} : memref<2480xf32, #tpu.memory_space<vmem>>, vector<16xf32>,
      %gather3A = tpu.vector_load_idx %arg14[%get3A_23] : memref<10000xf32, #tpu.memory_space<vmem>>[vector<16xi32>], vector<16xf32>,
      %gather3A_36 = tpu.vector_load_idx %arg14[%get3A_29] : memref<10000xf32, #tpu.memory_space<vmem>>[vector<16xi32>], vector<16xf32>,
      %sub3A = arith.subf %gather3A, %gather3A_36 : vector<16xf32>
      %gather3A_37 = tpu.vector_load_idx %arg15[%get3A_23] : memref<10000xf32, #tpu.memory_space<vmem>>[vector<16xi32>], vector<16xf32>,
      %gather3A_38 = tpu.vector_load_idx %arg15[%get3A_29] : memref<10000xf32, #tpu.memory_space<vmem>>[vector<16xi32>], vector<16xf32>,
      %sub3A_39 = arith.subf %gather3A_37, %gather3A_38 : vector<16xf32>
      %gather3A_40 = tpu.vector_load_idx %arg16[%get3A_23] : memref<10000xf32, #tpu.memory_space<vmem>>[vector<16xi32>], vector<16xf32>,
      %gather3A_41 = tpu.vector_load_idx %arg16[%get3A_29] : memref<10000xf32, #tpu.memory_space<vmem>>[vector<16xi32>], vector<16xf32>,
      %sub3A_42 = arith.subf %gather3A_40, %gather3A_41 : vector<16xf32>
      %add3A_43 = arith.constant 0 : i32
      %add3A_44 = vector.broadcast %add3A_43 : i32 to vector<16xi32>
      %add3A_45 = arith.addi %iota3A, %add3A_44 : vector<16xi32>
      %mul3A_46 = arith.mulf %get3A_35, %sub3A : vector<16xf32>
      tpu.vector_store_idx %arg13[%add3A_45, %broadcast_in_dim3A_9], %mul3A_46 : memref<80x16xf32, #tpu.memory_space<vmem>>[vector<16xi32>, vector<16xi32>], vector<16xf32>,
      %add3A_47 = arith.constant 1 : i32
      %add3A_48 = vector.broadcast %add3A_47 : i32 to vector<16xi32>
      %add3A_49 = arith.addi %broadcast_in_dim3A_9, %add3A_48 : vector<16xi32>
      %mul3A_50 = arith.mulf %get3A_35, %sub3A_39 : vector<16xf32>
      tpu.vector_store_idx %arg13[%add3A_45, %add3A_49], %mul3A_50 : memref<80x16xf32, #tpu.memory_space<vmem>>[vector<16xi32>, vector<16xi32>], vector<16xf32>,
      %add3A_51 = arith.constant 2 : i32
      %add3A_52 = vector.broadcast %add3A_51 : i32 to vector<16xi32>
      %add3A_53 = arith.addi %broadcast_in_dim3A_9, %add3A_52 : vector<16xi32>
      %mul3A_54 = arith.mulf %get3A_35, %sub3A_42 : vector<16xf32>
      tpu.vector_store_idx %arg13[%add3A_45, %add3A_53], %mul3A_54 : memref<80x16xf32, #tpu.memory_space<vmem>>[vector<16xi32>, vector<16xi32>], vector<16xf32>,
      %get3A_55 = arith.index_cast %scan3A_21 : i32 to index
      %get3A_56 = arith.constant 16 : index
      %get3A_57 = tpu.vector_load %arg10[%get3A_55, %get3A_56] {strides = array<i32>} : memref<31x80xi32, #tpu.memory_space<vmem>>, vector<16xi32>,
      %mul3A_58 = arith.constant 80 : i32
      %mul3A_59 = arith.muli %scan3A_21, %mul3A_58 : i32
      %add3A_60 = arith.constant 16 : i32
      %add3A_61 = arith.addi %mul3A_59, %add3A_60 : i32
      %get3A_62 = arith.index_cast %add3A_61 : i32 to index
      %get3A_63 = tpu.vector_load %arg11[%get3A_62] {strides = array<i32>} : memref<2480xi32, #tpu.memory_space<vmem>>, vector<16xi32>,
      %mul3A_64 = arith.constant 80 : i32
      %mul3A_65 = arith.muli %scan3A_21, %mul3A_64 : i32
      %add3A_66 = arith.constant 16 : i32
      %add3A_67 = arith.addi %mul3A_65, %add3A_66 : i32
      %get3A_68 = arith.index_cast %add3A_67 : i32 to index
      %get3A_69 = tpu.vector_load %arg12[%get3A_68] {strides = array<i32>} : memref<2480xf32, #tpu.memory_space<vmem>>, vector<16xf32>,
      %gather3A_70 = tpu.vector_load_idx %arg14[%get3A_57] : memref<10000xf32, #tpu.memory_space<vmem>>[vector<16xi32>], vector<16xf32>,
      %gather3A_71 = tpu.vector_load_idx %arg14[%get3A_63] : memref<10000xf32, #tpu.memory_space<vmem>>[vector<16xi32>], vector<16xf32>,
      %sub3A_72 = arith.subf %gather3A_70, %gather3A_71 : vector<16xf32>
      %gather3A_73 = tpu.vector_load_idx %arg15[%get3A_57] : memref<10000xf32, #tpu.memory_space<vmem>>[vector<16xi32>], vector<16xf32>,
      %gather3A_74 = tpu.vector_load_idx %arg15[%get3A_63] : memref<10000xf32, #tpu.memory_space<vmem>>[vector<16xi32>], vector<16xf32>,
      %sub3A_75 = arith.subf %gather3A_73, %gather3A_74 : vector<16xf32>
      %gather3A_76 = tpu.vector_load_idx %arg16[%get3A_57] : memref<10000xf32, #tpu.memory_space<vmem>>[vector<16xi32>], vector<16xf32>,
      %gather3A_77 = tpu.vector_load_idx %arg16[%get3A_63] : memref<10000xf32, #tpu.memory_space<vmem>>[vector<16xi32>], vector<16xf32>,
      %sub3A_78 = arith.subf %gather3A_76, %gather3A_77 : vector<16xf32>
      %add3A_79 = arith.constant 16 : i32
      %add3A_80 = vector.broadcast %add3A_79 : i32 to vector<16xi32>
      %add3A_81 = arith.addi %iota3A, %add3A_80 : vector<16xi32>
      %mul3A_82 = arith.mulf %get3A_69, %sub3A_72 : vector<16xf32>
      tpu.vector_store_idx %arg13[%add3A_81, %broadcast_in_dim3A_9], %mul3A_82 : memref<80x16xf32, #tpu.memory_space<vmem>>[vector<16xi32>, vector<16xi32>], vector<16xf32>,
      %add3A_83 = arith.constant 1 : i32
      %add3A_84 = vector.broadcast %add3A_83 : i32 to vector<16xi32>
      %add3A_85 = arith.addi %broadcast_in_dim3A_9, %add3A_84 : vector<16xi32>
      %mul3A_86 = arith.mulf %get3A_69, %sub3A_75 : vector<16xf32>
      tpu.vector_store_idx %arg13[%add3A_81, %add3A_85], %mul3A_86 : memref<80x16xf32, #tpu.memory_space<vmem>>[vector<16xi32>, vector<16xi32>], vector<16xf32>,
      %add3A_87 = arith.constant 2 : i32
      %add3A_88 = vector.broadcast %add3A_87 : i32 to vector<16xi32>
      %add3A_89 = arith.addi %broadcast_in_dim3A_9, %add3A_88 : vector<16xi32>
      %mul3A_90 = arith.mulf %get3A_69, %sub3A_78 : vector<16xf32>
      tpu.vector_store_idx %arg13[%add3A_81, %add3A_89], %mul3A_90 : memref<80x16xf32, #tpu.memory_space<vmem>>[vector<16xi32>, vector<16xi32>], vector<16xf32>,
      %get3A_91 = arith.index_cast %scan3A_21 : i32 to index
      %get3A_92 = arith.constant 32 : index
      %get3A_93 = tpu.vector_load %arg10[%get3A_91, %get3A_92] {strides = array<i32>} : memref<31x80xi32, #tpu.memory_space<vmem>>, vector<16xi32>,
      %mul3A_94 = arith.constant 80 : i32
      %mul3A_95 = arith.muli %scan3A_21, %mul3A_94 : i32
      %add3A_96 = arith.constant 32 : i32
      %add3A_97 = arith.addi %mul3A_95, %add3A_96 : i32
      %get3A_98 = arith.index_cast %add3A_97 : i32 to index
      %get3A_99 = tpu.vector_load %arg11[%get3A_98] {strides = array<i32>} : memref<2480xi32, #tpu.memory_space<vmem>>, vector<16xi32>,
      %mul3A_100 = arith.constant 80 : i32
      %mul3A_101 = arith.muli %scan3A_21, %mul3A_100 : i32
      %add3A_102 = arith.constant 32 : i32
      %add3A_103 = arith.addi %mul3A_101, %add3A_102 : i32
      %get3A_104 = arith.index_cast %add3A_103 : i32 to index
      %get3A_105 = tpu.vector_load %arg12[%get3A_104] {strides = array<i32>} : memref<2480xf32, #tpu.memory_space<vmem>>, vector<16xf32>,
      %gather3A_106 = tpu.vector_load_idx %arg14[%get3A_93] : memref<10000xf32, #tpu.memory_space<vmem>>[vector<16xi32>], vector<16xf32>,
      %gather3A_107 = tpu.vector_load_idx %arg14[%get3A_99] : memref<10000xf32, #tpu.memory_space<vmem>>[vector<16xi32>], vector<16xf32>,
      %sub3A_108 = arith.subf %gather3A_106, %gather3A_107 : vector<16xf32>
      %gather3A_109 = tpu.vector_load_idx %arg15[%get3A_93] : memref<10000xf32, #tpu.memory_space<vmem>>[vector<16xi32>], vector<16xf32>,
      %gather3A_110 = tpu.vector_load_idx %arg15[%get3A_99] : memref<10000xf32, #tpu.memory_space<vmem>>[vector<16xi32>], vector<16xf32>,
      %sub3A_111 = arith.subf %gather3A_109, %gather3A_110 : vector<16xf32>
      %gather3A_112 = tpu.vector_load_idx %arg16[%get3A_93] : memref<10000xf32, #tpu.memory_space<vmem>>[vector<16xi32>], vector<16xf32>,
      %gather3A_113 = tpu.vector_load_idx %arg16[%get3A_99] : memref<10000xf32, #tpu.memory_space<vmem>>[vector<16xi32>], vector<16xf32>,
      %sub3A_114 = arith.subf %gather3A_112, %gather3A_113 : vector<16xf32>
      %add3A_115 = arith.constant 32 : i32
      %add3A_116 = vector.broadcast %add3A_115 : i32 to vector<16xi32>
      %add3A_117 = arith.addi %iota3A, %add3A_116 : vector<16xi32>
      %mul3A_118 = arith.mulf %get3A_105, %sub3A_108 : vector<16xf32>
      tpu.vector_store_idx %arg13[%add3A_117, %broadcast_in_dim3A_9], %mul3A_118 : memref<80x16xf32, #tpu.memory_space<vmem>>[vector<16xi32>, vector<16xi32>], vector<16xf32>,
      %add3A_119 = arith.constant 1 : i32
      %add3A_120 = vector.broadcast %add3A_119 : i32 to vector<16xi32>
      %add3A_121 = arith.addi %broadcast_in_dim3A_9, %add3A_120 : vector<16xi32>
      %mul3A_122 = arith.mulf %get3A_105, %sub3A_111 : vector<16xf32>
      tpu.vector_store_idx %arg13[%add3A_117, %add3A_121], %mul3A_122 : memref<80x16xf32, #tpu.memory_space<vmem>>[vector<16xi32>, vector<16xi32>], vector<16xf32>,
      %add3A_123 = arith.constant 2 : i32
      %add3A_124 = vector.broadcast %add3A_123 : i32 to vector<16xi32>
      %add3A_125 = arith.addi %broadcast_in_dim3A_9, %add3A_124 : vector<16xi32>
      %mul3A_126 = arith.mulf %get3A_105, %sub3A_114 : vector<16xf32>
      tpu.vector_store_idx %arg13[%add3A_117, %add3A_125], %mul3A_126 : memref<80x16xf32, #tpu.memory_space<vmem>>[vector<16xi32>, vector<16xi32>], vector<16xf32>,
      %get3A_127 = arith.index_cast %scan3A_21 : i32 to index
      %get3A_128 = arith.constant 48 : index
      %get3A_129 = tpu.vector_load %arg10[%get3A_127, %get3A_128] {strides = array<i32>} : memref<31x80xi32, #tpu.memory_space<vmem>>, vector<16xi32>,
      %mul3A_130 = arith.constant 80 : i32
      %mul3A_131 = arith.muli %scan3A_21, %mul3A_130 : i32
      %add3A_132 = arith.constant 48 : i32
      %add3A_133 = arith.addi %mul3A_131, %add3A_132 : i32
      %get3A_134 = arith.index_cast %add3A_133 : i32 to index
      %get3A_135 = tpu.vector_load %arg11[%get3A_134] {strides = array<i32>} : memref<2480xi32, #tpu.memory_space<vmem>>, vector<16xi32>,
      %mul3A_136 = arith.constant 80 : i32
      %mul3A_137 = arith.muli %scan3A_21, %mul3A_136 : i32
      %add3A_138 = arith.constant 48 : i32
      %add3A_139 = arith.addi %mul3A_137, %add3A_138 : i32
      %get3A_140 = arith.index_cast %add3A_139 : i32 to index
      %get3A_141 = tpu.vector_load %arg12[%get3A_140] {strides = array<i32>} : memref<2480xf32, #tpu.memory_space<vmem>>, vector<16xf32>,
      %gather3A_142 = tpu.vector_load_idx %arg14[%get3A_129] : memref<10000xf32, #tpu.memory_space<vmem>>[vector<16xi32>], vector<16xf32>,
      %gather3A_143 = tpu.vector_load_idx %arg14[%get3A_135] : memref<10000xf32, #tpu.memory_space<vmem>>[vector<16xi32>], vector<16xf32>,
      %sub3A_144 = arith.subf %gather3A_142, %gather3A_143 : vector<16xf32>
      %gather3A_145 = tpu.vector_load_idx %arg15[%get3A_129] : memref<10000xf32, #tpu.memory_space<vmem>>[vector<16xi32>], vector<16xf32>,
      %gather3A_146 = tpu.vector_load_idx %arg15[%get3A_135] : memref<10000xf32, #tpu.memory_space<vmem>>[vector<16xi32>], vector<16xf32>,
      %sub3A_147 = arith.subf %gather3A_145, %gather3A_146 : vector<16xf32>
      %gather3A_148 = tpu.vector_load_idx %arg16[%get3A_129] : memref<10000xf32, #tpu.memory_space<vmem>>[vector<16xi32>], vector<16xf32>,
      %gather3A_149 = tpu.vector_load_idx %arg16[%get3A_135] : memref<10000xf32, #tpu.memory_space<vmem>>[vector<16xi32>], vector<16xf32>,
      %sub3A_150 = arith.subf %gather3A_148, %gather3A_149 : vector<16xf32>
      %add3A_151 = arith.constant 48 : i32
      %add3A_152 = vector.broadcast %add3A_151 : i32 to vector<16xi32>
      %add3A_153 = arith.addi %iota3A, %add3A_152 : vector<16xi32>
      %mul3A_154 = arith.mulf %get3A_141, %sub3A_144 : vector<16xf32>
      tpu.vector_store_idx %arg13[%add3A_153, %broadcast_in_dim3A_9], %mul3A_154 : memref<80x16xf32, #tpu.memory_space<vmem>>[vector<16xi32>, vector<16xi32>], vector<16xf32>,
      %add3A_155 = arith.constant 1 : i32
      %add3A_156 = vector.broadcast %add3A_155 : i32 to vector<16xi32>
      %add3A_157 = arith.addi %broadcast_in_dim3A_9, %add3A_156 : vector<16xi32>
      %mul3A_158 = arith.mulf %get3A_141, %sub3A_147 : vector<16xf32>
      tpu.vector_store_idx %arg13[%add3A_153, %add3A_157], %mul3A_158 : memref<80x16xf32, #tpu.memory_space<vmem>>[vector<16xi32>, vector<16xi32>], vector<16xf32>,
      %add3A_159 = arith.constant 2 : i32
      %add3A_160 = vector.broadcast %add3A_159 : i32 to vector<16xi32>
      %add3A_161 = arith.addi %broadcast_in_dim3A_9, %add3A_160 : vector<16xi32>
      %mul3A_162 = arith.mulf %get3A_141, %sub3A_150 : vector<16xf32>
      tpu.vector_store_idx %arg13[%add3A_153, %add3A_161], %mul3A_162 : memref<80x16xf32, #tpu.memory_space<vmem>>[vector<16xi32>, vector<16xi32>], vector<16xf32>,
      %get3A_163 = arith.index_cast %scan3A_21 : i32 to index
      %get3A_164 = arith.constant 64 : index
      %get3A_165 = tpu.vector_load %arg10[%get3A_163, %get3A_164] {strides = array<i32>} : memref<31x80xi32, #tpu.memory_space<vmem>>, vector<16xi32>,
      %mul3A_166 = arith.constant 80 : i32
      %mul3A_167 = arith.muli %scan3A_21, %mul3A_166 : i32
      %add3A_168 = arith.constant 64 : i32
      %add3A_169 = arith.addi %mul3A_167, %add3A_168 : i32
      %get3A_170 = arith.index_cast %add3A_169 : i32 to index
      %get3A_171 = tpu.vector_load %arg11[%get3A_170] {strides = array<i32>} : memref<2480xi32, #tpu.memory_space<vmem>>, vector<16xi32>,
      %mul3A_172 = arith.constant 80 : i32
      %mul3A_173 = arith.muli %scan3A_21, %mul3A_172 : i32
      %add3A_174 = arith.constant 64 : i32
      %add3A_175 = arith.addi %mul3A_173, %add3A_174 : i32
      %get3A_176 = arith.index_cast %add3A_175 : i32 to index
      %get3A_177 = tpu.vector_load %arg12[%get3A_176] {strides = array<i32>} : memref<2480xf32, #tpu.memory_space<vmem>>, vector<16xf32>,
      %gather3A_178 = tpu.vector_load_idx %arg14[%get3A_165] : memref<10000xf32, #tpu.memory_space<vmem>>[vector<16xi32>], vector<16xf32>,
      %gather3A_179 = tpu.vector_load_idx %arg14[%get3A_171] : memref<10000xf32, #tpu.memory_space<vmem>>[vector<16xi32>], vector<16xf32>,
      %sub3A_180 = arith.subf %gather3A_178, %gather3A_179 : vector<16xf32>
      %gather3A_181 = tpu.vector_load_idx %arg15[%get3A_165] : memref<10000xf32, #tpu.memory_space<vmem>>[vector<16xi32>], vector<16xf32>,
      %gather3A_182 = tpu.vector_load_idx %arg15[%get3A_171] : memref<10000xf32, #tpu.memory_space<vmem>>[vector<16xi32>], vector<16xf32>,
      %sub3A_183 = arith.subf %gather3A_181, %gather3A_182 : vector<16xf32>
      %gather3A_184 = tpu.vector_load_idx %arg16[%get3A_165] : memref<10000xf32, #tpu.memory_space<vmem>>[vector<16xi32>], vector<16xf32>,
      %gather3A_185 = tpu.vector_load_idx %arg16[%get3A_171] : memref<10000xf32, #tpu.memory_space<vmem>>[vector<16xi32>], vector<16xf32>,
      %sub3A_186 = arith.subf %gather3A_184, %gather3A_185 : vector<16xf32>
      %add3A_187 = arith.constant 64 : i32
      %add3A_188 = vector.broadcast %add3A_187 : i32 to vector<16xi32>
      %add3A_189 = arith.addi %iota3A, %add3A_188 : vector<16xi32>
      %mul3A_190 = arith.mulf %get3A_177, %sub3A_180 : vector<16xf32>
      tpu.vector_store_idx %arg13[%add3A_189, %broadcast_in_dim3A_9], %mul3A_190 : memref<80x16xf32, #tpu.memory_space<vmem>>[vector<16xi32>, vector<16xi32>], vector<16xf32>,
      %add3A_191 = arith.constant 1 : i32
      %add3A_192 = vector.broadcast %add3A_191 : i32 to vector<16xi32>
      %add3A_193 = arith.addi %broadcast_in_dim3A_9, %add3A_192 : vector<16xi32>
      %mul3A_194 = arith.mulf %get3A_177, %sub3A_183 : vector<16xf32>
      tpu.vector_store_idx %arg13[%add3A_189, %add3A_193], %mul3A_194 : memref<80x16xf32, #tpu.memory_space<vmem>>[vector<16xi32>, vector<16xi32>], vector<16xf32>,
      %add3A_195 = arith.constant 2 : i32
      %add3A_196 = vector.broadcast %add3A_195 : i32 to vector<16xi32>
      %add3A_197 = arith.addi %broadcast_in_dim3A_9, %add3A_196 : vector<16xi32>
      %mul3A_198 = arith.mulf %get3A_177, %sub3A_186 : vector<16xf32>
      tpu.vector_store_idx %arg13[%add3A_189, %add3A_197], %mul3A_198 : memref<80x16xf32, #tpu.memory_space<vmem>>[vector<16xi32>, vector<16xi32>], vector<16xf32>,
      "tpu.region"() ({
        %run_scoped3A = tpu.sem_alloc : memref<!tpu.dma_semaphore, #tpu.memory_space<semaphore_mem>>
        %dma_start3A = arith.constant 0 : i32
        %dma_start3A_199 = tpu.memref_slice %arg10[%scan3A_21, %dma_start3A] : memref<31x80xi32, #tpu.memory_space<vmem>> -> memref<1x80xi32, #tpu.memory_space<vmem>>
        %dma_start3A_200 = tpu.memref_squeeze %dma_start3A_199 : memref<1x80xi32, #tpu.memory_space<vmem>> -> memref<80xi32, #tpu.memory_space<vmem>>
        %dma_start3A_201 = arith.constant 0 : i32
        %dma_start3A_202 = arith.constant 0 : i32
        %dma_start3A_203 = tpu.memref_slice %arg17[%dma_start3A_201, %dma_start3A_202] : memref<10000x16xf32, #tpu.memory_space<vmem_shared>> -> memref<10000x16xf32, #tpu.memory_space<vmem_shared>>
        tpu.enqueue_indirect_dma source(%arg13 : memref<80x16xf32, #tpu.memory_space<vmem>>) target(%dma_start3A_203 : memref<10000x16xf32, #tpu.memory_space<vmem_shared>>) offsets(%dma_start3A_200 : memref<80xi32, #tpu.memory_space<vmem>>) semaphore(%run_scoped3A : memref<!tpu.dma_semaphore, #tpu.memory_space<semaphore_mem>>) {add = true}
        %dma_wait3A = arith.constant 0 : i32
        %dma_wait3A_204 = tpu.memref_slice %arg10[%scan3A_21, %dma_wait3A] : memref<31x80xi32, #tpu.memory_space<vmem>> -> memref<1x80xi32, #tpu.memory_space<vmem>>
        %dma_wait3A_205 = tpu.memref_squeeze %dma_wait3A_204 : memref<1x80xi32, #tpu.memory_space<vmem>> -> memref<80xi32, #tpu.memory_space<vmem>>
        %dma_wait3A_206 = arith.constant 0 : i32
        %dma_wait3A_207 = arith.constant 0 : i32
        %dma_wait3A_208 = tpu.memref_slice %arg17[%dma_wait3A_206, %dma_wait3A_207] : memref<10000x16xf32, #tpu.memory_space<vmem_shared>> -> memref<10000x16xf32, #tpu.memory_space<vmem_shared>>
        tpu.wait_indirect_dma semaphore(%run_scoped3A : memref<!tpu.dma_semaphore, #tpu.memory_space<semaphore_mem>>) src(%arg13 : memref<80x16xf32, #tpu.memory_space<vmem>>) dst(%dma_wait3A_208 : memref<10000x16xf32, #tpu.memory_space<vmem_shared>>)
        tpu.yield
      }) : () -> ()
    }
    %scan3A_14 = arith.constant 31 : i32
    %barrier3A_15 = arith.constant 0 : index
    tpu.barrier barrier_id(%barrier3A_15)
    %eq3A_16 = arith.constant 0 : i32
    %eq3A_17 = arith.cmpi eq, %arg1, %eq3A_16 : i32
    %convert_element_type3A_18 = arith.extui %eq3A_17 : i1 to i32
    %cond3A_19 = arith.constant 0 : i32
    %cond3A_20 = arith.cmpi ne, %convert_element_type3A_18, %cond3A_19 : i32
    scf.if %cond3A_20 {
      "tpu.region"() ({
        %run_scoped3A = tpu.sem_alloc : memref<!tpu.dma_semaphore, #tpu.memory_space<semaphore_mem>>
        %dma_start3A = arith.constant 0 : i32
        %dma_start3A_21 = arith.constant 0 : i32
        %dma_start3A_22 = tpu.memref_slice %arg9[%arg0, %dma_start3A, %dma_start3A_21] : memref<2x10000x16xf32, #tpu.memory_space<hbm>> -> memref<1x10000x16xf32, #tpu.memory_space<hbm>>
        %dma_start3A_23 = tpu.memref_squeeze %dma_start3A_22 : memref<1x10000x16xf32, #tpu.memory_space<hbm>> -> memref<10000x16xf32, #tpu.memory_space<hbm>>
        tpu.enqueue_dma source(%arg17 : memref<10000x16xf32, #tpu.memory_space<vmem_shared>>) target(%dma_start3A_23 : memref<10000x16xf32, #tpu.memory_space<hbm>>) target_semaphore(%run_scoped3A : memref<!tpu.dma_semaphore, #tpu.memory_space<semaphore_mem>>)
        %dma_wait3A = arith.constant 0 : i32
        %dma_wait3A_24 = arith.constant 0 : i32
        %dma_wait3A_25 = tpu.memref_slice %arg9[%arg0, %dma_wait3A, %dma_wait3A_24] : memref<2x10000x16xf32, #tpu.memory_space<hbm>> -> memref<1x10000x16xf32, #tpu.memory_space<hbm>>
        %dma_wait3A_26 = tpu.memref_squeeze %dma_wait3A_25 : memref<1x10000x16xf32, #tpu.memory_space<hbm>> -> memref<10000x16xf32, #tpu.memory_space<hbm>>
        tpu.wait_dma2 semaphore(%run_scoped3A : memref<!tpu.dma_semaphore, #tpu.memory_space<semaphore_mem>>) src(%arg17 : memref<10000x16xf32, #tpu.memory_space<vmem_shared>>) dst(%dma_wait3A_26 : memref<10000x16xf32, #tpu.memory_space<hbm>>)
        tpu.yield
      }) : () -> ()
    } else {
    }
    return
  }
}

#map = affine_map<(d0, d1) -> (0, 0)>
#map1 = affine_map<(d0, d1) -> (0)>
#map2 = affine_map<(d0, d1) -> (0, 0, 0)>
module attributes {stable_mosaic.version = 14 : i64} {
  func.func @_sc_scatter_c_body(%arg0: i32, %arg1: i32, %arg2: memref<992x80xi32, #tpu.memory_space<hbm>>, %arg3: memref<79360xi32, #tpu.memory_space<hbm>>, %arg4: memref<79360xf32, #tpu.memory_space<hbm>>, %arg5: memref<10000xf32, #tpu.memory_space<hbm>>, %arg6: memref<10000xf32, #tpu.memory_space<hbm>>, %arg7: memref<10000xf32, #tpu.memory_space<hbm>>, %arg8: memref<10000x16xf32, #tpu.memory_space<hbm>>, %arg9: memref<2x10000x16xf32, #tpu.memory_space<hbm>>, %arg10: memref<31x80xi32, #tpu.memory_space<vmem>>, %arg11: memref<2480xi32, #tpu.memory_space<vmem>>, %arg12: memref<2480xf32, #tpu.memory_space<vmem>>, %arg13: memref<80x16xf32, #tpu.memory_space<vmem>>, %arg14: memref<10000xf32, #tpu.memory_space<vmem>>, %arg15: memref<10000xf32, #tpu.memory_space<vmem>>, %arg16: memref<10000xf32, #tpu.memory_space<vmem>>, %arg17: memref<10000x16xf32, #tpu.memory_space<vmem_shared>>, %arg18: memref<!tpu.dma_semaphore, #tpu.memory_space<semaphore_mem>>) attributes {dimension_semantics = [#tpu.dimension_semantics<core_parallel>, #tpu.dimension_semantics<subcore_parallel>], iteration_bounds = array<i64: 2, 16>, scalar_prefetch = 0 : i64, scratch_operands = 9 : i64, tpu.core_type = #tpu.core_type<sc_vector_subcore>, window_params = [{transform_indices = #map}, {transform_indices = #map1}, {transform_indices = #map1}, {transform_indices = #map1}, {transform_indices = #map1}, {transform_indices = #map1}, {transform_indices = #map}, {transform_indices = #map2}]} {
    %mul3A = arith.constant 2 : i32
    %mul3A_0 = arith.muli %arg1, %mul3A : i32
    %add3A = arith.addi %mul3A_0, %arg0 : i32
    "tpu.region"() ({
      %run_scoped3A = tpu.sem_alloc : memref<!tpu.dma_semaphore, #tpu.memory_space<semaphore_mem>>
      tpu.enqueue_dma source(%arg5 : memref<10000xf32, #tpu.memory_space<hbm>>) target(%arg14 : memref<10000xf32, #tpu.memory_space<vmem>>) target_semaphore(%run_scoped3A : memref<!tpu.dma_semaphore, #tpu.memory_space<semaphore_mem>>)
      tpu.wait_dma2 semaphore(%run_scoped3A : memref<!tpu.dma_semaphore, #tpu.memory_space<semaphore_mem>>) src(%arg5 : memref<10000xf32, #tpu.memory_space<hbm>>) dst(%arg14 : memref<10000xf32, #tpu.memory_space<vmem>>)
      tpu.yield
    }) : () -> ()
    "tpu.region"() ({
      %run_scoped3A = tpu.sem_alloc : memref<!tpu.dma_semaphore, #tpu.memory_space<semaphore_mem>>
      tpu.enqueue_dma source(%arg6 : memref<10000xf32, #tpu.memory_space<hbm>>) target(%arg15 : memref<10000xf32, #tpu.memory_space<vmem>>) target_semaphore(%run_scoped3A : memref<!tpu.dma_semaphore, #tpu.memory_space<semaphore_mem>>)
      tpu.wait_dma2 semaphore(%run_scoped3A : memref<!tpu.dma_semaphore, #tpu.memory_space<semaphore_mem>>) src(%arg6 : memref<10000xf32, #tpu.memory_space<hbm>>) dst(%arg15 : memref<10000xf32, #tpu.memory_space<vmem>>)
      tpu.yield
    }) : () -> ()
    "tpu.region"() ({
      %run_scoped3A = tpu.sem_alloc : memref<!tpu.dma_semaphore, #tpu.memory_space<semaphore_mem>>
      tpu.enqueue_dma source(%arg7 : memref<10000xf32, #tpu.memory_space<hbm>>) target(%arg16 : memref<10000xf32, #tpu.memory_space<vmem>>) target_semaphore(%run_scoped3A : memref<!tpu.dma_semaphore, #tpu.memory_space<semaphore_mem>>)
      tpu.wait_dma2 semaphore(%run_scoped3A : memref<!tpu.dma_semaphore, #tpu.memory_space<semaphore_mem>>) src(%arg7 : memref<10000xf32, #tpu.memory_space<hbm>>) dst(%arg16 : memref<10000xf32, #tpu.memory_space<vmem>>)
      tpu.yield
    }) : () -> ()
    %eq3A = arith.constant 0 : i32
    %eq3A_1 = arith.cmpi eq, %arg1, %eq3A : i32
    %convert_element_type3A = arith.extui %eq3A_1 : i1 to i32
    %cond3A = arith.constant 0 : i32
    %cond3A_2 = arith.cmpi ne, %convert_element_type3A, %cond3A : i32
    scf.if %cond3A_2 {
      "tpu.region"() ({
        %run_scoped3A = tpu.sem_alloc : memref<!tpu.dma_semaphore, #tpu.memory_space<semaphore_mem>>
        tpu.enqueue_dma source(%arg8 : memref<10000x16xf32, #tpu.memory_space<hbm>>) target(%arg17 : memref<10000x16xf32, #tpu.memory_space<vmem_shared>>) target_semaphore(%run_scoped3A : memref<!tpu.dma_semaphore, #tpu.memory_space<semaphore_mem>>)
        tpu.wait_dma2 semaphore(%run_scoped3A : memref<!tpu.dma_semaphore, #tpu.memory_space<semaphore_mem>>) src(%arg8 : memref<10000x16xf32, #tpu.memory_space<hbm>>) dst(%arg17 : memref<10000x16xf32, #tpu.memory_space<vmem_shared>>)
        tpu.yield
      }) : () -> ()
    } else {
    }
    "tpu.region"() ({
      %run_scoped3A = tpu.sem_alloc : memref<!tpu.dma_semaphore, #tpu.memory_space<semaphore_mem>>
      %dma_start3A = arith.constant 0 : i32
      %dma_start3A_21 = arith.constant 0 : i32
      %dma_start3A_22 = tpu.memref_slice %arg8[%dma_start3A, %dma_start3A_21] : memref<10000x16xf32, #tpu.memory_space<hbm>> -> memref<80x16xf32, #tpu.memory_space<hbm>>
      %dma_start3A_23 = arith.constant 0 : i32
      %dma_start3A_24 = arith.constant 0 : i32
      %dma_start3A_25 = tpu.memref_slice %arg8[%dma_start3A_23, %dma_start3A_24] : memref<10000x16xf32, #tpu.memory_space<hbm>> -> memref<80x16xf32, #tpu.memory_space<hbm>>
      tpu.enqueue_dma source(%dma_start3A_25 : memref<80x16xf32, #tpu.memory_space<hbm>>) target(%arg13 : memref<80x16xf32, #tpu.memory_space<vmem>>) target_semaphore(%run_scoped3A : memref<!tpu.dma_semaphore, #tpu.memory_space<semaphore_mem>>)
      %dma_wait3A = arith.constant 0 : i32
      %dma_wait3A_26 = arith.constant 0 : i32
      %dma_wait3A_27 = tpu.memref_slice %arg8[%dma_wait3A, %dma_wait3A_26] : memref<10000x16xf32, #tpu.memory_space<hbm>> -> memref<80x16xf32, #tpu.memory_space<hbm>>
      %dma_wait3A_28 = arith.constant 0 : i32
      %dma_wait3A_29 = arith.constant 0 : i32
      %dma_wait3A_30 = tpu.memref_slice %arg8[%dma_wait3A_28, %dma_wait3A_29] : memref<10000x16xf32, #tpu.memory_space<hbm>> -> memref<80x16xf32, #tpu.memory_space<hbm>>
      tpu.wait_dma2 semaphore(%run_scoped3A : memref<!tpu.dma_semaphore, #tpu.memory_space<semaphore_mem>>) src(%dma_wait3A_30 : memref<80x16xf32, #tpu.memory_space<hbm>>) dst(%arg13 : memref<80x16xf32, #tpu.memory_space<vmem>>)
      tpu.yield
    }) : () -> ()
    %mul3A_3 = arith.constant 31 : i32
    %mul3A_4 = arith.muli %add3A, %mul3A_3 : i32
    "tpu.region"() ({
      %run_scoped3A = tpu.sem_alloc : memref<!tpu.dma_semaphore, #tpu.memory_space<semaphore_mem>>
      %dma_start3A = arith.constant 0 : i32
      %dma_start3A_21 = tpu.memref_slice %arg2[%mul3A_4, %dma_start3A] : memref<992x80xi32, #tpu.memory_space<hbm>> -> memref<31x80xi32, #tpu.memory_space<hbm>>
      %dma_start3A_22 = arith.constant 0 : i32
      %dma_start3A_23 = tpu.memref_slice %arg2[%mul3A_4, %dma_start3A_22] : memref<992x80xi32, #tpu.memory_space<hbm>> -> memref<31x80xi32, #tpu.memory_space<hbm>>
      tpu.enqueue_dma source(%dma_start3A_23 : memref<31x80xi32, #tpu.memory_space<hbm>>) target(%arg10 : memref<31x80xi32, #tpu.memory_space<vmem>>) target_semaphore(%run_scoped3A : memref<!tpu.dma_semaphore, #tpu.memory_space<semaphore_mem>>)
      %dma_wait3A = arith.constant 0 : i32
      %dma_wait3A_24 = tpu.memref_slice %arg2[%mul3A_4, %dma_wait3A] : memref<992x80xi32, #tpu.memory_space<hbm>> -> memref<31x80xi32, #tpu.memory_space<hbm>>
      %dma_wait3A_25 = arith.constant 0 : i32
      %dma_wait3A_26 = tpu.memref_slice %arg2[%mul3A_4, %dma_wait3A_25] : memref<992x80xi32, #tpu.memory_space<hbm>> -> memref<31x80xi32, #tpu.memory_space<hbm>>
      tpu.wait_dma2 semaphore(%run_scoped3A : memref<!tpu.dma_semaphore, #tpu.memory_space<semaphore_mem>>) src(%dma_wait3A_26 : memref<31x80xi32, #tpu.memory_space<hbm>>) dst(%arg10 : memref<31x80xi32, #tpu.memory_space<vmem>>)
      tpu.yield
    }) : () -> ()
    %mul3A_5 = arith.constant 2480 : i32
    %mul3A_6 = arith.muli %add3A, %mul3A_5 : i32
    "tpu.region"() ({
      %run_scoped3A = tpu.sem_alloc : memref<!tpu.dma_semaphore, #tpu.memory_space<semaphore_mem>>
      %dma_start3A = tpu.memref_slice %arg3[%mul3A_6] : memref<79360xi32, #tpu.memory_space<hbm>> -> memref<2480xi32, #tpu.memory_space<hbm>>
      %dma_start3A_21 = tpu.memref_slice %arg3[%mul3A_6] : memref<79360xi32, #tpu.memory_space<hbm>> -> memref<2480xi32, #tpu.memory_space<hbm>>
      tpu.enqueue_dma source(%dma_start3A_21 : memref<2480xi32, #tpu.memory_space<hbm>>) target(%arg11 : memref<2480xi32, #tpu.memory_space<vmem>>) target_semaphore(%run_scoped3A : memref<!tpu.dma_semaphore, #tpu.memory_space<semaphore_mem>>)
      %dma_wait3A = tpu.memref_slice %arg3[%mul3A_6] : memref<79360xi32, #tpu.memory_space<hbm>> -> memref<2480xi32, #tpu.memory_space<hbm>>
      %dma_wait3A_22 = tpu.memref_slice %arg3[%mul3A_6] : memref<79360xi32, #tpu.memory_space<hbm>> -> memref<2480xi32, #tpu.memory_space<hbm>>
      tpu.wait_dma2 semaphore(%run_scoped3A : memref<!tpu.dma_semaphore, #tpu.memory_space<semaphore_mem>>) src(%dma_wait3A_22 : memref<2480xi32, #tpu.memory_space<hbm>>) dst(%arg11 : memref<2480xi32, #tpu.memory_space<vmem>>)
      tpu.yield
    }) : () -> ()
    %mul3A_7 = arith.constant 2480 : i32
    %mul3A_8 = arith.muli %add3A, %mul3A_7 : i32
    "tpu.region"() ({
      %run_scoped3A = tpu.sem_alloc : memref<!tpu.dma_semaphore, #tpu.memory_space<semaphore_mem>>
      %dma_start3A = tpu.memref_slice %arg4[%mul3A_8] : memref<79360xf32, #tpu.memory_space<hbm>> -> memref<2480xf32, #tpu.memory_space<hbm>>
      %dma_start3A_21 = tpu.memref_slice %arg4[%mul3A_8] : memref<79360xf32, #tpu.memory_space<hbm>> -> memref<2480xf32, #tpu.memory_space<hbm>>
      tpu.enqueue_dma source(%dma_start3A_21 : memref<2480xf32, #tpu.memory_space<hbm>>) target(%arg12 : memref<2480xf32, #tpu.memory_space<vmem>>) target_semaphore(%run_scoped3A : memref<!tpu.dma_semaphore, #tpu.memory_space<semaphore_mem>>)
      %dma_wait3A = tpu.memref_slice %arg4[%mul3A_8] : memref<79360xf32, #tpu.memory_space<hbm>> -> memref<2480xf32, #tpu.memory_space<hbm>>
      %dma_wait3A_22 = tpu.memref_slice %arg4[%mul3A_8] : memref<79360xf32, #tpu.memory_space<hbm>> -> memref<2480xf32, #tpu.memory_space<hbm>>
      tpu.wait_dma2 semaphore(%run_scoped3A : memref<!tpu.dma_semaphore, #tpu.memory_space<semaphore_mem>>) src(%dma_wait3A_22 : memref<2480xf32, #tpu.memory_space<hbm>>) dst(%arg12 : memref<2480xf32, #tpu.memory_space<vmem>>)
      tpu.yield
    }) : () -> ()
    %barrier3A = arith.constant 0 : index
    tpu.barrier barrier_id(%barrier3A)
    %iota3A = tpu.iota {dimensions = array<i32: 0>} : vector<16xi32>
    %broadcast_in_dim3A = arith.constant 0 : i32
    %broadcast_in_dim3A_9 = vector.broadcast %broadcast_in_dim3A : i32 to vector<16xi32>
    %scan3A = arith.constant 0 : i32
    %scan3A_10 = arith.constant 0 : i32
    %scan3A_11 = arith.constant 31 : i32
    %scan3A_12 = arith.addi %scan3A_10, %scan3A_11 : i32
    %scan3A_13 = arith.constant 1 : i32
    scf.for %scan3A_21 = %scan3A_10 to %scan3A_12 step %scan3A_13  : i32 {
      %get3A = arith.index_cast %scan3A_21 : i32 to index
      %get3A_22 = arith.constant 0 : index
      %get3A_23 = tpu.vector_load %arg10[%get3A, %get3A_22] {strides = array<i32>} : memref<31x80xi32, #tpu.memory_space<vmem>>, vector<16xi32>,
      %mul3A_24 = arith.constant 80 : i32
      %mul3A_25 = arith.muli %scan3A_21, %mul3A_24 : i32
      %add3A_26 = arith.constant 0 : i32
      %add3A_27 = arith.addi %mul3A_25, %add3A_26 : i32
      %get3A_28 = arith.index_cast %add3A_27 : i32 to index
      %get3A_29 = tpu.vector_load %arg11[%get3A_28] {strides = array<i32>} : memref<2480xi32, #tpu.memory_space<vmem>>, vector<16xi32>,
      %mul3A_30 = arith.constant 80 : i32
      %mul3A_31 = arith.muli %scan3A_21, %mul3A_30 : i32
      %add3A_32 = arith.constant 0 : i32
      %add3A_33 = arith.addi %mul3A_31, %add3A_32 : i32
      %get3A_34 = arith.index_cast %add3A_33 : i32 to index
      %get3A_35 = tpu.vector_load %arg12[%get3A_34] {strides = array<i32>} : memref<2480xf32, #tpu.memory_space<vmem>>, vector<16xf32>,
      %gather3A = tpu.vector_load_idx %arg14[%get3A_23] : memref<10000xf32, #tpu.memory_space<vmem>>[vector<16xi32>], vector<16xf32>,
      %gather3A_36 = tpu.vector_load_idx %arg14[%get3A_29] : memref<10000xf32, #tpu.memory_space<vmem>>[vector<16xi32>], vector<16xf32>,
      %sub3A = arith.subf %gather3A, %gather3A_36 : vector<16xf32>
      %gather3A_37 = tpu.vector_load_idx %arg15[%get3A_23] : memref<10000xf32, #tpu.memory_space<vmem>>[vector<16xi32>], vector<16xf32>,
      %gather3A_38 = tpu.vector_load_idx %arg15[%get3A_29] : memref<10000xf32, #tpu.memory_space<vmem>>[vector<16xi32>], vector<16xf32>,
      %sub3A_39 = arith.subf %gather3A_37, %gather3A_38 : vector<16xf32>
      %gather3A_40 = tpu.vector_load_idx %arg16[%get3A_23] : memref<10000xf32, #tpu.memory_space<vmem>>[vector<16xi32>], vector<16xf32>,
      %gather3A_41 = tpu.vector_load_idx %arg16[%get3A_29] : memref<10000xf32, #tpu.memory_space<vmem>>[vector<16xi32>], vector<16xf32>,
      %sub3A_42 = arith.subf %gather3A_40, %gather3A_41 : vector<16xf32>
      %add3A_43 = arith.constant 0 : i32
      %add3A_44 = vector.broadcast %add3A_43 : i32 to vector<16xi32>
      %add3A_45 = arith.addi %iota3A, %add3A_44 : vector<16xi32>
      %mul3A_46 = arith.mulf %get3A_35, %sub3A : vector<16xf32>
      tpu.vector_store_idx %arg13[%add3A_45, %broadcast_in_dim3A_9], %mul3A_46 : memref<80x16xf32, #tpu.memory_space<vmem>>[vector<16xi32>, vector<16xi32>], vector<16xf32>,
      %add3A_47 = arith.constant 1 : i32
      %add3A_48 = vector.broadcast %add3A_47 : i32 to vector<16xi32>
      %add3A_49 = arith.addi %broadcast_in_dim3A_9, %add3A_48 : vector<16xi32>
      %mul3A_50 = arith.mulf %get3A_35, %sub3A_39 : vector<16xf32>
      tpu.vector_store_idx %arg13[%add3A_45, %add3A_49], %mul3A_50 : memref<80x16xf32, #tpu.memory_space<vmem>>[vector<16xi32>, vector<16xi32>], vector<16xf32>,
      %add3A_51 = arith.constant 2 : i32
      %add3A_52 = vector.broadcast %add3A_51 : i32 to vector<16xi32>
      %add3A_53 = arith.addi %broadcast_in_dim3A_9, %add3A_52 : vector<16xi32>
      %mul3A_54 = arith.mulf %get3A_35, %sub3A_42 : vector<16xf32>
      tpu.vector_store_idx %arg13[%add3A_45, %add3A_53], %mul3A_54 : memref<80x16xf32, #tpu.memory_space<vmem>>[vector<16xi32>, vector<16xi32>], vector<16xf32>,
      %get3A_55 = arith.index_cast %scan3A_21 : i32 to index
      %get3A_56 = arith.constant 16 : index
      %get3A_57 = tpu.vector_load %arg10[%get3A_55, %get3A_56] {strides = array<i32>} : memref<31x80xi32, #tpu.memory_space<vmem>>, vector<16xi32>,
      %mul3A_58 = arith.constant 80 : i32
      %mul3A_59 = arith.muli %scan3A_21, %mul3A_58 : i32
      %add3A_60 = arith.constant 16 : i32
      %add3A_61 = arith.addi %mul3A_59, %add3A_60 : i32
      %get3A_62 = arith.index_cast %add3A_61 : i32 to index
      %get3A_63 = tpu.vector_load %arg11[%get3A_62] {strides = array<i32>} : memref<2480xi32, #tpu.memory_space<vmem>>, vector<16xi32>,
      %mul3A_64 = arith.constant 80 : i32
      %mul3A_65 = arith.muli %scan3A_21, %mul3A_64 : i32
      %add3A_66 = arith.constant 16 : i32
      %add3A_67 = arith.addi %mul3A_65, %add3A_66 : i32
      %get3A_68 = arith.index_cast %add3A_67 : i32 to index
      %get3A_69 = tpu.vector_load %arg12[%get3A_68] {strides = array<i32>} : memref<2480xf32, #tpu.memory_space<vmem>>, vector<16xf32>,
      %gather3A_70 = tpu.vector_load_idx %arg14[%get3A_57] : memref<10000xf32, #tpu.memory_space<vmem>>[vector<16xi32>], vector<16xf32>,
      %gather3A_71 = tpu.vector_load_idx %arg14[%get3A_63] : memref<10000xf32, #tpu.memory_space<vmem>>[vector<16xi32>], vector<16xf32>,
      %sub3A_72 = arith.subf %gather3A_70, %gather3A_71 : vector<16xf32>
      %gather3A_73 = tpu.vector_load_idx %arg15[%get3A_57] : memref<10000xf32, #tpu.memory_space<vmem>>[vector<16xi32>], vector<16xf32>,
      %gather3A_74 = tpu.vector_load_idx %arg15[%get3A_63] : memref<10000xf32, #tpu.memory_space<vmem>>[vector<16xi32>], vector<16xf32>,
      %sub3A_75 = arith.subf %gather3A_73, %gather3A_74 : vector<16xf32>
      %gather3A_76 = tpu.vector_load_idx %arg16[%get3A_57] : memref<10000xf32, #tpu.memory_space<vmem>>[vector<16xi32>], vector<16xf32>,
      %gather3A_77 = tpu.vector_load_idx %arg16[%get3A_63] : memref<10000xf32, #tpu.memory_space<vmem>>[vector<16xi32>], vector<16xf32>,
      %sub3A_78 = arith.subf %gather3A_76, %gather3A_77 : vector<16xf32>
      %add3A_79 = arith.constant 16 : i32
      %add3A_80 = vector.broadcast %add3A_79 : i32 to vector<16xi32>
      %add3A_81 = arith.addi %iota3A, %add3A_80 : vector<16xi32>
      %mul3A_82 = arith.mulf %get3A_69, %sub3A_72 : vector<16xf32>
      tpu.vector_store_idx %arg13[%add3A_81, %broadcast_in_dim3A_9], %mul3A_82 : memref<80x16xf32, #tpu.memory_space<vmem>>[vector<16xi32>, vector<16xi32>], vector<16xf32>,
      %add3A_83 = arith.constant 1 : i32
      %add3A_84 = vector.broadcast %add3A_83 : i32 to vector<16xi32>
      %add3A_85 = arith.addi %broadcast_in_dim3A_9, %add3A_84 : vector<16xi32>
      %mul3A_86 = arith.mulf %get3A_69, %sub3A_75 : vector<16xf32>
      tpu.vector_store_idx %arg13[%add3A_81, %add3A_85], %mul3A_86 : memref<80x16xf32, #tpu.memory_space<vmem>>[vector<16xi32>, vector<16xi32>], vector<16xf32>,
      %add3A_87 = arith.constant 2 : i32
      %add3A_88 = vector.broadcast %add3A_87 : i32 to vector<16xi32>
      %add3A_89 = arith.addi %broadcast_in_dim3A_9, %add3A_88 : vector<16xi32>
      %mul3A_90 = arith.mulf %get3A_69, %sub3A_78 : vector<16xf32>
      tpu.vector_store_idx %arg13[%add3A_81, %add3A_89], %mul3A_90 : memref<80x16xf32, #tpu.memory_space<vmem>>[vector<16xi32>, vector<16xi32>], vector<16xf32>,
      %get3A_91 = arith.index_cast %scan3A_21 : i32 to index
      %get3A_92 = arith.constant 32 : index
      %get3A_93 = tpu.vector_load %arg10[%get3A_91, %get3A_92] {strides = array<i32>} : memref<31x80xi32, #tpu.memory_space<vmem>>, vector<16xi32>,
      %mul3A_94 = arith.constant 80 : i32
      %mul3A_95 = arith.muli %scan3A_21, %mul3A_94 : i32
      %add3A_96 = arith.constant 32 : i32
      %add3A_97 = arith.addi %mul3A_95, %add3A_96 : i32
      %get3A_98 = arith.index_cast %add3A_97 : i32 to index
      %get3A_99 = tpu.vector_load %arg11[%get3A_98] {strides = array<i32>} : memref<2480xi32, #tpu.memory_space<vmem>>, vector<16xi32>,
      %mul3A_100 = arith.constant 80 : i32
      %mul3A_101 = arith.muli %scan3A_21, %mul3A_100 : i32
      %add3A_102 = arith.constant 32 : i32
      %add3A_103 = arith.addi %mul3A_101, %add3A_102 : i32
      %get3A_104 = arith.index_cast %add3A_103 : i32 to index
      %get3A_105 = tpu.vector_load %arg12[%get3A_104] {strides = array<i32>} : memref<2480xf32, #tpu.memory_space<vmem>>, vector<16xf32>,
      %gather3A_106 = tpu.vector_load_idx %arg14[%get3A_93] : memref<10000xf32, #tpu.memory_space<vmem>>[vector<16xi32>], vector<16xf32>,
      %gather3A_107 = tpu.vector_load_idx %arg14[%get3A_99] : memref<10000xf32, #tpu.memory_space<vmem>>[vector<16xi32>], vector<16xf32>,
      %sub3A_108 = arith.subf %gather3A_106, %gather3A_107 : vector<16xf32>
      %gather3A_109 = tpu.vector_load_idx %arg15[%get3A_93] : memref<10000xf32, #tpu.memory_space<vmem>>[vector<16xi32>], vector<16xf32>,
      %gather3A_110 = tpu.vector_load_idx %arg15[%get3A_99] : memref<10000xf32, #tpu.memory_space<vmem>>[vector<16xi32>], vector<16xf32>,
      %sub3A_111 = arith.subf %gather3A_109, %gather3A_110 : vector<16xf32>
      %gather3A_112 = tpu.vector_load_idx %arg16[%get3A_93] : memref<10000xf32, #tpu.memory_space<vmem>>[vector<16xi32>], vector<16xf32>,
      %gather3A_113 = tpu.vector_load_idx %arg16[%get3A_99] : memref<10000xf32, #tpu.memory_space<vmem>>[vector<16xi32>], vector<16xf32>,
      %sub3A_114 = arith.subf %gather3A_112, %gather3A_113 : vector<16xf32>
      %add3A_115 = arith.constant 32 : i32
      %add3A_116 = vector.broadcast %add3A_115 : i32 to vector<16xi32>
      %add3A_117 = arith.addi %iota3A, %add3A_116 : vector<16xi32>
      %mul3A_118 = arith.mulf %get3A_105, %sub3A_108 : vector<16xf32>
      tpu.vector_store_idx %arg13[%add3A_117, %broadcast_in_dim3A_9], %mul3A_118 : memref<80x16xf32, #tpu.memory_space<vmem>>[vector<16xi32>, vector<16xi32>], vector<16xf32>,
      %add3A_119 = arith.constant 1 : i32
      %add3A_120 = vector.broadcast %add3A_119 : i32 to vector<16xi32>
      %add3A_121 = arith.addi %broadcast_in_dim3A_9, %add3A_120 : vector<16xi32>
      %mul3A_122 = arith.mulf %get3A_105, %sub3A_111 : vector<16xf32>
      tpu.vector_store_idx %arg13[%add3A_117, %add3A_121], %mul3A_122 : memref<80x16xf32, #tpu.memory_space<vmem>>[vector<16xi32>, vector<16xi32>], vector<16xf32>,
      %add3A_123 = arith.constant 2 : i32
      %add3A_124 = vector.broadcast %add3A_123 : i32 to vector<16xi32>
      %add3A_125 = arith.addi %broadcast_in_dim3A_9, %add3A_124 : vector<16xi32>
      %mul3A_126 = arith.mulf %get3A_105, %sub3A_114 : vector<16xf32>
      tpu.vector_store_idx %arg13[%add3A_117, %add3A_125], %mul3A_126 : memref<80x16xf32, #tpu.memory_space<vmem>>[vector<16xi32>, vector<16xi32>], vector<16xf32>,
      %get3A_127 = arith.index_cast %scan3A_21 : i32 to index
      %get3A_128 = arith.constant 48 : index
      %get3A_129 = tpu.vector_load %arg10[%get3A_127, %get3A_128] {strides = array<i32>} : memref<31x80xi32, #tpu.memory_space<vmem>>, vector<16xi32>,
      %mul3A_130 = arith.constant 80 : i32
      %mul3A_131 = arith.muli %scan3A_21, %mul3A_130 : i32
      %add3A_132 = arith.constant 48 : i32
      %add3A_133 = arith.addi %mul3A_131, %add3A_132 : i32
      %get3A_134 = arith.index_cast %add3A_133 : i32 to index
      %get3A_135 = tpu.vector_load %arg11[%get3A_134] {strides = array<i32>} : memref<2480xi32, #tpu.memory_space<vmem>>, vector<16xi32>,
      %mul3A_136 = arith.constant 80 : i32
      %mul3A_137 = arith.muli %scan3A_21, %mul3A_136 : i32
      %add3A_138 = arith.constant 48 : i32
      %add3A_139 = arith.addi %mul3A_137, %add3A_138 : i32
      %get3A_140 = arith.index_cast %add3A_139 : i32 to index
      %get3A_141 = tpu.vector_load %arg12[%get3A_140] {strides = array<i32>} : memref<2480xf32, #tpu.memory_space<vmem>>, vector<16xf32>,
      %gather3A_142 = tpu.vector_load_idx %arg14[%get3A_129] : memref<10000xf32, #tpu.memory_space<vmem>>[vector<16xi32>], vector<16xf32>,
      %gather3A_143 = tpu.vector_load_idx %arg14[%get3A_135] : memref<10000xf32, #tpu.memory_space<vmem>>[vector<16xi32>], vector<16xf32>,
      %sub3A_144 = arith.subf %gather3A_142, %gather3A_143 : vector<16xf32>
      %gather3A_145 = tpu.vector_load_idx %arg15[%get3A_129] : memref<10000xf32, #tpu.memory_space<vmem>>[vector<16xi32>], vector<16xf32>,
      %gather3A_146 = tpu.vector_load_idx %arg15[%get3A_135] : memref<10000xf32, #tpu.memory_space<vmem>>[vector<16xi32>], vector<16xf32>,
      %sub3A_147 = arith.subf %gather3A_145, %gather3A_146 : vector<16xf32>
      %gather3A_148 = tpu.vector_load_idx %arg16[%get3A_129] : memref<10000xf32, #tpu.memory_space<vmem>>[vector<16xi32>], vector<16xf32>,
      %gather3A_149 = tpu.vector_load_idx %arg16[%get3A_135] : memref<10000xf32, #tpu.memory_space<vmem>>[vector<16xi32>], vector<16xf32>,
      %sub3A_150 = arith.subf %gather3A_148, %gather3A_149 : vector<16xf32>
      %add3A_151 = arith.constant 48 : i32
      %add3A_152 = vector.broadcast %add3A_151 : i32 to vector<16xi32>
      %add3A_153 = arith.addi %iota3A, %add3A_152 : vector<16xi32>
      %mul3A_154 = arith.mulf %get3A_141, %sub3A_144 : vector<16xf32>
      tpu.vector_store_idx %arg13[%add3A_153, %broadcast_in_dim3A_9], %mul3A_154 : memref<80x16xf32, #tpu.memory_space<vmem>>[vector<16xi32>, vector<16xi32>], vector<16xf32>,
      %add3A_155 = arith.constant 1 : i32
      %add3A_156 = vector.broadcast %add3A_155 : i32 to vector<16xi32>
      %add3A_157 = arith.addi %broadcast_in_dim3A_9, %add3A_156 : vector<16xi32>
      %mul3A_158 = arith.mulf %get3A_141, %sub3A_147 : vector<16xf32>
      tpu.vector_store_idx %arg13[%add3A_153, %add3A_157], %mul3A_158 : memref<80x16xf32, #tpu.memory_space<vmem>>[vector<16xi32>, vector<16xi32>], vector<16xf32>,
      %add3A_159 = arith.constant 2 : i32
      %add3A_160 = vector.broadcast %add3A_159 : i32 to vector<16xi32>
      %add3A_161 = arith.addi %broadcast_in_dim3A_9, %add3A_160 : vector<16xi32>
      %mul3A_162 = arith.mulf %get3A_141, %sub3A_150 : vector<16xf32>
      tpu.vector_store_idx %arg13[%add3A_153, %add3A_161], %mul3A_162 : memref<80x16xf32, #tpu.memory_space<vmem>>[vector<16xi32>, vector<16xi32>], vector<16xf32>,
      %get3A_163 = arith.index_cast %scan3A_21 : i32 to index
      %get3A_164 = arith.constant 64 : index
      %get3A_165 = tpu.vector_load %arg10[%get3A_163, %get3A_164] {strides = array<i32>} : memref<31x80xi32, #tpu.memory_space<vmem>>, vector<16xi32>,
      %mul3A_166 = arith.constant 80 : i32
      %mul3A_167 = arith.muli %scan3A_21, %mul3A_166 : i32
      %add3A_168 = arith.constant 64 : i32
      %add3A_169 = arith.addi %mul3A_167, %add3A_168 : i32
      %get3A_170 = arith.index_cast %add3A_169 : i32 to index
      %get3A_171 = tpu.vector_load %arg11[%get3A_170] {strides = array<i32>} : memref<2480xi32, #tpu.memory_space<vmem>>, vector<16xi32>,
      %mul3A_172 = arith.constant 80 : i32
      %mul3A_173 = arith.muli %scan3A_21, %mul3A_172 : i32
      %add3A_174 = arith.constant 64 : i32
      %add3A_175 = arith.addi %mul3A_173, %add3A_174 : i32
      %get3A_176 = arith.index_cast %add3A_175 : i32 to index
      %get3A_177 = tpu.vector_load %arg12[%get3A_176] {strides = array<i32>} : memref<2480xf32, #tpu.memory_space<vmem>>, vector<16xf32>,
      %gather3A_178 = tpu.vector_load_idx %arg14[%get3A_165] : memref<10000xf32, #tpu.memory_space<vmem>>[vector<16xi32>], vector<16xf32>,
      %gather3A_179 = tpu.vector_load_idx %arg14[%get3A_171] : memref<10000xf32, #tpu.memory_space<vmem>>[vector<16xi32>], vector<16xf32>,
      %sub3A_180 = arith.subf %gather3A_178, %gather3A_179 : vector<16xf32>
      %gather3A_181 = tpu.vector_load_idx %arg15[%get3A_165] : memref<10000xf32, #tpu.memory_space<vmem>>[vector<16xi32>], vector<16xf32>,
      %gather3A_182 = tpu.vector_load_idx %arg15[%get3A_171] : memref<10000xf32, #tpu.memory_space<vmem>>[vector<16xi32>], vector<16xf32>,
      %sub3A_183 = arith.subf %gather3A_181, %gather3A_182 : vector<16xf32>
      %gather3A_184 = tpu.vector_load_idx %arg16[%get3A_165] : memref<10000xf32, #tpu.memory_space<vmem>>[vector<16xi32>], vector<16xf32>,
      %gather3A_185 = tpu.vector_load_idx %arg16[%get3A_171] : memref<10000xf32, #tpu.memory_space<vmem>>[vector<16xi32>], vector<16xf32>,
      %sub3A_186 = arith.subf %gather3A_184, %gather3A_185 : vector<16xf32>
      %add3A_187 = arith.constant 64 : i32
      %add3A_188 = vector.broadcast %add3A_187 : i32 to vector<16xi32>
      %add3A_189 = arith.addi %iota3A, %add3A_188 : vector<16xi32>
      %mul3A_190 = arith.mulf %get3A_177, %sub3A_180 : vector<16xf32>
      tpu.vector_store_idx %arg13[%add3A_189, %broadcast_in_dim3A_9], %mul3A_190 : memref<80x16xf32, #tpu.memory_space<vmem>>[vector<16xi32>, vector<16xi32>], vector<16xf32>,
      %add3A_191 = arith.constant 1 : i32
      %add3A_192 = vector.broadcast %add3A_191 : i32 to vector<16xi32>
      %add3A_193 = arith.addi %broadcast_in_dim3A_9, %add3A_192 : vector<16xi32>
      %mul3A_194 = arith.mulf %get3A_177, %sub3A_183 : vector<16xf32>
      tpu.vector_store_idx %arg13[%add3A_189, %add3A_193], %mul3A_194 : memref<80x16xf32, #tpu.memory_space<vmem>>[vector<16xi32>, vector<16xi32>], vector<16xf32>,
      %add3A_195 = arith.constant 2 : i32
      %add3A_196 = vector.broadcast %add3A_195 : i32 to vector<16xi32>
      %add3A_197 = arith.addi %broadcast_in_dim3A_9, %add3A_196 : vector<16xi32>
      %mul3A_198 = arith.mulf %get3A_177, %sub3A_186 : vector<16xf32>
      tpu.vector_store_idx %arg13[%add3A_189, %add3A_197], %mul3A_198 : memref<80x16xf32, #tpu.memory_space<vmem>>[vector<16xi32>, vector<16xi32>], vector<16xf32>,
      "tpu.region"() ({
        %run_scoped3A = tpu.sem_alloc : memref<!tpu.dma_semaphore, #tpu.memory_space<semaphore_mem>>
        %dma_start3A = arith.constant 0 : i32
        %dma_start3A_199 = tpu.memref_slice %arg10[%scan3A_21, %dma_start3A] : memref<31x80xi32, #tpu.memory_space<vmem>> -> memref<1x80xi32, #tpu.memory_space<vmem>>
        %dma_start3A_200 = tpu.memref_squeeze %dma_start3A_199 : memref<1x80xi32, #tpu.memory_space<vmem>> -> memref<80xi32, #tpu.memory_space<vmem>>
        %dma_start3A_201 = arith.constant 0 : i32
        %dma_start3A_202 = arith.constant 0 : i32
        %dma_start3A_203 = tpu.memref_slice %arg17[%dma_start3A_201, %dma_start3A_202] : memref<10000x16xf32, #tpu.memory_space<vmem_shared>> -> memref<10000x16xf32, #tpu.memory_space<vmem_shared>>
        tpu.enqueue_indirect_dma source(%arg13 : memref<80x16xf32, #tpu.memory_space<vmem>>) target(%dma_start3A_203 : memref<10000x16xf32, #tpu.memory_space<vmem_shared>>) offsets(%dma_start3A_200 : memref<80xi32, #tpu.memory_space<vmem>>) semaphore(%run_scoped3A : memref<!tpu.dma_semaphore, #tpu.memory_space<semaphore_mem>>) {add = true}
        %dma_wait3A = arith.constant 0 : i32
        %dma_wait3A_204 = tpu.memref_slice %arg10[%scan3A_21, %dma_wait3A] : memref<31x80xi32, #tpu.memory_space<vmem>> -> memref<1x80xi32, #tpu.memory_space<vmem>>
        %dma_wait3A_205 = tpu.memref_squeeze %dma_wait3A_204 : memref<1x80xi32, #tpu.memory_space<vmem>> -> memref<80xi32, #tpu.memory_space<vmem>>
        %dma_wait3A_206 = arith.constant 0 : i32
        %dma_wait3A_207 = arith.constant 0 : i32
        %dma_wait3A_208 = tpu.memref_slice %arg17[%dma_wait3A_206, %dma_wait3A_207] : memref<10000x16xf32, #tpu.memory_space<vmem_shared>> -> memref<10000x16xf32, #tpu.memory_space<vmem_shared>>
        tpu.wait_indirect_dma semaphore(%run_scoped3A : memref<!tpu.dma_semaphore, #tpu.memory_space<semaphore_mem>>) src(%arg13 : memref<80x16xf32, #tpu.memory_space<vmem>>) dst(%dma_wait3A_208 : memref<10000x16xf32, #tpu.memory_space<vmem_shared>>)
        tpu.yield
      }) : () -> ()
    }
    %scan3A_14 = arith.constant 31 : i32
    %barrier3A_15 = arith.constant 0 : index
    tpu.barrier barrier_id(%barrier3A_15)
    %eq3A_16 = arith.constant 0 : i32
    %eq3A_17 = arith.cmpi eq, %arg1, %eq3A_16 : i32
    %convert_element_type3A_18 = arith.extui %eq3A_17 : i1 to i32
    %cond3A_19 = arith.constant 0 : i32
    %cond3A_20 = arith.cmpi ne, %convert_element_type3A_18, %cond3A_19 : i32
    scf.if %cond3A_20 {
      "tpu.region"() ({
        %run_scoped3A = tpu.sem_alloc : memref<!tpu.dma_semaphore, #tpu.memory_space<semaphore_mem>>
        %dma_start3A = arith.constant 0 : i32
        %dma_start3A_21 = arith.constant 0 : i32
        %dma_start3A_22 = tpu.memref_slice %arg9[%arg0, %dma_start3A, %dma_start3A_21] : memref<2x10000x16xf32, #tpu.memory_space<hbm>> -> memref<1x10000x16xf32, #tpu.memory_space<hbm>>
        %dma_start3A_23 = tpu.memref_squeeze %dma_start3A_22 : memref<1x10000x16xf32, #tpu.memory_space<hbm>> -> memref<10000x16xf32, #tpu.memory_space<hbm>>
        tpu.enqueue_dma source(%arg17 : memref<10000x16xf32, #tpu.memory_space<vmem_shared>>) target(%dma_start3A_23 : memref<10000x16xf32, #tpu.memory_space<hbm>>) target_semaphore(%run_scoped3A : memref<!tpu.dma_semaphore, #tpu.memory_space<semaphore_mem>>)
        %dma_wait3A = arith.constant 0 : i32
        %dma_wait3A_24 = arith.constant 0 : i32
        %dma_wait3A_25 = tpu.memref_slice %arg9[%arg0, %dma_wait3A, %dma_wait3A_24] : memref<2x10000x16xf32, #tpu.memory_space<hbm>> -> memref<1x10000x16xf32, #tpu.memory_space<hbm>>
        %dma_wait3A_26 = tpu.memref_squeeze %dma_wait3A_25 : memref<1x10000x16xf32, #tpu.memory_space<hbm>> -> memref<10000x16xf32, #tpu.memory_space<hbm>>
        tpu.wait_dma2 semaphore(%run_scoped3A : memref<!tpu.dma_semaphore, #tpu.memory_space<semaphore_mem>>) src(%arg17 : memref<10000x16xf32, #tpu.memory_space<vmem_shared>>) dst(%dma_wait3A_26 : memref<10000x16xf32, #tpu.memory_space<hbm>>)
        tpu.yield
      }) : () -> ()
    } else {
    }
    return
  }
}

#map = affine_map<(d0, d1) -> (0, 0)>
#map1 = affine_map<(d0, d1) -> (0)>
#map2 = affine_map<(d0, d1) -> (0, 0, 0)>
module attributes {stable_mosaic.version = 14 : i64} {
  func.func @_sc_scatter_c_body(%arg0: i32, %arg1: i32, %arg2: memref<992x80xi32, #tpu.memory_space<hbm>>, %arg3: memref<79360xi32, #tpu.memory_space<hbm>>, %arg4: memref<79360xf32, #tpu.memory_space<hbm>>, %arg5: memref<10000xf32, #tpu.memory_space<hbm>>, %arg6: memref<10000xf32, #tpu.memory_space<hbm>>, %arg7: memref<10000xf32, #tpu.memory_space<hbm>>, %arg8: memref<10000x16xf32, #tpu.memory_space<hbm>>, %arg9: memref<2x10000x16xf32, #tpu.memory_space<hbm>>, %arg10: memref<31x80xi32, #tpu.memory_space<vmem>>, %arg11: memref<2480xi32, #tpu.memory_space<vmem>>, %arg12: memref<2480xf32, #tpu.memory_space<vmem>>, %arg13: memref<80x16xf32, #tpu.memory_space<vmem>>, %arg14: memref<10000xf32, #tpu.memory_space<vmem>>, %arg15: memref<10000xf32, #tpu.memory_space<vmem>>, %arg16: memref<10000xf32, #tpu.memory_space<vmem>>, %arg17: memref<10000x16xf32, #tpu.memory_space<vmem_shared>>, %arg18: memref<!tpu.dma_semaphore, #tpu.memory_space<semaphore_mem>>) attributes {dimension_semantics = [#tpu.dimension_semantics<core_parallel>, #tpu.dimension_semantics<subcore_parallel>], iteration_bounds = array<i64: 2, 16>, scalar_prefetch = 0 : i64, scratch_operands = 9 : i64, tpu.core_type = #tpu.core_type<sc_vector_subcore>, window_params = [{transform_indices = #map}, {transform_indices = #map1}, {transform_indices = #map1}, {transform_indices = #map1}, {transform_indices = #map1}, {transform_indices = #map1}, {transform_indices = #map}, {transform_indices = #map2}]} {
    %mul3A = arith.constant 2 : i32
    %mul3A_0 = arith.muli %arg1, %mul3A : i32
    %add3A = arith.addi %mul3A_0, %arg0 : i32
    "tpu.region"() ({
      %run_scoped3A = tpu.sem_alloc : memref<!tpu.dma_semaphore, #tpu.memory_space<semaphore_mem>>
      tpu.enqueue_dma source(%arg5 : memref<10000xf32, #tpu.memory_space<hbm>>) target(%arg14 : memref<10000xf32, #tpu.memory_space<vmem>>) target_semaphore(%run_scoped3A : memref<!tpu.dma_semaphore, #tpu.memory_space<semaphore_mem>>)
      tpu.wait_dma2 semaphore(%run_scoped3A : memref<!tpu.dma_semaphore, #tpu.memory_space<semaphore_mem>>) src(%arg5 : memref<10000xf32, #tpu.memory_space<hbm>>) dst(%arg14 : memref<10000xf32, #tpu.memory_space<vmem>>)
      tpu.yield
    }) : () -> ()
    "tpu.region"() ({
      %run_scoped3A = tpu.sem_alloc : memref<!tpu.dma_semaphore, #tpu.memory_space<semaphore_mem>>
      tpu.enqueue_dma source(%arg6 : memref<10000xf32, #tpu.memory_space<hbm>>) target(%arg15 : memref<10000xf32, #tpu.memory_space<vmem>>) target_semaphore(%run_scoped3A : memref<!tpu.dma_semaphore, #tpu.memory_space<semaphore_mem>>)
      tpu.wait_dma2 semaphore(%run_scoped3A : memref<!tpu.dma_semaphore, #tpu.memory_space<semaphore_mem>>) src(%arg6 : memref<10000xf32, #tpu.memory_space<hbm>>) dst(%arg15 : memref<10000xf32, #tpu.memory_space<vmem>>)
      tpu.yield
    }) : () -> ()
    "tpu.region"() ({
      %run_scoped3A = tpu.sem_alloc : memref<!tpu.dma_semaphore, #tpu.memory_space<semaphore_mem>>
      tpu.enqueue_dma source(%arg7 : memref<10000xf32, #tpu.memory_space<hbm>>) target(%arg16 : memref<10000xf32, #tpu.memory_space<vmem>>) target_semaphore(%run_scoped3A : memref<!tpu.dma_semaphore, #tpu.memory_space<semaphore_mem>>)
      tpu.wait_dma2 semaphore(%run_scoped3A : memref<!tpu.dma_semaphore, #tpu.memory_space<semaphore_mem>>) src(%arg7 : memref<10000xf32, #tpu.memory_space<hbm>>) dst(%arg16 : memref<10000xf32, #tpu.memory_space<vmem>>)
      tpu.yield
    }) : () -> ()
    %eq3A = arith.constant 0 : i32
    %eq3A_1 = arith.cmpi eq, %arg1, %eq3A : i32
    %convert_element_type3A = arith.extui %eq3A_1 : i1 to i32
    %cond3A = arith.constant 0 : i32
    %cond3A_2 = arith.cmpi ne, %convert_element_type3A, %cond3A : i32
    scf.if %cond3A_2 {
      "tpu.region"() ({
        %run_scoped3A = tpu.sem_alloc : memref<!tpu.dma_semaphore, #tpu.memory_space<semaphore_mem>>
        tpu.enqueue_dma source(%arg8 : memref<10000x16xf32, #tpu.memory_space<hbm>>) target(%arg17 : memref<10000x16xf32, #tpu.memory_space<vmem_shared>>) target_semaphore(%run_scoped3A : memref<!tpu.dma_semaphore, #tpu.memory_space<semaphore_mem>>)
        tpu.wait_dma2 semaphore(%run_scoped3A : memref<!tpu.dma_semaphore, #tpu.memory_space<semaphore_mem>>) src(%arg8 : memref<10000x16xf32, #tpu.memory_space<hbm>>) dst(%arg17 : memref<10000x16xf32, #tpu.memory_space<vmem_shared>>)
        tpu.yield
      }) : () -> ()
    } else {
    }
    "tpu.region"() ({
      %run_scoped3A = tpu.sem_alloc : memref<!tpu.dma_semaphore, #tpu.memory_space<semaphore_mem>>
      %dma_start3A = arith.constant 0 : i32
      %dma_start3A_21 = arith.constant 0 : i32
      %dma_start3A_22 = tpu.memref_slice %arg8[%dma_start3A, %dma_start3A_21] : memref<10000x16xf32, #tpu.memory_space<hbm>> -> memref<80x16xf32, #tpu.memory_space<hbm>>
      %dma_start3A_23 = arith.constant 0 : i32
      %dma_start3A_24 = arith.constant 0 : i32
      %dma_start3A_25 = tpu.memref_slice %arg8[%dma_start3A_23, %dma_start3A_24] : memref<10000x16xf32, #tpu.memory_space<hbm>> -> memref<80x16xf32, #tpu.memory_space<hbm>>
      tpu.enqueue_dma source(%dma_start3A_25 : memref<80x16xf32, #tpu.memory_space<hbm>>) target(%arg13 : memref<80x16xf32, #tpu.memory_space<vmem>>) target_semaphore(%run_scoped3A : memref<!tpu.dma_semaphore, #tpu.memory_space<semaphore_mem>>)
      %dma_wait3A = arith.constant 0 : i32
      %dma_wait3A_26 = arith.constant 0 : i32
      %dma_wait3A_27 = tpu.memref_slice %arg8[%dma_wait3A, %dma_wait3A_26] : memref<10000x16xf32, #tpu.memory_space<hbm>> -> memref<80x16xf32, #tpu.memory_space<hbm>>
      %dma_wait3A_28 = arith.constant 0 : i32
      %dma_wait3A_29 = arith.constant 0 : i32
      %dma_wait3A_30 = tpu.memref_slice %arg8[%dma_wait3A_28, %dma_wait3A_29] : memref<10000x16xf32, #tpu.memory_space<hbm>> -> memref<80x16xf32, #tpu.memory_space<hbm>>
      tpu.wait_dma2 semaphore(%run_scoped3A : memref<!tpu.dma_semaphore, #tpu.memory_space<semaphore_mem>>) src(%dma_wait3A_30 : memref<80x16xf32, #tpu.memory_space<hbm>>) dst(%arg13 : memref<80x16xf32, #tpu.memory_space<vmem>>)
      tpu.yield
    }) : () -> ()
    %mul3A_3 = arith.constant 31 : i32
    %mul3A_4 = arith.muli %add3A, %mul3A_3 : i32
    "tpu.region"() ({
      %run_scoped3A = tpu.sem_alloc : memref<!tpu.dma_semaphore, #tpu.memory_space<semaphore_mem>>
      %dma_start3A = arith.constant 0 : i32
      %dma_start3A_21 = tpu.memref_slice %arg2[%mul3A_4, %dma_start3A] : memref<992x80xi32, #tpu.memory_space<hbm>> -> memref<31x80xi32, #tpu.memory_space<hbm>>
      %dma_start3A_22 = arith.constant 0 : i32
      %dma_start3A_23 = tpu.memref_slice %arg2[%mul3A_4, %dma_start3A_22] : memref<992x80xi32, #tpu.memory_space<hbm>> -> memref<31x80xi32, #tpu.memory_space<hbm>>
      tpu.enqueue_dma source(%dma_start3A_23 : memref<31x80xi32, #tpu.memory_space<hbm>>) target(%arg10 : memref<31x80xi32, #tpu.memory_space<vmem>>) target_semaphore(%run_scoped3A : memref<!tpu.dma_semaphore, #tpu.memory_space<semaphore_mem>>)
      %dma_wait3A = arith.constant 0 : i32
      %dma_wait3A_24 = tpu.memref_slice %arg2[%mul3A_4, %dma_wait3A] : memref<992x80xi32, #tpu.memory_space<hbm>> -> memref<31x80xi32, #tpu.memory_space<hbm>>
      %dma_wait3A_25 = arith.constant 0 : i32
      %dma_wait3A_26 = tpu.memref_slice %arg2[%mul3A_4, %dma_wait3A_25] : memref<992x80xi32, #tpu.memory_space<hbm>> -> memref<31x80xi32, #tpu.memory_space<hbm>>
      tpu.wait_dma2 semaphore(%run_scoped3A : memref<!tpu.dma_semaphore, #tpu.memory_space<semaphore_mem>>) src(%dma_wait3A_26 : memref<31x80xi32, #tpu.memory_space<hbm>>) dst(%arg10 : memref<31x80xi32, #tpu.memory_space<vmem>>)
      tpu.yield
    }) : () -> ()
    %mul3A_5 = arith.constant 2480 : i32
    %mul3A_6 = arith.muli %add3A, %mul3A_5 : i32
    "tpu.region"() ({
      %run_scoped3A = tpu.sem_alloc : memref<!tpu.dma_semaphore, #tpu.memory_space<semaphore_mem>>
      %dma_start3A = tpu.memref_slice %arg3[%mul3A_6] : memref<79360xi32, #tpu.memory_space<hbm>> -> memref<2480xi32, #tpu.memory_space<hbm>>
      %dma_start3A_21 = tpu.memref_slice %arg3[%mul3A_6] : memref<79360xi32, #tpu.memory_space<hbm>> -> memref<2480xi32, #tpu.memory_space<hbm>>
      tpu.enqueue_dma source(%dma_start3A_21 : memref<2480xi32, #tpu.memory_space<hbm>>) target(%arg11 : memref<2480xi32, #tpu.memory_space<vmem>>) target_semaphore(%run_scoped3A : memref<!tpu.dma_semaphore, #tpu.memory_space<semaphore_mem>>)
      %dma_wait3A = tpu.memref_slice %arg3[%mul3A_6] : memref<79360xi32, #tpu.memory_space<hbm>> -> memref<2480xi32, #tpu.memory_space<hbm>>
      %dma_wait3A_22 = tpu.memref_slice %arg3[%mul3A_6] : memref<79360xi32, #tpu.memory_space<hbm>> -> memref<2480xi32, #tpu.memory_space<hbm>>
      tpu.wait_dma2 semaphore(%run_scoped3A : memref<!tpu.dma_semaphore, #tpu.memory_space<semaphore_mem>>) src(%dma_wait3A_22 : memref<2480xi32, #tpu.memory_space<hbm>>) dst(%arg11 : memref<2480xi32, #tpu.memory_space<vmem>>)
      tpu.yield
    }) : () -> ()
    %mul3A_7 = arith.constant 2480 : i32
    %mul3A_8 = arith.muli %add3A, %mul3A_7 : i32
    "tpu.region"() ({
      %run_scoped3A = tpu.sem_alloc : memref<!tpu.dma_semaphore, #tpu.memory_space<semaphore_mem>>
      %dma_start3A = tpu.memref_slice %arg4[%mul3A_8] : memref<79360xf32, #tpu.memory_space<hbm>> -> memref<2480xf32, #tpu.memory_space<hbm>>
      %dma_start3A_21 = tpu.memref_slice %arg4[%mul3A_8] : memref<79360xf32, #tpu.memory_space<hbm>> -> memref<2480xf32, #tpu.memory_space<hbm>>
      tpu.enqueue_dma source(%dma_start3A_21 : memref<2480xf32, #tpu.memory_space<hbm>>) target(%arg12 : memref<2480xf32, #tpu.memory_space<vmem>>) target_semaphore(%run_scoped3A : memref<!tpu.dma_semaphore, #tpu.memory_space<semaphore_mem>>)
      %dma_wait3A = tpu.memref_slice %arg4[%mul3A_8] : memref<79360xf32, #tpu.memory_space<hbm>> -> memref<2480xf32, #tpu.memory_space<hbm>>
      %dma_wait3A_22 = tpu.memref_slice %arg4[%mul3A_8] : memref<79360xf32, #tpu.memory_space<hbm>> -> memref<2480xf32, #tpu.memory_space<hbm>>
      tpu.wait_dma2 semaphore(%run_scoped3A : memref<!tpu.dma_semaphore, #tpu.memory_space<semaphore_mem>>) src(%dma_wait3A_22 : memref<2480xf32, #tpu.memory_space<hbm>>) dst(%arg12 : memref<2480xf32, #tpu.memory_space<vmem>>)
      tpu.yield
    }) : () -> ()
    %barrier3A = arith.constant 0 : index
    tpu.barrier barrier_id(%barrier3A)
    %iota3A = tpu.iota {dimensions = array<i32: 0>} : vector<16xi32>
    %broadcast_in_dim3A = arith.constant 0 : i32
    %broadcast_in_dim3A_9 = vector.broadcast %broadcast_in_dim3A : i32 to vector<16xi32>
    %scan3A = arith.constant 0 : i32
    %scan3A_10 = arith.constant 0 : i32
    %scan3A_11 = arith.constant 31 : i32
    %scan3A_12 = arith.addi %scan3A_10, %scan3A_11 : i32
    %scan3A_13 = arith.constant 1 : i32
    scf.for %scan3A_21 = %scan3A_10 to %scan3A_12 step %scan3A_13  : i32 {
      %get3A = arith.index_cast %scan3A_21 : i32 to index
      %get3A_22 = arith.constant 0 : index
      %get3A_23 = tpu.vector_load %arg10[%get3A, %get3A_22] {strides = array<i32>} : memref<31x80xi32, #tpu.memory_space<vmem>>, vector<16xi32>,
      %mul3A_24 = arith.constant 80 : i32
      %mul3A_25 = arith.muli %scan3A_21, %mul3A_24 : i32
      %add3A_26 = arith.constant 0 : i32
      %add3A_27 = arith.addi %mul3A_25, %add3A_26 : i32
      %get3A_28 = arith.index_cast %add3A_27 : i32 to index
      %get3A_29 = tpu.vector_load %arg11[%get3A_28] {strides = array<i32>} : memref<2480xi32, #tpu.memory_space<vmem>>, vector<16xi32>,
      %mul3A_30 = arith.constant 80 : i32
      %mul3A_31 = arith.muli %scan3A_21, %mul3A_30 : i32
      %add3A_32 = arith.constant 0 : i32
      %add3A_33 = arith.addi %mul3A_31, %add3A_32 : i32
      %get3A_34 = arith.index_cast %add3A_33 : i32 to index
      %get3A_35 = tpu.vector_load %arg12[%get3A_34] {strides = array<i32>} : memref<2480xf32, #tpu.memory_space<vmem>>, vector<16xf32>,
      %gather3A = tpu.vector_load_idx %arg14[%get3A_23] : memref<10000xf32, #tpu.memory_space<vmem>>[vector<16xi32>], vector<16xf32>,
      %gather3A_36 = tpu.vector_load_idx %arg14[%get3A_29] : memref<10000xf32, #tpu.memory_space<vmem>>[vector<16xi32>], vector<16xf32>,
      %sub3A = arith.subf %gather3A, %gather3A_36 : vector<16xf32>
      %gather3A_37 = tpu.vector_load_idx %arg15[%get3A_23] : memref<10000xf32, #tpu.memory_space<vmem>>[vector<16xi32>], vector<16xf32>,
      %gather3A_38 = tpu.vector_load_idx %arg15[%get3A_29] : memref<10000xf32, #tpu.memory_space<vmem>>[vector<16xi32>], vector<16xf32>,
      %sub3A_39 = arith.subf %gather3A_37, %gather3A_38 : vector<16xf32>
      %gather3A_40 = tpu.vector_load_idx %arg16[%get3A_23] : memref<10000xf32, #tpu.memory_space<vmem>>[vector<16xi32>], vector<16xf32>,
      %gather3A_41 = tpu.vector_load_idx %arg16[%get3A_29] : memref<10000xf32, #tpu.memory_space<vmem>>[vector<16xi32>], vector<16xf32>,
      %sub3A_42 = arith.subf %gather3A_40, %gather3A_41 : vector<16xf32>
      %add3A_43 = arith.constant 0 : i32
      %add3A_44 = vector.broadcast %add3A_43 : i32 to vector<16xi32>
      %add3A_45 = arith.addi %iota3A, %add3A_44 : vector<16xi32>
      %mul3A_46 = arith.mulf %get3A_35, %sub3A : vector<16xf32>
      tpu.vector_store_idx %arg13[%add3A_45, %broadcast_in_dim3A_9], %mul3A_46 : memref<80x16xf32, #tpu.memory_space<vmem>>[vector<16xi32>, vector<16xi32>], vector<16xf32>,
      %add3A_47 = arith.constant 1 : i32
      %add3A_48 = vector.broadcast %add3A_47 : i32 to vector<16xi32>
      %add3A_49 = arith.addi %broadcast_in_dim3A_9, %add3A_48 : vector<16xi32>
      %mul3A_50 = arith.mulf %get3A_35, %sub3A_39 : vector<16xf32>
      tpu.vector_store_idx %arg13[%add3A_45, %add3A_49], %mul3A_50 : memref<80x16xf32, #tpu.memory_space<vmem>>[vector<16xi32>, vector<16xi32>], vector<16xf32>,
      %add3A_51 = arith.constant 2 : i32
      %add3A_52 = vector.broadcast %add3A_51 : i32 to vector<16xi32>
      %add3A_53 = arith.addi %broadcast_in_dim3A_9, %add3A_52 : vector<16xi32>
      %mul3A_54 = arith.mulf %get3A_35, %sub3A_42 : vector<16xf32>
      tpu.vector_store_idx %arg13[%add3A_45, %add3A_53], %mul3A_54 : memref<80x16xf32, #tpu.memory_space<vmem>>[vector<16xi32>, vector<16xi32>], vector<16xf32>,
      %get3A_55 = arith.index_cast %scan3A_21 : i32 to index
      %get3A_56 = arith.constant 16 : index
      %get3A_57 = tpu.vector_load %arg10[%get3A_55, %get3A_56] {strides = array<i32>} : memref<31x80xi32, #tpu.memory_space<vmem>>, vector<16xi32>,
      %mul3A_58 = arith.constant 80 : i32
      %mul3A_59 = arith.muli %scan3A_21, %mul3A_58 : i32
      %add3A_60 = arith.constant 16 : i32
      %add3A_61 = arith.addi %mul3A_59, %add3A_60 : i32
      %get3A_62 = arith.index_cast %add3A_61 : i32 to index
      %get3A_63 = tpu.vector_load %arg11[%get3A_62] {strides = array<i32>} : memref<2480xi32, #tpu.memory_space<vmem>>, vector<16xi32>,
      %mul3A_64 = arith.constant 80 : i32
      %mul3A_65 = arith.muli %scan3A_21, %mul3A_64 : i32
      %add3A_66 = arith.constant 16 : i32
      %add3A_67 = arith.addi %mul3A_65, %add3A_66 : i32
      %get3A_68 = arith.index_cast %add3A_67 : i32 to index
      %get3A_69 = tpu.vector_load %arg12[%get3A_68] {strides = array<i32>} : memref<2480xf32, #tpu.memory_space<vmem>>, vector<16xf32>,
      %gather3A_70 = tpu.vector_load_idx %arg14[%get3A_57] : memref<10000xf32, #tpu.memory_space<vmem>>[vector<16xi32>], vector<16xf32>,
      %gather3A_71 = tpu.vector_load_idx %arg14[%get3A_63] : memref<10000xf32, #tpu.memory_space<vmem>>[vector<16xi32>], vector<16xf32>,
      %sub3A_72 = arith.subf %gather3A_70, %gather3A_71 : vector<16xf32>
      %gather3A_73 = tpu.vector_load_idx %arg15[%get3A_57] : memref<10000xf32, #tpu.memory_space<vmem>>[vector<16xi32>], vector<16xf32>,
      %gather3A_74 = tpu.vector_load_idx %arg15[%get3A_63] : memref<10000xf32, #tpu.memory_space<vmem>>[vector<16xi32>], vector<16xf32>,
      %sub3A_75 = arith.subf %gather3A_73, %gather3A_74 : vector<16xf32>
      %gather3A_76 = tpu.vector_load_idx %arg16[%get3A_57] : memref<10000xf32, #tpu.memory_space<vmem>>[vector<16xi32>], vector<16xf32>,
      %gather3A_77 = tpu.vector_load_idx %arg16[%get3A_63] : memref<10000xf32, #tpu.memory_space<vmem>>[vector<16xi32>], vector<16xf32>,
      %sub3A_78 = arith.subf %gather3A_76, %gather3A_77 : vector<16xf32>
      %add3A_79 = arith.constant 16 : i32
      %add3A_80 = vector.broadcast %add3A_79 : i32 to vector<16xi32>
      %add3A_81 = arith.addi %iota3A, %add3A_80 : vector<16xi32>
      %mul3A_82 = arith.mulf %get3A_69, %sub3A_72 : vector<16xf32>
      tpu.vector_store_idx %arg13[%add3A_81, %broadcast_in_dim3A_9], %mul3A_82 : memref<80x16xf32, #tpu.memory_space<vmem>>[vector<16xi32>, vector<16xi32>], vector<16xf32>,
      %add3A_83 = arith.constant 1 : i32
      %add3A_84 = vector.broadcast %add3A_83 : i32 to vector<16xi32>
      %add3A_85 = arith.addi %broadcast_in_dim3A_9, %add3A_84 : vector<16xi32>
      %mul3A_86 = arith.mulf %get3A_69, %sub3A_75 : vector<16xf32>
      tpu.vector_store_idx %arg13[%add3A_81, %add3A_85], %mul3A_86 : memref<80x16xf32, #tpu.memory_space<vmem>>[vector<16xi32>, vector<16xi32>], vector<16xf32>,
      %add3A_87 = arith.constant 2 : i32
      %add3A_88 = vector.broadcast %add3A_87 : i32 to vector<16xi32>
      %add3A_89 = arith.addi %broadcast_in_dim3A_9, %add3A_88 : vector<16xi32>
      %mul3A_90 = arith.mulf %get3A_69, %sub3A_78 : vector<16xf32>
      tpu.vector_store_idx %arg13[%add3A_81, %add3A_89], %mul3A_90 : memref<80x16xf32, #tpu.memory_space<vmem>>[vector<16xi32>, vector<16xi32>], vector<16xf32>,
      %get3A_91 = arith.index_cast %scan3A_21 : i32 to index
      %get3A_92 = arith.constant 32 : index
      %get3A_93 = tpu.vector_load %arg10[%get3A_91, %get3A_92] {strides = array<i32>} : memref<31x80xi32, #tpu.memory_space<vmem>>, vector<16xi32>,
      %mul3A_94 = arith.constant 80 : i32
      %mul3A_95 = arith.muli %scan3A_21, %mul3A_94 : i32
      %add3A_96 = arith.constant 32 : i32
      %add3A_97 = arith.addi %mul3A_95, %add3A_96 : i32
      %get3A_98 = arith.index_cast %add3A_97 : i32 to index
      %get3A_99 = tpu.vector_load %arg11[%get3A_98] {strides = array<i32>} : memref<2480xi32, #tpu.memory_space<vmem>>, vector<16xi32>,
      %mul3A_100 = arith.constant 80 : i32
      %mul3A_101 = arith.muli %scan3A_21, %mul3A_100 : i32
      %add3A_102 = arith.constant 32 : i32
      %add3A_103 = arith.addi %mul3A_101, %add3A_102 : i32
      %get3A_104 = arith.index_cast %add3A_103 : i32 to index
      %get3A_105 = tpu.vector_load %arg12[%get3A_104] {strides = array<i32>} : memref<2480xf32, #tpu.memory_space<vmem>>, vector<16xf32>,
      %gather3A_106 = tpu.vector_load_idx %arg14[%get3A_93] : memref<10000xf32, #tpu.memory_space<vmem>>[vector<16xi32>], vector<16xf32>,
      %gather3A_107 = tpu.vector_load_idx %arg14[%get3A_99] : memref<10000xf32, #tpu.memory_space<vmem>>[vector<16xi32>], vector<16xf32>,
      %sub3A_108 = arith.subf %gather3A_106, %gather3A_107 : vector<16xf32>
      %gather3A_109 = tpu.vector_load_idx %arg15[%get3A_93] : memref<10000xf32, #tpu.memory_space<vmem>>[vector<16xi32>], vector<16xf32>,
      %gather3A_110 = tpu.vector_load_idx %arg15[%get3A_99] : memref<10000xf32, #tpu.memory_space<vmem>>[vector<16xi32>], vector<16xf32>,
      %sub3A_111 = arith.subf %gather3A_109, %gather3A_110 : vector<16xf32>
      %gather3A_112 = tpu.vector_load_idx %arg16[%get3A_93] : memref<10000xf32, #tpu.memory_space<vmem>>[vector<16xi32>], vector<16xf32>,
      %gather3A_113 = tpu.vector_load_idx %arg16[%get3A_99] : memref<10000xf32, #tpu.memory_space<vmem>>[vector<16xi32>], vector<16xf32>,
      %sub3A_114 = arith.subf %gather3A_112, %gather3A_113 : vector<16xf32>
      %add3A_115 = arith.constant 32 : i32
      %add3A_116 = vector.broadcast %add3A_115 : i32 to vector<16xi32>
      %add3A_117 = arith.addi %iota3A, %add3A_116 : vector<16xi32>
      %mul3A_118 = arith.mulf %get3A_105, %sub3A_108 : vector<16xf32>
      tpu.vector_store_idx %arg13[%add3A_117, %broadcast_in_dim3A_9], %mul3A_118 : memref<80x16xf32, #tpu.memory_space<vmem>>[vector<16xi32>, vector<16xi32>], vector<16xf32>,
      %add3A_119 = arith.constant 1 : i32
      %add3A_120 = vector.broadcast %add3A_119 : i32 to vector<16xi32>
      %add3A_121 = arith.addi %broadcast_in_dim3A_9, %add3A_120 : vector<16xi32>
      %mul3A_122 = arith.mulf %get3A_105, %sub3A_111 : vector<16xf32>
      tpu.vector_store_idx %arg13[%add3A_117, %add3A_121], %mul3A_122 : memref<80x16xf32, #tpu.memory_space<vmem>>[vector<16xi32>, vector<16xi32>], vector<16xf32>,
      %add3A_123 = arith.constant 2 : i32
      %add3A_124 = vector.broadcast %add3A_123 : i32 to vector<16xi32>
      %add3A_125 = arith.addi %broadcast_in_dim3A_9, %add3A_124 : vector<16xi32>
      %mul3A_126 = arith.mulf %get3A_105, %sub3A_114 : vector<16xf32>
      tpu.vector_store_idx %arg13[%add3A_117, %add3A_125], %mul3A_126 : memref<80x16xf32, #tpu.memory_space<vmem>>[vector<16xi32>, vector<16xi32>], vector<16xf32>,
      %get3A_127 = arith.index_cast %scan3A_21 : i32 to index
      %get3A_128 = arith.constant 48 : index
      %get3A_129 = tpu.vector_load %arg10[%get3A_127, %get3A_128] {strides = array<i32>} : memref<31x80xi32, #tpu.memory_space<vmem>>, vector<16xi32>,
      %mul3A_130 = arith.constant 80 : i32
      %mul3A_131 = arith.muli %scan3A_21, %mul3A_130 : i32
      %add3A_132 = arith.constant 48 : i32
      %add3A_133 = arith.addi %mul3A_131, %add3A_132 : i32
      %get3A_134 = arith.index_cast %add3A_133 : i32 to index
      %get3A_135 = tpu.vector_load %arg11[%get3A_134] {strides = array<i32>} : memref<2480xi32, #tpu.memory_space<vmem>>, vector<16xi32>,
      %mul3A_136 = arith.constant 80 : i32
      %mul3A_137 = arith.muli %scan3A_21, %mul3A_136 : i32
      %add3A_138 = arith.constant 48 : i32
      %add3A_139 = arith.addi %mul3A_137, %add3A_138 : i32
      %get3A_140 = arith.index_cast %add3A_139 : i32 to index
      %get3A_141 = tpu.vector_load %arg12[%get3A_140] {strides = array<i32>} : memref<2480xf32, #tpu.memory_space<vmem>>, vector<16xf32>,
      %gather3A_142 = tpu.vector_load_idx %arg14[%get3A_129] : memref<10000xf32, #tpu.memory_space<vmem>>[vector<16xi32>], vector<16xf32>,
      %gather3A_143 = tpu.vector_load_idx %arg14[%get3A_135] : memref<10000xf32, #tpu.memory_space<vmem>>[vector<16xi32>], vector<16xf32>,
      %sub3A_144 = arith.subf %gather3A_142, %gather3A_143 : vector<16xf32>
      %gather3A_145 = tpu.vector_load_idx %arg15[%get3A_129] : memref<10000xf32, #tpu.memory_space<vmem>>[vector<16xi32>], vector<16xf32>,
      %gather3A_146 = tpu.vector_load_idx %arg15[%get3A_135] : memref<10000xf32, #tpu.memory_space<vmem>>[vector<16xi32>], vector<16xf32>,
      %sub3A_147 = arith.subf %gather3A_145, %gather3A_146 : vector<16xf32>
      %gather3A_148 = tpu.vector_load_idx %arg16[%get3A_129] : memref<10000xf32, #tpu.memory_space<vmem>>[vector<16xi32>], vector<16xf32>,
      %gather3A_149 = tpu.vector_load_idx %arg16[%get3A_135] : memref<10000xf32, #tpu.memory_space<vmem>>[vector<16xi32>], vector<16xf32>,
      %sub3A_150 = arith.subf %gather3A_148, %gather3A_149 : vector<16xf32>
      %add3A_151 = arith.constant 48 : i32
      %add3A_152 = vector.broadcast %add3A_151 : i32 to vector<16xi32>
      %add3A_153 = arith.addi %iota3A, %add3A_152 : vector<16xi32>
      %mul3A_154 = arith.mulf %get3A_141, %sub3A_144 : vector<16xf32>
      tpu.vector_store_idx %arg13[%add3A_153, %broadcast_in_dim3A_9], %mul3A_154 : memref<80x16xf32, #tpu.memory_space<vmem>>[vector<16xi32>, vector<16xi32>], vector<16xf32>,
      %add3A_155 = arith.constant 1 : i32
      %add3A_156 = vector.broadcast %add3A_155 : i32 to vector<16xi32>
      %add3A_157 = arith.addi %broadcast_in_dim3A_9, %add3A_156 : vector<16xi32>
      %mul3A_158 = arith.mulf %get3A_141, %sub3A_147 : vector<16xf32>
      tpu.vector_store_idx %arg13[%add3A_153, %add3A_157], %mul3A_158 : memref<80x16xf32, #tpu.memory_space<vmem>>[vector<16xi32>, vector<16xi32>], vector<16xf32>,
      %add3A_159 = arith.constant 2 : i32
      %add3A_160 = vector.broadcast %add3A_159 : i32 to vector<16xi32>
      %add3A_161 = arith.addi %broadcast_in_dim3A_9, %add3A_160 : vector<16xi32>
      %mul3A_162 = arith.mulf %get3A_141, %sub3A_150 : vector<16xf32>
      tpu.vector_store_idx %arg13[%add3A_153, %add3A_161], %mul3A_162 : memref<80x16xf32, #tpu.memory_space<vmem>>[vector<16xi32>, vector<16xi32>], vector<16xf32>,
      %get3A_163 = arith.index_cast %scan3A_21 : i32 to index
      %get3A_164 = arith.constant 64 : index
      %get3A_165 = tpu.vector_load %arg10[%get3A_163, %get3A_164] {strides = array<i32>} : memref<31x80xi32, #tpu.memory_space<vmem>>, vector<16xi32>,
      %mul3A_166 = arith.constant 80 : i32
      %mul3A_167 = arith.muli %scan3A_21, %mul3A_166 : i32
      %add3A_168 = arith.constant 64 : i32
      %add3A_169 = arith.addi %mul3A_167, %add3A_168 : i32
      %get3A_170 = arith.index_cast %add3A_169 : i32 to index
      %get3A_171 = tpu.vector_load %arg11[%get3A_170] {strides = array<i32>} : memref<2480xi32, #tpu.memory_space<vmem>>, vector<16xi32>,
      %mul3A_172 = arith.constant 80 : i32
      %mul3A_173 = arith.muli %scan3A_21, %mul3A_172 : i32
      %add3A_174 = arith.constant 64 : i32
      %add3A_175 = arith.addi %mul3A_173, %add3A_174 : i32
      %get3A_176 = arith.index_cast %add3A_175 : i32 to index
      %get3A_177 = tpu.vector_load %arg12[%get3A_176] {strides = array<i32>} : memref<2480xf32, #tpu.memory_space<vmem>>, vector<16xf32>,
      %gather3A_178 = tpu.vector_load_idx %arg14[%get3A_165] : memref<10000xf32, #tpu.memory_space<vmem>>[vector<16xi32>], vector<16xf32>,
      %gather3A_179 = tpu.vector_load_idx %arg14[%get3A_171] : memref<10000xf32, #tpu.memory_space<vmem>>[vector<16xi32>], vector<16xf32>,
      %sub3A_180 = arith.subf %gather3A_178, %gather3A_179 : vector<16xf32>
      %gather3A_181 = tpu.vector_load_idx %arg15[%get3A_165] : memref<10000xf32, #tpu.memory_space<vmem>>[vector<16xi32>], vector<16xf32>,
      %gather3A_182 = tpu.vector_load_idx %arg15[%get3A_171] : memref<10000xf32, #tpu.memory_space<vmem>>[vector<16xi32>], vector<16xf32>,
      %sub3A_183 = arith.subf %gather3A_181, %gather3A_182 : vector<16xf32>
      %gather3A_184 = tpu.vector_load_idx %arg16[%get3A_165] : memref<10000xf32, #tpu.memory_space<vmem>>[vector<16xi32>], vector<16xf32>,
      %gather3A_185 = tpu.vector_load_idx %arg16[%get3A_171] : memref<10000xf32, #tpu.memory_space<vmem>>[vector<16xi32>], vector<16xf32>,
      %sub3A_186 = arith.subf %gather3A_184, %gather3A_185 : vector<16xf32>
      %add3A_187 = arith.constant 64 : i32
      %add3A_188 = vector.broadcast %add3A_187 : i32 to vector<16xi32>
      %add3A_189 = arith.addi %iota3A, %add3A_188 : vector<16xi32>
      %mul3A_190 = arith.mulf %get3A_177, %sub3A_180 : vector<16xf32>
      tpu.vector_store_idx %arg13[%add3A_189, %broadcast_in_dim3A_9], %mul3A_190 : memref<80x16xf32, #tpu.memory_space<vmem>>[vector<16xi32>, vector<16xi32>], vector<16xf32>,
      %add3A_191 = arith.constant 1 : i32
      %add3A_192 = vector.broadcast %add3A_191 : i32 to vector<16xi32>
      %add3A_193 = arith.addi %broadcast_in_dim3A_9, %add3A_192 : vector<16xi32>
      %mul3A_194 = arith.mulf %get3A_177, %sub3A_183 : vector<16xf32>
      tpu.vector_store_idx %arg13[%add3A_189, %add3A_193], %mul3A_194 : memref<80x16xf32, #tpu.memory_space<vmem>>[vector<16xi32>, vector<16xi32>], vector<16xf32>,
      %add3A_195 = arith.constant 2 : i32
      %add3A_196 = vector.broadcast %add3A_195 : i32 to vector<16xi32>
      %add3A_197 = arith.addi %broadcast_in_dim3A_9, %add3A_196 : vector<16xi32>
      %mul3A_198 = arith.mulf %get3A_177, %sub3A_186 : vector<16xf32>
      tpu.vector_store_idx %arg13[%add3A_189, %add3A_197], %mul3A_198 : memref<80x16xf32, #tpu.memory_space<vmem>>[vector<16xi32>, vector<16xi32>], vector<16xf32>,
      "tpu.region"() ({
        %run_scoped3A = tpu.sem_alloc : memref<!tpu.dma_semaphore, #tpu.memory_space<semaphore_mem>>
        %dma_start3A = arith.constant 0 : i32
        %dma_start3A_199 = tpu.memref_slice %arg10[%scan3A_21, %dma_start3A] : memref<31x80xi32, #tpu.memory_space<vmem>> -> memref<1x80xi32, #tpu.memory_space<vmem>>
        %dma_start3A_200 = tpu.memref_squeeze %dma_start3A_199 : memref<1x80xi32, #tpu.memory_space<vmem>> -> memref<80xi32, #tpu.memory_space<vmem>>
        %dma_start3A_201 = arith.constant 0 : i32
        %dma_start3A_202 = arith.constant 0 : i32
        %dma_start3A_203 = tpu.memref_slice %arg17[%dma_start3A_201, %dma_start3A_202] : memref<10000x16xf32, #tpu.memory_space<vmem_shared>> -> memref<10000x16xf32, #tpu.memory_space<vmem_shared>>
        tpu.enqueue_indirect_dma source(%arg13 : memref<80x16xf32, #tpu.memory_space<vmem>>) target(%dma_start3A_203 : memref<10000x16xf32, #tpu.memory_space<vmem_shared>>) offsets(%dma_start3A_200 : memref<80xi32, #tpu.memory_space<vmem>>) semaphore(%run_scoped3A : memref<!tpu.dma_semaphore, #tpu.memory_space<semaphore_mem>>) {add = true}
        %dma_wait3A = arith.constant 0 : i32
        %dma_wait3A_204 = tpu.memref_slice %arg10[%scan3A_21, %dma_wait3A] : memref<31x80xi32, #tpu.memory_space<vmem>> -> memref<1x80xi32, #tpu.memory_space<vmem>>
        %dma_wait3A_205 = tpu.memref_squeeze %dma_wait3A_204 : memref<1x80xi32, #tpu.memory_space<vmem>> -> memref<80xi32, #tpu.memory_space<vmem>>
        %dma_wait3A_206 = arith.constant 0 : i32
        %dma_wait3A_207 = arith.constant 0 : i32
        %dma_wait3A_208 = tpu.memref_slice %arg17[%dma_wait3A_206, %dma_wait3A_207] : memref<10000x16xf32, #tpu.memory_space<vmem_shared>> -> memref<10000x16xf32, #tpu.memory_space<vmem_shared>>
        tpu.wait_indirect_dma semaphore(%run_scoped3A : memref<!tpu.dma_semaphore, #tpu.memory_space<semaphore_mem>>) src(%arg13 : memref<80x16xf32, #tpu.memory_space<vmem>>) dst(%dma_wait3A_208 : memref<10000x16xf32, #tpu.memory_space<vmem_shared>>)
        tpu.yield
      }) : () -> ()
    }
    %scan3A_14 = arith.constant 31 : i32
    %barrier3A_15 = arith.constant 0 : index
    tpu.barrier barrier_id(%barrier3A_15)
    %eq3A_16 = arith.constant 0 : i32
    %eq3A_17 = arith.cmpi eq, %arg1, %eq3A_16 : i32
    %convert_element_type3A_18 = arith.extui %eq3A_17 : i1 to i32
    %cond3A_19 = arith.constant 0 : i32
    %cond3A_20 = arith.cmpi ne, %convert_element_type3A_18, %cond3A_19 : i32
    scf.if %cond3A_20 {
      "tpu.region"() ({
        %run_scoped3A = tpu.sem_alloc : memref<!tpu.dma_semaphore, #tpu.memory_space<semaphore_mem>>
        %dma_start3A = arith.constant 0 : i32
        %dma_start3A_21 = arith.constant 0 : i32
        %dma_start3A_22 = tpu.memref_slice %arg9[%arg0, %dma_start3A, %dma_start3A_21] : memref<2x10000x16xf32, #tpu.memory_space<hbm>> -> memref<1x10000x16xf32, #tpu.memory_space<hbm>>
        %dma_start3A_23 = tpu.memref_squeeze %dma_start3A_22 : memref<1x10000x16xf32, #tpu.memory_space<hbm>> -> memref<10000x16xf32, #tpu.memory_space<hbm>>
        tpu.enqueue_dma source(%arg17 : memref<10000x16xf32, #tpu.memory_space<vmem_shared>>) target(%dma_start3A_23 : memref<10000x16xf32, #tpu.memory_space<hbm>>) target_semaphore(%run_scoped3A : memref<!tpu.dma_semaphore, #tpu.memory_space<semaphore_mem>>)
        %dma_wait3A = arith.constant 0 : i32
        %dma_wait3A_24 = arith.constant 0 : i32
        %dma_wait3A_25 = tpu.memref_slice %arg9[%arg0, %dma_wait3A, %dma_wait3A_24] : memref<2x10000x16xf32, #tpu.memory_space<hbm>> -> memref<1x10000x16xf32, #tpu.memory_space<hbm>>
        %dma_wait3A_26 = tpu.memref_squeeze %dma_wait3A_25 : memref<1x10000x16xf32, #tpu.memory_space<hbm>> -> memref<10000x16xf32, #tpu.memory_space<hbm>>
        tpu.wait_dma2 semaphore(%run_scoped3A : memref<!tpu.dma_semaphore, #tpu.memory_space<semaphore_mem>>) src(%arg17 : memref<10000x16xf32, #tpu.memory_space<vmem_shared>>) dst(%dma_wait3A_26 : memref<10000x16xf32, #tpu.memory_space<hbm>>)
        tpu.yield
      }) : () -> ()
    } else {
    }
    return
  }
}

#map = affine_map<(d0, d1) -> (0)>
#map1 = affine_map<(d0, d1) -> (0, 0)>
#map2 = affine_map<(d0, d1) -> (0, 0, 0)>
module attributes {stable_mosaic.version = 14 : i64} {
  func.func @_sc_scatter_m_body(%arg0: i32, %arg1: i32, %arg2: memref<81920xi32, #tpu.memory_space<hbm>>, %arg3: memref<81920x128xf32, #tpu.memory_space<hbm>>, %arg4: memref<10000x128xf32, #tpu.memory_space<hbm>>, %arg5: memref<2x10000x128xf32, #tpu.memory_space<hbm>>, %arg6: memref<80xi32, #tpu.memory_space<vmem>>, %arg7: memref<80x128xf32, #tpu.memory_space<vmem>>, %arg8: memref<10000x128xf32, #tpu.memory_space<vmem_shared>>, %arg9: memref<!tpu.dma_semaphore, #tpu.memory_space<semaphore_mem>>) attributes {dimension_semantics = [#tpu.dimension_semantics<core_parallel>, #tpu.dimension_semantics<subcore_parallel>], iteration_bounds = array<i64: 2, 16>, scalar_prefetch = 0 : i64, scratch_operands = 4 : i64, tpu.core_type = #tpu.core_type<sc_vector_subcore>, window_params = [{transform_indices = #map}, {transform_indices = #map1}, {transform_indices = #map1}, {transform_indices = #map2}]} {
    %mul3A = arith.constant 2 : i32
    %mul3A_0 = arith.muli %arg1, %mul3A : i32
    %add3A = arith.addi %mul3A_0, %arg0 : i32
    %eq3A = arith.constant 0 : i32
    %eq3A_1 = arith.cmpi eq, %arg1, %eq3A : i32
    %convert_element_type3A = arith.extui %eq3A_1 : i1 to i32
    %cond3A = arith.constant 0 : i32
    %cond3A_2 = arith.cmpi ne, %convert_element_type3A, %cond3A : i32
    scf.if %cond3A_2 {
      "tpu.region"() ({
        %run_scoped3A = tpu.sem_alloc : memref<!tpu.dma_semaphore, #tpu.memory_space<semaphore_mem>>
        tpu.enqueue_dma source(%arg4 : memref<10000x128xf32, #tpu.memory_space<hbm>>) target(%arg8 : memref<10000x128xf32, #tpu.memory_space<vmem_shared>>) target_semaphore(%run_scoped3A : memref<!tpu.dma_semaphore, #tpu.memory_space<semaphore_mem>>)
        tpu.wait_dma2 semaphore(%run_scoped3A : memref<!tpu.dma_semaphore, #tpu.memory_space<semaphore_mem>>) src(%arg4 : memref<10000x128xf32, #tpu.memory_space<hbm>>) dst(%arg8 : memref<10000x128xf32, #tpu.memory_space<vmem_shared>>)
        tpu.yield
      }) : () -> ()
    } else {
    }
    %barrier3A = arith.constant 0 : index
    tpu.barrier barrier_id(%barrier3A)
    %mul3A_3 = arith.constant 2560 : i32
    %mul3A_4 = arith.muli %add3A, %mul3A_3 : i32
    %scan3A = arith.constant 0 : i32
    %scan3A_5 = arith.constant 0 : i32
    %scan3A_6 = arith.constant 32 : i32
    %scan3A_7 = arith.addi %scan3A_5, %scan3A_6 : i32
    %scan3A_8 = arith.constant 1 : i32
    scf.for %scan3A_16 = %scan3A_5 to %scan3A_7 step %scan3A_8  : i32 {
      %mul3A_17 = arith.constant 80 : i32
      %mul3A_18 = arith.muli %scan3A_16, %mul3A_17 : i32
      %add3A_19 = arith.addi %mul3A_4, %mul3A_18 : i32
      "tpu.region"() ({
        %run_scoped3A = tpu.sem_alloc : memref<!tpu.dma_semaphore, #tpu.memory_space<semaphore_mem>>
        %dma_start3A = tpu.memref_slice %arg2[%add3A_19] : memref<81920xi32, #tpu.memory_space<hbm>> -> memref<80xi32, #tpu.memory_space<hbm>>
        %dma_start3A_20 = tpu.memref_slice %arg2[%add3A_19] : memref<81920xi32, #tpu.memory_space<hbm>> -> memref<80xi32, #tpu.memory_space<hbm>>
        tpu.enqueue_dma source(%dma_start3A_20 : memref<80xi32, #tpu.memory_space<hbm>>) target(%arg6 : memref<80xi32, #tpu.memory_space<vmem>>) target_semaphore(%run_scoped3A : memref<!tpu.dma_semaphore, #tpu.memory_space<semaphore_mem>>)
        %dma_wait3A = tpu.memref_slice %arg2[%add3A_19] : memref<81920xi32, #tpu.memory_space<hbm>> -> memref<80xi32, #tpu.memory_space<hbm>>
        %dma_wait3A_21 = tpu.memref_slice %arg2[%add3A_19] : memref<81920xi32, #tpu.memory_space<hbm>> -> memref<80xi32, #tpu.memory_space<hbm>>
        tpu.wait_dma2 semaphore(%run_scoped3A : memref<!tpu.dma_semaphore, #tpu.memory_space<semaphore_mem>>) src(%dma_wait3A_21 : memref<80xi32, #tpu.memory_space<hbm>>) dst(%arg6 : memref<80xi32, #tpu.memory_space<vmem>>)
        tpu.yield
      }) : () -> ()
      "tpu.region"() ({
        %run_scoped3A = tpu.sem_alloc : memref<!tpu.dma_semaphore, #tpu.memory_space<semaphore_mem>>
        %dma_start3A = arith.constant 0 : i32
        %dma_start3A_20 = tpu.memref_slice %arg3[%add3A_19, %dma_start3A] : memref<81920x128xf32, #tpu.memory_space<hbm>> -> memref<80x128xf32, #tpu.memory_space<hbm>>
        %dma_start3A_21 = arith.constant 0 : i32
        %dma_start3A_22 = tpu.memref_slice %arg3[%add3A_19, %dma_start3A_21] : memref<81920x128xf32, #tpu.memory_space<hbm>> -> memref<80x128xf32, #tpu.memory_space<hbm>>
        tpu.enqueue_dma source(%dma_start3A_22 : memref<80x128xf32, #tpu.memory_space<hbm>>) target(%arg7 : memref<80x128xf32, #tpu.memory_space<vmem>>) target_semaphore(%run_scoped3A : memref<!tpu.dma_semaphore, #tpu.memory_space<semaphore_mem>>)
        %dma_wait3A = arith.constant 0 : i32
        %dma_wait3A_23 = tpu.memref_slice %arg3[%add3A_19, %dma_wait3A] : memref<81920x128xf32, #tpu.memory_space<hbm>> -> memref<80x128xf32, #tpu.memory_space<hbm>>
        %dma_wait3A_24 = arith.constant 0 : i32
        %dma_wait3A_25 = tpu.memref_slice %arg3[%add3A_19, %dma_wait3A_24] : memref<81920x128xf32, #tpu.memory_space<hbm>> -> memref<80x128xf32, #tpu.memory_space<hbm>>
        tpu.wait_dma2 semaphore(%run_scoped3A : memref<!tpu.dma_semaphore, #tpu.memory_space<semaphore_mem>>) src(%dma_wait3A_25 : memref<80x128xf32, #tpu.memory_space<hbm>>) dst(%arg7 : memref<80x128xf32, #tpu.memory_space<vmem>>)
        tpu.yield
      }) : () -> ()
      "tpu.region"() ({
        %run_scoped3A = tpu.sem_alloc : memref<!tpu.dma_semaphore, #tpu.memory_space<semaphore_mem>>
        %dma_start3A = arith.constant 0 : i32
        %dma_start3A_20 = arith.constant 0 : i32
        %dma_start3A_21 = tpu.memref_slice %arg8[%dma_start3A, %dma_start3A_20] : memref<10000x128xf32, #tpu.memory_space<vmem_shared>> -> memref<10000x128xf32, #tpu.memory_space<vmem_shared>>
        tpu.enqueue_indirect_dma source(%arg7 : memref<80x128xf32, #tpu.memory_space<vmem>>) target(%dma_start3A_21 : memref<10000x128xf32, #tpu.memory_space<vmem_shared>>) offsets(%arg6 : memref<80xi32, #tpu.memory_space<vmem>>) semaphore(%run_scoped3A : memref<!tpu.dma_semaphore, #tpu.memory_space<semaphore_mem>>) {add = true}
        %dma_wait3A = arith.constant 0 : i32
        %dma_wait3A_22 = arith.constant 0 : i32
        %dma_wait3A_23 = tpu.memref_slice %arg8[%dma_wait3A, %dma_wait3A_22] : memref<10000x128xf32, #tpu.memory_space<vmem_shared>> -> memref<10000x128xf32, #tpu.memory_space<vmem_shared>>
        tpu.wait_indirect_dma semaphore(%run_scoped3A : memref<!tpu.dma_semaphore, #tpu.memory_space<semaphore_mem>>) src(%arg7 : memref<80x128xf32, #tpu.memory_space<vmem>>) dst(%dma_wait3A_23 : memref<10000x128xf32, #tpu.memory_space<vmem_shared>>)
        tpu.yield
      }) : () -> ()
    }
    %scan3A_9 = arith.constant 32 : i32
    %barrier3A_10 = arith.constant 0 : index
    tpu.barrier barrier_id(%barrier3A_10)
    %eq3A_11 = arith.constant 0 : i32
    %eq3A_12 = arith.cmpi eq, %arg1, %eq3A_11 : i32
    %convert_element_type3A_13 = arith.extui %eq3A_12 : i1 to i32
    %cond3A_14 = arith.constant 0 : i32
    %cond3A_15 = arith.cmpi ne, %convert_element_type3A_13, %cond3A_14 : i32
    scf.if %cond3A_15 {
      "tpu.region"() ({
        %run_scoped3A = tpu.sem_alloc : memref<!tpu.dma_semaphore, #tpu.memory_space<semaphore_mem>>
        %dma_start3A = arith.constant 0 : i32
        %dma_start3A_16 = arith.constant 0 : i32
        %dma_start3A_17 = tpu.memref_slice %arg5[%arg0, %dma_start3A, %dma_start3A_16] : memref<2x10000x128xf32, #tpu.memory_space<hbm>> -> memref<1x10000x128xf32, #tpu.memory_space<hbm>>
        %dma_start3A_18 = tpu.memref_squeeze %dma_start3A_17 : memref<1x10000x128xf32, #tpu.memory_space<hbm>> -> memref<10000x128xf32, #tpu.memory_space<hbm>>
        tpu.enqueue_dma source(%arg8 : memref<10000x128xf32, #tpu.memory_space<vmem_shared>>) target(%dma_start3A_18 : memref<10000x128xf32, #tpu.memory_space<hbm>>) target_semaphore(%run_scoped3A : memref<!tpu.dma_semaphore, #tpu.memory_space<semaphore_mem>>)
        %dma_wait3A = arith.constant 0 : i32
        %dma_wait3A_19 = arith.constant 0 : i32
        %dma_wait3A_20 = tpu.memref_slice %arg5[%arg0, %dma_wait3A, %dma_wait3A_19] : memref<2x10000x128xf32, #tpu.memory_space<hbm>> -> memref<1x10000x128xf32, #tpu.memory_space<hbm>>
        %dma_wait3A_21 = tpu.memref_squeeze %dma_wait3A_20 : memref<1x10000x128xf32, #tpu.memory_space<hbm>> -> memref<10000x128xf32, #tpu.memory_space<hbm>>
        tpu.wait_dma2 semaphore(%run_scoped3A : memref<!tpu.dma_semaphore, #tpu.memory_space<semaphore_mem>>) src(%arg8 : memref<10000x128xf32, #tpu.memory_space<vmem_shared>>) dst(%dma_wait3A_21 : memref<10000x128xf32, #tpu.memory_space<hbm>>)
        tpu.yield
      }) : () -> ()
    } else {
    }
    return
  }
}

#map = affine_map<(d0, d1) -> (0)>
#map1 = affine_map<(d0, d1) -> (0, 0)>
#map2 = affine_map<(d0, d1) -> (0, 0, 0)>
module attributes {stable_mosaic.version = 14 : i64} {
  func.func @_sc_scatter_m_body(%arg0: i32, %arg1: i32, %arg2: memref<79360xi32, #tpu.memory_space<hbm>>, %arg3: memref<79360x128xf32, #tpu.memory_space<hbm>>, %arg4: memref<10000x128xf32, #tpu.memory_space<hbm>>, %arg5: memref<2x10000x128xf32, #tpu.memory_space<hbm>>, %arg6: memref<80xi32, #tpu.memory_space<vmem>>, %arg7: memref<80x128xf32, #tpu.memory_space<vmem>>, %arg8: memref<10000x128xf32, #tpu.memory_space<vmem_shared>>, %arg9: memref<!tpu.dma_semaphore, #tpu.memory_space<semaphore_mem>>) attributes {dimension_semantics = [#tpu.dimension_semantics<core_parallel>, #tpu.dimension_semantics<subcore_parallel>], iteration_bounds = array<i64: 2, 16>, scalar_prefetch = 0 : i64, scratch_operands = 4 : i64, tpu.core_type = #tpu.core_type<sc_vector_subcore>, window_params = [{transform_indices = #map}, {transform_indices = #map1}, {transform_indices = #map1}, {transform_indices = #map2}]} {
    %mul3A = arith.constant 2 : i32
    %mul3A_0 = arith.muli %arg1, %mul3A : i32
    %add3A = arith.addi %mul3A_0, %arg0 : i32
    %eq3A = arith.constant 0 : i32
    %eq3A_1 = arith.cmpi eq, %arg1, %eq3A : i32
    %convert_element_type3A = arith.extui %eq3A_1 : i1 to i32
    %cond3A = arith.constant 0 : i32
    %cond3A_2 = arith.cmpi ne, %convert_element_type3A, %cond3A : i32
    scf.if %cond3A_2 {
      "tpu.region"() ({
        %run_scoped3A = tpu.sem_alloc : memref<!tpu.dma_semaphore, #tpu.memory_space<semaphore_mem>>
        tpu.enqueue_dma source(%arg4 : memref<10000x128xf32, #tpu.memory_space<hbm>>) target(%arg8 : memref<10000x128xf32, #tpu.memory_space<vmem_shared>>) target_semaphore(%run_scoped3A : memref<!tpu.dma_semaphore, #tpu.memory_space<semaphore_mem>>)
        tpu.wait_dma2 semaphore(%run_scoped3A : memref<!tpu.dma_semaphore, #tpu.memory_space<semaphore_mem>>) src(%arg4 : memref<10000x128xf32, #tpu.memory_space<hbm>>) dst(%arg8 : memref<10000x128xf32, #tpu.memory_space<vmem_shared>>)
        tpu.yield
      }) : () -> ()
    } else {
    }
    %barrier3A = arith.constant 0 : index
    tpu.barrier barrier_id(%barrier3A)
    %mul3A_3 = arith.constant 2480 : i32
    %mul3A_4 = arith.muli %add3A, %mul3A_3 : i32
    %scan3A = arith.constant 0 : i32
    %scan3A_5 = arith.constant 0 : i32
    %scan3A_6 = arith.constant 31 : i32
    %scan3A_7 = arith.addi %scan3A_5, %scan3A_6 : i32
    %scan3A_8 = arith.constant 1 : i32
    scf.for %scan3A_16 = %scan3A_5 to %scan3A_7 step %scan3A_8  : i32 {
      %mul3A_17 = arith.constant 80 : i32
      %mul3A_18 = arith.muli %scan3A_16, %mul3A_17 : i32
      %add3A_19 = arith.addi %mul3A_4, %mul3A_18 : i32
      "tpu.region"() ({
        %run_scoped3A = tpu.sem_alloc : memref<!tpu.dma_semaphore, #tpu.memory_space<semaphore_mem>>
        %dma_start3A = tpu.memref_slice %arg2[%add3A_19] : memref<79360xi32, #tpu.memory_space<hbm>> -> memref<80xi32, #tpu.memory_space<hbm>>
        %dma_start3A_20 = tpu.memref_slice %arg2[%add3A_19] : memref<79360xi32, #tpu.memory_space<hbm>> -> memref<80xi32, #tpu.memory_space<hbm>>
        tpu.enqueue_dma source(%dma_start3A_20 : memref<80xi32, #tpu.memory_space<hbm>>) target(%arg6 : memref<80xi32, #tpu.memory_space<vmem>>) target_semaphore(%run_scoped3A : memref<!tpu.dma_semaphore, #tpu.memory_space<semaphore_mem>>)
        %dma_wait3A = tpu.memref_slice %arg2[%add3A_19] : memref<79360xi32, #tpu.memory_space<hbm>> -> memref<80xi32, #tpu.memory_space<hbm>>
        %dma_wait3A_21 = tpu.memref_slice %arg2[%add3A_19] : memref<79360xi32, #tpu.memory_space<hbm>> -> memref<80xi32, #tpu.memory_space<hbm>>
        tpu.wait_dma2 semaphore(%run_scoped3A : memref<!tpu.dma_semaphore, #tpu.memory_space<semaphore_mem>>) src(%dma_wait3A_21 : memref<80xi32, #tpu.memory_space<hbm>>) dst(%arg6 : memref<80xi32, #tpu.memory_space<vmem>>)
        tpu.yield
      }) : () -> ()
      "tpu.region"() ({
        %run_scoped3A = tpu.sem_alloc : memref<!tpu.dma_semaphore, #tpu.memory_space<semaphore_mem>>
        %dma_start3A = arith.constant 0 : i32
        %dma_start3A_20 = tpu.memref_slice %arg3[%add3A_19, %dma_start3A] : memref<79360x128xf32, #tpu.memory_space<hbm>> -> memref<80x128xf32, #tpu.memory_space<hbm>>
        %dma_start3A_21 = arith.constant 0 : i32
        %dma_start3A_22 = tpu.memref_slice %arg3[%add3A_19, %dma_start3A_21] : memref<79360x128xf32, #tpu.memory_space<hbm>> -> memref<80x128xf32, #tpu.memory_space<hbm>>
        tpu.enqueue_dma source(%dma_start3A_22 : memref<80x128xf32, #tpu.memory_space<hbm>>) target(%arg7 : memref<80x128xf32, #tpu.memory_space<vmem>>) target_semaphore(%run_scoped3A : memref<!tpu.dma_semaphore, #tpu.memory_space<semaphore_mem>>)
        %dma_wait3A = arith.constant 0 : i32
        %dma_wait3A_23 = tpu.memref_slice %arg3[%add3A_19, %dma_wait3A] : memref<79360x128xf32, #tpu.memory_space<hbm>> -> memref<80x128xf32, #tpu.memory_space<hbm>>
        %dma_wait3A_24 = arith.constant 0 : i32
        %dma_wait3A_25 = tpu.memref_slice %arg3[%add3A_19, %dma_wait3A_24] : memref<79360x128xf32, #tpu.memory_space<hbm>> -> memref<80x128xf32, #tpu.memory_space<hbm>>
        tpu.wait_dma2 semaphore(%run_scoped3A : memref<!tpu.dma_semaphore, #tpu.memory_space<semaphore_mem>>) src(%dma_wait3A_25 : memref<80x128xf32, #tpu.memory_space<hbm>>) dst(%arg7 : memref<80x128xf32, #tpu.memory_space<vmem>>)
        tpu.yield
      }) : () -> ()
      "tpu.region"() ({
        %run_scoped3A = tpu.sem_alloc : memref<!tpu.dma_semaphore, #tpu.memory_space<semaphore_mem>>
        %dma_start3A = arith.constant 0 : i32
        %dma_start3A_20 = arith.constant 0 : i32
        %dma_start3A_21 = tpu.memref_slice %arg8[%dma_start3A, %dma_start3A_20] : memref<10000x128xf32, #tpu.memory_space<vmem_shared>> -> memref<10000x128xf32, #tpu.memory_space<vmem_shared>>
        tpu.enqueue_indirect_dma source(%arg7 : memref<80x128xf32, #tpu.memory_space<vmem>>) target(%dma_start3A_21 : memref<10000x128xf32, #tpu.memory_space<vmem_shared>>) offsets(%arg6 : memref<80xi32, #tpu.memory_space<vmem>>) semaphore(%run_scoped3A : memref<!tpu.dma_semaphore, #tpu.memory_space<semaphore_mem>>) {add = true}
        %dma_wait3A = arith.constant 0 : i32
        %dma_wait3A_22 = arith.constant 0 : i32
        %dma_wait3A_23 = tpu.memref_slice %arg8[%dma_wait3A, %dma_wait3A_22] : memref<10000x128xf32, #tpu.memory_space<vmem_shared>> -> memref<10000x128xf32, #tpu.memory_space<vmem_shared>>
        tpu.wait_indirect_dma semaphore(%run_scoped3A : memref<!tpu.dma_semaphore, #tpu.memory_space<semaphore_mem>>) src(%arg7 : memref<80x128xf32, #tpu.memory_space<vmem>>) dst(%dma_wait3A_23 : memref<10000x128xf32, #tpu.memory_space<vmem_shared>>)
        tpu.yield
      }) : () -> ()
    }
    %scan3A_9 = arith.constant 31 : i32
    %barrier3A_10 = arith.constant 0 : index
    tpu.barrier barrier_id(%barrier3A_10)
    %eq3A_11 = arith.constant 0 : i32
    %eq3A_12 = arith.cmpi eq, %arg1, %eq3A_11 : i32
    %convert_element_type3A_13 = arith.extui %eq3A_12 : i1 to i32
    %cond3A_14 = arith.constant 0 : i32
    %cond3A_15 = arith.cmpi ne, %convert_element_type3A_13, %cond3A_14 : i32
    scf.if %cond3A_15 {
      "tpu.region"() ({
        %run_scoped3A = tpu.sem_alloc : memref<!tpu.dma_semaphore, #tpu.memory_space<semaphore_mem>>
        %dma_start3A = arith.constant 0 : i32
        %dma_start3A_16 = arith.constant 0 : i32
        %dma_start3A_17 = tpu.memref_slice %arg5[%arg0, %dma_start3A, %dma_start3A_16] : memref<2x10000x128xf32, #tpu.memory_space<hbm>> -> memref<1x10000x128xf32, #tpu.memory_space<hbm>>
        %dma_start3A_18 = tpu.memref_squeeze %dma_start3A_17 : memref<1x10000x128xf32, #tpu.memory_space<hbm>> -> memref<10000x128xf32, #tpu.memory_space<hbm>>
        tpu.enqueue_dma source(%arg8 : memref<10000x128xf32, #tpu.memory_space<vmem_shared>>) target(%dma_start3A_18 : memref<10000x128xf32, #tpu.memory_space<hbm>>) target_semaphore(%run_scoped3A : memref<!tpu.dma_semaphore, #tpu.memory_space<semaphore_mem>>)
        %dma_wait3A = arith.constant 0 : i32
        %dma_wait3A_19 = arith.constant 0 : i32
        %dma_wait3A_20 = tpu.memref_slice %arg5[%arg0, %dma_wait3A, %dma_wait3A_19] : memref<2x10000x128xf32, #tpu.memory_space<hbm>> -> memref<1x10000x128xf32, #tpu.memory_space<hbm>>
        %dma_wait3A_21 = tpu.memref_squeeze %dma_wait3A_20 : memref<1x10000x128xf32, #tpu.memory_space<hbm>> -> memref<10000x128xf32, #tpu.memory_space<hbm>>
        tpu.wait_dma2 semaphore(%run_scoped3A : memref<!tpu.dma_semaphore, #tpu.memory_space<semaphore_mem>>) src(%arg8 : memref<10000x128xf32, #tpu.memory_space<vmem_shared>>) dst(%dma_wait3A_21 : memref<10000x128xf32, #tpu.memory_space<hbm>>)
        tpu.yield
      }) : () -> ()
    } else {
    }
    return
  }
}

#map = affine_map<(d0, d1) -> (0)>
#map1 = affine_map<(d0, d1) -> (0, 0)>
#map2 = affine_map<(d0, d1) -> (0, 0, 0)>
module attributes {stable_mosaic.version = 14 : i64} {
  func.func @_sc_scatter_m_body(%arg0: i32, %arg1: i32, %arg2: memref<79360xi32, #tpu.memory_space<hbm>>, %arg3: memref<79360x128xf32, #tpu.memory_space<hbm>>, %arg4: memref<10000x128xf32, #tpu.memory_space<hbm>>, %arg5: memref<2x10000x128xf32, #tpu.memory_space<hbm>>, %arg6: memref<80xi32, #tpu.memory_space<vmem>>, %arg7: memref<80x128xf32, #tpu.memory_space<vmem>>, %arg8: memref<10000x128xf32, #tpu.memory_space<vmem_shared>>, %arg9: memref<!tpu.dma_semaphore, #tpu.memory_space<semaphore_mem>>) attributes {dimension_semantics = [#tpu.dimension_semantics<core_parallel>, #tpu.dimension_semantics<subcore_parallel>], iteration_bounds = array<i64: 2, 16>, scalar_prefetch = 0 : i64, scratch_operands = 4 : i64, tpu.core_type = #tpu.core_type<sc_vector_subcore>, window_params = [{transform_indices = #map}, {transform_indices = #map1}, {transform_indices = #map1}, {transform_indices = #map2}]} {
    %mul3A = arith.constant 2 : i32
    %mul3A_0 = arith.muli %arg1, %mul3A : i32
    %add3A = arith.addi %mul3A_0, %arg0 : i32
    %eq3A = arith.constant 0 : i32
    %eq3A_1 = arith.cmpi eq, %arg1, %eq3A : i32
    %convert_element_type3A = arith.extui %eq3A_1 : i1 to i32
    %cond3A = arith.constant 0 : i32
    %cond3A_2 = arith.cmpi ne, %convert_element_type3A, %cond3A : i32
    scf.if %cond3A_2 {
      "tpu.region"() ({
        %run_scoped3A = tpu.sem_alloc : memref<!tpu.dma_semaphore, #tpu.memory_space<semaphore_mem>>
        tpu.enqueue_dma source(%arg4 : memref<10000x128xf32, #tpu.memory_space<hbm>>) target(%arg8 : memref<10000x128xf32, #tpu.memory_space<vmem_shared>>) target_semaphore(%run_scoped3A : memref<!tpu.dma_semaphore, #tpu.memory_space<semaphore_mem>>)
        tpu.wait_dma2 semaphore(%run_scoped3A : memref<!tpu.dma_semaphore, #tpu.memory_space<semaphore_mem>>) src(%arg4 : memref<10000x128xf32, #tpu.memory_space<hbm>>) dst(%arg8 : memref<10000x128xf32, #tpu.memory_space<vmem_shared>>)
        tpu.yield
      }) : () -> ()
    } else {
    }
    %barrier3A = arith.constant 0 : index
    tpu.barrier barrier_id(%barrier3A)
    %mul3A_3 = arith.constant 2480 : i32
    %mul3A_4 = arith.muli %add3A, %mul3A_3 : i32
    %scan3A = arith.constant 0 : i32
    %scan3A_5 = arith.constant 0 : i32
    %scan3A_6 = arith.constant 31 : i32
    %scan3A_7 = arith.addi %scan3A_5, %scan3A_6 : i32
    %scan3A_8 = arith.constant 1 : i32
    scf.for %scan3A_16 = %scan3A_5 to %scan3A_7 step %scan3A_8  : i32 {
      %mul3A_17 = arith.constant 80 : i32
      %mul3A_18 = arith.muli %scan3A_16, %mul3A_17 : i32
      %add3A_19 = arith.addi %mul3A_4, %mul3A_18 : i32
      "tpu.region"() ({
        %run_scoped3A = tpu.sem_alloc : memref<!tpu.dma_semaphore, #tpu.memory_space<semaphore_mem>>
        %dma_start3A = tpu.memref_slice %arg2[%add3A_19] : memref<79360xi32, #tpu.memory_space<hbm>> -> memref<80xi32, #tpu.memory_space<hbm>>
        %dma_start3A_20 = tpu.memref_slice %arg2[%add3A_19] : memref<79360xi32, #tpu.memory_space<hbm>> -> memref<80xi32, #tpu.memory_space<hbm>>
        tpu.enqueue_dma source(%dma_start3A_20 : memref<80xi32, #tpu.memory_space<hbm>>) target(%arg6 : memref<80xi32, #tpu.memory_space<vmem>>) target_semaphore(%run_scoped3A : memref<!tpu.dma_semaphore, #tpu.memory_space<semaphore_mem>>)
        %dma_wait3A = tpu.memref_slice %arg2[%add3A_19] : memref<79360xi32, #tpu.memory_space<hbm>> -> memref<80xi32, #tpu.memory_space<hbm>>
        %dma_wait3A_21 = tpu.memref_slice %arg2[%add3A_19] : memref<79360xi32, #tpu.memory_space<hbm>> -> memref<80xi32, #tpu.memory_space<hbm>>
        tpu.wait_dma2 semaphore(%run_scoped3A : memref<!tpu.dma_semaphore, #tpu.memory_space<semaphore_mem>>) src(%dma_wait3A_21 : memref<80xi32, #tpu.memory_space<hbm>>) dst(%arg6 : memref<80xi32, #tpu.memory_space<vmem>>)
        tpu.yield
      }) : () -> ()
      "tpu.region"() ({
        %run_scoped3A = tpu.sem_alloc : memref<!tpu.dma_semaphore, #tpu.memory_space<semaphore_mem>>
        %dma_start3A = arith.constant 0 : i32
        %dma_start3A_20 = tpu.memref_slice %arg3[%add3A_19, %dma_start3A] : memref<79360x128xf32, #tpu.memory_space<hbm>> -> memref<80x128xf32, #tpu.memory_space<hbm>>
        %dma_start3A_21 = arith.constant 0 : i32
        %dma_start3A_22 = tpu.memref_slice %arg3[%add3A_19, %dma_start3A_21] : memref<79360x128xf32, #tpu.memory_space<hbm>> -> memref<80x128xf32, #tpu.memory_space<hbm>>
        tpu.enqueue_dma source(%dma_start3A_22 : memref<80x128xf32, #tpu.memory_space<hbm>>) target(%arg7 : memref<80x128xf32, #tpu.memory_space<vmem>>) target_semaphore(%run_scoped3A : memref<!tpu.dma_semaphore, #tpu.memory_space<semaphore_mem>>)
        %dma_wait3A = arith.constant 0 : i32
        %dma_wait3A_23 = tpu.memref_slice %arg3[%add3A_19, %dma_wait3A] : memref<79360x128xf32, #tpu.memory_space<hbm>> -> memref<80x128xf32, #tpu.memory_space<hbm>>
        %dma_wait3A_24 = arith.constant 0 : i32
        %dma_wait3A_25 = tpu.memref_slice %arg3[%add3A_19, %dma_wait3A_24] : memref<79360x128xf32, #tpu.memory_space<hbm>> -> memref<80x128xf32, #tpu.memory_space<hbm>>
        tpu.wait_dma2 semaphore(%run_scoped3A : memref<!tpu.dma_semaphore, #tpu.memory_space<semaphore_mem>>) src(%dma_wait3A_25 : memref<80x128xf32, #tpu.memory_space<hbm>>) dst(%arg7 : memref<80x128xf32, #tpu.memory_space<vmem>>)
        tpu.yield
      }) : () -> ()
      "tpu.region"() ({
        %run_scoped3A = tpu.sem_alloc : memref<!tpu.dma_semaphore, #tpu.memory_space<semaphore_mem>>
        %dma_start3A = arith.constant 0 : i32
        %dma_start3A_20 = arith.constant 0 : i32
        %dma_start3A_21 = tpu.memref_slice %arg8[%dma_start3A, %dma_start3A_20] : memref<10000x128xf32, #tpu.memory_space<vmem_shared>> -> memref<10000x128xf32, #tpu.memory_space<vmem_shared>>
        tpu.enqueue_indirect_dma source(%arg7 : memref<80x128xf32, #tpu.memory_space<vmem>>) target(%dma_start3A_21 : memref<10000x128xf32, #tpu.memory_space<vmem_shared>>) offsets(%arg6 : memref<80xi32, #tpu.memory_space<vmem>>) semaphore(%run_scoped3A : memref<!tpu.dma_semaphore, #tpu.memory_space<semaphore_mem>>) {add = true}
        %dma_wait3A = arith.constant 0 : i32
        %dma_wait3A_22 = arith.constant 0 : i32
        %dma_wait3A_23 = tpu.memref_slice %arg8[%dma_wait3A, %dma_wait3A_22] : memref<10000x128xf32, #tpu.memory_space<vmem_shared>> -> memref<10000x128xf32, #tpu.memory_space<vmem_shared>>
        tpu.wait_indirect_dma semaphore(%run_scoped3A : memref<!tpu.dma_semaphore, #tpu.memory_space<semaphore_mem>>) src(%arg7 : memref<80x128xf32, #tpu.memory_space<vmem>>) dst(%dma_wait3A_23 : memref<10000x128xf32, #tpu.memory_space<vmem_shared>>)
        tpu.yield
      }) : () -> ()
    }
    %scan3A_9 = arith.constant 31 : i32
    %barrier3A_10 = arith.constant 0 : index
    tpu.barrier barrier_id(%barrier3A_10)
    %eq3A_11 = arith.constant 0 : i32
    %eq3A_12 = arith.cmpi eq, %arg1, %eq3A_11 : i32
    %convert_element_type3A_13 = arith.extui %eq3A_12 : i1 to i32
    %cond3A_14 = arith.constant 0 : i32
    %cond3A_15 = arith.cmpi ne, %convert_element_type3A_13, %cond3A_14 : i32
    scf.if %cond3A_15 {
      "tpu.region"() ({
        %run_scoped3A = tpu.sem_alloc : memref<!tpu.dma_semaphore, #tpu.memory_space<semaphore_mem>>
        %dma_start3A = arith.constant 0 : i32
        %dma_start3A_16 = arith.constant 0 : i32
        %dma_start3A_17 = tpu.memref_slice %arg5[%arg0, %dma_start3A, %dma_start3A_16] : memref<2x10000x128xf32, #tpu.memory_space<hbm>> -> memref<1x10000x128xf32, #tpu.memory_space<hbm>>
        %dma_start3A_18 = tpu.memref_squeeze %dma_start3A_17 : memref<1x10000x128xf32, #tpu.memory_space<hbm>> -> memref<10000x128xf32, #tpu.memory_space<hbm>>
        tpu.enqueue_dma source(%arg8 : memref<10000x128xf32, #tpu.memory_space<vmem_shared>>) target(%dma_start3A_18 : memref<10000x128xf32, #tpu.memory_space<hbm>>) target_semaphore(%run_scoped3A : memref<!tpu.dma_semaphore, #tpu.memory_space<semaphore_mem>>)
        %dma_wait3A = arith.constant 0 : i32
        %dma_wait3A_19 = arith.constant 0 : i32
        %dma_wait3A_20 = tpu.memref_slice %arg5[%arg0, %dma_wait3A, %dma_wait3A_19] : memref<2x10000x128xf32, #tpu.memory_space<hbm>> -> memref<1x10000x128xf32, #tpu.memory_space<hbm>>
        %dma_wait3A_21 = tpu.memref_squeeze %dma_wait3A_20 : memref<1x10000x128xf32, #tpu.memory_space<hbm>> -> memref<10000x128xf32, #tpu.memory_space<hbm>>
        tpu.wait_dma2 semaphore(%run_scoped3A : memref<!tpu.dma_semaphore, #tpu.memory_space<semaphore_mem>>) src(%arg8 : memref<10000x128xf32, #tpu.memory_space<vmem_shared>>) dst(%dma_wait3A_21 : memref<10000x128xf32, #tpu.memory_space<hbm>>)
        tpu.yield
      }) : () -> ()
    } else {
    }
    return
  }
}

#map = affine_map<(d0, d1) -> (0)>
#map1 = affine_map<(d0, d1) -> (0, 0)>
#map2 = affine_map<(d0, d1) -> (0, 0, 0)>
module attributes {stable_mosaic.version = 14 : i64} {
  func.func @_sc_scatter_m_body(%arg0: i32, %arg1: i32, %arg2: memref<79360xi32, #tpu.memory_space<hbm>>, %arg3: memref<79360x128xf32, #tpu.memory_space<hbm>>, %arg4: memref<10000x128xf32, #tpu.memory_space<hbm>>, %arg5: memref<2x10000x128xf32, #tpu.memory_space<hbm>>, %arg6: memref<80xi32, #tpu.memory_space<vmem>>, %arg7: memref<80x128xf32, #tpu.memory_space<vmem>>, %arg8: memref<10000x128xf32, #tpu.memory_space<vmem_shared>>, %arg9: memref<!tpu.dma_semaphore, #tpu.memory_space<semaphore_mem>>) attributes {dimension_semantics = [#tpu.dimension_semantics<core_parallel>, #tpu.dimension_semantics<subcore_parallel>], iteration_bounds = array<i64: 2, 16>, scalar_prefetch = 0 : i64, scratch_operands = 4 : i64, tpu.core_type = #tpu.core_type<sc_vector_subcore>, window_params = [{transform_indices = #map}, {transform_indices = #map1}, {transform_indices = #map1}, {transform_indices = #map2}]} {
    %mul3A = arith.constant 2 : i32
    %mul3A_0 = arith.muli %arg1, %mul3A : i32
    %add3A = arith.addi %mul3A_0, %arg0 : i32
    %eq3A = arith.constant 0 : i32
    %eq3A_1 = arith.cmpi eq, %arg1, %eq3A : i32
    %convert_element_type3A = arith.extui %eq3A_1 : i1 to i32
    %cond3A = arith.constant 0 : i32
    %cond3A_2 = arith.cmpi ne, %convert_element_type3A, %cond3A : i32
    scf.if %cond3A_2 {
      "tpu.region"() ({
        %run_scoped3A = tpu.sem_alloc : memref<!tpu.dma_semaphore, #tpu.memory_space<semaphore_mem>>
        tpu.enqueue_dma source(%arg4 : memref<10000x128xf32, #tpu.memory_space<hbm>>) target(%arg8 : memref<10000x128xf32, #tpu.memory_space<vmem_shared>>) target_semaphore(%run_scoped3A : memref<!tpu.dma_semaphore, #tpu.memory_space<semaphore_mem>>)
        tpu.wait_dma2 semaphore(%run_scoped3A : memref<!tpu.dma_semaphore, #tpu.memory_space<semaphore_mem>>) src(%arg4 : memref<10000x128xf32, #tpu.memory_space<hbm>>) dst(%arg8 : memref<10000x128xf32, #tpu.memory_space<vmem_shared>>)
        tpu.yield
      }) : () -> ()
    } else {
    }
    %barrier3A = arith.constant 0 : index
    tpu.barrier barrier_id(%barrier3A)
    %mul3A_3 = arith.constant 2480 : i32
    %mul3A_4 = arith.muli %add3A, %mul3A_3 : i32
    %scan3A = arith.constant 0 : i32
    %scan3A_5 = arith.constant 0 : i32
    %scan3A_6 = arith.constant 31 : i32
    %scan3A_7 = arith.addi %scan3A_5, %scan3A_6 : i32
    %scan3A_8 = arith.constant 1 : i32
    scf.for %scan3A_16 = %scan3A_5 to %scan3A_7 step %scan3A_8  : i32 {
      %mul3A_17 = arith.constant 80 : i32
      %mul3A_18 = arith.muli %scan3A_16, %mul3A_17 : i32
      %add3A_19 = arith.addi %mul3A_4, %mul3A_18 : i32
      "tpu.region"() ({
        %run_scoped3A = tpu.sem_alloc : memref<!tpu.dma_semaphore, #tpu.memory_space<semaphore_mem>>
        %dma_start3A = tpu.memref_slice %arg2[%add3A_19] : memref<79360xi32, #tpu.memory_space<hbm>> -> memref<80xi32, #tpu.memory_space<hbm>>
        %dma_start3A_20 = tpu.memref_slice %arg2[%add3A_19] : memref<79360xi32, #tpu.memory_space<hbm>> -> memref<80xi32, #tpu.memory_space<hbm>>
        tpu.enqueue_dma source(%dma_start3A_20 : memref<80xi32, #tpu.memory_space<hbm>>) target(%arg6 : memref<80xi32, #tpu.memory_space<vmem>>) target_semaphore(%run_scoped3A : memref<!tpu.dma_semaphore, #tpu.memory_space<semaphore_mem>>)
        %dma_wait3A = tpu.memref_slice %arg2[%add3A_19] : memref<79360xi32, #tpu.memory_space<hbm>> -> memref<80xi32, #tpu.memory_space<hbm>>
        %dma_wait3A_21 = tpu.memref_slice %arg2[%add3A_19] : memref<79360xi32, #tpu.memory_space<hbm>> -> memref<80xi32, #tpu.memory_space<hbm>>
        tpu.wait_dma2 semaphore(%run_scoped3A : memref<!tpu.dma_semaphore, #tpu.memory_space<semaphore_mem>>) src(%dma_wait3A_21 : memref<80xi32, #tpu.memory_space<hbm>>) dst(%arg6 : memref<80xi32, #tpu.memory_space<vmem>>)
        tpu.yield
      }) : () -> ()
      "tpu.region"() ({
        %run_scoped3A = tpu.sem_alloc : memref<!tpu.dma_semaphore, #tpu.memory_space<semaphore_mem>>
        %dma_start3A = arith.constant 0 : i32
        %dma_start3A_20 = tpu.memref_slice %arg3[%add3A_19, %dma_start3A] : memref<79360x128xf32, #tpu.memory_space<hbm>> -> memref<80x128xf32, #tpu.memory_space<hbm>>
        %dma_start3A_21 = arith.constant 0 : i32
        %dma_start3A_22 = tpu.memref_slice %arg3[%add3A_19, %dma_start3A_21] : memref<79360x128xf32, #tpu.memory_space<hbm>> -> memref<80x128xf32, #tpu.memory_space<hbm>>
        tpu.enqueue_dma source(%dma_start3A_22 : memref<80x128xf32, #tpu.memory_space<hbm>>) target(%arg7 : memref<80x128xf32, #tpu.memory_space<vmem>>) target_semaphore(%run_scoped3A : memref<!tpu.dma_semaphore, #tpu.memory_space<semaphore_mem>>)
        %dma_wait3A = arith.constant 0 : i32
        %dma_wait3A_23 = tpu.memref_slice %arg3[%add3A_19, %dma_wait3A] : memref<79360x128xf32, #tpu.memory_space<hbm>> -> memref<80x128xf32, #tpu.memory_space<hbm>>
        %dma_wait3A_24 = arith.constant 0 : i32
        %dma_wait3A_25 = tpu.memref_slice %arg3[%add3A_19, %dma_wait3A_24] : memref<79360x128xf32, #tpu.memory_space<hbm>> -> memref<80x128xf32, #tpu.memory_space<hbm>>
        tpu.wait_dma2 semaphore(%run_scoped3A : memref<!tpu.dma_semaphore, #tpu.memory_space<semaphore_mem>>) src(%dma_wait3A_25 : memref<80x128xf32, #tpu.memory_space<hbm>>) dst(%arg7 : memref<80x128xf32, #tpu.memory_space<vmem>>)
        tpu.yield
      }) : () -> ()
      "tpu.region"() ({
        %run_scoped3A = tpu.sem_alloc : memref<!tpu.dma_semaphore, #tpu.memory_space<semaphore_mem>>
        %dma_start3A = arith.constant 0 : i32
        %dma_start3A_20 = arith.constant 0 : i32
        %dma_start3A_21 = tpu.memref_slice %arg8[%dma_start3A, %dma_start3A_20] : memref<10000x128xf32, #tpu.memory_space<vmem_shared>> -> memref<10000x128xf32, #tpu.memory_space<vmem_shared>>
        tpu.enqueue_indirect_dma source(%arg7 : memref<80x128xf32, #tpu.memory_space<vmem>>) target(%dma_start3A_21 : memref<10000x128xf32, #tpu.memory_space<vmem_shared>>) offsets(%arg6 : memref<80xi32, #tpu.memory_space<vmem>>) semaphore(%run_scoped3A : memref<!tpu.dma_semaphore, #tpu.memory_space<semaphore_mem>>) {add = true}
        %dma_wait3A = arith.constant 0 : i32
        %dma_wait3A_22 = arith.constant 0 : i32
        %dma_wait3A_23 = tpu.memref_slice %arg8[%dma_wait3A, %dma_wait3A_22] : memref<10000x128xf32, #tpu.memory_space<vmem_shared>> -> memref<10000x128xf32, #tpu.memory_space<vmem_shared>>
        tpu.wait_indirect_dma semaphore(%run_scoped3A : memref<!tpu.dma_semaphore, #tpu.memory_space<semaphore_mem>>) src(%arg7 : memref<80x128xf32, #tpu.memory_space<vmem>>) dst(%dma_wait3A_23 : memref<10000x128xf32, #tpu.memory_space<vmem_shared>>)
        tpu.yield
      }) : () -> ()
    }
    %scan3A_9 = arith.constant 31 : i32
    %barrier3A_10 = arith.constant 0 : index
    tpu.barrier barrier_id(%barrier3A_10)
    %eq3A_11 = arith.constant 0 : i32
    %eq3A_12 = arith.cmpi eq, %arg1, %eq3A_11 : i32
    %convert_element_type3A_13 = arith.extui %eq3A_12 : i1 to i32
    %cond3A_14 = arith.constant 0 : i32
    %cond3A_15 = arith.cmpi ne, %convert_element_type3A_13, %cond3A_14 : i32
    scf.if %cond3A_15 {
      "tpu.region"() ({
        %run_scoped3A = tpu.sem_alloc : memref<!tpu.dma_semaphore, #tpu.memory_space<semaphore_mem>>
        %dma_start3A = arith.constant 0 : i32
        %dma_start3A_16 = arith.constant 0 : i32
        %dma_start3A_17 = tpu.memref_slice %arg5[%arg0, %dma_start3A, %dma_start3A_16] : memref<2x10000x128xf32, #tpu.memory_space<hbm>> -> memref<1x10000x128xf32, #tpu.memory_space<hbm>>
        %dma_start3A_18 = tpu.memref_squeeze %dma_start3A_17 : memref<1x10000x128xf32, #tpu.memory_space<hbm>> -> memref<10000x128xf32, #tpu.memory_space<hbm>>
        tpu.enqueue_dma source(%arg8 : memref<10000x128xf32, #tpu.memory_space<vmem_shared>>) target(%dma_start3A_18 : memref<10000x128xf32, #tpu.memory_space<hbm>>) target_semaphore(%run_scoped3A : memref<!tpu.dma_semaphore, #tpu.memory_space<semaphore_mem>>)
        %dma_wait3A = arith.constant 0 : i32
        %dma_wait3A_19 = arith.constant 0 : i32
        %dma_wait3A_20 = tpu.memref_slice %arg5[%arg0, %dma_wait3A, %dma_wait3A_19] : memref<2x10000x128xf32, #tpu.memory_space<hbm>> -> memref<1x10000x128xf32, #tpu.memory_space<hbm>>
        %dma_wait3A_21 = tpu.memref_squeeze %dma_wait3A_20 : memref<1x10000x128xf32, #tpu.memory_space<hbm>> -> memref<10000x128xf32, #tpu.memory_space<hbm>>
        tpu.wait_dma2 semaphore(%run_scoped3A : memref<!tpu.dma_semaphore, #tpu.memory_space<semaphore_mem>>) src(%arg8 : memref<10000x128xf32, #tpu.memory_space<vmem_shared>>) dst(%dma_wait3A_21 : memref<10000x128xf32, #tpu.memory_space<hbm>>)
        tpu.yield
      }) : () -> ()
    } else {
    }
    return
  }
}

module attributes {stable_mosaic.version = 14 : i64} {
  func.func @_tc_edge_body(%arg0: i32, %arg1: memref<512x128xi32, #tpu.memory_space<vmem>>, %arg2: memref<512x128xi32, #tpu.memory_space<vmem>>, %arg3: memref<256x128xbf16, #tpu.memory_space<vmem>>, %arg4: memref<1x128xf32, #tpu.memory_space<vmem>>, %arg5: memref<1x128xf32, #tpu.memory_space<vmem>>, %arg6: memref<128x128xbf16, #tpu.memory_space<vmem>>, %arg7: memref<1x128xf32, #tpu.memory_space<vmem>>, %arg8: memref<128x128xbf16, #tpu.memory_space<vmem>>, %arg9: memref<1x128xf32, #tpu.memory_space<vmem>>, %arg10: memref<1x128xf32, #tpu.memory_space<vmem>>, %arg11: memref<512x128xf32, #tpu.memory_space<vmem>>, %arg12: memref<512xf32, #tpu.memory_space<vmem>>) attributes {dimension_semantics = [#tpu.dimension_semantics<arbitrary>], iteration_bounds = array<i64: 160>, scalar_prefetch = 0 : i64, scratch_operands = 0 : i64, tpu.core_type = #tpu.core_type<tc>, window_params = [{transform_indices = @transform_0, window_bounds = array<i64: 512, 128>}, {transform_indices = @transform_1, window_bounds = array<i64: 512, 128>}, {pipeline_mode = #tpu.pipeline_mode<synchronous>, transform_indices = @transform_2, window_bounds = array<i64: 256, 128>}, {pipeline_mode = #tpu.pipeline_mode<synchronous>, transform_indices = @transform_3, window_bounds = array<i64: 1, 128>}, {pipeline_mode = #tpu.pipeline_mode<synchronous>, transform_indices = @transform_4, window_bounds = array<i64: 1, 128>}, {pipeline_mode = #tpu.pipeline_mode<synchronous>, transform_indices = @transform_5, window_bounds = array<i64: 128, 128>}, {pipeline_mode = #tpu.pipeline_mode<synchronous>, transform_indices = @transform_6, window_bounds = array<i64: 1, 128>}, {pipeline_mode = #tpu.pipeline_mode<synchronous>, transform_indices = @transform_7, window_bounds = array<i64: 128, 128>}, {pipeline_mode = #tpu.pipeline_mode<synchronous>, transform_indices = @transform_8, window_bounds = array<i64: 1, 128>}, {pipeline_mode = #tpu.pipeline_mode<synchronous>, transform_indices = @transform_9, window_bounds = array<i64: 1, 128>}, {transform_indices = @transform_10, window_bounds = array<i64: 512, 128>}, {transform_indices = @transform_11, window_bounds = array<i64: 512>}]} {
    %get3A = arith.constant 0 : index
    %get3A_0 = arith.constant 0 : index
    %get3A_1 = vector.load %arg1[%get3A, %get3A_0] : memref<512x128xi32, #tpu.memory_space<vmem>>, vector<512x128xi32>
    %get3A_2 = arith.constant 0 : index
    %get3A_3 = arith.constant 0 : index
    %get3A_4 = vector.load %arg2[%get3A_2, %get3A_3] : memref<512x128xi32, #tpu.memory_space<vmem>>, vector<512x128xi32>
    %slice3A = vector.extract_strided_slice %get3A_1 {offsets = [0, 64], sizes = [512, 1], strides = [1, 1]} : vector<512x128xi32> to vector<512x1xi32>
    %bitcast_convert_type3A = tpu.bitcast %slice3A : vector<512x1xi32> -> vector<512x1xf32>
    %slice3A_5 = vector.extract_strided_slice %get3A_4 {offsets = [0, 64], sizes = [512, 1], strides = [1, 1]} : vector<512x128xi32> to vector<512x1xi32>
    %bitcast_convert_type3A_6 = tpu.bitcast %slice3A_5 : vector<512x1xi32> -> vector<512x1xf32>
    %sub3A = arith.subf %bitcast_convert_type3A, %bitcast_convert_type3A_6 : vector<512x1xf32>
    %slice3A_7 = vector.extract_strided_slice %get3A_1 {offsets = [0, 65], sizes = [512, 1], strides = [1, 1]} : vector<512x128xi32> to vector<512x1xi32>
    %bitcast_convert_type3A_8 = tpu.bitcast %slice3A_7 : vector<512x1xi32> -> vector<512x1xf32>
    %slice3A_9 = vector.extract_strided_slice %get3A_4 {offsets = [0, 65], sizes = [512, 1], strides = [1, 1]} : vector<512x128xi32> to vector<512x1xi32>
    %bitcast_convert_type3A_10 = tpu.bitcast %slice3A_9 : vector<512x1xi32> -> vector<512x1xf32>
    %sub3A_11 = arith.subf %bitcast_convert_type3A_8, %bitcast_convert_type3A_10 : vector<512x1xf32>
    %slice3A_12 = vector.extract_strided_slice %get3A_1 {offsets = [0, 66], sizes = [512, 1], strides = [1, 1]} : vector<512x128xi32> to vector<512x1xi32>
    %bitcast_convert_type3A_13 = tpu.bitcast %slice3A_12 : vector<512x1xi32> -> vector<512x1xf32>
    %slice3A_14 = vector.extract_strided_slice %get3A_4 {offsets = [0, 66], sizes = [512, 1], strides = [1, 1]} : vector<512x128xi32> to vector<512x1xi32>
    %bitcast_convert_type3A_15 = tpu.bitcast %slice3A_14 : vector<512x1xi32> -> vector<512x1xf32>
    %sub3A_16 = arith.subf %bitcast_convert_type3A_13, %bitcast_convert_type3A_15 : vector<512x1xf32>
    %mul3A = arith.mulf %sub3A, %sub3A : vector<512x1xf32>
    %mul3A_17 = arith.mulf %sub3A_11, %sub3A_11 : vector<512x1xf32>
    %add3A = arith.addf %mul3A, %mul3A_17 : vector<512x1xf32>
    %mul3A_18 = arith.mulf %sub3A_16, %sub3A_16 : vector<512x1xf32>
    %add3A_19 = arith.addf %add3A, %mul3A_18 : vector<512x1xf32>
    %add3A_20 = arith.constant 9.99999993E-9 : f32
    %add3A_21 = vector.broadcast %add3A_20 : f32 to vector<512x1xf32>
    %add3A_22 = arith.addf %add3A_19, %add3A_21 : vector<512x1xf32>
    %sqrt3A = math.sqrt %add3A_22 : vector<512x1xf32>
    %slice3A_23 = vector.extract_strided_slice %get3A_1 {offsets = [0, 0], sizes = [512, 64], strides = [1, 1]} : vector<512x128xi32> to vector<512x64xi32>
    %shift_left3A = arith.constant 16 : i32
    %shift_left3A_24 = vector.broadcast %shift_left3A : i32 to vector<512x64xi32>
    %shift_left3A_25 = arith.shli %slice3A_23, %shift_left3A_24 : vector<512x64xi32>
    %bitcast_convert_type3A_26 = tpu.bitcast %shift_left3A_25 : vector<512x64xi32> -> vector<512x64xf32>
    %and3A = arith.constant -65536 : i32
    %and3A_27 = vector.broadcast %and3A : i32 to vector<512x64xi32>
    %and3A_28 = arith.andi %slice3A_23, %and3A_27 : vector<512x64xi32>
    %bitcast_convert_type3A_29 = tpu.bitcast %and3A_28 : vector<512x64xi32> -> vector<512x64xf32>
    %concatenate3A = tpu.concatenate %bitcast_convert_type3A_26, %bitcast_convert_type3A_29 in 1 : vector<512x64xf32>, vector<512x64xf32> -> vector<512x128xf32>
    %convert_element_type3A = arith.truncf %concatenate3A : vector<512x128xf32> to vector<512x128xbf16>
    %slice3A_30 = vector.extract_strided_slice %get3A_4 {offsets = [0, 0], sizes = [512, 64], strides = [1, 1]} : vector<512x128xi32> to vector<512x64xi32>
    %shift_left3A_31 = arith.constant 16 : i32
    %shift_left3A_32 = vector.broadcast %shift_left3A_31 : i32 to vector<512x64xi32>
    %shift_left3A_33 = arith.shli %slice3A_30, %shift_left3A_32 : vector<512x64xi32>
    %bitcast_convert_type3A_34 = tpu.bitcast %shift_left3A_33 : vector<512x64xi32> -> vector<512x64xf32>
    %and3A_35 = arith.constant -65536 : i32
    %and3A_36 = vector.broadcast %and3A_35 : i32 to vector<512x64xi32>
    %and3A_37 = arith.andi %slice3A_30, %and3A_36 : vector<512x64xi32>
    %bitcast_convert_type3A_38 = tpu.bitcast %and3A_37 : vector<512x64xi32> -> vector<512x64xf32>
    %concatenate3A_39 = tpu.concatenate %bitcast_convert_type3A_34, %bitcast_convert_type3A_38 in 1 : vector<512x64xf32>, vector<512x64xf32> -> vector<512x128xf32>
    %convert_element_type3A_40 = arith.truncf %concatenate3A_39 : vector<512x128xf32> to vector<512x128xbf16>
    %concatenate3A_41 = tpu.concatenate %convert_element_type3A, %convert_element_type3A_40 in 1 : vector<512x128xbf16>, vector<512x128xbf16> -> vector<512x256xbf16>
    %get3A_42 = arith.constant 0 : index
    %get3A_43 = arith.constant 0 : index
    %get3A_44 = vector.load %arg3[%get3A_42, %get3A_43] : memref<256x128xbf16, #tpu.memory_space<vmem>>, vector<256x128xbf16>
    %dot_general3A = arith.constant dense<0.000000e+00> : vector<512x128xf32>
    %dot_general3A_45 = tpu.matmul %concatenate3A_41, %get3A_44, %dot_general3A {dimension_numbers = #tpu.dot_dimension_numbers<[1], [0], [0], [1], [0, 0, 1, 1], [], []>, transpose_lhs_hint = false} : vector<512x256xbf16>, vector<256x128xbf16>, vector<512x128xf32> -> vector<512x128xf32>
    %get3A_46 = arith.constant 0 : index
    %get3A_47 = arith.constant 0 : index
    %get3A_48 = vector.load %arg4[%get3A_46, %get3A_47] : memref<1x128xf32, #tpu.memory_space<vmem>>, vector<1x128xf32>
    %mul3A_49 = vector.broadcast %sqrt3A : vector<512x1xf32> to vector<512x128xf32>
    %mul3A_50 = vector.broadcast %get3A_48 : vector<1x128xf32> to vector<512x128xf32>
    %mul3A_51 = arith.mulf %mul3A_49, %mul3A_50 : vector<512x128xf32>
    %add3A_52 = arith.addf %dot_general3A_45, %mul3A_51 : vector<512x128xf32>
    %get3A_53 = arith.constant 0 : index
    %get3A_54 = arith.constant 0 : index
    %get3A_55 = vector.load %arg5[%get3A_53, %get3A_54] : memref<1x128xf32, #tpu.memory_space<vmem>>, vector<1x128xf32>
    %add3A_56 = vector.broadcast %get3A_55 : vector<1x128xf32> to vector<512x128xf32>
    %add3A_57 = arith.addf %add3A_52, %add3A_56 : vector<512x128xf32>
    %convert_element_type3A_58 = arith.truncf %add3A_57 : vector<512x128xf32> to vector<512x128xbf16>
    %neg3A = arith.constant 0.000000e+00 : bf16
    %neg3A_59 = vector.broadcast %neg3A : bf16 to vector<512x128xbf16>
    %neg3A_60 = arith.subf %neg3A_59, %convert_element_type3A_58 : vector<512x128xbf16>
    %exp3A = math.exp %neg3A_60 : vector<512x128xbf16>
    %add3A_61 = arith.constant 1.000000e+00 : bf16
    %add3A_62 = vector.broadcast %add3A_61 : bf16 to vector<512x128xbf16>
    %add3A_63 = arith.addf %add3A_62, %exp3A : vector<512x128xbf16>
    %div3A = arith.divf %convert_element_type3A_58, %add3A_63 : vector<512x128xbf16>
    %get3A_64 = arith.constant 0 : index
    %get3A_65 = arith.constant 0 : index
    %get3A_66 = vector.load %arg6[%get3A_64, %get3A_65] : memref<128x128xbf16, #tpu.memory_space<vmem>>, vector<128x128xbf16>
    %dot_general3A_67 = arith.constant dense<0.000000e+00> : vector<512x128xf32>
    %dot_general3A_68 = tpu.matmul %div3A, %get3A_66, %dot_general3A_67 {dimension_numbers = #tpu.dot_dimension_numbers<[1], [0], [0], [1], [0, 0, 1, 1], [], []>, transpose_lhs_hint = false} : vector<512x128xbf16>, vector<128x128xbf16>, vector<512x128xf32> -> vector<512x128xf32>
    %get3A_69 = arith.constant 0 : index
    %get3A_70 = arith.constant 0 : index
    %get3A_71 = vector.load %arg7[%get3A_69, %get3A_70] : memref<1x128xf32, #tpu.memory_space<vmem>>, vector<1x128xf32>
    %add3A_72 = vector.broadcast %get3A_71 : vector<1x128xf32> to vector<512x128xf32>
    %add3A_73 = arith.addf %dot_general3A_68, %add3A_72 : vector<512x128xf32>
    %neg3A_74 = arith.constant 0.000000e+00 : f32
    %neg3A_75 = vector.broadcast %neg3A_74 : f32 to vector<512x128xf32>
    %neg3A_76 = arith.subf %neg3A_75, %add3A_73 : vector<512x128xf32>
    %exp3A_77 = math.exp %neg3A_76 : vector<512x128xf32>
    %add3A_78 = arith.constant 1.000000e+00 : f32
    %add3A_79 = vector.broadcast %add3A_78 : f32 to vector<512x128xf32>
    %add3A_80 = arith.addf %add3A_79, %exp3A_77 : vector<512x128xf32>
    %div3A_81 = arith.divf %add3A_73, %add3A_80 : vector<512x128xf32>
    %convert_element_type3A_82 = arith.truncf %div3A_81 : vector<512x128xf32> to vector<512x128xbf16>
    %get3A_83 = arith.constant 0 : index
    %get3A_84 = arith.constant 0 : index
    %get3A_85 = vector.load %arg8[%get3A_83, %get3A_84] : memref<128x128xbf16, #tpu.memory_space<vmem>>, vector<128x128xbf16>
    %dot_general3A_86 = arith.constant dense<0.000000e+00> : vector<512x128xf32>
    %dot_general3A_87 = tpu.matmul %convert_element_type3A_82, %get3A_85, %dot_general3A_86 {dimension_numbers = #tpu.dot_dimension_numbers<[1], [0], [0], [1], [0, 0, 1, 1], [], []>, transpose_lhs_hint = false} : vector<512x128xbf16>, vector<128x128xbf16>, vector<512x128xf32> -> vector<512x128xf32>
    %get3A_88 = arith.constant 0 : index
    %get3A_89 = arith.constant 0 : index
    %get3A_90 = vector.load %arg9[%get3A_88, %get3A_89] : memref<1x128xf32, #tpu.memory_space<vmem>>, vector<1x128xf32>
    %add3A_91 = vector.broadcast %get3A_90 : vector<1x128xf32> to vector<512x128xf32>
    %add3A_92 = arith.addf %dot_general3A_87, %add3A_91 : vector<512x128xf32>
    %convert_element_type3A_93 = arith.truncf %add3A_92 : vector<512x128xf32> to vector<512x128xbf16>
    %neg3A_94 = arith.constant 0.000000e+00 : bf16
    %neg3A_95 = vector.broadcast %neg3A_94 : bf16 to vector<512x128xbf16>
    %neg3A_96 = arith.subf %neg3A_95, %convert_element_type3A_93 : vector<512x128xbf16>
    %exp3A_97 = math.exp %neg3A_96 : vector<512x128xbf16>
    %add3A_98 = arith.constant 1.000000e+00 : bf16
    %add3A_99 = vector.broadcast %add3A_98 : bf16 to vector<512x128xbf16>
    %add3A_100 = arith.addf %add3A_99, %exp3A_97 : vector<512x128xbf16>
    %div3A_101 = arith.divf %convert_element_type3A_93, %add3A_100 : vector<512x128xbf16>
    %convert_element_type3A_102 = arith.extf %div3A_101 : vector<512x128xbf16> to vector<512x128xf32>
    %get3A_103 = arith.constant 0 : index
    %get3A_104 = arith.constant 0 : index
    %get3A_105 = vector.load %arg10[%get3A_103, %get3A_104] : memref<1x128xf32, #tpu.memory_space<vmem>>, vector<1x128xf32>
    %mul3A_106 = vector.broadcast %get3A_105 : vector<1x128xf32> to vector<512x128xf32>
    %mul3A_107 = arith.mulf %convert_element_type3A_102, %mul3A_106 : vector<512x128xf32>
    %reduce_sum3A = arith.constant dense<0.000000e+00> : vector<512xf32>
    %reduce_sum3A_108 = vector.multi_reduction <add>, %mul3A_107, %reduce_sum3A [1] : vector<512x128xf32> to vector<512xf32>
    %broadcast_in_dim3A = vector.shape_cast %reduce_sum3A_108 : vector<512xf32> to vector<512x1xf32>
    %add3A_109 = arith.constant 9.99999993E-9 : f32
    %add3A_110 = vector.broadcast %add3A_109 : f32 to vector<512x1xf32>
    %add3A_111 = arith.addf %sqrt3A, %add3A_110 : vector<512x1xf32>
    %div3A_112 = arith.divf %broadcast_in_dim3A, %add3A_111 : vector<512x1xf32>
    %swap3A = arith.constant 0 : index
    %swap3A_113 = arith.constant 0 : index
    %swap3A_114 = vector.load %arg11[%swap3A, %swap3A_113] : memref<512x128xf32, #tpu.memory_space<vmem>>, vector<512x128xf32>
    tpu.vector_store %arg11[%swap3A, %swap3A_113], %div3A_81 {strides = array<i32>} : memref<512x128xf32, #tpu.memory_space<vmem>>, vector<512x128xf32>,
    %reshape3A = vector.shape_cast %div3A_112 : vector<512x1xf32> to vector<512xf32>
    %swap3A_115 = arith.constant 0 : index
    %swap3A_116 = vector.load %arg12[%swap3A_115] : memref<512xf32, #tpu.memory_space<vmem>>, vector<512xf32>
    tpu.vector_store %arg12[%swap3A_115], %reshape3A {strides = array<i32>} : memref<512xf32, #tpu.memory_space<vmem>>, vector<512xf32>,
    return
  }
  func.func @transform_0(%arg0: i32) -> (i32, i32) {
    %c0_i32 = arith.constant 0 : i32
    %c0_i32_0 = arith.constant 0 : i32
    return %arg0, %c0_i32 : i32, i32
  }
  func.func @transform_1(%arg0: i32) -> (i32, i32) {
    %c0_i32 = arith.constant 0 : i32
    %c0_i32_0 = arith.constant 0 : i32
    return %arg0, %c0_i32 : i32, i32
  }
  func.func @transform_2(%arg0: i32) -> (i32, i32) {
    %c0_i32 = arith.constant 0 : i32
    %c0_i32_0 = arith.constant 0 : i32
    %c0_i32_1 = arith.constant 0 : i32
    return %c0_i32, %c0_i32_0 : i32, i32
  }
  func.func @transform_3(%arg0: i32) -> (i32, i32) {
    %c0_i32 = arith.constant 0 : i32
    %c0_i32_0 = arith.constant 0 : i32
    %c0_i32_1 = arith.constant 0 : i32
    return %c0_i32, %c0_i32_0 : i32, i32
  }
  func.func @transform_4(%arg0: i32) -> (i32, i32) {
    %c0_i32 = arith.constant 0 : i32
    %c0_i32_0 = arith.constant 0 : i32
    %c0_i32_1 = arith.constant 0 : i32
    return %c0_i32, %c0_i32_0 : i32, i32
  }
  func.func @transform_5(%arg0: i32) -> (i32, i32) {
    %c0_i32 = arith.constant 0 : i32
    %c0_i32_0 = arith.constant 0 : i32
    %c0_i32_1 = arith.constant 0 : i32
    return %c0_i32, %c0_i32_0 : i32, i32
  }
  func.func @transform_6(%arg0: i32) -> (i32, i32) {
    %c0_i32 = arith.constant 0 : i32
    %c0_i32_0 = arith.constant 0 : i32
    %c0_i32_1 = arith.constant 0 : i32
    return %c0_i32, %c0_i32_0 : i32, i32
  }
  func.func @transform_7(%arg0: i32) -> (i32, i32) {
    %c0_i32 = arith.constant 0 : i32
    %c0_i32_0 = arith.constant 0 : i32
    %c0_i32_1 = arith.constant 0 : i32
    return %c0_i32, %c0_i32_0 : i32, i32
  }
  func.func @transform_8(%arg0: i32) -> (i32, i32) {
    %c0_i32 = arith.constant 0 : i32
    %c0_i32_0 = arith.constant 0 : i32
    %c0_i32_1 = arith.constant 0 : i32
    return %c0_i32, %c0_i32_0 : i32, i32
  }
  func.func @transform_9(%arg0: i32) -> (i32, i32) {
    %c0_i32 = arith.constant 0 : i32
    %c0_i32_0 = arith.constant 0 : i32
    %c0_i32_1 = arith.constant 0 : i32
    return %c0_i32, %c0_i32_0 : i32, i32
  }
  func.func @transform_10(%arg0: i32) -> (i32, i32) {
    %c0_i32 = arith.constant 0 : i32
    %c0_i32_0 = arith.constant 0 : i32
    return %arg0, %c0_i32 : i32, i32
  }
  func.func @transform_11(%arg0: i32) -> i32 {
    %c0_i32 = arith.constant 0 : i32
    return %arg0 : i32
  }
}

module attributes {stable_mosaic.version = 14 : i64} {
  func.func @_tc_edge_body(%arg0: i32, %arg1: memref<512x128xi32, #tpu.memory_space<vmem>>, %arg2: memref<512x128xi32, #tpu.memory_space<vmem>>, %arg3: memref<256x128xbf16, #tpu.memory_space<vmem>>, %arg4: memref<1x128xf32, #tpu.memory_space<vmem>>, %arg5: memref<1x128xf32, #tpu.memory_space<vmem>>, %arg6: memref<128x128xbf16, #tpu.memory_space<vmem>>, %arg7: memref<1x128xf32, #tpu.memory_space<vmem>>, %arg8: memref<128x128xbf16, #tpu.memory_space<vmem>>, %arg9: memref<1x128xf32, #tpu.memory_space<vmem>>, %arg10: memref<1x128xf32, #tpu.memory_space<vmem>>, %arg11: memref<512x128xf32, #tpu.memory_space<vmem>>, %arg12: memref<512xf32, #tpu.memory_space<vmem>>) attributes {dimension_semantics = [#tpu.dimension_semantics<arbitrary>], iteration_bounds = array<i64: 155>, scalar_prefetch = 0 : i64, scratch_operands = 0 : i64, tpu.core_type = #tpu.core_type<tc>, window_params = [{transform_indices = @transform_0, window_bounds = array<i64: 512, 128>}, {transform_indices = @transform_1, window_bounds = array<i64: 512, 128>}, {pipeline_mode = #tpu.pipeline_mode<synchronous>, transform_indices = @transform_2, window_bounds = array<i64: 256, 128>}, {pipeline_mode = #tpu.pipeline_mode<synchronous>, transform_indices = @transform_3, window_bounds = array<i64: 1, 128>}, {pipeline_mode = #tpu.pipeline_mode<synchronous>, transform_indices = @transform_4, window_bounds = array<i64: 1, 128>}, {pipeline_mode = #tpu.pipeline_mode<synchronous>, transform_indices = @transform_5, window_bounds = array<i64: 128, 128>}, {pipeline_mode = #tpu.pipeline_mode<synchronous>, transform_indices = @transform_6, window_bounds = array<i64: 1, 128>}, {pipeline_mode = #tpu.pipeline_mode<synchronous>, transform_indices = @transform_7, window_bounds = array<i64: 128, 128>}, {pipeline_mode = #tpu.pipeline_mode<synchronous>, transform_indices = @transform_8, window_bounds = array<i64: 1, 128>}, {pipeline_mode = #tpu.pipeline_mode<synchronous>, transform_indices = @transform_9, window_bounds = array<i64: 1, 128>}, {transform_indices = @transform_10, window_bounds = array<i64: 512, 128>}, {transform_indices = @transform_11, window_bounds = array<i64: 512>}]} {
    %get3A = arith.constant 0 : index
    %get3A_0 = arith.constant 0 : index
    %get3A_1 = vector.load %arg1[%get3A, %get3A_0] : memref<512x128xi32, #tpu.memory_space<vmem>>, vector<512x128xi32>
    %get3A_2 = arith.constant 0 : index
    %get3A_3 = arith.constant 0 : index
    %get3A_4 = vector.load %arg2[%get3A_2, %get3A_3] : memref<512x128xi32, #tpu.memory_space<vmem>>, vector<512x128xi32>
    %slice3A = vector.extract_strided_slice %get3A_1 {offsets = [0, 64], sizes = [512, 1], strides = [1, 1]} : vector<512x128xi32> to vector<512x1xi32>
    %bitcast_convert_type3A = tpu.bitcast %slice3A : vector<512x1xi32> -> vector<512x1xf32>
    %slice3A_5 = vector.extract_strided_slice %get3A_4 {offsets = [0, 64], sizes = [512, 1], strides = [1, 1]} : vector<512x128xi32> to vector<512x1xi32>
    %bitcast_convert_type3A_6 = tpu.bitcast %slice3A_5 : vector<512x1xi32> -> vector<512x1xf32>
    %sub3A = arith.subf %bitcast_convert_type3A, %bitcast_convert_type3A_6 : vector<512x1xf32>
    %slice3A_7 = vector.extract_strided_slice %get3A_1 {offsets = [0, 65], sizes = [512, 1], strides = [1, 1]} : vector<512x128xi32> to vector<512x1xi32>
    %bitcast_convert_type3A_8 = tpu.bitcast %slice3A_7 : vector<512x1xi32> -> vector<512x1xf32>
    %slice3A_9 = vector.extract_strided_slice %get3A_4 {offsets = [0, 65], sizes = [512, 1], strides = [1, 1]} : vector<512x128xi32> to vector<512x1xi32>
    %bitcast_convert_type3A_10 = tpu.bitcast %slice3A_9 : vector<512x1xi32> -> vector<512x1xf32>
    %sub3A_11 = arith.subf %bitcast_convert_type3A_8, %bitcast_convert_type3A_10 : vector<512x1xf32>
    %slice3A_12 = vector.extract_strided_slice %get3A_1 {offsets = [0, 66], sizes = [512, 1], strides = [1, 1]} : vector<512x128xi32> to vector<512x1xi32>
    %bitcast_convert_type3A_13 = tpu.bitcast %slice3A_12 : vector<512x1xi32> -> vector<512x1xf32>
    %slice3A_14 = vector.extract_strided_slice %get3A_4 {offsets = [0, 66], sizes = [512, 1], strides = [1, 1]} : vector<512x128xi32> to vector<512x1xi32>
    %bitcast_convert_type3A_15 = tpu.bitcast %slice3A_14 : vector<512x1xi32> -> vector<512x1xf32>
    %sub3A_16 = arith.subf %bitcast_convert_type3A_13, %bitcast_convert_type3A_15 : vector<512x1xf32>
    %mul3A = arith.mulf %sub3A, %sub3A : vector<512x1xf32>
    %mul3A_17 = arith.mulf %sub3A_11, %sub3A_11 : vector<512x1xf32>
    %add3A = arith.addf %mul3A, %mul3A_17 : vector<512x1xf32>
    %mul3A_18 = arith.mulf %sub3A_16, %sub3A_16 : vector<512x1xf32>
    %add3A_19 = arith.addf %add3A, %mul3A_18 : vector<512x1xf32>
    %add3A_20 = arith.constant 9.99999993E-9 : f32
    %add3A_21 = vector.broadcast %add3A_20 : f32 to vector<512x1xf32>
    %add3A_22 = arith.addf %add3A_19, %add3A_21 : vector<512x1xf32>
    %sqrt3A = math.sqrt %add3A_22 : vector<512x1xf32>
    %slice3A_23 = vector.extract_strided_slice %get3A_1 {offsets = [0, 0], sizes = [512, 64], strides = [1, 1]} : vector<512x128xi32> to vector<512x64xi32>
    %shift_left3A = arith.constant 16 : i32
    %shift_left3A_24 = vector.broadcast %shift_left3A : i32 to vector<512x64xi32>
    %shift_left3A_25 = arith.shli %slice3A_23, %shift_left3A_24 : vector<512x64xi32>
    %bitcast_convert_type3A_26 = tpu.bitcast %shift_left3A_25 : vector<512x64xi32> -> vector<512x64xf32>
    %and3A = arith.constant -65536 : i32
    %and3A_27 = vector.broadcast %and3A : i32 to vector<512x64xi32>
    %and3A_28 = arith.andi %slice3A_23, %and3A_27 : vector<512x64xi32>
    %bitcast_convert_type3A_29 = tpu.bitcast %and3A_28 : vector<512x64xi32> -> vector<512x64xf32>
    %concatenate3A = tpu.concatenate %bitcast_convert_type3A_26, %bitcast_convert_type3A_29 in 1 : vector<512x64xf32>, vector<512x64xf32> -> vector<512x128xf32>
    %convert_element_type3A = arith.truncf %concatenate3A : vector<512x128xf32> to vector<512x128xbf16>
    %slice3A_30 = vector.extract_strided_slice %get3A_4 {offsets = [0, 0], sizes = [512, 64], strides = [1, 1]} : vector<512x128xi32> to vector<512x64xi32>
    %shift_left3A_31 = arith.constant 16 : i32
    %shift_left3A_32 = vector.broadcast %shift_left3A_31 : i32 to vector<512x64xi32>
    %shift_left3A_33 = arith.shli %slice3A_30, %shift_left3A_32 : vector<512x64xi32>
    %bitcast_convert_type3A_34 = tpu.bitcast %shift_left3A_33 : vector<512x64xi32> -> vector<512x64xf32>
    %and3A_35 = arith.constant -65536 : i32
    %and3A_36 = vector.broadcast %and3A_35 : i32 to vector<512x64xi32>
    %and3A_37 = arith.andi %slice3A_30, %and3A_36 : vector<512x64xi32>
    %bitcast_convert_type3A_38 = tpu.bitcast %and3A_37 : vector<512x64xi32> -> vector<512x64xf32>
    %concatenate3A_39 = tpu.concatenate %bitcast_convert_type3A_34, %bitcast_convert_type3A_38 in 1 : vector<512x64xf32>, vector<512x64xf32> -> vector<512x128xf32>
    %convert_element_type3A_40 = arith.truncf %concatenate3A_39 : vector<512x128xf32> to vector<512x128xbf16>
    %concatenate3A_41 = tpu.concatenate %convert_element_type3A, %convert_element_type3A_40 in 1 : vector<512x128xbf16>, vector<512x128xbf16> -> vector<512x256xbf16>
    %get3A_42 = arith.constant 0 : index
    %get3A_43 = arith.constant 0 : index
    %get3A_44 = vector.load %arg3[%get3A_42, %get3A_43] : memref<256x128xbf16, #tpu.memory_space<vmem>>, vector<256x128xbf16>
    %dot_general3A = arith.constant dense<0.000000e+00> : vector<512x128xf32>
    %dot_general3A_45 = tpu.matmul %concatenate3A_41, %get3A_44, %dot_general3A {dimension_numbers = #tpu.dot_dimension_numbers<[1], [0], [0], [1], [0, 0, 1, 1], [], []>, transpose_lhs_hint = false} : vector<512x256xbf16>, vector<256x128xbf16>, vector<512x128xf32> -> vector<512x128xf32>
    %get3A_46 = arith.constant 0 : index
    %get3A_47 = arith.constant 0 : index
    %get3A_48 = vector.load %arg4[%get3A_46, %get3A_47] : memref<1x128xf32, #tpu.memory_space<vmem>>, vector<1x128xf32>
    %mul3A_49 = vector.broadcast %sqrt3A : vector<512x1xf32> to vector<512x128xf32>
    %mul3A_50 = vector.broadcast %get3A_48 : vector<1x128xf32> to vector<512x128xf32>
    %mul3A_51 = arith.mulf %mul3A_49, %mul3A_50 : vector<512x128xf32>
    %add3A_52 = arith.addf %dot_general3A_45, %mul3A_51 : vector<512x128xf32>
    %get3A_53 = arith.constant 0 : index
    %get3A_54 = arith.constant 0 : index
    %get3A_55 = vector.load %arg5[%get3A_53, %get3A_54] : memref<1x128xf32, #tpu.memory_space<vmem>>, vector<1x128xf32>
    %add3A_56 = vector.broadcast %get3A_55 : vector<1x128xf32> to vector<512x128xf32>
    %add3A_57 = arith.addf %add3A_52, %add3A_56 : vector<512x128xf32>
    %convert_element_type3A_58 = arith.truncf %add3A_57 : vector<512x128xf32> to vector<512x128xbf16>
    %neg3A = arith.constant 0.000000e+00 : bf16
    %neg3A_59 = vector.broadcast %neg3A : bf16 to vector<512x128xbf16>
    %neg3A_60 = arith.subf %neg3A_59, %convert_element_type3A_58 : vector<512x128xbf16>
    %exp3A = math.exp %neg3A_60 : vector<512x128xbf16>
    %add3A_61 = arith.constant 1.000000e+00 : bf16
    %add3A_62 = vector.broadcast %add3A_61 : bf16 to vector<512x128xbf16>
    %add3A_63 = arith.addf %add3A_62, %exp3A : vector<512x128xbf16>
    %div3A = arith.divf %convert_element_type3A_58, %add3A_63 : vector<512x128xbf16>
    %get3A_64 = arith.constant 0 : index
    %get3A_65 = arith.constant 0 : index
    %get3A_66 = vector.load %arg6[%get3A_64, %get3A_65] : memref<128x128xbf16, #tpu.memory_space<vmem>>, vector<128x128xbf16>
    %dot_general3A_67 = arith.constant dense<0.000000e+00> : vector<512x128xf32>
    %dot_general3A_68 = tpu.matmul %div3A, %get3A_66, %dot_general3A_67 {dimension_numbers = #tpu.dot_dimension_numbers<[1], [0], [0], [1], [0, 0, 1, 1], [], []>, transpose_lhs_hint = false} : vector<512x128xbf16>, vector<128x128xbf16>, vector<512x128xf32> -> vector<512x128xf32>
    %get3A_69 = arith.constant 0 : index
    %get3A_70 = arith.constant 0 : index
    %get3A_71 = vector.load %arg7[%get3A_69, %get3A_70] : memref<1x128xf32, #tpu.memory_space<vmem>>, vector<1x128xf32>
    %add3A_72 = vector.broadcast %get3A_71 : vector<1x128xf32> to vector<512x128xf32>
    %add3A_73 = arith.addf %dot_general3A_68, %add3A_72 : vector<512x128xf32>
    %neg3A_74 = arith.constant 0.000000e+00 : f32
    %neg3A_75 = vector.broadcast %neg3A_74 : f32 to vector<512x128xf32>
    %neg3A_76 = arith.subf %neg3A_75, %add3A_73 : vector<512x128xf32>
    %exp3A_77 = math.exp %neg3A_76 : vector<512x128xf32>
    %add3A_78 = arith.constant 1.000000e+00 : f32
    %add3A_79 = vector.broadcast %add3A_78 : f32 to vector<512x128xf32>
    %add3A_80 = arith.addf %add3A_79, %exp3A_77 : vector<512x128xf32>
    %div3A_81 = arith.divf %add3A_73, %add3A_80 : vector<512x128xf32>
    %convert_element_type3A_82 = arith.truncf %div3A_81 : vector<512x128xf32> to vector<512x128xbf16>
    %get3A_83 = arith.constant 0 : index
    %get3A_84 = arith.constant 0 : index
    %get3A_85 = vector.load %arg8[%get3A_83, %get3A_84] : memref<128x128xbf16, #tpu.memory_space<vmem>>, vector<128x128xbf16>
    %dot_general3A_86 = arith.constant dense<0.000000e+00> : vector<512x128xf32>
    %dot_general3A_87 = tpu.matmul %convert_element_type3A_82, %get3A_85, %dot_general3A_86 {dimension_numbers = #tpu.dot_dimension_numbers<[1], [0], [0], [1], [0, 0, 1, 1], [], []>, transpose_lhs_hint = false} : vector<512x128xbf16>, vector<128x128xbf16>, vector<512x128xf32> -> vector<512x128xf32>
    %get3A_88 = arith.constant 0 : index
    %get3A_89 = arith.constant 0 : index
    %get3A_90 = vector.load %arg9[%get3A_88, %get3A_89] : memref<1x128xf32, #tpu.memory_space<vmem>>, vector<1x128xf32>
    %add3A_91 = vector.broadcast %get3A_90 : vector<1x128xf32> to vector<512x128xf32>
    %add3A_92 = arith.addf %dot_general3A_87, %add3A_91 : vector<512x128xf32>
    %convert_element_type3A_93 = arith.truncf %add3A_92 : vector<512x128xf32> to vector<512x128xbf16>
    %neg3A_94 = arith.constant 0.000000e+00 : bf16
    %neg3A_95 = vector.broadcast %neg3A_94 : bf16 to vector<512x128xbf16>
    %neg3A_96 = arith.subf %neg3A_95, %convert_element_type3A_93 : vector<512x128xbf16>
    %exp3A_97 = math.exp %neg3A_96 : vector<512x128xbf16>
    %add3A_98 = arith.constant 1.000000e+00 : bf16
    %add3A_99 = vector.broadcast %add3A_98 : bf16 to vector<512x128xbf16>
    %add3A_100 = arith.addf %add3A_99, %exp3A_97 : vector<512x128xbf16>
    %div3A_101 = arith.divf %convert_element_type3A_93, %add3A_100 : vector<512x128xbf16>
    %convert_element_type3A_102 = arith.extf %div3A_101 : vector<512x128xbf16> to vector<512x128xf32>
    %get3A_103 = arith.constant 0 : index
    %get3A_104 = arith.constant 0 : index
    %get3A_105 = vector.load %arg10[%get3A_103, %get3A_104] : memref<1x128xf32, #tpu.memory_space<vmem>>, vector<1x128xf32>
    %mul3A_106 = vector.broadcast %get3A_105 : vector<1x128xf32> to vector<512x128xf32>
    %mul3A_107 = arith.mulf %convert_element_type3A_102, %mul3A_106 : vector<512x128xf32>
    %reduce_sum3A = arith.constant dense<0.000000e+00> : vector<512xf32>
    %reduce_sum3A_108 = vector.multi_reduction <add>, %mul3A_107, %reduce_sum3A [1] : vector<512x128xf32> to vector<512xf32>
    %broadcast_in_dim3A = vector.shape_cast %reduce_sum3A_108 : vector<512xf32> to vector<512x1xf32>
    %add3A_109 = arith.constant 9.99999993E-9 : f32
    %add3A_110 = vector.broadcast %add3A_109 : f32 to vector<512x1xf32>
    %add3A_111 = arith.addf %sqrt3A, %add3A_110 : vector<512x1xf32>
    %div3A_112 = arith.divf %broadcast_in_dim3A, %add3A_111 : vector<512x1xf32>
    %swap3A = arith.constant 0 : index
    %swap3A_113 = arith.constant 0 : index
    %swap3A_114 = vector.load %arg11[%swap3A, %swap3A_113] : memref<512x128xf32, #tpu.memory_space<vmem>>, vector<512x128xf32>
    tpu.vector_store %arg11[%swap3A, %swap3A_113], %div3A_81 {strides = array<i32>} : memref<512x128xf32, #tpu.memory_space<vmem>>, vector<512x128xf32>,
    %reshape3A = vector.shape_cast %div3A_112 : vector<512x1xf32> to vector<512xf32>
    %swap3A_115 = arith.constant 0 : index
    %swap3A_116 = vector.load %arg12[%swap3A_115] : memref<512xf32, #tpu.memory_space<vmem>>, vector<512xf32>
    tpu.vector_store %arg12[%swap3A_115], %reshape3A {strides = array<i32>} : memref<512xf32, #tpu.memory_space<vmem>>, vector<512xf32>,
    return
  }
  func.func @transform_0(%arg0: i32) -> (i32, i32) {
    %c0_i32 = arith.constant 0 : i32
    %c0_i32_0 = arith.constant 0 : i32
    return %arg0, %c0_i32 : i32, i32
  }
  func.func @transform_1(%arg0: i32) -> (i32, i32) {
    %c0_i32 = arith.constant 0 : i32
    %c0_i32_0 = arith.constant 0 : i32
    return %arg0, %c0_i32 : i32, i32
  }
  func.func @transform_2(%arg0: i32) -> (i32, i32) {
    %c0_i32 = arith.constant 0 : i32
    %c0_i32_0 = arith.constant 0 : i32
    %c0_i32_1 = arith.constant 0 : i32
    return %c0_i32, %c0_i32_0 : i32, i32
  }
  func.func @transform_3(%arg0: i32) -> (i32, i32) {
    %c0_i32 = arith.constant 0 : i32
    %c0_i32_0 = arith.constant 0 : i32
    %c0_i32_1 = arith.constant 0 : i32
    return %c0_i32, %c0_i32_0 : i32, i32
  }
  func.func @transform_4(%arg0: i32) -> (i32, i32) {
    %c0_i32 = arith.constant 0 : i32
    %c0_i32_0 = arith.constant 0 : i32
    %c0_i32_1 = arith.constant 0 : i32
    return %c0_i32, %c0_i32_0 : i32, i32
  }
  func.func @transform_5(%arg0: i32) -> (i32, i32) {
    %c0_i32 = arith.constant 0 : i32
    %c0_i32_0 = arith.constant 0 : i32
    %c0_i32_1 = arith.constant 0 : i32
    return %c0_i32, %c0_i32_0 : i32, i32
  }
  func.func @transform_6(%arg0: i32) -> (i32, i32) {
    %c0_i32 = arith.constant 0 : i32
    %c0_i32_0 = arith.constant 0 : i32
    %c0_i32_1 = arith.constant 0 : i32
    return %c0_i32, %c0_i32_0 : i32, i32
  }
  func.func @transform_7(%arg0: i32) -> (i32, i32) {
    %c0_i32 = arith.constant 0 : i32
    %c0_i32_0 = arith.constant 0 : i32
    %c0_i32_1 = arith.constant 0 : i32
    return %c0_i32, %c0_i32_0 : i32, i32
  }
  func.func @transform_8(%arg0: i32) -> (i32, i32) {
    %c0_i32 = arith.constant 0 : i32
    %c0_i32_0 = arith.constant 0 : i32
    %c0_i32_1 = arith.constant 0 : i32
    return %c0_i32, %c0_i32_0 : i32, i32
  }
  func.func @transform_9(%arg0: i32) -> (i32, i32) {
    %c0_i32 = arith.constant 0 : i32
    %c0_i32_0 = arith.constant 0 : i32
    %c0_i32_1 = arith.constant 0 : i32
    return %c0_i32, %c0_i32_0 : i32, i32
  }
  func.func @transform_10(%arg0: i32) -> (i32, i32) {
    %c0_i32 = arith.constant 0 : i32
    %c0_i32_0 = arith.constant 0 : i32
    return %arg0, %c0_i32 : i32, i32
  }
  func.func @transform_11(%arg0: i32) -> i32 {
    %c0_i32 = arith.constant 0 : i32
    return %arg0 : i32
  }
}

module attributes {stable_mosaic.version = 14 : i64} {
  func.func @_tc_node_body(%arg0: i32, %arg1: memref<1000x128xf32, #tpu.memory_space<vmem>>, %arg2: memref<1000x16xf32, #tpu.memory_space<vmem>>, %arg3: memref<8x1000x128xf32, #tpu.memory_space<vmem>>, %arg4: memref<8x1000x16xf32, #tpu.memory_space<vmem>>, %arg5: memref<128x128xf32, #tpu.memory_space<vmem>>, %arg6: memref<128x128xf32, #tpu.memory_space<vmem>>, %arg7: memref<1x128xf32, #tpu.memory_space<vmem>>, %arg8: memref<128x128xf32, #tpu.memory_space<vmem>>, %arg9: memref<1x128xf32, #tpu.memory_space<vmem>>, %arg10: memref<1x128xf32, #tpu.memory_space<vmem>>, %arg11: memref<1x128xf32, #tpu.memory_space<vmem>>, %arg12: memref<1000x128xf32, #tpu.memory_space<vmem>>, %arg13: memref<1000x16xf32, #tpu.memory_space<vmem>>) attributes {dimension_semantics = [#tpu.dimension_semantics<arbitrary>], iteration_bounds = array<i64: 10>, scalar_prefetch = 0 : i64, scratch_operands = 0 : i64, tpu.core_type = #tpu.core_type<tc>, window_params = [{transform_indices = @transform_0, window_bounds = array<i64: 1000, 128>}, {transform_indices = @transform_1, window_bounds = array<i64: 1000, 16>}, {transform_indices = @transform_2, window_bounds = array<i64: 8, 1000, 128>}, {transform_indices = @transform_3, window_bounds = array<i64: 8, 1000, 16>}, {pipeline_mode = #tpu.pipeline_mode<synchronous>, transform_indices = @transform_4, window_bounds = array<i64: 128, 128>}, {pipeline_mode = #tpu.pipeline_mode<synchronous>, transform_indices = @transform_5, window_bounds = array<i64: 128, 128>}, {pipeline_mode = #tpu.pipeline_mode<synchronous>, transform_indices = @transform_6, window_bounds = array<i64: 1, 128>}, {pipeline_mode = #tpu.pipeline_mode<synchronous>, transform_indices = @transform_7, window_bounds = array<i64: 128, 128>}, {pipeline_mode = #tpu.pipeline_mode<synchronous>, transform_indices = @transform_8, window_bounds = array<i64: 1, 128>}, {pipeline_mode = #tpu.pipeline_mode<synchronous>, transform_indices = @transform_9, window_bounds = array<i64: 1, 128>}, {pipeline_mode = #tpu.pipeline_mode<synchronous>, transform_indices = @transform_10, window_bounds = array<i64: 1, 128>}, {transform_indices = @transform_11, window_bounds = array<i64: 1000, 128>}, {transform_indices = @transform_12, window_bounds = array<i64: 1000, 16>}]} {
    %get3A = arith.constant 0 : index
    %get3A_0 = arith.constant 0 : index
    %get3A_1 = arith.constant 0 : index
    %get3A_2 = vector.load %arg3[%get3A, %get3A_0, %get3A_1] : memref<8x1000x128xf32, #tpu.memory_space<vmem>>, vector<1x1000x128xf32>
    %get3A_3 = vector.shape_cast %get3A_2 : vector<1x1000x128xf32> to vector<1000x128xf32>
    %get3A_4 = arith.constant 1 : index
    %get3A_5 = arith.constant 0 : index
    %get3A_6 = arith.constant 0 : index
    %get3A_7 = vector.load %arg3[%get3A_4, %get3A_5, %get3A_6] : memref<8x1000x128xf32, #tpu.memory_space<vmem>>, vector<1x1000x128xf32>
    %get3A_8 = vector.shape_cast %get3A_7 : vector<1x1000x128xf32> to vector<1000x128xf32>
    %add3A = arith.addf %get3A_3, %get3A_8 : vector<1000x128xf32>
    %get3A_9 = arith.constant 2 : index
    %get3A_10 = arith.constant 0 : index
    %get3A_11 = arith.constant 0 : index
    %get3A_12 = vector.load %arg3[%get3A_9, %get3A_10, %get3A_11] : memref<8x1000x128xf32, #tpu.memory_space<vmem>>, vector<1x1000x128xf32>
    %get3A_13 = vector.shape_cast %get3A_12 : vector<1x1000x128xf32> to vector<1000x128xf32>
    %add3A_14 = arith.addf %add3A, %get3A_13 : vector<1000x128xf32>
    %get3A_15 = arith.constant 3 : index
    %get3A_16 = arith.constant 0 : index
    %get3A_17 = arith.constant 0 : index
    %get3A_18 = vector.load %arg3[%get3A_15, %get3A_16, %get3A_17] : memref<8x1000x128xf32, #tpu.memory_space<vmem>>, vector<1x1000x128xf32>
    %get3A_19 = vector.shape_cast %get3A_18 : vector<1x1000x128xf32> to vector<1000x128xf32>
    %add3A_20 = arith.addf %add3A_14, %get3A_19 : vector<1000x128xf32>
    %get3A_21 = arith.constant 4 : index
    %get3A_22 = arith.constant 0 : index
    %get3A_23 = arith.constant 0 : index
    %get3A_24 = vector.load %arg3[%get3A_21, %get3A_22, %get3A_23] : memref<8x1000x128xf32, #tpu.memory_space<vmem>>, vector<1x1000x128xf32>
    %get3A_25 = vector.shape_cast %get3A_24 : vector<1x1000x128xf32> to vector<1000x128xf32>
    %add3A_26 = arith.addf %add3A_20, %get3A_25 : vector<1000x128xf32>
    %get3A_27 = arith.constant 5 : index
    %get3A_28 = arith.constant 0 : index
    %get3A_29 = arith.constant 0 : index
    %get3A_30 = vector.load %arg3[%get3A_27, %get3A_28, %get3A_29] : memref<8x1000x128xf32, #tpu.memory_space<vmem>>, vector<1x1000x128xf32>
    %get3A_31 = vector.shape_cast %get3A_30 : vector<1x1000x128xf32> to vector<1000x128xf32>
    %add3A_32 = arith.addf %add3A_26, %get3A_31 : vector<1000x128xf32>
    %get3A_33 = arith.constant 6 : index
    %get3A_34 = arith.constant 0 : index
    %get3A_35 = arith.constant 0 : index
    %get3A_36 = vector.load %arg3[%get3A_33, %get3A_34, %get3A_35] : memref<8x1000x128xf32, #tpu.memory_space<vmem>>, vector<1x1000x128xf32>
    %get3A_37 = vector.shape_cast %get3A_36 : vector<1x1000x128xf32> to vector<1000x128xf32>
    %add3A_38 = arith.addf %add3A_32, %get3A_37 : vector<1000x128xf32>
    %get3A_39 = arith.constant 7 : index
    %get3A_40 = arith.constant 0 : index
    %get3A_41 = arith.constant 0 : index
    %get3A_42 = vector.load %arg3[%get3A_39, %get3A_40, %get3A_41] : memref<8x1000x128xf32, #tpu.memory_space<vmem>>, vector<1x1000x128xf32>
    %get3A_43 = vector.shape_cast %get3A_42 : vector<1x1000x128xf32> to vector<1000x128xf32>
    %add3A_44 = arith.addf %add3A_38, %get3A_43 : vector<1000x128xf32>
    %get3A_45 = arith.constant 0 : index
    %get3A_46 = arith.constant 0 : index
    %get3A_47 = vector.load %arg1[%get3A_45, %get3A_46] : memref<1000x128xf32, #tpu.memory_space<vmem>>, vector<1000x128xf32>
    %get3A_48 = arith.constant 0 : index
    %get3A_49 = arith.constant 0 : index
    %get3A_50 = vector.load %arg5[%get3A_48, %get3A_49] : memref<128x128xf32, #tpu.memory_space<vmem>>, vector<128x128xf32>
    %dot_general3A = arith.constant dense<0.000000e+00> : vector<1000x128xf32>
    %dot_general3A_51 = tpu.matmul %get3A_47, %get3A_50, %dot_general3A {dimension_numbers = #tpu.dot_dimension_numbers<[1], [0], [0], [1], [0, 0, 1, 1], [], []>, transpose_lhs_hint = false} : vector<1000x128xf32>, vector<128x128xf32>, vector<1000x128xf32> -> vector<1000x128xf32>
    %get3A_52 = arith.constant 0 : index
    %get3A_53 = arith.constant 0 : index
    %get3A_54 = vector.load %arg6[%get3A_52, %get3A_53] : memref<128x128xf32, #tpu.memory_space<vmem>>, vector<128x128xf32>
    %dot_general3A_55 = arith.constant dense<0.000000e+00> : vector<1000x128xf32>
    %dot_general3A_56 = tpu.matmul %add3A_44, %get3A_54, %dot_general3A_55 {dimension_numbers = #tpu.dot_dimension_numbers<[1], [0], [0], [1], [0, 0, 1, 1], [], []>, transpose_lhs_hint = false} : vector<1000x128xf32>, vector<128x128xf32>, vector<1000x128xf32> -> vector<1000x128xf32>
    %add3A_57 = arith.addf %dot_general3A_51, %dot_general3A_56 : vector<1000x128xf32>
    %get3A_58 = arith.constant 0 : index
    %get3A_59 = arith.constant 0 : index
    %get3A_60 = vector.load %arg7[%get3A_58, %get3A_59] : memref<1x128xf32, #tpu.memory_space<vmem>>, vector<1x128xf32>
    %add3A_61 = vector.broadcast %get3A_60 : vector<1x128xf32> to vector<1000x128xf32>
    %add3A_62 = arith.addf %add3A_57, %add3A_61 : vector<1000x128xf32>
    %neg3A = arith.constant 0.000000e+00 : f32
    %neg3A_63 = vector.broadcast %neg3A : f32 to vector<1000x128xf32>
    %neg3A_64 = arith.subf %neg3A_63, %add3A_62 : vector<1000x128xf32>
    %exp3A = math.exp %neg3A_64 : vector<1000x128xf32>
    %add3A_65 = arith.constant 1.000000e+00 : f32
    %add3A_66 = vector.broadcast %add3A_65 : f32 to vector<1000x128xf32>
    %add3A_67 = arith.addf %add3A_66, %exp3A : vector<1000x128xf32>
    %div3A = arith.divf %add3A_62, %add3A_67 : vector<1000x128xf32>
    %get3A_68 = arith.constant 0 : index
    %get3A_69 = arith.constant 0 : index
    %get3A_70 = vector.load %arg8[%get3A_68, %get3A_69] : memref<128x128xf32, #tpu.memory_space<vmem>>, vector<128x128xf32>
    %dot_general3A_71 = arith.constant dense<0.000000e+00> : vector<1000x128xf32>
    %dot_general3A_72 = tpu.matmul %div3A, %get3A_70, %dot_general3A_71 {dimension_numbers = #tpu.dot_dimension_numbers<[1], [0], [0], [1], [0, 0, 1, 1], [], []>, transpose_lhs_hint = false} : vector<1000x128xf32>, vector<128x128xf32>, vector<1000x128xf32> -> vector<1000x128xf32>
    %get3A_73 = arith.constant 0 : index
    %get3A_74 = arith.constant 0 : index
    %get3A_75 = vector.load %arg9[%get3A_73, %get3A_74] : memref<1x128xf32, #tpu.memory_space<vmem>>, vector<1x128xf32>
    %add3A_76 = vector.broadcast %get3A_75 : vector<1x128xf32> to vector<1000x128xf32>
    %add3A_77 = arith.addf %dot_general3A_72, %add3A_76 : vector<1000x128xf32>
    %get3A_78 = arith.constant 0 : index
    %get3A_79 = arith.constant 0 : index
    %get3A_80 = vector.load %arg1[%get3A_78, %get3A_79] : memref<1000x128xf32, #tpu.memory_space<vmem>>, vector<1000x128xf32>
    %add3A_81 = arith.addf %get3A_80, %add3A_77 : vector<1000x128xf32>
    %reduce_sum3A = arith.constant dense<0.000000e+00> : vector<1000xf32>
    %reduce_sum3A_82 = vector.multi_reduction <add>, %add3A_81, %reduce_sum3A [1] : vector<1000x128xf32> to vector<1000xf32>
    %broadcast_in_dim3A = vector.shape_cast %reduce_sum3A_82 : vector<1000xf32> to vector<1000x1xf32>
    %div3A_83 = arith.constant 1.280000e+02 : f32
    %div3A_84 = vector.broadcast %div3A_83 : f32 to vector<1000x1xf32>
    %div3A_85 = arith.divf %broadcast_in_dim3A, %div3A_84 : vector<1000x1xf32>
    %sub3A = vector.broadcast %div3A_85 : vector<1000x1xf32> to vector<1000x128xf32>
    %sub3A_86 = arith.subf %add3A_81, %sub3A : vector<1000x128xf32>
    %sub3A_87 = vector.broadcast %div3A_85 : vector<1000x1xf32> to vector<1000x128xf32>
    %sub3A_88 = arith.subf %add3A_81, %sub3A_87 : vector<1000x128xf32>
    %mul3A = arith.mulf %sub3A_86, %sub3A_88 : vector<1000x128xf32>
    %reduce_sum3A_89 = arith.constant dense<0.000000e+00> : vector<1000xf32>
    %reduce_sum3A_90 = vector.multi_reduction <add>, %mul3A, %reduce_sum3A_89 [1] : vector<1000x128xf32> to vector<1000xf32>
    %broadcast_in_dim3A_91 = vector.shape_cast %reduce_sum3A_90 : vector<1000xf32> to vector<1000x1xf32>
    %div3A_92 = arith.constant 1.280000e+02 : f32
    %div3A_93 = vector.broadcast %div3A_92 : f32 to vector<1000x1xf32>
    %div3A_94 = arith.divf %broadcast_in_dim3A_91, %div3A_93 : vector<1000x1xf32>
    %sub3A_95 = vector.broadcast %div3A_85 : vector<1000x1xf32> to vector<1000x128xf32>
    %sub3A_96 = arith.subf %add3A_81, %sub3A_95 : vector<1000x128xf32>
    %add3A_97 = arith.constant 9.99999974E-6 : f32
    %add3A_98 = vector.broadcast %add3A_97 : f32 to vector<1000x1xf32>
    %add3A_99 = arith.addf %div3A_94, %add3A_98 : vector<1000x1xf32>
    %rsqrt3A = math.rsqrt %add3A_99 : vector<1000x1xf32>
    %mul3A_100 = vector.broadcast %rsqrt3A : vector<1000x1xf32> to vector<1000x128xf32>
    %mul3A_101 = arith.mulf %sub3A_96, %mul3A_100 : vector<1000x128xf32>
    %get3A_102 = arith.constant 0 : index
    %get3A_103 = arith.constant 0 : index
    %get3A_104 = vector.load %arg10[%get3A_102, %get3A_103] : memref<1x128xf32, #tpu.memory_space<vmem>>, vector<1x128xf32>
    %mul3A_105 = vector.broadcast %get3A_104 : vector<1x128xf32> to vector<1000x128xf32>
    %mul3A_106 = arith.mulf %mul3A_101, %mul3A_105 : vector<1000x128xf32>
    %get3A_107 = arith.constant 0 : index
    %get3A_108 = arith.constant 0 : index
    %get3A_109 = vector.load %arg11[%get3A_107, %get3A_108] : memref<1x128xf32, #tpu.memory_space<vmem>>, vector<1x128xf32>
    %add3A_110 = vector.broadcast %get3A_109 : vector<1x128xf32> to vector<1000x128xf32>
    %add3A_111 = arith.addf %mul3A_106, %add3A_110 : vector<1000x128xf32>
    %swap3A = arith.constant 0 : index
    %swap3A_112 = arith.constant 0 : index
    %swap3A_113 = vector.load %arg12[%swap3A, %swap3A_112] : memref<1000x128xf32, #tpu.memory_space<vmem>>, vector<1000x128xf32>
    tpu.vector_store %arg12[%swap3A, %swap3A_112], %add3A_111 {strides = array<i32>} : memref<1000x128xf32, #tpu.memory_space<vmem>>, vector<1000x128xf32>,
    %get3A_114 = arith.constant 0 : index
    %get3A_115 = arith.constant 0 : index
    %get3A_116 = vector.load %arg2[%get3A_114, %get3A_115] : memref<1000x16xf32, #tpu.memory_space<vmem>>, vector<1000x16xf32>
    %get3A_117 = arith.constant 0 : index
    %get3A_118 = arith.constant 0 : index
    %get3A_119 = arith.constant 0 : index
    %get3A_120 = vector.load %arg4[%get3A_117, %get3A_118, %get3A_119] : memref<8x1000x16xf32, #tpu.memory_space<vmem>>, vector<1x1000x16xf32>
    %get3A_121 = vector.shape_cast %get3A_120 : vector<1x1000x16xf32> to vector<1000x16xf32>
    %add3A_122 = arith.addf %get3A_116, %get3A_121 : vector<1000x16xf32>
    %get3A_123 = arith.constant 1 : index
    %get3A_124 = arith.constant 0 : index
    %get3A_125 = arith.constant 0 : index
    %get3A_126 = vector.load %arg4[%get3A_123, %get3A_124, %get3A_125] : memref<8x1000x16xf32, #tpu.memory_space<vmem>>, vector<1x1000x16xf32>
    %get3A_127 = vector.shape_cast %get3A_126 : vector<1x1000x16xf32> to vector<1000x16xf32>
    %add3A_128 = arith.addf %add3A_122, %get3A_127 : vector<1000x16xf32>
    %get3A_129 = arith.constant 2 : index
    %get3A_130 = arith.constant 0 : index
    %get3A_131 = arith.constant 0 : index
    %get3A_132 = vector.load %arg4[%get3A_129, %get3A_130, %get3A_131] : memref<8x1000x16xf32, #tpu.memory_space<vmem>>, vector<1x1000x16xf32>
    %get3A_133 = vector.shape_cast %get3A_132 : vector<1x1000x16xf32> to vector<1000x16xf32>
    %add3A_134 = arith.addf %add3A_128, %get3A_133 : vector<1000x16xf32>
    %get3A_135 = arith.constant 3 : index
    %get3A_136 = arith.constant 0 : index
    %get3A_137 = arith.constant 0 : index
    %get3A_138 = vector.load %arg4[%get3A_135, %get3A_136, %get3A_137] : memref<8x1000x16xf32, #tpu.memory_space<vmem>>, vector<1x1000x16xf32>
    %get3A_139 = vector.shape_cast %get3A_138 : vector<1x1000x16xf32> to vector<1000x16xf32>
    %add3A_140 = arith.addf %add3A_134, %get3A_139 : vector<1000x16xf32>
    %get3A_141 = arith.constant 4 : index
    %get3A_142 = arith.constant 0 : index
    %get3A_143 = arith.constant 0 : index
    %get3A_144 = vector.load %arg4[%get3A_141, %get3A_142, %get3A_143] : memref<8x1000x16xf32, #tpu.memory_space<vmem>>, vector<1x1000x16xf32>
    %get3A_145 = vector.shape_cast %get3A_144 : vector<1x1000x16xf32> to vector<1000x16xf32>
    %add3A_146 = arith.addf %add3A_140, %get3A_145 : vector<1000x16xf32>
    %get3A_147 = arith.constant 5 : index
    %get3A_148 = arith.constant 0 : index
    %get3A_149 = arith.constant 0 : index
    %get3A_150 = vector.load %arg4[%get3A_147, %get3A_148, %get3A_149] : memref<8x1000x16xf32, #tpu.memory_space<vmem>>, vector<1x1000x16xf32>
    %get3A_151 = vector.shape_cast %get3A_150 : vector<1x1000x16xf32> to vector<1000x16xf32>
    %add3A_152 = arith.addf %add3A_146, %get3A_151 : vector<1000x16xf32>
    %get3A_153 = arith.constant 6 : index
    %get3A_154 = arith.constant 0 : index
    %get3A_155 = arith.constant 0 : index
    %get3A_156 = vector.load %arg4[%get3A_153, %get3A_154, %get3A_155] : memref<8x1000x16xf32, #tpu.memory_space<vmem>>, vector<1x1000x16xf32>
    %get3A_157 = vector.shape_cast %get3A_156 : vector<1x1000x16xf32> to vector<1000x16xf32>
    %add3A_158 = arith.addf %add3A_152, %get3A_157 : vector<1000x16xf32>
    %get3A_159 = arith.constant 7 : index
    %get3A_160 = arith.constant 0 : index
    %get3A_161 = arith.constant 0 : index
    %get3A_162 = vector.load %arg4[%get3A_159, %get3A_160, %get3A_161] : memref<8x1000x16xf32, #tpu.memory_space<vmem>>, vector<1x1000x16xf32>
    %get3A_163 = vector.shape_cast %get3A_162 : vector<1x1000x16xf32> to vector<1000x16xf32>
    %add3A_164 = arith.addf %add3A_158, %get3A_163 : vector<1000x16xf32>
    %swap3A_165 = arith.constant 0 : index
    %swap3A_166 = arith.constant 0 : index
    %swap3A_167 = vector.load %arg13[%swap3A_165, %swap3A_166] : memref<1000x16xf32, #tpu.memory_space<vmem>>, vector<1000x16xf32>
    tpu.vector_store %arg13[%swap3A_165, %swap3A_166], %add3A_164 {strides = array<i32>} : memref<1000x16xf32, #tpu.memory_space<vmem>>, vector<1000x16xf32>,
    return
  }
  func.func @transform_0(%arg0: i32) -> (i32, i32) {
    %c0_i32 = arith.constant 0 : i32
    %c0_i32_0 = arith.constant 0 : i32
    return %arg0, %c0_i32 : i32, i32
  }
  func.func @transform_1(%arg0: i32) -> (i32, i32) {
    %c0_i32 = arith.constant 0 : i32
    %c0_i32_0 = arith.constant 0 : i32
    return %arg0, %c0_i32 : i32, i32
  }
  func.func @transform_2(%arg0: i32) -> (i32, i32, i32) {
    %c0_i32 = arith.constant 0 : i32
    %c0_i32_0 = arith.constant 0 : i32
    %c0_i32_1 = arith.constant 0 : i32
    return %c0_i32, %arg0, %c0_i32_0 : i32, i32, i32
  }
  func.func @transform_3(%arg0: i32) -> (i32, i32, i32) {
    %c0_i32 = arith.constant 0 : i32
    %c0_i32_0 = arith.constant 0 : i32
    %c0_i32_1 = arith.constant 0 : i32
    return %c0_i32, %arg0, %c0_i32_0 : i32, i32, i32
  }
  func.func @transform_4(%arg0: i32) -> (i32, i32) {
    %c0_i32 = arith.constant 0 : i32
    %c0_i32_0 = arith.constant 0 : i32
    %c0_i32_1 = arith.constant 0 : i32
    return %c0_i32, %c0_i32_0 : i32, i32
  }
  func.func @transform_5(%arg0: i32) -> (i32, i32) {
    %c0_i32 = arith.constant 0 : i32
    %c0_i32_0 = arith.constant 0 : i32
    %c0_i32_1 = arith.constant 0 : i32
    return %c0_i32, %c0_i32_0 : i32, i32
  }
  func.func @transform_6(%arg0: i32) -> (i32, i32) {
    %c0_i32 = arith.constant 0 : i32
    %c0_i32_0 = arith.constant 0 : i32
    %c0_i32_1 = arith.constant 0 : i32
    return %c0_i32, %c0_i32_0 : i32, i32
  }
  func.func @transform_7(%arg0: i32) -> (i32, i32) {
    %c0_i32 = arith.constant 0 : i32
    %c0_i32_0 = arith.constant 0 : i32
    %c0_i32_1 = arith.constant 0 : i32
    return %c0_i32, %c0_i32_0 : i32, i32
  }
  func.func @transform_8(%arg0: i32) -> (i32, i32) {
    %c0_i32 = arith.constant 0 : i32
    %c0_i32_0 = arith.constant 0 : i32
    %c0_i32_1 = arith.constant 0 : i32
    return %c0_i32, %c0_i32_0 : i32, i32
  }
  func.func @transform_9(%arg0: i32) -> (i32, i32) {
    %c0_i32 = arith.constant 0 : i32
    %c0_i32_0 = arith.constant 0 : i32
    %c0_i32_1 = arith.constant 0 : i32
    return %c0_i32, %c0_i32_0 : i32, i32
  }
  func.func @transform_10(%arg0: i32) -> (i32, i32) {
    %c0_i32 = arith.constant 0 : i32
    %c0_i32_0 = arith.constant 0 : i32
    %c0_i32_1 = arith.constant 0 : i32
    return %c0_i32, %c0_i32_0 : i32, i32
  }
  func.func @transform_11(%arg0: i32) -> (i32, i32) {
    %c0_i32 = arith.constant 0 : i32
    %c0_i32_0 = arith.constant 0 : i32
    return %arg0, %c0_i32 : i32, i32
  }
  func.func @transform_12(%arg0: i32) -> (i32, i32) {
    %c0_i32 = arith.constant 0 : i32
    %c0_i32_0 = arith.constant 0 : i32
    return %arg0, %c0_i32 : i32, i32
  }
}

</mosaic_0001>

<sc_bundles>
// kernel: kernel.19.cloned.1.call-start
scs
__scs_entry_jumppad:
0x0: {  	(pc) =	sbr.rel $0x88, $3  }
0x1: {  	(tag) =	ssettag $0x0;
	lr =	simm.s32 $0x1  }
0x2: {  	[smem:$0x3F91] =	sst lr;
	_ =	strace $0xD0000000  }
0x3: {  	_ = 	snop  }
0x4: {  	_ = 	snop  }
0x5: {  	_ = 	snop  }
0x6: {  	_ = 	snop  }
0x7: {  	_ = 	snop  }
__scs_overlays_trampoline_lowered:
0x8: {  	[smem:$0x3FA0] =	sst s0  }
0x9: {  	[smem:$0x3FA1] =	sst s1  }
0xa: {  	[smem:$0x3FA2] =	sst s2  }
0xb: {  	[smem:$0x3FA3] =	sst s3  }
0xc: {  	[smem:$0x3FA4] =	sst s4  }
0xd: {  	[smem:$0x3FA5] =	sst s5  }
0xe: {  	[smem:$0x3FA6] =	sst s6  }
0xf: {  	[smem:$0x3FA7] =	sst s7  }
0x10: {  	[smem:$0x3FA8] =	sst s8  }
0x11: {  	[smem:$0x3FA9] =	sst s9;
	s0 =	simm.s32 @!p0 $0x0  }
0x12: {  	s1 =	sld [smem:$0x3F8F];
	s0 =	simm.s32 @p0 $0x1  }
0x13: {  	[smem:$0x3FAA] =	sst s0;
	s0 =	simm.s32 @!p1 $0x0  }
0x14: {  	s2 =	sld [smem:$0x3F8E];
	s0 =	simm.s32 @p1 $0x1  }
0x15: {  	[smem:$0x3FAB] =	sst s0;
	s0 =	simm.s32 @!p2 $0x0  }
0x16: {  	s3 =	sld [smem:$0x3FDB];
	s0 =	simm.s32 @p2 $0x1  }
0x17: {  	s4 =	simm.s32 $0x1BF5;
	[smem:$0x3FAD] =	sst s0  }
0x18: {  	s0 =	sld [smem:$0x3F90];
	_ =	swait.ge [sflag:s4], $0x0  }
0x19: {  	s7 =	sld [smem:$0x3F91]  }
0x1a: {  	s8 =	sadd.s32 $0xFFFFE003, lr  }
0x1b: {  	s9 =	sadd.s32 $0xFFFFFEF7, lr;
	s5 =	simm.s32 $0xFFFFFFFF;
	p2 =	slt.u32 s8, $0xFFFFF086  }
0x1c: {  	p1 =	slt.u32 s9, $0xF7A;
	s5 =	simm.s32 @!p2 $0x0  }
0x1d: {  	s5 =	simm.s32 @p1 $0x1;
	p0 =	seq.s32 s7, s2  }
0x1e: {  	s7 =	smul.u32 @!p0 $0xF7A, s2;
	p2 =	seq.s32 @!p0 s5, $0x0  }
0x1f: {  	s9 =	smul.u32 $0xF7A, s1;
	s8 =	simm.s32 @!p0 $0x1BF5;
	p2 =	por !p2, p0  }
0x20: {  	[sflag:s8] =	ssyncset.s32 @!p0 $0xFFFFF086;
	s6 =	sadd.s32 @!p0 s3, s7;
	s7 =	simm.s32 @!p0 $0x108  }
0x21: {  	s3 =	sadd.s32 s3, s9;
	s6 =	sadd.s32 @!p0 $0x88, s6;
	s7 =	simm.s32 @p2 $0x1082  }
0x22: {  	[simem:s7], [sflag:s8] =	dma.local @!p0 [hbm:s6], $0xF7A  }
0x23: {  	s9 =	sor.u32 $0xD0000000, s2;
	s6 =	simm.s32 $0x108;
	_ =	swait.ge @!p0 [sflag:s8], $0x0  }
0x24: {  	s3 =	sadd.s32 $0x88, s3;
	s6 =	simm.s32 @!p1 $0x1082;
	[sflag:s4] =	ssyncset.s32 $0xFFFFF086  }
0x25: {  	[simem:s6], [sflag:s4] =	dma.local [hbm:s3], $0xF7A  }
0x26: {  	[smem:$0x3F91] =	sst s1;
	(tag) =	ssettag s2;
	_ =	strace s9  }
0x27: {  	s1 =	sld [smem:$0x3FA1]  }
0x28: {  	s2 =	sld [smem:$0x3FA2]  }
0x29: {  	s4 =	sld [smem:$0x3FA4]  }
0x2a: {  	p0 =	seq.s32 s5, $0x0;
	s5 =	sld [smem:$0x3FA5]  }
0x2b: {  	s6 =	sld [smem:$0x3FA6]  }
0x2c: {  	s7 =	sld [smem:$0x3FA7]  }
0x2d: {  	s3 =	simm.s32 $0x108;
	s8 =	sld [smem:$0x3FA8]  }
0x2e: {  	s3 =	simm.s32 @!p0 $0x1082;
	s9 =	sld [smem:$0x3FA9]  }
0x2f: {  	lr =	sadd.s32 s0, s3;
	s0 =	sld [smem:$0x3FA0]  }
0x30: {  	s3 =	sld [smem:$0x3FA3]  }
0x31: {  	[smem:$0x3FAC] =	sst s10  }
0x32: {  	s10 =	sld [smem:$0x3FAA];
	_ =	sdelay $0x3  }
0x33: {  	p0 =	seq.s32 s10, $0x1;
	s10 =	sld [smem:$0x3FAC];
	_ =	sdelay $0x3  }
0x34: {  	[smem:$0x3FAC] =	sst s10  }
0x35: {  	s10 =	sld [smem:$0x3FAB];
	_ =	sdelay $0x3  }
0x36: {  	p1 =	seq.s32 s10, $0x1;
	s10 =	sld [smem:$0x3FAC];
	_ =	sdelay $0x3  }
0x37: {  	[smem:$0x3FAC] =	sst s10  }
0x38: {  	s10 =	sld [smem:$0x3FAD]  }
0x39: {  	_ = 	snop;
	(pc) =	sbr.ind lr, $3  }
0x3a: {  	_ = 	snop  }
0x3b: {  	_ = 	snop  }
0x3c: {  	p2 =	seq.s32 s10, $0x1;
	s10 =	sld [smem:$0x3FAC]  }
0x3d: {  	_ =	shalt  }
0x3e: {  	_ =	shalt  }
0x3f: {  	_ =	shalt  }
0x40: {  	_ =	shalt  }
0x41: {  	_ =	shalt  }
0x42: {  	_ =	shalt  }
0x43: {  	_ =	shalt  }
0x44: {  	_ =	shalt  }
0x45: {  	_ =	shalt  }
0x46: {  	_ =	shalt  }
0x47: {  	_ =	shalt  }
0x48: {  	_ =	shalt  }
0x49: {  	_ =	shalt  }
0x4a: {  	_ =	shalt  }
0x4b: {  	_ =	shalt  }
0x4c: {  	_ =	shalt  }
0x4d: {  	_ =	shalt  }
0x4e: {  	_ =	shalt  }
0x4f: {  	_ =	shalt  }
0x50: {  	_ =	shalt  }
0x51: {  	_ =	shalt  }
0x52: {  	_ =	shalt  }
0x53: {  	_ =	shalt  }
0x54: {  	_ =	shalt  }
0x55: {  	_ =	shalt  }
0x56: {  	_ =	shalt  }
0x57: {  	_ =	shalt  }
0x58: {  	_ =	shalt  }
0x59: {  	_ =	shalt  }
0x5a: {  	_ =	shalt  }
0x5b: {  	_ =	shalt  }
0x5c: {  	_ =	shalt  }
0x5d: {  	_ =	shalt  }
0x5e: {  	_ =	shalt  }
0x5f: {  	_ =	shalt  }
0x60: {  	_ =	shalt  }
0x61: {  	_ =	shalt  }
0x62: {  	_ =	shalt  }
0x63: {  	_ =	shalt  }
0x64: {  	_ =	shalt  }
0x65: {  	_ =	shalt  }
0x66: {  	_ =	shalt  }
0x67: {  	_ =	shalt  }
0x68: {  	_ =	shalt  }
0x69: {  	_ =	shalt  }
0x6a: {  	_ =	shalt  }
0x6b: {  	_ =	shalt  }
0x6c: {  	_ =	shalt  }
0x6d: {  	_ =	shalt  }
0x6e: {  	_ =	shalt  }
0x6f: {  	_ =	shalt  }
0x70: {  	_ =	shalt  }
0x71: {  	_ =	shalt  }
0x72: {  	_ =	shalt  }
0x73: {  	_ =	shalt  }
0x74: {  	_ =	shalt  }
0x75: {  	_ =	shalt  }
0x76: {  	_ =	shalt  }
0x77: {  	_ =	shalt  }
0x78: {  	_ =	shalt  }
0x79: {  	_ =	shalt  }
0x7a: {  	_ =	shalt  }
0x7b: {  	_ =	shalt  }
0x7c: {  	_ =	shalt  }
0x7d: {  	_ =	shalt  }
0x7e: {  	_ =	shalt  }
0x7f: {  	_ =	shalt  }
0x80: {  	_ =	shalt  }
0x81: {  	_ =	shalt  }
0x82: {  	_ =	shalt  }
0x83: {  	_ =	shalt  }
0x84: {  	_ =	shalt  }
0x85: {  	_ =	shalt  }
0x86: {  	_ =	shalt  }
0x87: {  	_ =	shalt  }
.Lfunc_end0:
.L_simem_size_0:
called_computation_lowered:
.L_overlay_start_0:
0x88: {  	s2 =	sld [smem:$0x3FD9]  }
0x89: {  	s3 =	sld [smem:$0x3FFE];
	_ =	sdelay $0x1  }
0x8a: {  	s1 =	srdreg.scid  }
0x8b: {  	s0 =	sand.u32 $0x1, s1  }
0x8c: {  	s16 =	sshll.u32 s0, $0xA;
	s2 =	sadd.s32 s3, s2  }
0x8d: {  	s2 =	sadd.s32 s2, s16  }
0x8e: {  	[smem:$0x3FB8] =	sst s2  }
0x8f: {  	_ = 	snop  }
0x90: {  	s2 =	sld [smem:$0x3FD0];
	_ =	sdelay $0x2  }
0x91: {  	s17 =	simm.s32 $0x11;
	s4 =	simm.s32 $0x10  }
0x92: {  	[smem:s4], [sflag:s17] =	dma.local [hbm:s2], $0x1  }
0x93: {  	_ =	swait.eq [sflag:s17], $0x1  }
0x94: {  	[sflag:s17] =	ssyncset.done $0x0  }
0x95: {  	[sflag:s17] =	ssyncadd.s32 $0xFFFFFFFF  }
0x96: {  	s3 =	sld [smem:$0x10];
	(tm) =	ssettm $0x1  }
0x97: {  	s18 =	sld [smem:$0x3FFB];
	_ =	sdelay $0x3  }
0x98: {  	_ =	strace s18  }
0x99: {  	s2 =	sld [smem:$0x3FFC];
	_ =	sdelay $0x3  }
0x9a: {  	_ =	strace s2  }
0x9b: {  	s2 =	sld [smem:$0x3FFD];
	_ =	sdelay $0x3  }
0x9c: {  	_ =	strace s2  }
0x9d: {  	_ =	strace $0x8FFFFFFF  }
0x9e: {  	s19 =	sld [smem:$0x3FDB];
	_ =	sdelay $0x1  }
0x9f: {  	s20 =	simm.s32 $_scs_section_size  }
0xa0: {  	s5 =	simm.s32 $_size__tile_overlayer_lowered;
	s6 =	simm.s32 $_tile_overlayer_lowered  }
0xa1: {  	s7 =	simm.s32 $0x1BFF;
	s21 =	sshll.u32 s6, $0x1;
	s4 =	sadd.s32 s20, s19  }
0xa2: {  	s22 =	simm.s32 $0x0;
	s5 =	sshll.u32 s5, $0x1;
	s6 =	sadd.s32 s21, s4  }
0xa3: {  	[timem:s22], [sflag:s7] =	dma.local [hbm:s6], s5  }
0xa4: {  	_ =	swait.ge [sflag:s7], s5  }
0xa5: {  	s5 =	ssub.s32 $0x0, s5;
	[sflag:s7] =	ssyncset.done $0x0  }
0xa6: {  	[sflag:s7] =	ssyncadd.s32 s5;
	_ =	sdelay $0x1  }
0xa7: {  	s23 =	simm.s32 $0x1B8B  }
0xa8: {  	_ =	swait.ge [sflag:s23], $0x1  }
0xa9: {  	[sflag:s23] =	ssyncset.done $0x0  }
0xaa: {  	[sflag:s23] =	ssyncadd.s32 $0xFFFFFFFF  }
0xab: {  	s5 =	sld [smem:$0x0]  }
0xac: {  	s6 =	sand.u32 $0xFFFFFFFE, s1  }
0xad: {  	p0 =	sne.s32 s1, s6  }
0xae: {  	s6 =	sshll.u32 @p0 s6, $0xE  }
0xaf: {  	s6 =	sadd.s32 @p0 $0x11B8D, s6;
	s7 =	sshll.u32 @p0 s5, $0x11  }
0xb0: {  	s6 =	sor.u32 @p0 s7, s6  }
0xb1: {  	[sflag:s6] =	ssyncadd.remote.s32 @p0 $0x1;
	_ =	sdelay $0x1  }
0xb2: {  	s6 =	simm.s32 @p0 $0x1B8D  }
0xb3: {  	_ =	swait.eq @p0 [sflag:s6], $0x1  }
0xb4: {  	[sflag:s6] =	ssyncadd.s32 @p0 $0xFFFFFFFF  }
0xb5: {  	s7 =	sshll.u32 @!p0 s1, $0xE  }
0xb6: {  	s7 =	sor.u32 @!p0 $0x4000, s7;
	s6 =	simm.s32 @!p0 $0x1B8D  }
0xb7: {  	s5 =	sshll.u32 @!p0 s5, $0x11;
	s7 =	sadd.s32 @!p0 $0x11B8D, s7;
	_ =	swait.eq @!p0 [sflag:s6], $0x1  }
0xb8: {  	s5 =	sor.u32 @!p0 s5, s7;
	[sflag:s6] =	ssyncadd.s32 @!p0 $0xFFFFFFFF  }
0xb9: {  	s25 =	simm.s32 $0x1B8E;
	s24 =	sld [smem:$0x3FFE];
	[sflag:s5] =	ssyncadd.remote.s32 @!p0 $0x1  }
0xba: {  	s26 =	simm.s32 $execute0_lowered;
	[smem:$0x3FD2] =	sst s25  }
0xbb: {  	s6 =	sshll.u32 s26, $0x1;
	_ =	strace $0x8000004F;
	[dreg:$0x1] =	wrdreg $0xFFFFFFFF  }
0xbc: {  	s28 =	simm.s32 $_size_execute0_lowered;
	s4 =	sadd.s32 s4, s6;
	[dreg:$0x0] =	wrdreg $0x0  }
0xbd: {  	s6 =	sshll.u32 s28, $0x1;
	[dreg:$0x2] =	wrdreg s4  }
0xbe: {  	[dreg:$0x3] =	wrdreg s6  }
0xbf: {  	[dreg:$0x4] =	wrdreg $0xC0  }
0xc0: {  	_ =	task [dreg:s22], $0x5FFFF  }
0xc1: {  	[dreg:$0x1] =	wrdreg $0xFFFFFFFF  }
0xc2: {  	[dreg:$0x0] =	wrdreg $0x60  }
0xc3: {  	[dreg:$0x2] =	wrdreg s3  }
0xc4: {  	[dreg:$0x3] =	wrdreg s24  }
0xc5: {  	[dreg:$0x4] =	wrdreg $0xC  }
0xc6: {  	_ =	task.clear_ibuf [dreg:s22], $0x5FFFF;
	_ =	strace $0x9000004F  }
0xc7: {  	s29 =	simm.s32 $0xC;
	_ =	strace $0x80000051  }
0xc8: {  	_ =	swait.ge [sflag:s29], $0x1  }
0xc9: {  	[sflag:s29] =	ssyncadd.s32 $0xFFFFFFFF  }
0xca: {  	_ =	strace $0x90000051  }
0xcb: {  	_ =	sfence  }
0xcc: {  	s30 =	sld [smem:$0x0];
	_ =	sdelay $0x2  }
0xcd: {  	s31 =	sshll.u32 s1, $0xD;
	s1 =	sshrl.u32 s1, $0x2  }
0xce: {  	s4 =	sand.u32 $0x4000, s31;
	s1 =	sadd.s32 s1, s30  }
0xcf: {  	s0 =	sor.u32 s4, s0;
	s1 =	sshll.u32 s1, $0x11  }
0xd0: {  	s0 =	sor.u32 s1, s0  }
0xd1: {  	s0 =	sadd.s32 $0x8F2B, s0  }
0xd2: {  	[sflag:s0] =	ssyncadd.remote.s32 $0x1  }
0xd3: {  	_ =	sfence.sel $0xFFFF  }
0xd4: {  	[dreg:$0x0] =	wrdreg $0xFFFFFFFF;
	(pc) =	sbr.abs _section_cstart, $3  }
0xd5: {  	[dreg:$0x1] =	wrdreg $0xFFFFFFFF  }
0xd6: {  	_ =	task.clear_ibuf [dreg:s22], $0x2FFFF;
	_ =	strace $0x9FFFFFFF  }
0xd7: {  	(tm) =	ssettm $0x7FFFFFFF  }
tec
execute0_lowered:
.L_overlay_start_1:
0x0: {  	(tag) =	ssettag $0x1  }
0x1: {  	s2 =	rddreg [dreg:$0x0]  }
0x2: {  	s1 =	srdreg.scid;
	s0 =	stileid.u32  }
0x3: {  	s4 =	rddreg [dreg:$0x1];
	s3 =	simm.s32 $0x0;
	s11 =	simm.s32 $0x50  }
0x4: {  	s12 =	simm.s32 $0x1400;
	s13 =	simm.s32 $0x3C00;
	s14 =	simm.s32 $0x1  }
0x5: {  	s15 =	simm.s32 $0x0;
	s5 =	sand.u32 $0x1, s1;
	s6 =	sshll.u32 s0, $0x1  }
0x6: {  	s1 =	rddreg [dreg:$0x2];
	s7 =	smul.u32 $0x13600, s0;
	s6 =	sor.u32 s5, s6  }
0x7: {  	[smem:$0x7FF] =	sst s3;
	s8 =	ssub.s32 $0x2, s5;
	s6 =	smul.u32 $0x9B0, s6  }
0x8: {  	_ =	strace $0x80000050;
	s10 =	smul.u32 $0x9B00, s5;
	s9 =	sshrl.u32 s8, $0x1  }
0x9: {  	s7 =	sadd.s32 s7, s4;
	s8 =	ssub.s32 s8, s9;
	s6 =	sshrl.u32 s6, $0x3  }
0xa: {  	s31 =	sadd.s32 s10, s7;
	s10 =	simm.s32 $0xA00;
	s6 =	sadd.s32 s6, s4  }
0xb: {  	s9 =	simm.s32 $0x2;
	s7 =	sadd.s32 $0x771200, s31;
	s4 =	sadd.s32 $0x76EA00, s6  }
0xc: {  	s5 =	sadd.s32 $0x76C200, s6;
	s6 =	smax.u32 s8, $0x1;
	s8 =	sadd.s32 $0x8A7200, s31  }
.LBB2_1:
0xd: {  	[tilespmem:s3], [sflag:$0x2] =	stream.linear.gather [hbm4b:s4+s3], $0x9B0, $0x38;
	[tilespmem:$0x6400] =	vst v63  }
0xe: {  	_ =	swait.ge [sflag:s9], $0x9B0  }
0xf: {  	[sflag:s9] =	ssyncset.done $0x0  }
0x10: {  	[sflag:s9] =	ssyncadd.s32 $0xFFFFF650  }
0x11: {  	[tilespmem:s10], [sflag:$0x2] =	stream.linear.gather [hbm4b:s5+s3], $0x9B0, $0x38;
	[tilespmem:$0x6400] =	vst v63  }
0x12: {  	_ =	swait.ge [sflag:s9], $0x9B0  }
0x13: {  	[sflag:s9] =	ssyncset.done $0x0  }
0x14: {  	s16 =	simm.s32 $0x0;
	[sflag:s9] =	ssyncadd.s32 $0xFFFFF650  }
0x15: {  	[tilespmem:s12], [sflag:$0x1] =	stream.indirect.gather [hbm4b:s2+s11], $0x80, s16, s11, $0xb8;
	[tilespmem:$0x6400] =	vst v63  }
0x16: {  	s31 =	simm.s32 $0xA00  }
0x17: {  	[tilespmem:s13], [sflag:$0x1] =	stream.indirect.gather [hbm4b:s2+s11], $0x80, s31, s11, $0xb8;
	[tilespmem:$0x6400] =	vst v63  }
0x18: {  	_ =	swait.ge [sflag:s14], $0x2800  }
0x19: {  	[sflag:s14] =	ssyncset.done $0x0  }
0x1a: {  	[sflag:s14] =	ssyncadd.s32 $0xFFFFD800  }
0x1b: {  	_ =	swait.ge [sflag:s14], $0x2800  }
0x1c: {  	[sflag:s14] =	ssyncset.done $0x0  }
0x1d: {  	[sflag:s14] =	ssyncadd.s32 $0xFFFFD800  }
0x1e: {  	[hbm4b:s7+s3] =	stream.linear.scatter [tilespmem:s12], [sflag:$0x2], $0x2800, $0x38;
	[tilespmem:$0x6400] =	vst v63  }
0x1f: {  	_ =	swait.ge [sflag:s9], $0x2800  }
0x20: {  	[sflag:s9] =	ssyncset.done $0x0  }
0x21: {  	[sflag:s9] =	ssyncadd.s32 $0xFFFFD800  }
0x22: {  	[hbm4b:s8+s3] =	stream.linear.scatter [tilespmem:s13], [sflag:$0x2], $0x2800, $0x38;
	[tilespmem:$0x6400] =	vst v63  }
0x23: {  	s18 =	simm.s32 $0x140;
	s19 =	simm.s32 $0x280;
	_ =	swait.ge [sflag:s9], $0x2800  }
0x24: {  	s17 =	sadd.s32 $0x500, s7;
	s16 =	sadd.s32 $0x500, s8;
	[sflag:s9] =	ssyncset.done $0x0  }
.LBB2_2:
0x25: {  	s20 =	sshra.s32 s18, $0x2  }
0x26: {  	[sflag:s9] =	ssyncadd.s32 $0xFFFFD800;
	s18 =	smov.u32 s19;
	s21 =	sadd.s32 $0x140, s19  }
0x27: {  	[tilespmem:s12], [sflag:$0x1] =	stream.indirect.gather [hbm4b:s2+s11], $0x80, s20, s11, $0xb8;
	[tilespmem:$0x6400] =	vst v63  }
0x28: {  	p0 =	sne.s32 s19, $0x2580;
	s19 =	sadd.s32 $0xA00, s20  }
0x29: {  	[tilespmem:s13], [sflag:$0x1] =	stream.indirect.gather [hbm4b:s2+s11], $0x80, s19, s11, $0xb8;
	[tilespmem:$0x6400] =	vst v63  }
0x2a: {  	_ =	swait.ge [sflag:s14], $0x2800  }
0x2b: {  	[sflag:s14] =	ssyncset.done $0x0  }
0x2c: {  	[sflag:s14] =	ssyncadd.s32 $0xFFFFD800  }
0x2d: {  	_ =	swait.ge [sflag:s14], $0x2800  }
0x2e: {  	[sflag:s14] =	ssyncset.done $0x0  }
0x2f: {  	[sflag:s14] =	ssyncadd.s32 $0xFFFFD800  }
0x30: {  	[hbm4b:s17+s3] =	stream.linear.scatter [tilespmem:s12], [sflag:$0x2], $0x2800, $0x38;
	[tilespmem:$0x6400] =	vst v63  }
0x31: {  	_ =	swait.ge [sflag:s9], $0x2800  }
.Ltmp0:
0x32: {  	[sflag:s9] =	ssyncset.done $0x0;
	(pc) =	sbr.rel @p0 .LBB2_2-.Ltmp0, $4  }
0x33: {  	[sflag:s9] =	ssyncadd.s32 $0xFFFFD800  }
0x34: {  	[hbm4b:s16+s3] =	stream.linear.scatter [tilespmem:s13], [sflag:$0x2], $0x2800, $0x38;
	[tilespmem:$0x6400] =	vst v63  }
0x35: {  	s19 =	smov.u32 s21;
	_ =	swait.ge [sflag:s9], $0x2800  }
0x36: {  	s17 =	sadd.s32 $0x500, s17;
	s16 =	sadd.s32 $0x500, s16;
	[sflag:s9] =	ssyncset.done $0x0  }
0x37: {  	s18 =	sshra.s32 s18, $0x2;
	[sflag:s9] =	ssyncadd.s32 $0xFFFFD800  }
0x38: {  	[tilespmem:s12], [sflag:$0x1] =	stream.indirect.gather [hbm4b:s2+s11], $0x80, s18, s11, $0xb8;
	[tilespmem:$0x6400] =	vst v63  }
0x39: {  	s18 =	sadd.s32 $0xA00, s18  }
0x3a: {  	[tilespmem:s13], [sflag:$0x1] =	stream.indirect.gather [hbm4b:s2+s11], $0x80, s18, s11, $0xb8;
	[tilespmem:$0x6400] =	vst v63  }
0x3b: {  	_ =	swait.ge [sflag:s14], $0x2800  }
0x3c: {  	[sflag:s14] =	ssyncset.done $0x0  }
0x3d: {  	[sflag:s14] =	ssyncadd.s32 $0xFFFFD800  }
0x3e: {  	_ =	swait.ge [sflag:s14], $0x2800  }
0x3f: {  	[sflag:s14] =	ssyncset.done $0x0  }
0x40: {  	[sflag:s14] =	ssyncadd.s32 $0xFFFFD800  }
0x41: {  	[hbm4b:s17+s3] =	stream.linear.scatter [tilespmem:s12], [sflag:$0x2], $0x2800, $0x38;
	[tilespmem:$0x6400] =	vst v63  }
0x42: {  	s15 =	sadd.s32 $0x1, s15;
	_ =	swait.ge [sflag:s9], $0x2800  }
0x43: {  	p0 =	sne.s32 s15, s6;
	[sflag:s9] =	ssyncset.done $0x0  }
.Ltmp1:
0x44: {  	[sflag:s9] =	ssyncadd.s32 $0xFFFFD800;
	(pc) =	sbr.rel @p0 .LBB2_1-.Ltmp1, $4  }
0x45: {  	[hbm4b:s16+s3] =	stream.linear.scatter [tilespmem:s13], [sflag:$0x2], $0x2800, $0x38;
	[tilespmem:$0x6400] =	vst v63  }
0x46: {  	_ =	swait.ge [sflag:s9], $0x2800  }
0x47: {  	[sflag:s9] =	ssyncset.done $0x0  }
0x48: {  	[sflag:s9] =	ssyncadd.s32 $0xFFFFD800  }
0x49: {  	_ =	sfence.sel $0x180000  }
0x4a: {  	[bflag:$0x0] =	sbarrier.arrive $0xFFFF  }
0x4b: {  	p0 =	sne.s32 s0, $0x0;
	_ =	strace $0x90000050  }
0x4c: {  	s0 =	sadd.s32 @!p0 $0x100000, s1;
	[bflag:$0x2] =	sbarrier.arrive $0xFFFF  }
0x4d: {  	[sflag:s0] =	ssyncadd.tile.s32 @!p0 $0x1;
	_ =	shalt  }
.Lfunc_end2:
_tile_overlayer_lowered:
.L_overlay_start_2:
0x4e: {  	(tag) =	ssettag $0x2  }
0x4f: {  	s0 =	rddreg [dreg:$0x0];
	s2 =	stileid.u32  }
0x50: {  	s1 =	rddreg [dreg:$0x1];
	p0 =	sne.s32 s2, $0x0  }
0x51: {  	s3 =	rddreg [dreg:$0x2];
	[bflag:$0x3] =	sbarrier.arrive $0xFFFF;
	s2 =	simm.s32 @!p0 $0x1C02  }
0x52: {  	[timem:s3], [sflag:s2] =	dma.local @!p0 [hbm:s0], s1  }
0x53: {  	s0 =	simm.s32 @!p0 $0x2  }
0x54: {  	_ =	swait.ge @!p0 [sflag:s0], s1  }
0x55: {  	s1 =	ssub.s32 @!p0 $0x0, s1;
	[sflag:s0] =	ssyncset.done @!p0 $0x0  }
0x56: {  	[sflag:s0] =	ssyncadd.s32 @!p0 s1  }
0x57: {  	[bflag:$0x3] =	sbarrier.arrive $0xFFFF  }
0x58: {  	_ =	shalt  }

// kernel: kernel.22.cloned.1.call-start
scs
__scs_entry_jumppad:
0x0: {  	(pc) =	sbr.rel $0x88, $3  }
0x1: {  	(tag) =	ssettag $0x0;
	lr =	simm.s32 $0x1  }
0x2: {  	[smem:$0x3F91] =	sst lr;
	_ =	strace $0xD0000000  }
0x3: {  	_ = 	snop  }
0x4: {  	_ = 	snop  }
0x5: {  	_ = 	snop  }
0x6: {  	_ = 	snop  }
0x7: {  	_ = 	snop  }
__scs_overlays_trampoline_lowered:
0x8: {  	[smem:$0x3FA0] =	sst s0  }
0x9: {  	[smem:$0x3FA1] =	sst s1  }
0xa: {  	[smem:$0x3FA2] =	sst s2  }
0xb: {  	[smem:$0x3FA3] =	sst s3  }
0xc: {  	[smem:$0x3FA4] =	sst s4  }
0xd: {  	[smem:$0x3FA5] =	sst s5  }
0xe: {  	[smem:$0x3FA6] =	sst s6  }
0xf: {  	[smem:$0x3FA7] =	sst s7  }
0x10: {  	[smem:$0x3FA8] =	sst s8  }
0x11: {  	[smem:$0x3FA9] =	sst s9;
	s0 =	simm.s32 @!p0 $0x0  }
0x12: {  	s1 =	sld [smem:$0x3F8F];
	s0 =	simm.s32 @p0 $0x1  }
0x13: {  	[smem:$0x3FAA] =	sst s0;
	s0 =	simm.s32 @!p1 $0x0  }
0x14: {  	s2 =	sld [smem:$0x3F8E];
	s0 =	simm.s32 @p1 $0x1  }
0x15: {  	[smem:$0x3FAB] =	sst s0;
	s0 =	simm.s32 @!p2 $0x0  }
0x16: {  	s3 =	sld [smem:$0x3FDB];
	s0 =	simm.s32 @p2 $0x1  }
0x17: {  	s4 =	simm.s32 $0x1BF5;
	[smem:$0x3FAD] =	sst s0  }
0x18: {  	s0 =	sld [smem:$0x3F90];
	_ =	swait.ge [sflag:s4], $0x0  }
0x19: {  	s7 =	sld [smem:$0x3F91]  }
0x1a: {  	s8 =	sadd.s32 $0xFFFFE003, lr  }
0x1b: {  	s9 =	sadd.s32 $0xFFFFFEF7, lr;
	s5 =	simm.s32 $0xFFFFFFFF;
	p2 =	slt.u32 s8, $0xFFFFF086  }
0x1c: {  	p1 =	slt.u32 s9, $0xF7A;
	s5 =	simm.s32 @!p2 $0x0  }
0x1d: {  	s5 =	simm.s32 @p1 $0x1;
	p0 =	seq.s32 s7, s2  }
0x1e: {  	s7 =	smul.u32 @!p0 $0xF7A, s2;
	p2 =	seq.s32 @!p0 s5, $0x0  }
0x1f: {  	s9 =	smul.u32 $0xF7A, s1;
	s8 =	simm.s32 @!p0 $0x1BF5;
	p2 =	por !p2, p0  }
0x20: {  	[sflag:s8] =	ssyncset.s32 @!p0 $0xFFFFF086;
	s6 =	sadd.s32 @!p0 s3, s7;
	s7 =	simm.s32 @!p0 $0x108  }
0x21: {  	s3 =	sadd.s32 s3, s9;
	s6 =	sadd.s32 @!p0 $0x88, s6;
	s7 =	simm.s32 @p2 $0x1082  }
0x22: {  	[simem:s7], [sflag:s8] =	dma.local @!p0 [hbm:s6], $0xF7A  }
0x23: {  	s9 =	sor.u32 $0xD0000000, s2;
	s6 =	simm.s32 $0x108;
	_ =	swait.ge @!p0 [sflag:s8], $0x0  }
0x24: {  	s3 =	sadd.s32 $0x88, s3;
	s6 =	simm.s32 @!p1 $0x1082;
	[sflag:s4] =	ssyncset.s32 $0xFFFFF086  }
0x25: {  	[simem:s6], [sflag:s4] =	dma.local [hbm:s3], $0xF7A  }
0x26: {  	[smem:$0x3F91] =	sst s1;
	(tag) =	ssettag s2;
	_ =	strace s9  }
0x27: {  	s1 =	sld [smem:$0x3FA1]  }
0x28: {  	s2 =	sld [smem:$0x3FA2]  }
0x29: {  	s4 =	sld [smem:$0x3FA4]  }
0x2a: {  	p0 =	seq.s32 s5, $0x0;
	s5 =	sld [smem:$0x3FA5]  }
0x2b: {  	s6 =	sld [smem:$0x3FA6]  }
0x2c: {  	s7 =	sld [smem:$0x3FA7]  }
0x2d: {  	s3 =	simm.s32 $0x108;
	s8 =	sld [smem:$0x3FA8]  }
0x2e: {  	s3 =	simm.s32 @!p0 $0x1082;
	s9 =	sld [smem:$0x3FA9]  }
0x2f: {  	lr =	sadd.s32 s0, s3;
	s0 =	sld [smem:$0x3FA0]  }
0x30: {  	s3 =	sld [smem:$0x3FA3]  }
0x31: {  	[smem:$0x3FAC] =	sst s10  }
0x32: {  	s10 =	sld [smem:$0x3FAA];
	_ =	sdelay $0x3  }
0x33: {  	p0 =	seq.s32 s10, $0x1;
	s10 =	sld [smem:$0x3FAC];
	_ =	sdelay $0x3  }
0x34: {  	[smem:$0x3FAC] =	sst s10  }
0x35: {  	s10 =	sld [smem:$0x3FAB];
	_ =	sdelay $0x3  }
0x36: {  	p1 =	seq.s32 s10, $0x1;
	s10 =	sld [smem:$0x3FAC];
	_ =	sdelay $0x3  }
0x37: {  	[smem:$0x3FAC] =	sst s10  }
0x38: {  	s10 =	sld [smem:$0x3FAD]  }
0x39: {  	_ = 	snop;
	(pc) =	sbr.ind lr, $3  }
0x3a: {  	_ = 	snop  }
0x3b: {  	_ = 	snop  }
0x3c: {  	p2 =	seq.s32 s10, $0x1;
	s10 =	sld [smem:$0x3FAC]  }
0x3d: {  	_ =	shalt  }
0x3e: {  	_ =	shalt  }
0x3f: {  	_ =	shalt  }
0x40: {  	_ =	shalt  }
0x41: {  	_ =	shalt  }
0x42: {  	_ =	shalt  }
0x43: {  	_ =	shalt  }
0x44: {  	_ =	shalt  }
0x45: {  	_ =	shalt  }
0x46: {  	_ =	shalt  }
0x47: {  	_ =	shalt  }
0x48: {  	_ =	shalt  }
0x49: {  	_ =	shalt  }
0x4a: {  	_ =	shalt  }
0x4b: {  	_ =	shalt  }
0x4c: {  	_ =	shalt  }
0x4d: {  	_ =	shalt  }
0x4e: {  	_ =	shalt  }
0x4f: {  	_ =	shalt  }
0x50: {  	_ =	shalt  }
0x51: {  	_ =	shalt  }
0x52: {  	_ =	shalt  }
0x53: {  	_ =	shalt  }
0x54: {  	_ =	shalt  }
0x55: {  	_ =	shalt  }
0x56: {  	_ =	shalt  }
0x57: {  	_ =	shalt  }
0x58: {  	_ =	shalt  }
0x59: {  	_ =	shalt  }
0x5a: {  	_ =	shalt  }
0x5b: {  	_ =	shalt  }
0x5c: {  	_ =	shalt  }
0x5d: {  	_ =	shalt  }
0x5e: {  	_ =	shalt  }
0x5f: {  	_ =	shalt  }
0x60: {  	_ =	shalt  }
0x61: {  	_ =	shalt  }
0x62: {  	_ =	shalt  }
0x63: {  	_ =	shalt  }
0x64: {  	_ =	shalt  }
0x65: {  	_ =	shalt  }
0x66: {  	_ =	shalt  }
0x67: {  	_ =	shalt  }
0x68: {  	_ =	shalt  }
0x69: {  	_ =	shalt  }
0x6a: {  	_ =	shalt  }
0x6b: {  	_ =	shalt  }
0x6c: {  	_ =	shalt  }
0x6d: {  	_ =	shalt  }
0x6e: {  	_ =	shalt  }
0x6f: {  	_ =	shalt  }
0x70: {  	_ =	shalt  }
0x71: {  	_ =	shalt  }
0x72: {  	_ =	shalt  }
0x73: {  	_ =	shalt  }
0x74: {  	_ =	shalt  }
0x75: {  	_ =	shalt  }
0x76: {  	_ =	shalt  }
0x77: {  	_ =	shalt  }
0x78: {  	_ =	shalt  }
0x79: {  	_ =	shalt  }
0x7a: {  	_ =	shalt  }
0x7b: {  	_ =	shalt  }
0x7c: {  	_ =	shalt  }
0x7d: {  	_ =	shalt  }
0x7e: {  	_ =	shalt  }
0x7f: {  	_ =	shalt  }
0x80: {  	_ =	shalt  }
0x81: {  	_ =	shalt  }
0x82: {  	_ =	shalt  }
0x83: {  	_ =	shalt  }
0x84: {  	_ =	shalt  }
0x85: {  	_ =	shalt  }
0x86: {  	_ =	shalt  }
0x87: {  	_ =	shalt  }
.Lfunc_end0:
.L_simem_size_0:
called_computation.1_lowered:
.L_overlay_start_0:
0x88: {  	s2 =	sld [smem:$0x3FD9]  }
0x89: {  	s3 =	sld [smem:$0x3FFE];
	_ =	sdelay $0x1  }
0x8a: {  	s1 =	srdreg.scid  }
0x8b: {  	s0 =	sand.u32 $0x1, s1  }
0x8c: {  	s16 =	sshll.u32 s0, $0xA;
	s2 =	sadd.s32 s3, s2  }
0x8d: {  	s2 =	sadd.s32 s2, s16  }
0x8e: {  	[smem:$0x3FB8] =	sst s2  }
0x8f: {  	_ = 	snop  }
0x90: {  	s2 =	sld [smem:$0x3FD0];
	_ =	sdelay $0x2  }
0x91: {  	s17 =	simm.s32 $0x11;
	s4 =	simm.s32 $0x10  }
0x92: {  	[smem:s4], [sflag:s17] =	dma.local [hbm:s2], $0x1  }
0x93: {  	_ =	swait.eq [sflag:s17], $0x1  }
0x94: {  	[sflag:s17] =	ssyncset.done $0x0  }
0x95: {  	[sflag:s17] =	ssyncadd.s32 $0xFFFFFFFF  }
0x96: {  	s3 =	sld [smem:$0x10];
	(tm) =	ssettm $0x1  }
0x97: {  	s18 =	sld [smem:$0x3FFB];
	_ =	sdelay $0x3  }
0x98: {  	_ =	strace s18  }
0x99: {  	s2 =	sld [smem:$0x3FFC];
	_ =	sdelay $0x3  }
0x9a: {  	_ =	strace s2  }
0x9b: {  	s2 =	sld [smem:$0x3FFD];
	_ =	sdelay $0x3  }
0x9c: {  	_ =	strace s2  }
0x9d: {  	_ =	strace $0x8FFFFFFF  }
0x9e: {  	s19 =	sld [smem:$0x3FDB];
	_ =	sdelay $0x1  }
0x9f: {  	s20 =	simm.s32 $_scs_section_size  }
0xa0: {  	s5 =	simm.s32 $_size__tile_overlayer_lowered;
	s6 =	simm.s32 $_tile_overlayer_lowered  }
0xa1: {  	s7 =	simm.s32 $0x1BFF;
	s21 =	sshll.u32 s6, $0x1;
	s4 =	sadd.s32 s20, s19  }
0xa2: {  	s22 =	simm.s32 $0x0;
	s5 =	sshll.u32 s5, $0x1;
	s6 =	sadd.s32 s21, s4  }
0xa3: {  	[timem:s22], [sflag:s7] =	dma.local [hbm:s6], s5  }
0xa4: {  	_ =	swait.ge [sflag:s7], s5  }
0xa5: {  	s5 =	ssub.s32 $0x0, s5;
	[sflag:s7] =	ssyncset.done $0x0  }
0xa6: {  	[sflag:s7] =	ssyncadd.s32 s5;
	_ =	sdelay $0x1  }
0xa7: {  	s23 =	simm.s32 $0x1B8B  }
0xa8: {  	_ =	swait.ge [sflag:s23], $0x1  }
0xa9: {  	[sflag:s23] =	ssyncset.done $0x0  }
0xaa: {  	[sflag:s23] =	ssyncadd.s32 $0xFFFFFFFF  }
0xab: {  	s5 =	sld [smem:$0x0]  }
0xac: {  	s6 =	sand.u32 $0xFFFFFFFE, s1  }
0xad: {  	p0 =	sne.s32 s1, s6  }
0xae: {  	s6 =	sshll.u32 @p0 s6, $0xE  }
0xaf: {  	s6 =	sadd.s32 @p0 $0x11B8D, s6;
	s7 =	sshll.u32 @p0 s5, $0x11  }
0xb0: {  	s6 =	sor.u32 @p0 s7, s6  }
0xb1: {  	[sflag:s6] =	ssyncadd.remote.s32 @p0 $0x1;
	_ =	sdelay $0x1  }
0xb2: {  	s6 =	simm.s32 @p0 $0x1B8D  }
0xb3: {  	_ =	swait.eq @p0 [sflag:s6], $0x1  }
0xb4: {  	[sflag:s6] =	ssyncadd.s32 @p0 $0xFFFFFFFF  }
0xb5: {  	s7 =	sshll.u32 @!p0 s1, $0xE  }
0xb6: {  	s7 =	sor.u32 @!p0 $0x4000, s7;
	s6 =	simm.s32 @!p0 $0x1B8D  }
0xb7: {  	s5 =	sshll.u32 @!p0 s5, $0x11;
	s7 =	sadd.s32 @!p0 $0x11B8D, s7;
	_ =	swait.eq @!p0 [sflag:s6], $0x1  }
0xb8: {  	s5 =	sor.u32 @!p0 s5, s7;
	[sflag:s6] =	ssyncadd.s32 @!p0 $0xFFFFFFFF  }
0xb9: {  	s25 =	simm.s32 $0x1B8E;
	s24 =	sld [smem:$0x3FFE];
	[sflag:s5] =	ssyncadd.remote.s32 @!p0 $0x1  }
0xba: {  	s26 =	simm.s32 $execute0_lowered;
	[smem:$0x3FD2] =	sst s25  }
0xbb: {  	s6 =	sshll.u32 s26, $0x1;
	_ =	strace $0x80000067;
	[dreg:$0x1] =	wrdreg $0xFFFFFFFF  }
0xbc: {  	s28 =	simm.s32 $_size_execute0_lowered;
	s4 =	sadd.s32 s4, s6;
	[dreg:$0x0] =	wrdreg $0x0  }
0xbd: {  	s6 =	sshll.u32 s28, $0x1;
	[dreg:$0x2] =	wrdreg s4  }
0xbe: {  	[dreg:$0x3] =	wrdreg s6  }
0xbf: {  	[dreg:$0x4] =	wrdreg $0xC0  }
0xc0: {  	_ =	task [dreg:s22], $0x5FFFF  }
0xc1: {  	[dreg:$0x1] =	wrdreg $0xFFFFFFFF  }
0xc2: {  	[dreg:$0x0] =	wrdreg $0x60  }
0xc3: {  	[dreg:$0x2] =	wrdreg s24  }
0xc4: {  	[dreg:$0x3] =	wrdreg s3  }
0xc5: {  	[dreg:$0x4] =	wrdreg $0x28800  }
0xc6: {  	[dreg:$0x5] =	wrdreg $0xC  }
0xc7: {  	_ =	task.clear_ibuf [dreg:s22], $0x6FFFF;
	_ =	strace $0x90000067  }
0xc8: {  	s29 =	simm.s32 $0xC;
	_ =	strace $0x80000069  }
0xc9: {  	_ =	swait.ge [sflag:s29], $0x1  }
0xca: {  	[sflag:s29] =	ssyncadd.s32 $0xFFFFFFFF  }
0xcb: {  	_ =	strace $0x90000069  }
0xcc: {  	_ =	sfence  }
0xcd: {  	s30 =	sld [smem:$0x0];
	_ =	sdelay $0x2  }
0xce: {  	s31 =	sshll.u32 s1, $0xD;
	s1 =	sshrl.u32 s1, $0x2  }
0xcf: {  	s4 =	sand.u32 $0x4000, s31;
	s1 =	sadd.s32 s1, s30  }
0xd0: {  	s0 =	sor.u32 s4, s0;
	s1 =	sshll.u32 s1, $0x11  }
0xd1: {  	s0 =	sor.u32 s1, s0  }
0xd2: {  	s0 =	sadd.s32 $0x8F2B, s0  }
0xd3: {  	[sflag:s0] =	ssyncadd.remote.s32 $0x1  }
0xd4: {  	_ =	sfence.sel $0xFFFF  }
0xd5: {  	[dreg:$0x0] =	wrdreg $0xFFFFFFFF;
	(pc) =	sbr.abs _section_cstart, $3  }
0xd6: {  	[dreg:$0x1] =	wrdreg $0xFFFFFFFF  }
0xd7: {  	_ =	task.clear_ibuf [dreg:s22], $0x2FFFF;
	_ =	strace $0x9FFFFFFF  }
0xd8: {  	(tm) =	ssettm $0x7FFFFFFF  }
0xd9: {  	_ =	shalt  }
tec
execute0_lowered:
.L_overlay_start_1:
0x0: {  	(tag) =	ssettag $0x1  }
0x1: {  	s4 =	rddreg [dreg:$0x0];
	s0 =	srdreg.scid  }
0x2: {  	s7 =	stileid.u32;
	s1 =	rddreg [dreg:$0x1]  }
0x3: {  	s2 =	rddreg [dreg:$0x2];
	s3 =	simm.s32 $0x0;
	s6 =	smul.u32 $0x1360, s7  }
0x4: {  	s11 =	simm.s32 $0x50;
	s5 =	sand.u32 $0x1, s0;
	s29 =	smul.u32 $0x13600, s7  }
0x5: {  	s12 =	simm.s32 $0x0;
	s0 =	rddreg [dreg:$0x3];
	s8 =	smul.u32 $0x9B0, s5  }
0x6: {  	[smem:$0x7FF] =	sst s3;
	p0 =	sne.s32 s7, $0x0;
	s9 =	smul.u32 $0x27100, s5  }
0x7: {  	s30 =	ssub.s32 $0x2, s5;
	s5 =	smul.u32 $0x9B00, s5;
	s6 =	sadd.s32 s8, s6  }
0x8: {  	_ =	strace $0x80000068;
	s8 =	sadd.s32 s29, s4;
	s6 =	sshrl.u32 s6, $0x3  }
0x9: {  	s31 =	sshrl.u32 s30, $0x1;
	s8 =	sadd.s32 s5, s8;
	s10 =	sadd.s32 s6, s4  }
0xa: {  	s4 =	sadd.s32 s9, s4;
	s6 =	ssub.s32 s30, s31;
	s9 =	simm.s32 $0x1  }
0xb: {  	s4 =	sadd.s32 $0x500200, s4;
	s5 =	smax.u32 s6, $0x1;
	s6 =	sadd.s32 $0x3CA200, s8  }
0xc: {  	s7 =	sadd.s32 $0x76EA00, s10;
	s8 =	sshrl.u32 @!p0 s2, $0x3;
	s10 =	simm.s32 $0x80  }
.LBB2_1:
0xd: {  	s13 =	simm.s32 @!p0 $0x1C01  }
0xe: {  	[spmem:s8], [sflag:s13] =	dma.local @!p0 [hbm:s1], $0x27100  }
0xf: {  	s13 =	simm.s32 @!p0 $0x1  }
0x10: {  	_ =	swait.ge @!p0 [sflag:s13], $0x27100  }
0x11: {  	[sflag:s13] =	ssyncset.done @!p0 $0x0  }
0x12: {  	[sflag:s13] =	ssyncadd.s32 @!p0 $0xFFFD8F00  }
0x13: {  	s31 =	sadd.s32 $0x0, s7;
	[bflag:$0x0] =	sbarrier.arrive $0xFFFF  }
0x14: {  	[tilespmem:s3], [sflag:$0x1] =	stream.linear.gather [hbm4b:s31+s3], $0x50, $0x38;
	[tilespmem:$0x16100] =	vst v63  }
0x15: {  	_ =	swait.ge [sflag:s9], $0x50  }
0x16: {  	[sflag:s9] =	ssyncset.done $0x0  }
0x17: {  	[sflag:s9] =	ssyncadd.s32 $0xFFFFFFB0  }
0x18: {  	[tilespmem:s10], [sflag:$0x1] =	stream.linear.gather [hbm4b:s6+s3], $0x2800, $0x38;
	[tilespmem:$0x16100] =	vst v63  }
0x19: {  	_ =	swait.ge [sflag:s9], $0x2800  }
0x1a: {  	[sflag:s9] =	ssyncset.done $0x0  }
0x1b: {  	[sflag:s9] =	ssyncadd.s32 $0xFFFFD800  }
0x1c: {  	[spmem:s2] =	stream.indirect.scatter.add.f32 [tilespmem:s10], [sflag:$0x1], $0x80, s3, s11, $0xb8;
	[tilespmem:$0x16100] =	vst v63  }
0x1d: {  	s14 =	simm.s32 $0xA;
	_ =	swait.ge [sflag:s9], $0x2800  }
0x1e: {  	s15 =	simm.s32 $0x14;
	s13 =	sadd.s32 $0x500, s6;
	[sflag:s9] =	ssyncset.done $0x0  }
.LBB2_2:
0x1f: {  	s16 =	sadd.s32 s14, s7  }
0x20: {  	[sflag:s9] =	ssyncadd.s32 $0xFFFFD800;
	s14 =	smov.u32 s15;
	s17 =	sadd.s32 $0xA, s15  }
0x21: {  	[tilespmem:s3], [sflag:$0x1] =	stream.linear.gather [hbm4b:s16+s3], $0x50, $0x38;
	[tilespmem:$0x16100] =	vst v63  }
0x22: {  	p1 =	sne.s32 s15, $0x12C;
	_ =	swait.ge [sflag:s9], $0x50  }
0x23: {  	[sflag:s9] =	ssyncset.done $0x0  }
0x24: {  	[sflag:s9] =	ssyncadd.s32 $0xFFFFFFB0  }
0x25: {  	[tilespmem:s10], [sflag:$0x1] =	stream.linear.gather [hbm4b:s13+s3], $0x2800, $0x38;
	[tilespmem:$0x16100] =	vst v63  }
0x26: {  	_ =	swait.ge [sflag:s9], $0x2800  }
.Ltmp0:
0x27: {  	[sflag:s9] =	ssyncset.done $0x0;
	(pc) =	sbr.rel @p1 .LBB2_2-.Ltmp0, $4  }
0x28: {  	[sflag:s9] =	ssyncadd.s32 $0xFFFFD800  }
0x29: {  	[spmem:s2] =	stream.indirect.scatter.add.f32 [tilespmem:s10], [sflag:$0x1], $0x80, s3, s11, $0xb8;
	[tilespmem:$0x16100] =	vst v63  }
0x2a: {  	_ =	swait.ge [sflag:s9], $0x2800  }
0x2b: {  	s15 =	smov.u32 s17;
	s13 =	sadd.s32 $0x500, s13;
	[sflag:s9] =	ssyncset.done $0x0  }
0x2c: {  	s14 =	sadd.s32 s14, s7;
	[sflag:s9] =	ssyncadd.s32 $0xFFFFD800  }
0x2d: {  	[tilespmem:s3], [sflag:$0x1] =	stream.linear.gather [hbm4b:s14+s3], $0x50, $0x38;
	[tilespmem:$0x16100] =	vst v63  }
0x2e: {  	_ =	swait.ge [sflag:s9], $0x50  }
0x2f: {  	[sflag:s9] =	ssyncset.done $0x0  }
0x30: {  	[sflag:s9] =	ssyncadd.s32 $0xFFFFFFB0  }
0x31: {  	[tilespmem:s10], [sflag:$0x1] =	stream.linear.gather [hbm4b:s13+s3], $0x2800, $0x38;
	[tilespmem:$0x16100] =	vst v63  }
0x32: {  	_ =	swait.ge [sflag:s9], $0x2800  }
0x33: {  	[sflag:s9] =	ssyncset.done $0x0  }
0x34: {  	[sflag:s9] =	ssyncadd.s32 $0xFFFFD800  }
0x35: {  	[spmem:s2] =	stream.indirect.scatter.add.f32 [tilespmem:s10], [sflag:$0x1], $0x80, s3, s11, $0xb8;
	[tilespmem:$0x16100] =	vst v63  }
0x36: {  	_ =	swait.ge [sflag:s9], $0x2800  }
0x37: {  	[sflag:s9] =	ssyncset.done $0x0  }
0x38: {  	s12 =	sadd.s32 $0x1, s12;
	[sflag:s9] =	ssyncadd.s32 $0xFFFFD800  }
0x39: {  	p1 =	sne.s32 s12, s5;
	s13 =	simm.s32 @!p0 $0x1C01;
	[bflag:$0x0] =	sbarrier.arrive $0xFFFF  }
0x3a: {  	[hbm:s4], [sflag:s13] =	dma.local @!p0 [spmem:s8], $0x27100  }
.Ltmp1:
0x3b: {  	_ = 	snop;
	(pc) =	sbr.rel @p1 .LBB2_1-.Ltmp1, $4  }
0x3c: {  	s13 =	simm.s32 @!p0 $0x1  }
0x3d: {  	_ =	swait.ge @!p0 [sflag:s13], $0x27100  }
0x3e: {  	[sflag:s13] =	ssyncset.done @!p0 $0x0  }
0x3f: {  	[sflag:s13] =	ssyncadd.s32 @!p0 $0xFFFD8F00  }
0x40: {  	_ =	sfence.sel $0x180000  }
0x41: {  	[bflag:$0x0] =	sbarrier.arrive $0xFFFF  }
0x42: {  	_ =	strace $0x90000068  }
0x43: {  	s0 =	sadd.s32 @!p0 $0x100000, s0;
	[bflag:$0x2] =	sbarrier.arrive $0xFFFF  }
0x44: {  	[sflag:s0] =	ssyncadd.tile.s32 @!p0 $0x1;
	_ =	shalt  }
.Lfunc_end2:
_tile_overlayer_lowered:
.L_overlay_start_2:
0x45: {  	(tag) =	ssettag $0x2  }
0x46: {  	s0 =	rddreg [dreg:$0x0];
	s2 =	stileid.u32  }
0x47: {  	s1 =	rddreg [dreg:$0x1];
	p0 =	sne.s32 s2, $0x0  }
0x48: {  	s3 =	rddreg [dreg:$0x2];
	[bflag:$0x3] =	sbarrier.arrive $0xFFFF;
	s2 =	simm.s32 @!p0 $0x1C01  }
0x49: {  	[timem:s3], [sflag:s2] =	dma.local @!p0 [hbm:s0], s1  }
0x4a: {  	s0 =	simm.s32 @!p0 $0x1  }
0x4b: {  	_ =	swait.ge @!p0 [sflag:s0], s1  }
0x4c: {  	s1 =	ssub.s32 @!p0 $0x0, s1;
	[sflag:s0] =	ssyncset.done @!p0 $0x0  }
0x4d: {  	[sflag:s0] =	ssyncadd.s32 @!p0 s1  }
0x4e: {  	[bflag:$0x3] =	sbarrier.arrive $0xFFFF  }
0x4f: {  	_ =	shalt  }

// kernel: kernel.25.cloned.1.call-start
scs
__scs_entry_jumppad:
0x0: {  	(pc) =	sbr.rel $0x88, $3  }
0x1: {  	(tag) =	ssettag $0x0;
	lr =	simm.s32 $0x1  }
0x2: {  	[smem:$0x3F91] =	sst lr;
	_ =	strace $0xD0000000  }
0x3: {  	_ = 	snop  }
0x4: {  	_ = 	snop  }
0x5: {  	_ = 	snop  }
0x6: {  	_ = 	snop  }
0x7: {  	_ = 	snop  }
__scs_overlays_trampoline_lowered:
0x8: {  	[smem:$0x3FA0] =	sst s0  }
0x9: {  	[smem:$0x3FA1] =	sst s1  }
0xa: {  	[smem:$0x3FA2] =	sst s2  }
0xb: {  	[smem:$0x3FA3] =	sst s3  }
0xc: {  	[smem:$0x3FA4] =	sst s4  }
0xd: {  	[smem:$0x3FA5] =	sst s5  }
0xe: {  	[smem:$0x3FA6] =	sst s6  }
0xf: {  	[smem:$0x3FA7] =	sst s7  }
0x10: {  	[smem:$0x3FA8] =	sst s8  }
0x11: {  	[smem:$0x3FA9] =	sst s9;
	s0 =	simm.s32 @!p0 $0x0  }
0x12: {  	s1 =	sld [smem:$0x3F8F];
	s0 =	simm.s32 @p0 $0x1  }
0x13: {  	[smem:$0x3FAA] =	sst s0;
	s0 =	simm.s32 @!p1 $0x0  }
0x14: {  	s2 =	sld [smem:$0x3F8E];
	s0 =	simm.s32 @p1 $0x1  }
0x15: {  	[smem:$0x3FAB] =	sst s0;
	s0 =	simm.s32 @!p2 $0x0  }
0x16: {  	s3 =	sld [smem:$0x3FDB];
	s0 =	simm.s32 @p2 $0x1  }
0x17: {  	s4 =	simm.s32 $0x1BF5;
	[smem:$0x3FAD] =	sst s0  }
0x18: {  	s0 =	sld [smem:$0x3F90];
	_ =	swait.ge [sflag:s4], $0x0  }
0x19: {  	s7 =	sld [smem:$0x3F91]  }
0x1a: {  	s8 =	sadd.s32 $0xFFFFE003, lr  }
0x1b: {  	s9 =	sadd.s32 $0xFFFFFEF7, lr;
	s5 =	simm.s32 $0xFFFFFFFF;
	p2 =	slt.u32 s8, $0xFFFFF086  }
0x1c: {  	p1 =	slt.u32 s9, $0xF7A;
	s5 =	simm.s32 @!p2 $0x0  }
0x1d: {  	s5 =	simm.s32 @p1 $0x1;
	p0 =	seq.s32 s7, s2  }
0x1e: {  	s7 =	smul.u32 @!p0 $0xF7A, s2;
	p2 =	seq.s32 @!p0 s5, $0x0  }
0x1f: {  	s9 =	smul.u32 $0xF7A, s1;
	s8 =	simm.s32 @!p0 $0x1BF5;
	p2 =	por !p2, p0  }
0x20: {  	[sflag:s8] =	ssyncset.s32 @!p0 $0xFFFFF086;
	s6 =	sadd.s32 @!p0 s3, s7;
	s7 =	simm.s32 @!p0 $0x108  }
0x21: {  	s3 =	sadd.s32 s3, s9;
	s6 =	sadd.s32 @!p0 $0x88, s6;
	s7 =	simm.s32 @p2 $0x1082  }
0x22: {  	[simem:s7], [sflag:s8] =	dma.local @!p0 [hbm:s6], $0xF7A  }
0x23: {  	s9 =	sor.u32 $0xD0000000, s2;
	s6 =	simm.s32 $0x108;
	_ =	swait.ge @!p0 [sflag:s8], $0x0  }
0x24: {  	s3 =	sadd.s32 $0x88, s3;
	s6 =	simm.s32 @!p1 $0x1082;
	[sflag:s4] =	ssyncset.s32 $0xFFFFF086  }
0x25: {  	[simem:s6], [sflag:s4] =	dma.local [hbm:s3], $0xF7A  }
0x26: {  	[smem:$0x3F91] =	sst s1;
	(tag) =	ssettag s2;
	_ =	strace s9  }
0x27: {  	s1 =	sld [smem:$0x3FA1]  }
0x28: {  	s2 =	sld [smem:$0x3FA2]  }
0x29: {  	s4 =	sld [smem:$0x3FA4]  }
0x2a: {  	p0 =	seq.s32 s5, $0x0;
	s5 =	sld [smem:$0x3FA5]  }
0x2b: {  	s6 =	sld [smem:$0x3FA6]  }
0x2c: {  	s7 =	sld [smem:$0x3FA7]  }
0x2d: {  	s3 =	simm.s32 $0x108;
	s8 =	sld [smem:$0x3FA8]  }
0x2e: {  	s3 =	simm.s32 @!p0 $0x1082;
	s9 =	sld [smem:$0x3FA9]  }
0x2f: {  	lr =	sadd.s32 s0, s3;
	s0 =	sld [smem:$0x3FA0]  }
0x30: {  	s3 =	sld [smem:$0x3FA3]  }
0x31: {  	[smem:$0x3FAC] =	sst s10  }
0x32: {  	s10 =	sld [smem:$0x3FAA];
	_ =	sdelay $0x3  }
0x33: {  	p0 =	seq.s32 s10, $0x1;
	s10 =	sld [smem:$0x3FAC];
	_ =	sdelay $0x3  }
0x34: {  	[smem:$0x3FAC] =	sst s10  }
0x35: {  	s10 =	sld [smem:$0x3FAB];
	_ =	sdelay $0x3  }
0x36: {  	p1 =	seq.s32 s10, $0x1;
	s10 =	sld [smem:$0x3FAC];
	_ =	sdelay $0x3  }
0x37: {  	[smem:$0x3FAC] =	sst s10  }
0x38: {  	s10 =	sld [smem:$0x3FAD]  }
0x39: {  	_ = 	snop;
	(pc) =	sbr.ind lr, $3  }
0x3a: {  	_ = 	snop  }
0x3b: {  	_ = 	snop  }
0x3c: {  	p2 =	seq.s32 s10, $0x1;
	s10 =	sld [smem:$0x3FAC]  }
0x3d: {  	_ =	shalt  }
0x3e: {  	_ =	shalt  }
0x3f: {  	_ =	shalt  }
0x40: {  	_ =	shalt  }
0x41: {  	_ =	shalt  }
0x42: {  	_ =	shalt  }
0x43: {  	_ =	shalt  }
0x44: {  	_ =	shalt  }
0x45: {  	_ =	shalt  }
0x46: {  	_ =	shalt  }
0x47: {  	_ =	shalt  }
0x48: {  	_ =	shalt  }
0x49: {  	_ =	shalt  }
0x4a: {  	_ =	shalt  }
0x4b: {  	_ =	shalt  }
0x4c: {  	_ =	shalt  }
0x4d: {  	_ =	shalt  }
0x4e: {  	_ =	shalt  }
0x4f: {  	_ =	shalt  }
0x50: {  	_ =	shalt  }
0x51: {  	_ =	shalt  }
0x52: {  	_ =	shalt  }
0x53: {  	_ =	shalt  }
0x54: {  	_ =	shalt  }
0x55: {  	_ =	shalt  }
0x56: {  	_ =	shalt  }
0x57: {  	_ =	shalt  }
0x58: {  	_ =	shalt  }
0x59: {  	_ =	shalt  }
0x5a: {  	_ =	shalt  }
0x5b: {  	_ =	shalt  }
0x5c: {  	_ =	shalt  }
0x5d: {  	_ =	shalt  }
0x5e: {  	_ =	shalt  }
0x5f: {  	_ =	shalt  }
0x60: {  	_ =	shalt  }
0x61: {  	_ =	shalt  }
0x62: {  	_ =	shalt  }
0x63: {  	_ =	shalt  }
0x64: {  	_ =	shalt  }
0x65: {  	_ =	shalt  }
0x66: {  	_ =	shalt  }
0x67: {  	_ =	shalt  }
0x68: {  	_ =	shalt  }
0x69: {  	_ =	shalt  }
0x6a: {  	_ =	shalt  }
0x6b: {  	_ =	shalt  }
0x6c: {  	_ =	shalt  }
0x6d: {  	_ =	shalt  }
0x6e: {  	_ =	shalt  }
0x6f: {  	_ =	shalt  }
0x70: {  	_ =	shalt  }
0x71: {  	_ =	shalt  }
0x72: {  	_ =	shalt  }
0x73: {  	_ =	shalt  }
0x74: {  	_ =	shalt  }
0x75: {  	_ =	shalt  }
0x76: {  	_ =	shalt  }
0x77: {  	_ =	shalt  }
0x78: {  	_ =	shalt  }
0x79: {  	_ =	shalt  }
0x7a: {  	_ =	shalt  }
0x7b: {  	_ =	shalt  }
0x7c: {  	_ =	shalt  }
0x7d: {  	_ =	shalt  }
0x7e: {  	_ =	shalt  }
0x7f: {  	_ =	shalt  }
0x80: {  	_ =	shalt  }
0x81: {  	_ =	shalt  }
0x82: {  	_ =	shalt  }
0x83: {  	_ =	shalt  }
0x84: {  	_ =	shalt  }
0x85: {  	_ =	shalt  }
0x86: {  	_ =	shalt  }
0x87: {  	_ =	shalt  }
.Lfunc_end0:
.L_simem_size_0:
called_computation.2_lowered:
.L_overlay_start_0:
0x88: {  	s2 =	sld [smem:$0x3FD9]  }
0x89: {  	s3 =	sld [smem:$0x3FFE];
	_ =	sdelay $0x1  }
0x8a: {  	s1 =	srdreg.scid  }
0x8b: {  	s0 =	sand.u32 $0x1, s1  }
0x8c: {  	s16 =	sshll.u32 s0, $0xA;
	s2 =	sadd.s32 s3, s2  }
0x8d: {  	s2 =	sadd.s32 s2, s16  }
0x8e: {  	[smem:$0x3FB8] =	sst s2  }
0x8f: {  	_ = 	snop  }
0x90: {  	s2 =	sld [smem:$0x3FD0];
	_ =	sdelay $0x2  }
0x91: {  	s17 =	simm.s32 $0x11;
	s4 =	simm.s32 $0x10  }
0x92: {  	[smem:s4], [sflag:s17] =	dma.local [hbm:s2], $0x1  }
0x93: {  	_ =	swait.eq [sflag:s17], $0x1  }
0x94: {  	[sflag:s17] =	ssyncset.done $0x0  }
0x95: {  	[sflag:s17] =	ssyncadd.s32 $0xFFFFFFFF  }
0x96: {  	s3 =	sld [smem:$0x11];
	(tm) =	ssettm $0x1  }
0x97: {  	s18 =	sld [smem:$0x3FFB];
	_ =	sdelay $0x3  }
0x98: {  	_ =	strace s18  }
0x99: {  	s2 =	sld [smem:$0x3FFC];
	_ =	sdelay $0x3  }
0x9a: {  	_ =	strace s2  }
0x9b: {  	s2 =	sld [smem:$0x3FFD];
	_ =	sdelay $0x3  }
0x9c: {  	_ =	strace s2  }
0x9d: {  	_ =	strace $0x8FFFFFFF  }
0x9e: {  	s19 =	sld [smem:$0x3FDB];
	_ =	sdelay $0x1  }
0x9f: {  	s20 =	simm.s32 $_scs_section_size  }
0xa0: {  	s5 =	simm.s32 $_size__tile_overlayer_lowered;
	s6 =	simm.s32 $_tile_overlayer_lowered  }
0xa1: {  	s7 =	simm.s32 $0x1BFF;
	s21 =	sshll.u32 s6, $0x1;
	s4 =	sadd.s32 s20, s19  }
0xa2: {  	s22 =	simm.s32 $0x0;
	s5 =	sshll.u32 s5, $0x1;
	s6 =	sadd.s32 s21, s4  }
0xa3: {  	[timem:s22], [sflag:s7] =	dma.local [hbm:s6], s5  }
0xa4: {  	_ =	swait.ge [sflag:s7], s5  }
0xa5: {  	s5 =	ssub.s32 $0x0, s5;
	[sflag:s7] =	ssyncset.done $0x0  }
0xa6: {  	[sflag:s7] =	ssyncadd.s32 s5;
	_ =	sdelay $0x1  }
0xa7: {  	s23 =	simm.s32 $0x1B8B  }
0xa8: {  	_ =	swait.ge [sflag:s23], $0x1  }
0xa9: {  	[sflag:s23] =	ssyncset.done $0x0  }
0xaa: {  	[sflag:s23] =	ssyncadd.s32 $0xFFFFFFFF  }
0xab: {  	s5 =	sld [smem:$0x0]  }
0xac: {  	s6 =	sand.u32 $0xFFFFFFFE, s1  }
0xad: {  	p0 =	sne.s32 s1, s6  }
0xae: {  	s6 =	sshll.u32 @p0 s6, $0xE  }
0xaf: {  	s6 =	sadd.s32 @p0 $0x11B8D, s6;
	s7 =	sshll.u32 @p0 s5, $0x11  }
0xb0: {  	s6 =	sor.u32 @p0 s7, s6  }
0xb1: {  	[sflag:s6] =	ssyncadd.remote.s32 @p0 $0x1;
	_ =	sdelay $0x1  }
0xb2: {  	s6 =	simm.s32 @p0 $0x1B8D  }
0xb3: {  	_ =	swait.eq @p0 [sflag:s6], $0x1  }
0xb4: {  	[sflag:s6] =	ssyncadd.s32 @p0 $0xFFFFFFFF  }
0xb5: {  	s7 =	sshll.u32 @!p0 s1, $0xE  }
0xb6: {  	s7 =	sor.u32 @!p0 $0x4000, s7;
	s6 =	simm.s32 @!p0 $0x1B8D  }
0xb7: {  	s5 =	sshll.u32 @!p0 s5, $0x11;
	s7 =	sadd.s32 @!p0 $0x11B8D, s7;
	_ =	swait.eq @!p0 [sflag:s6], $0x1  }
0xb8: {  	s5 =	sor.u32 @!p0 s5, s7;
	[sflag:s6] =	ssyncadd.s32 @!p0 $0xFFFFFFFF  }
0xb9: {  	s25 =	simm.s32 $0x1B8E;
	s24 =	sld [smem:$0x3FFE];
	[sflag:s5] =	ssyncadd.remote.s32 @!p0 $0x1  }
0xba: {  	s26 =	simm.s32 $execute0_lowered;
	[smem:$0x3FD2] =	sst s25  }
0xbb: {  	s6 =	sshll.u32 s26, $0x1;
	_ =	strace $0x8000005B;
	[dreg:$0x1] =	wrdreg $0xFFFFFFFF  }
0xbc: {  	s28 =	simm.s32 $_size_execute0_lowered;
	s4 =	sadd.s32 s4, s6;
	[dreg:$0x0] =	wrdreg $0x0  }
0xbd: {  	s6 =	sshll.u32 s28, $0x1;
	[dreg:$0x2] =	wrdreg s4  }
0xbe: {  	[dreg:$0x3] =	wrdreg s6  }
0xbf: {  	[dreg:$0x4] =	wrdreg $0xC0  }
0xc0: {  	_ =	task [dreg:s22], $0x5FFFF  }
0xc1: {  	[dreg:$0x1] =	wrdreg $0xFFFFFFFF  }
0xc2: {  	[dreg:$0x0] =	wrdreg $0x60  }
0xc3: {  	[dreg:$0x2] =	wrdreg s24  }
0xc4: {  	[dreg:$0x3] =	wrdreg s3  }
0xc5: {  	[dreg:$0x4] =	wrdreg $0x97400  }
0xc6: {  	[dreg:$0x5] =	wrdreg $0xD  }
0xc7: {  	_ =	task.clear_ibuf [dreg:s22], $0x6FFFF;
	_ =	strace $0x9000005B  }
0xc8: {  	s29 =	simm.s32 $0xD;
	_ =	strace $0x8000005D  }
0xc9: {  	_ =	swait.ge [sflag:s29], $0x1  }
0xca: {  	[sflag:s29] =	ssyncadd.s32 $0xFFFFFFFF  }
0xcb: {  	_ =	strace $0x9000005D  }
0xcc: {  	_ =	sfence  }
0xcd: {  	s30 =	sld [smem:$0x0];
	_ =	sdelay $0x2  }
0xce: {  	s31 =	sshll.u32 s1, $0xD;
	s1 =	sshrl.u32 s1, $0x2  }
0xcf: {  	s4 =	sand.u32 $0x4000, s31;
	s1 =	sadd.s32 s1, s30  }
0xd0: {  	s0 =	sor.u32 s4, s0;
	s1 =	sshll.u32 s1, $0x11  }
0xd1: {  	s0 =	sor.u32 s1, s0  }
0xd2: {  	s0 =	sadd.s32 $0x8F2B, s0  }
0xd3: {  	[sflag:s0] =	ssyncadd.remote.s32 $0x1  }
0xd4: {  	_ =	sfence.sel $0xFFFF  }
0xd5: {  	[dreg:$0x0] =	wrdreg $0xFFFFFFFF;
	(pc) =	sbr.abs _section_cstart, $3  }
0xd6: {  	[dreg:$0x1] =	wrdreg $0xFFFFFFFF  }
0xd7: {  	_ =	task.clear_ibuf [dreg:s22], $0x2FFFF;
	_ =	strace $0x9FFFFFFF  }
0xd8: {  	(tm) =	ssettm $0x7FFFFFFF  }
0xd9: {  	_ =	shalt  }
tec
execute0_lowered:
.L_overlay_start_1:
0x0: {  	(tag) =	ssettag $0x1  }
0x1: {  	s7 =	rddreg [dreg:$0x0]  }
0x2: {  	s0 =	rddreg [dreg:$0x1];
	s1 =	srdreg.scid  }
0x3: {  	s12 =	stileid.u32;
	s2 =	rddreg [dreg:$0x2]  }
0x4: {  	s3 =	simm.s32 $0x0;
	s14 =	simm.s32 $0x4920;
	s15 =	simm.s32 $0x7030  }
0x5: {  	s17 =	simm.s32 $0x1D10;
	s18 =	simm.s32 $0x9B0;
	s19 =	simm.s32 $0x1360  }
0x6: {  	s20 =	simm.s32 $0x50;
	s8 =	sand.u32 $0x1, s1;
	s1 =	rddreg [dreg:$0x3]  }
0x7: {  	v0 =	vlaneseq.u32;
	s21 =	simm.s32 $0x0;
	s4 =	sshll.u32 s12, $0x1;
	[smem:$0x7FF] =	sst s3  }
0x8: {  	s5 =	sadd.s32 $0x9DFA00, s7;
	s6 =	sadd.s32 $0xCA00, s7;
	v0 =	vmul.u32 $0x10, v0;
	s4 =	sor.u32 s8, s4  }
0x9: {  	p0 =	sne.s32 s12, $0x0;
	s12 =	simm.s32 $0x2210;
	s4 =	smul.u32 $0x136, s4  }
0xa: {  	_ =	strace $0x8000005C;
	s9 =	smul.u32 $0x4E20, s8;
	s31 =	ssub.s32 $0x2, s8;
	v1 =	vor.u32 $0x1, v0;
	v3 =	vor.u32 $0x100, v0  }
0xb: {  	s16 =	sshrl.u32 @!p0 s2, $0x3;
	s13 =	sshrl.u32 s31, $0x1;
	v4 =	vor.u32 $0x101, v0;
	v5 =	vor.u32 $0x102, v0;
	v6 =	vor.u32 $0x200, v0;
	s10 =	sadd.s32 s4, s7  }
0xc: {  	v7 =	vor.u32 $0x201, v0;
	v8 =	vor.u32 $0x202, v0;
	v9 =	vor.u32 $0x300, v0;
	s11 =	sadd.s32 s9, s7;
	s4 =	sadd.s32 $0x9E0000, s7;
	s7 =	sadd.s32 $0x76EA00, s10  }
0xd: {  	v2 =	vor.u32 $0x2, v0;
	v10 =	vor.u32 $0x301, v0;
	v11 =	vor.u32 $0x302, v0;
	s13 =	ssub.s32 s31, s13;
	s8 =	sadd.s32 $0x76C200, s10;
	s9 =	sadd.s32 $0x16F400, s10  }
0xe: {  	v12 =	vor.u32 $0x400, v0;
	v13 =	vor.u32 $0x401, v0;
	v14 =	vor.u32 $0x402, v0;
	s10 =	sadd.s32 $0x171C00, s11;
	s11 =	smax.u32 s13, $0x1;
	s13 =	simm.s32 $0x1  }
.LBB2_1:
0xf: {  	[tilespmem:s12], [sflag:$0x1] =	stream.linear.gather [hbm4b:s4+s3], $0x2710, $0x38;
	[tilespmem:$0xBE50] =	vst v63  }
0x10: {  	_ =	swait.ge [sflag:s13], $0x2710  }
0x11: {  	[sflag:s13] =	ssyncset.done $0x0  }
0x12: {  	[sflag:s13] =	ssyncadd.s32 $0xFFFFD8F0  }
0x13: {  	[tilespmem:s14], [sflag:$0x1] =	stream.linear.gather [hbm4b:s5+s3], $0x2710, $0x38;
	[tilespmem:$0xBE50] =	vst v63  }
0x14: {  	_ =	swait.ge [sflag:s13], $0x2710  }
0x15: {  	[sflag:s13] =	ssyncset.done $0x0  }
0x16: {  	[sflag:s13] =	ssyncadd.s32 $0xFFFFD8F0  }
0x17: {  	[tilespmem:s15], [sflag:$0x1] =	stream.linear.gather [hbm4b:s0+s3], $0x2710, $0x38;
	[tilespmem:$0xBE50] =	vst v63  }
0x18: {  	_ =	swait.ge [sflag:s13], $0x2710  }
0x19: {  	[sflag:s13] =	ssyncset.done $0x0  }
0x1a: {  	s22 =	simm.s32 @!p0 $0x1C01;
	[sflag:s13] =	ssyncadd.s32 $0xFFFFD8F0  }
0x1b: {  	[spmem:s16], [sflag:s22] =	dma.local @!p0 [hbm:s6], $0x4E20  }
0x1c: {  	s22 =	simm.s32 @!p0 $0x1  }
0x1d: {  	_ =	swait.ge @!p0 [sflag:s22], $0x4E20  }
0x1e: {  	[sflag:s22] =	ssyncset.done @!p0 $0x0  }
0x1f: {  	[sflag:s22] =	ssyncadd.s32 @!p0 $0xFFFFB1E0  }
0x20: {  	[tilespmem:s17], [sflag:$0x1] =	stream.linear.gather [hbm4b:s6+s3], $0x500, $0x38;
	[tilespmem:$0xBE50] =	vst v63  }
0x21: {  	_ =	swait.ge [sflag:s13], $0x500  }
0x22: {  	[sflag:s13] =	ssyncset.done $0x0  }
0x23: {  	[sflag:s13] =	ssyncadd.s32 $0xFFFFFB00  }
0x24: {  	[tilespmem:s3], [sflag:$0x1] =	stream.linear.gather [hbm4b:s7+s3], $0x9B0, $0x38;
	[tilespmem:$0xBE50] =	vst v63  }
0x25: {  	_ =	swait.ge [sflag:s13], $0x9B0  }
0x26: {  	[sflag:s13] =	ssyncset.done $0x0  }
0x27: {  	[sflag:s13] =	ssyncadd.s32 $0xFFFFF650  }
0x28: {  	[tilespmem:s18], [sflag:$0x1] =	stream.linear.gather [hbm4b:s8+s3], $0x9B0, $0x38;
	[tilespmem:$0xBE50] =	vst v63  }
0x29: {  	_ =	swait.ge [sflag:s13], $0x9B0  }
0x2a: {  	[sflag:s13] =	ssyncset.done $0x0  }
0x2b: {  	[sflag:s13] =	ssyncadd.s32 $0xFFFFF650  }
0x2c: {  	[tilespmem:s19], [sflag:$0x1] =	stream.linear.gather [hbm4b:s9+s3], $0x9B0, $0x38;
	[tilespmem:$0xBE50] =	vst v63  }
0x2d: {  	_ =	swait.ge [sflag:s13], $0x9B0  }
0x2e: {  	[sflag:s13] =	ssyncset.done $0x0  }
0x2f: {  	[sflag:s13] =	ssyncadd.s32 $0xFFFFF650  }
0x30: {  	s22 =	simm.s32 $0x0;
	[bflag:$0x0] =	sbarrier.arrive $0xFFFF  }
.LBB2_2:
0x31: {  	s23 =	sshra.s32 s22, $0x2  }
0x32: {  	v15 =	vld [tilespmem:s23+$0x0]  }
0x33: {  	v16 =	vld [tilespmem:s23+$0x9B0];
	_ =	sdelay $0x5  }
0x34: {  	v17 =	vld [tilespmem:s23+$0x1360]  }
0x35: {  	v18 =	vld.idx.msk [tilespmem:v15+s12+$0x0], $0xffff  }
0x36: {  	v19 =	vld.idx.msk [tilespmem:v16+s12+$0x0], $0xffff  }
0x37: {  	v20 =	vld.idx.msk [tilespmem:v15+s14+$0x0], $0xffff  }
0x38: {  	v21 =	vld.idx.msk [tilespmem:v16+s14+$0x0], $0xffff  }
0x39: {  	v15 =	vld.idx.msk [tilespmem:v15+s15+$0x0], $0xffff  }
0x3a: {  	v16 =	vld.idx.msk [tilespmem:v16+s15+$0x0], $0xffff;
	_ =	sdelay $0x2  }
0x3b: {  	v18 =	vsub.f32 v18, v19  }
0x3c: {  	v33 =	vsub.f32 v20, v21  }
0x3d: {  	v15 =	vsub.f32 v15, v16;
	v34 =	vmul.f32 v18, v17  }
0x3e: {  	v35 =	vmul.f32 v33, v17  }
0x3f: {  	v15 =	vmul.f32 v15, v17;
	[tilespmem:v0+s17+$0x0] =	vst.idx.msk $0xffff, v34  }
0x40: {  	[tilespmem:v1+s17+$0x0] =	vst.idx.msk $0xffff, v35  }
0x41: {  	[tilespmem:v2+s17+$0x0] =	vst.idx.msk $0xffff, v15  }
0x42: {  	v15 =	vld [tilespmem:s23+$0x10]  }
0x43: {  	v16 =	vld [tilespmem:s23+$0x9C0];
	_ =	sdelay $0x5  }
0x44: {  	v36 =	vld [tilespmem:s23+$0x1370]  }
0x45: {  	v18 =	vld.idx.msk [tilespmem:v15+s12+$0x0], $0xffff  }
0x46: {  	v37 =	vld.idx.msk [tilespmem:v16+s12+$0x0], $0xffff  }
0x47: {  	v38 =	vld.idx.msk [tilespmem:v15+s14+$0x0], $0xffff  }
0x48: {  	v39 =	vld.idx.msk [tilespmem:v16+s14+$0x0], $0xffff  }
0x49: {  	v15 =	vld.idx.msk [tilespmem:v15+s15+$0x0], $0xffff  }
0x4a: {  	v16 =	vld.idx.msk [tilespmem:v16+s15+$0x0], $0xffff;
	_ =	sdelay $0x2  }
0x4b: {  	v18 =	vsub.f32 v18, v37  }
0x4c: {  	v40 =	vsub.f32 v38, v39  }
0x4d: {  	v15 =	vsub.f32 v15, v16;
	v41 =	vmul.f32 v18, v36  }
0x4e: {  	v42 =	vmul.f32 v40, v36  }
0x4f: {  	v15 =	vmul.f32 v15, v36;
	[tilespmem:v3+s17+$0x0] =	vst.idx.msk $0xffff, v41  }
0x50: {  	[tilespmem:v4+s17+$0x0] =	vst.idx.msk $0xffff, v42  }
0x51: {  	[tilespmem:v5+s17+$0x0] =	vst.idx.msk $0xffff, v15  }
0x52: {  	v15 =	vld [tilespmem:s23+$0x20]  }
0x53: {  	v16 =	vld [tilespmem:s23+$0x9D0];
	_ =	sdelay $0x5  }
0x54: {  	v43 =	vld [tilespmem:s23+$0x1380]  }
0x55: {  	v18 =	vld.idx.msk [tilespmem:v15+s12+$0x0], $0xffff  }
0x56: {  	v44 =	vld.idx.msk [tilespmem:v16+s12+$0x0], $0xffff  }
0x57: {  	v45 =	vld.idx.msk [tilespmem:v15+s14+$0x0], $0xffff  }
0x58: {  	v46 =	vld.idx.msk [tilespmem:v16+s14+$0x0], $0xffff  }
0x59: {  	v15 =	vld.idx.msk [tilespmem:v15+s15+$0x0], $0xffff  }
0x5a: {  	v16 =	vld.idx.msk [tilespmem:v16+s15+$0x0], $0xffff;
	_ =	sdelay $0x2  }
0x5b: {  	v18 =	vsub.f32 v18, v44  }
0x5c: {  	v47 =	vsub.f32 v45, v46  }
0x5d: {  	v15 =	vsub.f32 v15, v16;
	v48 =	vmul.f32 v18, v43  }
0x5e: {  	v49 =	vmul.f32 v47, v43  }
0x5f: {  	v15 =	vmul.f32 v15, v43;
	[tilespmem:v6+s17+$0x0] =	vst.idx.msk $0xffff, v48  }
0x60: {  	[tilespmem:v7+s17+$0x0] =	vst.idx.msk $0xffff, v49  }
0x61: {  	[tilespmem:v8+s17+$0x0] =	vst.idx.msk $0xffff, v15  }
0x62: {  	v15 =	vld [tilespmem:s23+$0x30]  }
0x63: {  	v16 =	vld [tilespmem:s23+$0x9E0];
	_ =	sdelay $0x5  }
0x64: {  	v50 =	vld [tilespmem:s23+$0x1390]  }
0x65: {  	v18 =	vld.idx.msk [tilespmem:v15+s12+$0x0], $0xffff  }
0x66: {  	v51 =	vld.idx.msk [tilespmem:v16+s12+$0x0], $0xffff  }
0x67: {  	v52 =	vld.idx.msk [tilespmem:v15+s14+$0x0], $0xffff  }
0x68: {  	v53 =	vld.idx.msk [tilespmem:v16+s14+$0x0], $0xffff  }
0x69: {  	v15 =	vld.idx.msk [tilespmem:v15+s15+$0x0], $0xffff  }
0x6a: {  	v16 =	vld.idx.msk [tilespmem:v16+s15+$0x0], $0xffff;
	_ =	sdelay $0x2  }
0x6b: {  	v18 =	vsub.f32 v18, v51  }
0x6c: {  	v54 =	vsub.f32 v52, v53  }
0x6d: {  	v15 =	vsub.f32 v15, v16;
	v55 =	vmul.f32 v18, v50  }
0x6e: {  	v56 =	vmul.f32 v54, v50  }
0x6f: {  	v15 =	vmul.f32 v15, v50;
	[tilespmem:v9+s17+$0x0] =	vst.idx.msk $0xffff, v55  }
0x70: {  	[tilespmem:v10+s17+$0x0] =	vst.idx.msk $0xffff, v56  }
0x71: {  	[tilespmem:v11+s17+$0x0] =	vst.idx.msk $0xffff, v15  }
0x72: {  	v15 =	vld [tilespmem:s23+$0x40]  }
0x73: {  	v16 =	vld [tilespmem:s23+$0x9F0];
	_ =	sdelay $0x5  }
0x74: {  	v57 =	vld [tilespmem:s23+$0x13A0]  }
0x75: {  	v18 =	vld.idx.msk [tilespmem:v15+s12+$0x0], $0xffff  }
0x76: {  	v58 =	vld.idx.msk [tilespmem:v16+s12+$0x0], $0xffff  }
0x77: {  	v59 =	vld.idx.msk [tilespmem:v15+s14+$0x0], $0xffff  }
0x78: {  	v60 =	vld.idx.msk [tilespmem:v16+s14+$0x0], $0xffff  }
0x79: {  	v15 =	vld.idx.msk [tilespmem:v15+s15+$0x0], $0xffff  }
0x7a: {  	v16 =	vld.idx.msk [tilespmem:v16+s15+$0x0], $0xffff;
	_ =	sdelay $0x2  }
0x7b: {  	v18 =	vsub.f32 v18, v58  }
0x7c: {  	v61 =	vsub.f32 v59, v60  }
0x7d: {  	v15 =	vsub.f32 v15, v16;
	v62 =	vmul.f32 v18, v57  }
0x7e: {  	v63 =	vmul.f32 v61, v57  }
0x7f: {  	v15 =	vmul.f32 v15, v57;
	[tilespmem:v12+s17+$0x0] =	vst.idx.msk $0xffff, v62  }
0x80: {  	p1 =	sne.s32 s22, $0x2580;
	[tilespmem:v13+s17+$0x0] =	vst.idx.msk $0xffff, v63  }
.Ltmp0:
0x81: {  	[tilespmem:v14+s17+$0x0] =	vst.idx.msk $0xffff, v15;
	(pc) =	sbr.rel @p1 .LBB2_2-.Ltmp0, $4  }
0x82: {  	[spmem:s2] =	stream.indirect.scatter.add.f32 [tilespmem:s17], [sflag:$0x1], $0x10, s23, s20, $0xb8;
	[tilespmem:$0xBE50] =	vst v63  }
0x83: {  	_ =	swait.ge [sflag:s13], $0x500  }
0x84: {  	[sflag:s13] =	ssyncset.done $0x0  }
0x85: {  	s22 =	sadd.s32 $0x140, s22;
	[sflag:s13] =	ssyncadd.s32 $0xFFFFFB00  }
0x86: {  	[bflag:$0x0] =	sbarrier.arrive $0xFFFF;
	s22 =	simm.s32 @!p0 $0x1C01;
	s21 =	sadd.s32 $0x1, s21  }
0x87: {  	[hbm:s10], [sflag:s22] =	dma.local @!p0 [spmem:s16], $0x4E20  }
0x88: {  	p1 =	sne.s32 s21, s11  }
.Ltmp1:
0x89: {  	_ = 	snop;
	(pc) =	sbr.rel @p1 .LBB2_1-.Ltmp1, $4  }
0x8a: {  	s22 =	simm.s32 @!p0 $0x1  }
0x8b: {  	_ =	swait.ge @!p0 [sflag:s22], $0x4E20  }
0x8c: {  	[sflag:s22] =	ssyncset.done @!p0 $0x0  }
0x8d: {  	[sflag:s22] =	ssyncadd.s32 @!p0 $0xFFFFB1E0  }
0x8e: {  	_ =	sfence.sel $0x180000  }
0x8f: {  	[bflag:$0x0] =	sbarrier.arrive $0xFFFF  }
0x90: {  	_ =	strace $0x9000005C  }
0x91: {  	s0 =	sadd.s32 @!p0 $0x100000, s1;
	[bflag:$0x2] =	sbarrier.arrive $0xFFFF  }
0x92: {  	[sflag:s0] =	ssyncadd.tile.s32 @!p0 $0x1;
	_ =	shalt  }
.Lfunc_end2:
_tile_overlayer_lowered:
.L_overlay_start_2:
0x93: {  	(tag) =	ssettag $0x2  }
0x94: {  	s0 =	rddreg [dreg:$0x0];
	s2 =	stileid.u32  }
0x95: {  	s1 =	rddreg [dreg:$0x1];
	p0 =	sne.s32 s2, $0x0  }
0x96: {  	s3 =	rddreg [dreg:$0x2];
	[bflag:$0x3] =	sbarrier.arrive $0xFFFF;
	s2 =	simm.s32 @!p0 $0x1C01  }
0x97: {  	[timem:s3], [sflag:s2] =	dma.local @!p0 [hbm:s0], s1  }
0x98: {  	s0 =	simm.s32 @!p0 $0x1  }
0x99: {  	_ =	swait.ge @!p0 [sflag:s0], s1  }
0x9a: {  	s1 =	ssub.s32 @!p0 $0x0, s1;
	[sflag:s0] =	ssyncset.done @!p0 $0x0  }
0x9b: {  	[sflag:s0] =	ssyncadd.s32 @!p0 s1  }
0x9c: {  	[bflag:$0x3] =	sbarrier.arrive $0xFFFF  }
0x9d: {  	_ =	shalt  }

// kernel: kernel.28.cloned.1.call-start
scs
__scs_entry_jumppad:
0x0: {  	(pc) =	sbr.rel $0x88, $3  }
0x1: {  	(tag) =	ssettag $0x0;
	lr =	simm.s32 $0x1  }
0x2: {  	[smem:$0x3F91] =	sst lr;
	_ =	strace $0xD0000000  }
0x3: {  	_ = 	snop  }
0x4: {  	_ = 	snop  }
0x5: {  	_ = 	snop  }
0x6: {  	_ = 	snop  }
0x7: {  	_ = 	snop  }
__scs_overlays_trampoline_lowered:
0x8: {  	[smem:$0x3FA0] =	sst s0  }
0x9: {  	[smem:$0x3FA1] =	sst s1  }
0xa: {  	[smem:$0x3FA2] =	sst s2  }
0xb: {  	[smem:$0x3FA3] =	sst s3  }
0xc: {  	[smem:$0x3FA4] =	sst s4  }
0xd: {  	[smem:$0x3FA5] =	sst s5  }
0xe: {  	[smem:$0x3FA6] =	sst s6  }
0xf: {  	[smem:$0x3FA7] =	sst s7  }
0x10: {  	[smem:$0x3FA8] =	sst s8  }
0x11: {  	[smem:$0x3FA9] =	sst s9;
	s0 =	simm.s32 @!p0 $0x0  }
0x12: {  	s1 =	sld [smem:$0x3F8F];
	s0 =	simm.s32 @p0 $0x1  }
0x13: {  	[smem:$0x3FAA] =	sst s0;
	s0 =	simm.s32 @!p1 $0x0  }
0x14: {  	s2 =	sld [smem:$0x3F8E];
	s0 =	simm.s32 @p1 $0x1  }
0x15: {  	[smem:$0x3FAB] =	sst s0;
	s0 =	simm.s32 @!p2 $0x0  }
0x16: {  	s3 =	sld [smem:$0x3FDB];
	s0 =	simm.s32 @p2 $0x1  }
0x17: {  	s4 =	simm.s32 $0x1BF5;
	[smem:$0x3FAD] =	sst s0  }
0x18: {  	s0 =	sld [smem:$0x3F90];
	_ =	swait.ge [sflag:s4], $0x0  }
0x19: {  	s7 =	sld [smem:$0x3F91]  }
0x1a: {  	s8 =	sadd.s32 $0xFFFFE003, lr  }
0x1b: {  	s9 =	sadd.s32 $0xFFFFFEF7, lr;
	s5 =	simm.s32 $0xFFFFFFFF;
	p2 =	slt.u32 s8, $0xFFFFF086  }
0x1c: {  	p1 =	slt.u32 s9, $0xF7A;
	s5 =	simm.s32 @!p2 $0x0  }
0x1d: {  	s5 =	simm.s32 @p1 $0x1;
	p0 =	seq.s32 s7, s2  }
0x1e: {  	s7 =	smul.u32 @!p0 $0xF7A, s2;
	p2 =	seq.s32 @!p0 s5, $0x0  }
0x1f: {  	s9 =	smul.u32 $0xF7A, s1;
	s8 =	simm.s32 @!p0 $0x1BF5;
	p2 =	por !p2, p0  }
0x20: {  	[sflag:s8] =	ssyncset.s32 @!p0 $0xFFFFF086;
	s6 =	sadd.s32 @!p0 s3, s7;
	s7 =	simm.s32 @!p0 $0x108  }
0x21: {  	s3 =	sadd.s32 s3, s9;
	s6 =	sadd.s32 @!p0 $0x88, s6;
	s7 =	simm.s32 @p2 $0x1082  }
0x22: {  	[simem:s7], [sflag:s8] =	dma.local @!p0 [hbm:s6], $0xF7A  }
0x23: {  	s9 =	sor.u32 $0xD0000000, s2;
	s6 =	simm.s32 $0x108;
	_ =	swait.ge @!p0 [sflag:s8], $0x0  }
0x24: {  	s3 =	sadd.s32 $0x88, s3;
	s6 =	simm.s32 @!p1 $0x1082;
	[sflag:s4] =	ssyncset.s32 $0xFFFFF086  }
0x25: {  	[simem:s6], [sflag:s4] =	dma.local [hbm:s3], $0xF7A  }
0x26: {  	[smem:$0x3F91] =	sst s1;
	(tag) =	ssettag s2;
	_ =	strace s9  }
0x27: {  	s1 =	sld [smem:$0x3FA1]  }
0x28: {  	s2 =	sld [smem:$0x3FA2]  }
0x29: {  	s4 =	sld [smem:$0x3FA4]  }
0x2a: {  	p0 =	seq.s32 s5, $0x0;
	s5 =	sld [smem:$0x3FA5]  }
0x2b: {  	s6 =	sld [smem:$0x3FA6]  }
0x2c: {  	s7 =	sld [smem:$0x3FA7]  }
0x2d: {  	s3 =	simm.s32 $0x108;
	s8 =	sld [smem:$0x3FA8]  }
0x2e: {  	s3 =	simm.s32 @!p0 $0x1082;
	s9 =	sld [smem:$0x3FA9]  }
0x2f: {  	lr =	sadd.s32 s0, s3;
	s0 =	sld [smem:$0x3FA0]  }
0x30: {  	s3 =	sld [smem:$0x3FA3]  }
0x31: {  	[smem:$0x3FAC] =	sst s10  }
0x32: {  	s10 =	sld [smem:$0x3FAA];
	_ =	sdelay $0x3  }
0x33: {  	p0 =	seq.s32 s10, $0x1;
	s10 =	sld [smem:$0x3FAC];
	_ =	sdelay $0x3  }
0x34: {  	[smem:$0x3FAC] =	sst s10  }
0x35: {  	s10 =	sld [smem:$0x3FAB];
	_ =	sdelay $0x3  }
0x36: {  	p1 =	seq.s32 s10, $0x1;
	s10 =	sld [smem:$0x3FAC];
	_ =	sdelay $0x3  }
0x37: {  	[smem:$0x3FAC] =	sst s10  }
0x38: {  	s10 =	sld [smem:$0x3FAD]  }
0x39: {  	_ = 	snop;
	(pc) =	sbr.ind lr, $3  }
0x3a: {  	_ = 	snop  }
0x3b: {  	_ = 	snop  }
0x3c: {  	p2 =	seq.s32 s10, $0x1;
	s10 =	sld [smem:$0x3FAC]  }
0x3d: {  	_ =	shalt  }
0x3e: {  	_ =	shalt  }
0x3f: {  	_ =	shalt  }
0x40: {  	_ =	shalt  }
0x41: {  	_ =	shalt  }
0x42: {  	_ =	shalt  }
0x43: {  	_ =	shalt  }
0x44: {  	_ =	shalt  }
0x45: {  	_ =	shalt  }
0x46: {  	_ =	shalt  }
0x47: {  	_ =	shalt  }
0x48: {  	_ =	shalt  }
0x49: {  	_ =	shalt  }
0x4a: {  	_ =	shalt  }
0x4b: {  	_ =	shalt  }
0x4c: {  	_ =	shalt  }
0x4d: {  	_ =	shalt  }
0x4e: {  	_ =	shalt  }
0x4f: {  	_ =	shalt  }
0x50: {  	_ =	shalt  }
0x51: {  	_ =	shalt  }
0x52: {  	_ =	shalt  }
0x53: {  	_ =	shalt  }
0x54: {  	_ =	shalt  }
0x55: {  	_ =	shalt  }
0x56: {  	_ =	shalt  }
0x57: {  	_ =	shalt  }
0x58: {  	_ =	shalt  }
0x59: {  	_ =	shalt  }
0x5a: {  	_ =	shalt  }
0x5b: {  	_ =	shalt  }
0x5c: {  	_ =	shalt  }
0x5d: {  	_ =	shalt  }
0x5e: {  	_ =	shalt  }
0x5f: {  	_ =	shalt  }
0x60: {  	_ =	shalt  }
0x61: {  	_ =	shalt  }
0x62: {  	_ =	shalt  }
0x63: {  	_ =	shalt  }
0x64: {  	_ =	shalt  }
0x65: {  	_ =	shalt  }
0x66: {  	_ =	shalt  }
0x67: {  	_ =	shalt  }
0x68: {  	_ =	shalt  }
0x69: {  	_ =	shalt  }
0x6a: {  	_ =	shalt  }
0x6b: {  	_ =	shalt  }
0x6c: {  	_ =	shalt  }
0x6d: {  	_ =	shalt  }
0x6e: {  	_ =	shalt  }
0x6f: {  	_ =	shalt  }
0x70: {  	_ =	shalt  }
0x71: {  	_ =	shalt  }
0x72: {  	_ =	shalt  }
0x73: {  	_ =	shalt  }
0x74: {  	_ =	shalt  }
0x75: {  	_ =	shalt  }
0x76: {  	_ =	shalt  }
0x77: {  	_ =	shalt  }
0x78: {  	_ =	shalt  }
0x79: {  	_ =	shalt  }
0x7a: {  	_ =	shalt  }
0x7b: {  	_ =	shalt  }
0x7c: {  	_ =	shalt  }
0x7d: {  	_ =	shalt  }
0x7e: {  	_ =	shalt  }
0x7f: {  	_ =	shalt  }
0x80: {  	_ =	shalt  }
0x81: {  	_ =	shalt  }
0x82: {  	_ =	shalt  }
0x83: {  	_ =	shalt  }
0x84: {  	_ =	shalt  }
0x85: {  	_ =	shalt  }
0x86: {  	_ =	shalt  }
0x87: {  	_ =	shalt  }
.Lfunc_end0:
.L_simem_size_0:
called_computation.3_lowered:
.L_overlay_start_0:
0x88: {  	s2 =	sld [smem:$0x3FD9]  }
0x89: {  	s3 =	sld [smem:$0x3FFE];
	_ =	sdelay $0x1  }
0x8a: {  	s1 =	srdreg.scid  }
0x8b: {  	s0 =	sand.u32 $0x1, s1  }
0x8c: {  	s16 =	sshll.u32 s0, $0xA;
	s2 =	sadd.s32 s3, s2  }
0x8d: {  	s2 =	sadd.s32 s2, s16  }
0x8e: {  	[smem:$0x3FB8] =	sst s2  }
0x8f: {  	_ = 	snop  }
0x90: {  	s2 =	sld [smem:$0x3FD0];
	_ =	sdelay $0x2  }
0x91: {  	s17 =	simm.s32 $0x11;
	s4 =	simm.s32 $0x10  }
0x92: {  	[smem:s4], [sflag:s17] =	dma.local [hbm:s2], $0x1  }
0x93: {  	_ =	swait.eq [sflag:s17], $0x1  }
0x94: {  	[sflag:s17] =	ssyncset.done $0x0  }
0x95: {  	[sflag:s17] =	ssyncadd.s32 $0xFFFFFFFF  }
0x96: {  	s3 =	sld [smem:$0x10];
	(tm) =	ssettm $0x1  }
0x97: {  	s18 =	sld [smem:$0x3FFB];
	_ =	sdelay $0x3  }
0x98: {  	_ =	strace s18  }
0x99: {  	s2 =	sld [smem:$0x3FFC];
	_ =	sdelay $0x3  }
0x9a: {  	_ =	strace s2  }
0x9b: {  	s2 =	sld [smem:$0x3FFD];
	_ =	sdelay $0x3  }
0x9c: {  	_ =	strace s2  }
0x9d: {  	_ =	strace $0x8FFFFFFF  }
0x9e: {  	s19 =	sld [smem:$0x3FDB];
	_ =	sdelay $0x1  }
0x9f: {  	s20 =	simm.s32 $_scs_section_size  }
0xa0: {  	s5 =	simm.s32 $_size__tile_overlayer_lowered;
	s6 =	simm.s32 $_tile_overlayer_lowered  }
0xa1: {  	s7 =	simm.s32 $0x1BFF;
	s21 =	sshll.u32 s6, $0x1;
	s4 =	sadd.s32 s20, s19  }
0xa2: {  	s22 =	simm.s32 $0x0;
	s5 =	sshll.u32 s5, $0x1;
	s6 =	sadd.s32 s21, s4  }
0xa3: {  	[timem:s22], [sflag:s7] =	dma.local [hbm:s6], s5  }
0xa4: {  	_ =	swait.ge [sflag:s7], s5  }
0xa5: {  	s5 =	ssub.s32 $0x0, s5;
	[sflag:s7] =	ssyncset.done $0x0  }
0xa6: {  	[sflag:s7] =	ssyncadd.s32 s5;
	_ =	sdelay $0x1  }
0xa7: {  	s23 =	simm.s32 $0x1B8B  }
0xa8: {  	_ =	swait.ge [sflag:s23], $0x1  }
0xa9: {  	[sflag:s23] =	ssyncset.done $0x0  }
0xaa: {  	[sflag:s23] =	ssyncadd.s32 $0xFFFFFFFF  }
0xab: {  	s5 =	sld [smem:$0x0]  }
0xac: {  	s6 =	sand.u32 $0xFFFFFFFE, s1  }
0xad: {  	p0 =	sne.s32 s1, s6  }
0xae: {  	s6 =	sshll.u32 @p0 s6, $0xE  }
0xaf: {  	s6 =	sadd.s32 @p0 $0x11B8D, s6;
	s7 =	sshll.u32 @p0 s5, $0x11  }
0xb0: {  	s6 =	sor.u32 @p0 s7, s6  }
0xb1: {  	[sflag:s6] =	ssyncadd.remote.s32 @p0 $0x1;
	_ =	sdelay $0x1  }
0xb2: {  	s6 =	simm.s32 @p0 $0x1B8D  }
0xb3: {  	_ =	swait.eq @p0 [sflag:s6], $0x1  }
0xb4: {  	[sflag:s6] =	ssyncadd.s32 @p0 $0xFFFFFFFF  }
0xb5: {  	s7 =	sshll.u32 @!p0 s1, $0xE  }
0xb6: {  	s7 =	sor.u32 @!p0 $0x4000, s7;
	s6 =	simm.s32 @!p0 $0x1B8D  }
0xb7: {  	s5 =	sshll.u32 @!p0 s5, $0x11;
	s7 =	sadd.s32 @!p0 $0x11B8D, s7;
	_ =	swait.eq @!p0 [sflag:s6], $0x1  }
0xb8: {  	s5 =	sor.u32 @!p0 s5, s7;
	[sflag:s6] =	ssyncadd.s32 @!p0 $0xFFFFFFFF  }
0xb9: {  	s25 =	simm.s32 $0x1B8E;
	s24 =	sld [smem:$0x3FFE];
	[sflag:s5] =	ssyncadd.remote.s32 @!p0 $0x1  }
0xba: {  	s26 =	simm.s32 $execute0_lowered;
	[smem:$0x3FD2] =	sst s25  }
0xbb: {  	s6 =	sshll.u32 s26, $0x1;
	_ =	strace $0x8000004C;
	[dreg:$0x1] =	wrdreg $0xFFFFFFFF  }
0xbc: {  	s28 =	simm.s32 $_size_execute0_lowered;
	s4 =	sadd.s32 s4, s6;
	[dreg:$0x0] =	wrdreg $0x0  }
0xbd: {  	s6 =	sshll.u32 s28, $0x1;
	[dreg:$0x2] =	wrdreg s4  }
0xbe: {  	[dreg:$0x3] =	wrdreg s6  }
0xbf: {  	[dreg:$0x4] =	wrdreg $0xC0  }
0xc0: {  	_ =	task [dreg:s22], $0x5FFFF  }
0xc1: {  	[dreg:$0x1] =	wrdreg $0xFFFFFFFF  }
0xc2: {  	[dreg:$0x0] =	wrdreg $0x60  }
0xc3: {  	[dreg:$0x2] =	wrdreg s3  }
0xc4: {  	[dreg:$0x3] =	wrdreg s24  }
0xc5: {  	[dreg:$0x4] =	wrdreg $0xB  }
0xc6: {  	_ =	task.clear_ibuf [dreg:s22], $0x5FFFF;
	_ =	strace $0x9000004C  }
0xc7: {  	s29 =	simm.s32 $0xB;
	_ =	strace $0x8000004E  }
0xc8: {  	_ =	swait.ge [sflag:s29], $0x1  }
0xc9: {  	[sflag:s29] =	ssyncadd.s32 $0xFFFFFFFF  }
0xca: {  	_ =	strace $0x9000004E  }
0xcb: {  	_ =	sfence  }
0xcc: {  	s30 =	sld [smem:$0x0];
	_ =	sdelay $0x2  }
0xcd: {  	s31 =	sshll.u32 s1, $0xD;
	s1 =	sshrl.u32 s1, $0x2  }
0xce: {  	s4 =	sand.u32 $0x4000, s31;
	s1 =	sadd.s32 s1, s30  }
0xcf: {  	s0 =	sor.u32 s4, s0;
	s1 =	sshll.u32 s1, $0x11  }
0xd0: {  	s0 =	sor.u32 s1, s0  }
0xd1: {  	s0 =	sadd.s32 $0x8F2B, s0  }
0xd2: {  	[sflag:s0] =	ssyncadd.remote.s32 $0x1  }
0xd3: {  	_ =	sfence.sel $0xFFFF  }
0xd4: {  	[dreg:$0x0] =	wrdreg $0xFFFFFFFF;
	(pc) =	sbr.abs _section_cstart, $3  }
0xd5: {  	[dreg:$0x1] =	wrdreg $0xFFFFFFFF  }
0xd6: {  	_ =	task.clear_ibuf [dreg:s22], $0x2FFFF;
	_ =	strace $0x9FFFFFFF  }
0xd7: {  	(tm) =	ssettm $0x7FFFFFFF  }
tec
execute0_lowered:
.L_overlay_start_1:
0x0: {  	(tag) =	ssettag $0x1  }
0x1: {  	s2 =	rddreg [dreg:$0x0]  }
0x2: {  	s1 =	srdreg.scid;
	s0 =	stileid.u32  }
0x3: {  	s4 =	rddreg [dreg:$0x1];
	s3 =	simm.s32 $0x0;
	s11 =	simm.s32 $0x50  }
0x4: {  	s12 =	simm.s32 $0x1400;
	s13 =	simm.s32 $0x3C00;
	s14 =	simm.s32 $0x1  }
0x5: {  	s15 =	simm.s32 $0x0;
	s5 =	sand.u32 $0x1, s1;
	s6 =	sshll.u32 s0, $0x1  }
0x6: {  	s1 =	rddreg [dreg:$0x2];
	s7 =	smul.u32 $0x13600, s0;
	s6 =	sor.u32 s5, s6  }
0x7: {  	[smem:$0x7FF] =	sst s3;
	s8 =	ssub.s32 $0x2, s5;
	s6 =	smul.u32 $0x9B0, s6  }
0x8: {  	_ =	strace $0x8000004D;
	s10 =	smul.u32 $0x9B00, s5;
	s9 =	sshrl.u32 s8, $0x1  }
0x9: {  	s7 =	sadd.s32 s7, s4;
	s8 =	ssub.s32 s8, s9;
	s6 =	sshrl.u32 s6, $0x3  }
0xa: {  	s31 =	sadd.s32 s10, s7;
	s10 =	simm.s32 $0xA00;
	s6 =	sadd.s32 s6, s4  }
0xb: {  	s9 =	simm.s32 $0x2;
	s7 =	sadd.s32 $0x500200, s31;
	s4 =	sadd.s32 $0x291A00, s6  }
0xc: {  	s5 =	sadd.s32 $0x28CA00, s6;
	s6 =	smax.u32 s8, $0x1;
	s8 =	sadd.s32 $0x636200, s31  }
.LBB2_1:
0xd: {  	[tilespmem:s3], [sflag:$0x2] =	stream.linear.gather [hbm4b:s4+s3], $0x9B0, $0x38;
	[tilespmem:$0x6400] =	vst v63  }
0xe: {  	_ =	swait.ge [sflag:s9], $0x9B0  }
0xf: {  	[sflag:s9] =	ssyncset.done $0x0  }
0x10: {  	[sflag:s9] =	ssyncadd.s32 $0xFFFFF650  }
0x11: {  	[tilespmem:s10], [sflag:$0x2] =	stream.linear.gather [hbm4b:s5+s3], $0x9B0, $0x38;
	[tilespmem:$0x6400] =	vst v63  }
0x12: {  	_ =	swait.ge [sflag:s9], $0x9B0  }
0x13: {  	[sflag:s9] =	ssyncset.done $0x0  }
0x14: {  	s16 =	simm.s32 $0x0;
	[sflag:s9] =	ssyncadd.s32 $0xFFFFF650  }
0x15: {  	[tilespmem:s12], [sflag:$0x1] =	stream.indirect.gather [hbm4b:s2+s11], $0x80, s16, s11, $0xb8;
	[tilespmem:$0x6400] =	vst v63  }
0x16: {  	s31 =	simm.s32 $0xA00  }
0x17: {  	[tilespmem:s13], [sflag:$0x1] =	stream.indirect.gather [hbm4b:s2+s11], $0x80, s31, s11, $0xb8;
	[tilespmem:$0x6400] =	vst v63  }
0x18: {  	_ =	swait.ge [sflag:s14], $0x2800  }
0x19: {  	[sflag:s14] =	ssyncset.done $0x0  }
0x1a: {  	[sflag:s14] =	ssyncadd.s32 $0xFFFFD800  }
0x1b: {  	_ =	swait.ge [sflag:s14], $0x2800  }
0x1c: {  	[sflag:s14] =	ssyncset.done $0x0  }
0x1d: {  	[sflag:s14] =	ssyncadd.s32 $0xFFFFD800  }
0x1e: {  	[hbm4b:s7+s3] =	stream.linear.scatter [tilespmem:s12], [sflag:$0x2], $0x2800, $0x38;
	[tilespmem:$0x6400] =	vst v63  }
0x1f: {  	_ =	swait.ge [sflag:s9], $0x2800  }
0x20: {  	[sflag:s9] =	ssyncset.done $0x0  }
0x21: {  	[sflag:s9] =	ssyncadd.s32 $0xFFFFD800  }
0x22: {  	[hbm4b:s8+s3] =	stream.linear.scatter [tilespmem:s13], [sflag:$0x2], $0x2800, $0x38;
	[tilespmem:$0x6400] =	vst v63  }
0x23: {  	s18 =	simm.s32 $0x140;
	s19 =	simm.s32 $0x280;
	_ =	swait.ge [sflag:s9], $0x2800  }
0x24: {  	s17 =	sadd.s32 $0x500, s7;
	s16 =	sadd.s32 $0x500, s8;
	[sflag:s9] =	ssyncset.done $0x0  }
.LBB2_2:
0x25: {  	s20 =	sshra.s32 s18, $0x2  }
0x26: {  	[sflag:s9] =	ssyncadd.s32 $0xFFFFD800;
	s18 =	smov.u32 s19;
	s21 =	sadd.s32 $0x140, s19  }
0x27: {  	[tilespmem:s12], [sflag:$0x1] =	stream.indirect.gather [hbm4b:s2+s11], $0x80, s20, s11, $0xb8;
	[tilespmem:$0x6400] =	vst v63  }
0x28: {  	p0 =	sne.s32 s19, $0x2580;
	s19 =	sadd.s32 $0xA00, s20  }
0x29: {  	[tilespmem:s13], [sflag:$0x1] =	stream.indirect.gather [hbm4b:s2+s11], $0x80, s19, s11, $0xb8;
	[tilespmem:$0x6400] =	vst v63  }
0x2a: {  	_ =	swait.ge [sflag:s14], $0x2800  }
0x2b: {  	[sflag:s14] =	ssyncset.done $0x0  }
0x2c: {  	[sflag:s14] =	ssyncadd.s32 $0xFFFFD800  }
0x2d: {  	_ =	swait.ge [sflag:s14], $0x2800  }
0x2e: {  	[sflag:s14] =	ssyncset.done $0x0  }
0x2f: {  	[sflag:s14] =	ssyncadd.s32 $0xFFFFD800  }
0x30: {  	[hbm4b:s17+s3] =	stream.linear.scatter [tilespmem:s12], [sflag:$0x2], $0x2800, $0x38;
	[tilespmem:$0x6400] =	vst v63  }
0x31: {  	_ =	swait.ge [sflag:s9], $0x2800  }
.Ltmp0:
0x32: {  	[sflag:s9] =	ssyncset.done $0x0;
	(pc) =	sbr.rel @p0 .LBB2_2-.Ltmp0, $4  }
0x33: {  	[sflag:s9] =	ssyncadd.s32 $0xFFFFD800  }
0x34: {  	[hbm4b:s16+s3] =	stream.linear.scatter [tilespmem:s13], [sflag:$0x2], $0x2800, $0x38;
	[tilespmem:$0x6400] =	vst v63  }
0x35: {  	s19 =	smov.u32 s21;
	_ =	swait.ge [sflag:s9], $0x2800  }
0x36: {  	s17 =	sadd.s32 $0x500, s17;
	s16 =	sadd.s32 $0x500, s16;
	[sflag:s9] =	ssyncset.done $0x0  }
0x37: {  	s18 =	sshra.s32 s18, $0x2;
	[sflag:s9] =	ssyncadd.s32 $0xFFFFD800  }
0x38: {  	[tilespmem:s12], [sflag:$0x1] =	stream.indirect.gather [hbm4b:s2+s11], $0x80, s18, s11, $0xb8;
	[tilespmem:$0x6400] =	vst v63  }
0x39: {  	s18 =	sadd.s32 $0xA00, s18  }
0x3a: {  	[tilespmem:s13], [sflag:$0x1] =	stream.indirect.gather [hbm4b:s2+s11], $0x80, s18, s11, $0xb8;
	[tilespmem:$0x6400] =	vst v63  }
0x3b: {  	_ =	swait.ge [sflag:s14], $0x2800  }
0x3c: {  	[sflag:s14] =	ssyncset.done $0x0  }
0x3d: {  	[sflag:s14] =	ssyncadd.s32 $0xFFFFD800  }
0x3e: {  	_ =	swait.ge [sflag:s14], $0x2800  }
0x3f: {  	[sflag:s14] =	ssyncset.done $0x0  }
0x40: {  	[sflag:s14] =	ssyncadd.s32 $0xFFFFD800  }
0x41: {  	[hbm4b:s17+s3] =	stream.linear.scatter [tilespmem:s12], [sflag:$0x2], $0x2800, $0x38;
	[tilespmem:$0x6400] =	vst v63  }
0x42: {  	s15 =	sadd.s32 $0x1, s15;
	_ =	swait.ge [sflag:s9], $0x2800  }
0x43: {  	p0 =	sne.s32 s15, s6;
	[sflag:s9] =	ssyncset.done $0x0  }
.Ltmp1:
0x44: {  	[sflag:s9] =	ssyncadd.s32 $0xFFFFD800;
	(pc) =	sbr.rel @p0 .LBB2_1-.Ltmp1, $4  }
0x45: {  	[hbm4b:s16+s3] =	stream.linear.scatter [tilespmem:s13], [sflag:$0x2], $0x2800, $0x38;
	[tilespmem:$0x6400] =	vst v63  }
0x46: {  	_ =	swait.ge [sflag:s9], $0x2800  }
0x47: {  	[sflag:s9] =	ssyncset.done $0x0  }
0x48: {  	[sflag:s9] =	ssyncadd.s32 $0xFFFFD800  }
0x49: {  	_ =	sfence.sel $0x180000  }
0x4a: {  	[bflag:$0x0] =	sbarrier.arrive $0xFFFF  }
0x4b: {  	p0 =	sne.s32 s0, $0x0;
	_ =	strace $0x9000004D  }
0x4c: {  	s0 =	sadd.s32 @!p0 $0x100000, s1;
	[bflag:$0x2] =	sbarrier.arrive $0xFFFF  }
0x4d: {  	[sflag:s0] =	ssyncadd.tile.s32 @!p0 $0x1;
	_ =	shalt  }
.Lfunc_end2:
_tile_overlayer_lowered:
.L_overlay_start_2:
0x4e: {  	(tag) =	ssettag $0x2  }
0x4f: {  	s0 =	rddreg [dreg:$0x0];
	s2 =	stileid.u32  }
0x50: {  	s1 =	rddreg [dreg:$0x1];
	p0 =	sne.s32 s2, $0x0  }
0x51: {  	s3 =	rddreg [dreg:$0x2];
	[bflag:$0x3] =	sbarrier.arrive $0xFFFF;
	s2 =	simm.s32 @!p0 $0x1C02  }
0x52: {  	[timem:s3], [sflag:s2] =	dma.local @!p0 [hbm:s0], s1  }
0x53: {  	s0 =	simm.s32 @!p0 $0x2  }
0x54: {  	_ =	swait.ge @!p0 [sflag:s0], s1  }
0x55: {  	s1 =	ssub.s32 @!p0 $0x0, s1;
	[sflag:s0] =	ssyncset.done @!p0 $0x0  }
0x56: {  	[sflag:s0] =	ssyncadd.s32 @!p0 s1  }
0x57: {  	[bflag:$0x3] =	sbarrier.arrive $0xFFFF  }
0x58: {  	_ =	shalt  }

// kernel: kernel.31.cloned.1.call-start
scs
__scs_entry_jumppad:
0x0: {  	(pc) =	sbr.rel $0x88, $3  }
0x1: {  	(tag) =	ssettag $0x0;
	lr =	simm.s32 $0x1  }
0x2: {  	[smem:$0x3F91] =	sst lr;
	_ =	strace $0xD0000000  }
0x3: {  	_ = 	snop  }
0x4: {  	_ = 	snop  }
0x5: {  	_ = 	snop  }
0x6: {  	_ = 	snop  }
0x7: {  	_ = 	snop  }
__scs_overlays_trampoline_lowered:
0x8: {  	[smem:$0x3FA0] =	sst s0  }
0x9: {  	[smem:$0x3FA1] =	sst s1  }
0xa: {  	[smem:$0x3FA2] =	sst s2  }
0xb: {  	[smem:$0x3FA3] =	sst s3  }
0xc: {  	[smem:$0x3FA4] =	sst s4  }
0xd: {  	[smem:$0x3FA5] =	sst s5  }
0xe: {  	[smem:$0x3FA6] =	sst s6  }
0xf: {  	[smem:$0x3FA7] =	sst s7  }
0x10: {  	[smem:$0x3FA8] =	sst s8  }
0x11: {  	[smem:$0x3FA9] =	sst s9;
	s0 =	simm.s32 @!p0 $0x0  }
0x12: {  	s1 =	sld [smem:$0x3F8F];
	s0 =	simm.s32 @p0 $0x1  }
0x13: {  	[smem:$0x3FAA] =	sst s0;
	s0 =	simm.s32 @!p1 $0x0  }
0x14: {  	s2 =	sld [smem:$0x3F8E];
	s0 =	simm.s32 @p1 $0x1  }
0x15: {  	[smem:$0x3FAB] =	sst s0;
	s0 =	simm.s32 @!p2 $0x0  }
0x16: {  	s3 =	sld [smem:$0x3FDB];
	s0 =	simm.s32 @p2 $0x1  }
0x17: {  	s4 =	simm.s32 $0x1BF5;
	[smem:$0x3FAD] =	sst s0  }
0x18: {  	s0 =	sld [smem:$0x3F90];
	_ =	swait.ge [sflag:s4], $0x0  }
0x19: {  	s7 =	sld [smem:$0x3F91]  }
0x1a: {  	s8 =	sadd.s32 $0xFFFFE003, lr  }
0x1b: {  	s9 =	sadd.s32 $0xFFFFFEF7, lr;
	s5 =	simm.s32 $0xFFFFFFFF;
	p2 =	slt.u32 s8, $0xFFFFF086  }
0x1c: {  	p1 =	slt.u32 s9, $0xF7A;
	s5 =	simm.s32 @!p2 $0x0  }
0x1d: {  	s5 =	simm.s32 @p1 $0x1;
	p0 =	seq.s32 s7, s2  }
0x1e: {  	s7 =	smul.u32 @!p0 $0xF7A, s2;
	p2 =	seq.s32 @!p0 s5, $0x0  }
0x1f: {  	s9 =	smul.u32 $0xF7A, s1;
	s8 =	simm.s32 @!p0 $0x1BF5;
	p2 =	por !p2, p0  }
0x20: {  	[sflag:s8] =	ssyncset.s32 @!p0 $0xFFFFF086;
	s6 =	sadd.s32 @!p0 s3, s7;
	s7 =	simm.s32 @!p0 $0x108  }
0x21: {  	s3 =	sadd.s32 s3, s9;
	s6 =	sadd.s32 @!p0 $0x88, s6;
	s7 =	simm.s32 @p2 $0x1082  }
0x22: {  	[simem:s7], [sflag:s8] =	dma.local @!p0 [hbm:s6], $0xF7A  }
0x23: {  	s9 =	sor.u32 $0xD0000000, s2;
	s6 =	simm.s32 $0x108;
	_ =	swait.ge @!p0 [sflag:s8], $0x0  }
0x24: {  	s3 =	sadd.s32 $0x88, s3;
	s6 =	simm.s32 @!p1 $0x1082;
	[sflag:s4] =	ssyncset.s32 $0xFFFFF086  }
0x25: {  	[simem:s6], [sflag:s4] =	dma.local [hbm:s3], $0xF7A  }
0x26: {  	[smem:$0x3F91] =	sst s1;
	(tag) =	ssettag s2;
	_ =	strace s9  }
0x27: {  	s1 =	sld [smem:$0x3FA1]  }
0x28: {  	s2 =	sld [smem:$0x3FA2]  }
0x29: {  	s4 =	sld [smem:$0x3FA4]  }
0x2a: {  	p0 =	seq.s32 s5, $0x0;
	s5 =	sld [smem:$0x3FA5]  }
0x2b: {  	s6 =	sld [smem:$0x3FA6]  }
0x2c: {  	s7 =	sld [smem:$0x3FA7]  }
0x2d: {  	s3 =	simm.s32 $0x108;
	s8 =	sld [smem:$0x3FA8]  }
0x2e: {  	s3 =	simm.s32 @!p0 $0x1082;
	s9 =	sld [smem:$0x3FA9]  }
0x2f: {  	lr =	sadd.s32 s0, s3;
	s0 =	sld [smem:$0x3FA0]  }
0x30: {  	s3 =	sld [smem:$0x3FA3]  }
0x31: {  	[smem:$0x3FAC] =	sst s10  }
0x32: {  	s10 =	sld [smem:$0x3FAA];
	_ =	sdelay $0x3  }
0x33: {  	p0 =	seq.s32 s10, $0x1;
	s10 =	sld [smem:$0x3FAC];
	_ =	sdelay $0x3  }
0x34: {  	[smem:$0x3FAC] =	sst s10  }
0x35: {  	s10 =	sld [smem:$0x3FAB];
	_ =	sdelay $0x3  }
0x36: {  	p1 =	seq.s32 s10, $0x1;
	s10 =	sld [smem:$0x3FAC];
	_ =	sdelay $0x3  }
0x37: {  	[smem:$0x3FAC] =	sst s10  }
0x38: {  	s10 =	sld [smem:$0x3FAD]  }
0x39: {  	_ = 	snop;
	(pc) =	sbr.ind lr, $3  }
0x3a: {  	_ = 	snop  }
0x3b: {  	_ = 	snop  }
0x3c: {  	p2 =	seq.s32 s10, $0x1;
	s10 =	sld [smem:$0x3FAC]  }
0x3d: {  	_ =	shalt  }
0x3e: {  	_ =	shalt  }
0x3f: {  	_ =	shalt  }
0x40: {  	_ =	shalt  }
0x41: {  	_ =	shalt  }
0x42: {  	_ =	shalt  }
0x43: {  	_ =	shalt  }
0x44: {  	_ =	shalt  }
0x45: {  	_ =	shalt  }
0x46: {  	_ =	shalt  }
0x47: {  	_ =	shalt  }
0x48: {  	_ =	shalt  }
0x49: {  	_ =	shalt  }
0x4a: {  	_ =	shalt  }
0x4b: {  	_ =	shalt  }
0x4c: {  	_ =	shalt  }
0x4d: {  	_ =	shalt  }
0x4e: {  	_ =	shalt  }
0x4f: {  	_ =	shalt  }
0x50: {  	_ =	shalt  }
0x51: {  	_ =	shalt  }
0x52: {  	_ =	shalt  }
0x53: {  	_ =	shalt  }
0x54: {  	_ =	shalt  }
0x55: {  	_ =	shalt  }
0x56: {  	_ =	shalt  }
0x57: {  	_ =	shalt  }
0x58: {  	_ =	shalt  }
0x59: {  	_ =	shalt  }
0x5a: {  	_ =	shalt  }
0x5b: {  	_ =	shalt  }
0x5c: {  	_ =	shalt  }
0x5d: {  	_ =	shalt  }
0x5e: {  	_ =	shalt  }
0x5f: {  	_ =	shalt  }
0x60: {  	_ =	shalt  }
0x61: {  	_ =	shalt  }
0x62: {  	_ =	shalt  }
0x63: {  	_ =	shalt  }
0x64: {  	_ =	shalt  }
0x65: {  	_ =	shalt  }
0x66: {  	_ =	shalt  }
0x67: {  	_ =	shalt  }
0x68: {  	_ =	shalt  }
0x69: {  	_ =	shalt  }
0x6a: {  	_ =	shalt  }
0x6b: {  	_ =	shalt  }
0x6c: {  	_ =	shalt  }
0x6d: {  	_ =	shalt  }
0x6e: {  	_ =	shalt  }
0x6f: {  	_ =	shalt  }
0x70: {  	_ =	shalt  }
0x71: {  	_ =	shalt  }
0x72: {  	_ =	shalt  }
0x73: {  	_ =	shalt  }
0x74: {  	_ =	shalt  }
0x75: {  	_ =	shalt  }
0x76: {  	_ =	shalt  }
0x77: {  	_ =	shalt  }
0x78: {  	_ =	shalt  }
0x79: {  	_ =	shalt  }
0x7a: {  	_ =	shalt  }
0x7b: {  	_ =	shalt  }
0x7c: {  	_ =	shalt  }
0x7d: {  	_ =	shalt  }
0x7e: {  	_ =	shalt  }
0x7f: {  	_ =	shalt  }
0x80: {  	_ =	shalt  }
0x81: {  	_ =	shalt  }
0x82: {  	_ =	shalt  }
0x83: {  	_ =	shalt  }
0x84: {  	_ =	shalt  }
0x85: {  	_ =	shalt  }
0x86: {  	_ =	shalt  }
0x87: {  	_ =	shalt  }
.Lfunc_end0:
.L_simem_size_0:
called_computation.4_lowered:
.L_overlay_start_0:
0x88: {  	s2 =	sld [smem:$0x3FD9]  }
0x89: {  	s3 =	sld [smem:$0x3FFE];
	_ =	sdelay $0x1  }
0x8a: {  	s1 =	srdreg.scid  }
0x8b: {  	s0 =	sand.u32 $0x1, s1  }
0x8c: {  	s16 =	sshll.u32 s0, $0xA;
	s2 =	sadd.s32 s3, s2  }
0x8d: {  	s2 =	sadd.s32 s2, s16  }
0x8e: {  	[smem:$0x3FB8] =	sst s2  }
0x8f: {  	_ = 	snop  }
0x90: {  	s2 =	sld [smem:$0x3FD0];
	_ =	sdelay $0x2  }
0x91: {  	s17 =	simm.s32 $0x11;
	s4 =	simm.s32 $0x10  }
0x92: {  	[smem:s4], [sflag:s17] =	dma.local [hbm:s2], $0x1  }
0x93: {  	_ =	swait.eq [sflag:s17], $0x1  }
0x94: {  	[sflag:s17] =	ssyncset.done $0x0  }
0x95: {  	[sflag:s17] =	ssyncadd.s32 $0xFFFFFFFF  }
0x96: {  	s3 =	sld [smem:$0x10];
	(tm) =	ssettm $0x1  }
0x97: {  	s18 =	sld [smem:$0x3FFB];
	_ =	sdelay $0x3  }
0x98: {  	_ =	strace s18  }
0x99: {  	s2 =	sld [smem:$0x3FFC];
	_ =	sdelay $0x3  }
0x9a: {  	_ =	strace s2  }
0x9b: {  	s2 =	sld [smem:$0x3FFD];
	_ =	sdelay $0x3  }
0x9c: {  	_ =	strace s2  }
0x9d: {  	_ =	strace $0x8FFFFFFF  }
0x9e: {  	s19 =	sld [smem:$0x3FDB];
	_ =	sdelay $0x1  }
0x9f: {  	s20 =	simm.s32 $_scs_section_size  }
0xa0: {  	s5 =	simm.s32 $_size__tile_overlayer_lowered;
	s6 =	simm.s32 $_tile_overlayer_lowered  }
0xa1: {  	s7 =	simm.s32 $0x1BFF;
	s21 =	sshll.u32 s6, $0x1;
	s4 =	sadd.s32 s20, s19  }
0xa2: {  	s22 =	simm.s32 $0x0;
	s5 =	sshll.u32 s5, $0x1;
	s6 =	sadd.s32 s21, s4  }
0xa3: {  	[timem:s22], [sflag:s7] =	dma.local [hbm:s6], s5  }
0xa4: {  	_ =	swait.ge [sflag:s7], s5  }
0xa5: {  	s5 =	ssub.s32 $0x0, s5;
	[sflag:s7] =	ssyncset.done $0x0  }
0xa6: {  	[sflag:s7] =	ssyncadd.s32 s5;
	_ =	sdelay $0x1  }
0xa7: {  	s23 =	simm.s32 $0x1B8B  }
0xa8: {  	_ =	swait.ge [sflag:s23], $0x1  }
0xa9: {  	[sflag:s23] =	ssyncset.done $0x0  }
0xaa: {  	[sflag:s23] =	ssyncadd.s32 $0xFFFFFFFF  }
0xab: {  	s5 =	sld [smem:$0x0]  }
0xac: {  	s6 =	sand.u32 $0xFFFFFFFE, s1  }
0xad: {  	p0 =	sne.s32 s1, s6  }
0xae: {  	s6 =	sshll.u32 @p0 s6, $0xE  }
0xaf: {  	s6 =	sadd.s32 @p0 $0x11B8D, s6;
	s7 =	sshll.u32 @p0 s5, $0x11  }
0xb0: {  	s6 =	sor.u32 @p0 s7, s6  }
0xb1: {  	[sflag:s6] =	ssyncadd.remote.s32 @p0 $0x1;
	_ =	sdelay $0x1  }
0xb2: {  	s6 =	simm.s32 @p0 $0x1B8D  }
0xb3: {  	_ =	swait.eq @p0 [sflag:s6], $0x1  }
0xb4: {  	[sflag:s6] =	ssyncadd.s32 @p0 $0xFFFFFFFF  }
0xb5: {  	s7 =	sshll.u32 @!p0 s1, $0xE  }
0xb6: {  	s7 =	sor.u32 @!p0 $0x4000, s7;
	s6 =	simm.s32 @!p0 $0x1B8D  }
0xb7: {  	s5 =	sshll.u32 @!p0 s5, $0x11;
	s7 =	sadd.s32 @!p0 $0x11B8D, s7;
	_ =	swait.eq @!p0 [sflag:s6], $0x1  }
0xb8: {  	s5 =	sor.u32 @!p0 s5, s7;
	[sflag:s6] =	ssyncadd.s32 @!p0 $0xFFFFFFFF  }
0xb9: {  	s25 =	simm.s32 $0x1B8E;
	s24 =	sld [smem:$0x3FFE];
	[sflag:s5] =	ssyncadd.remote.s32 @!p0 $0x1  }
0xba: {  	s26 =	simm.s32 $execute0_lowered;
	[smem:$0x3FD2] =	sst s25  }
0xbb: {  	s6 =	sshll.u32 s26, $0x1;
	_ =	strace $0x80000064;
	[dreg:$0x1] =	wrdreg $0xFFFFFFFF  }
0xbc: {  	s28 =	simm.s32 $_size_execute0_lowered;
	s4 =	sadd.s32 s4, s6;
	[dreg:$0x0] =	wrdreg $0x0  }
0xbd: {  	s6 =	sshll.u32 s28, $0x1;
	[dreg:$0x2] =	wrdreg s4  }
0xbe: {  	[dreg:$0x3] =	wrdreg s6  }
0xbf: {  	[dreg:$0x4] =	wrdreg $0xC0  }
0xc0: {  	_ =	task [dreg:s22], $0x5FFFF  }
0xc1: {  	[dreg:$0x1] =	wrdreg $0xFFFFFFFF  }
0xc2: {  	[dreg:$0x0] =	wrdreg $0x60  }
0xc3: {  	[dreg:$0x2] =	wrdreg s24  }
0xc4: {  	[dreg:$0x3] =	wrdreg s3  }
0xc5: {  	[dreg:$0x4] =	wrdreg $0x28800  }
0xc6: {  	[dreg:$0x5] =	wrdreg $0xE  }
0xc7: {  	_ =	task.clear_ibuf [dreg:s22], $0x6FFFF;
	_ =	strace $0x90000064  }
0xc8: {  	s29 =	simm.s32 $0xE;
	_ =	strace $0x80000066  }
0xc9: {  	_ =	swait.ge [sflag:s29], $0x1  }
0xca: {  	[sflag:s29] =	ssyncadd.s32 $0xFFFFFFFF  }
0xcb: {  	_ =	strace $0x90000066  }
0xcc: {  	_ =	sfence  }
0xcd: {  	s30 =	sld [smem:$0x0];
	_ =	sdelay $0x2  }
0xce: {  	s31 =	sshll.u32 s1, $0xD;
	s1 =	sshrl.u32 s1, $0x2  }
0xcf: {  	s4 =	sand.u32 $0x4000, s31;
	s1 =	sadd.s32 s1, s30  }
0xd0: {  	s0 =	sor.u32 s4, s0;
	s1 =	sshll.u32 s1, $0x11  }
0xd1: {  	s0 =	sor.u32 s1, s0  }
0xd2: {  	s0 =	sadd.s32 $0x8F2B, s0  }
0xd3: {  	[sflag:s0] =	ssyncadd.remote.s32 $0x1  }
0xd4: {  	_ =	sfence.sel $0xFFFF  }
0xd5: {  	[dreg:$0x0] =	wrdreg $0xFFFFFFFF;
	(pc) =	sbr.abs _section_cstart, $3  }
0xd6: {  	[dreg:$0x1] =	wrdreg $0xFFFFFFFF  }
0xd7: {  	_ =	task.clear_ibuf [dreg:s22], $0x2FFFF;
	_ =	strace $0x9FFFFFFF  }
0xd8: {  	(tm) =	ssettm $0x7FFFFFFF  }
0xd9: {  	_ =	shalt  }
tec
execute0_lowered:
.L_overlay_start_1:
0x0: {  	(tag) =	ssettag $0x1  }
0x1: {  	s4 =	rddreg [dreg:$0x0];
	s0 =	srdreg.scid  }
0x2: {  	s7 =	stileid.u32;
	s1 =	rddreg [dreg:$0x1]  }
0x3: {  	s2 =	rddreg [dreg:$0x2];
	s3 =	simm.s32 $0x0;
	s6 =	smul.u32 $0x1360, s7  }
0x4: {  	s11 =	simm.s32 $0x50;
	s5 =	sand.u32 $0x1, s0;
	s29 =	smul.u32 $0x13600, s7  }
0x5: {  	s12 =	simm.s32 $0x0;
	s0 =	rddreg [dreg:$0x3];
	s8 =	smul.u32 $0x9B0, s5  }
0x6: {  	[smem:$0x7FF] =	sst s3;
	p0 =	sne.s32 s7, $0x0;
	s9 =	smul.u32 $0x27100, s5  }
0x7: {  	s30 =	ssub.s32 $0x2, s5;
	s5 =	smul.u32 $0x9B00, s5;
	s6 =	sadd.s32 s8, s6  }
0x8: {  	_ =	strace $0x80000065;
	s8 =	sadd.s32 s29, s4;
	s6 =	sshrl.u32 s6, $0x3  }
0x9: {  	s31 =	sshrl.u32 s30, $0x1;
	s8 =	sadd.s32 s5, s8;
	s10 =	sadd.s32 s6, s4  }
0xa: {  	s4 =	sadd.s32 s9, s4;
	s6 =	ssub.s32 s30, s31;
	s9 =	simm.s32 $0x1  }
0xb: {  	s4 =	sadd.s32 $0x217E00, s4;
	s5 =	smax.u32 s6, $0x1;
	s6 =	sadd.s32 $0x294200, s8  }
0xc: {  	s7 =	sadd.s32 $0x291A00, s10;
	s8 =	sshrl.u32 @!p0 s2, $0x3;
	s10 =	simm.s32 $0x80  }
.LBB2_1:
0xd: {  	s13 =	simm.s32 @!p0 $0x1C01  }
0xe: {  	[spmem:s8], [sflag:s13] =	dma.local @!p0 [hbm:s1], $0x27100  }
0xf: {  	s13 =	simm.s32 @!p0 $0x1  }
0x10: {  	_ =	swait.ge @!p0 [sflag:s13], $0x27100  }
0x11: {  	[sflag:s13] =	ssyncset.done @!p0 $0x0  }
0x12: {  	[sflag:s13] =	ssyncadd.s32 @!p0 $0xFFFD8F00  }
0x13: {  	s31 =	sadd.s32 $0x0, s7;
	[bflag:$0x0] =	sbarrier.arrive $0xFFFF  }
0x14: {  	[tilespmem:s3], [sflag:$0x1] =	stream.linear.gather [hbm4b:s31+s3], $0x50, $0x38;
	[tilespmem:$0x16100] =	vst v63  }
0x15: {  	_ =	swait.ge [sflag:s9], $0x50  }
0x16: {  	[sflag:s9] =	ssyncset.done $0x0  }
0x17: {  	[sflag:s9] =	ssyncadd.s32 $0xFFFFFFB0  }
0x18: {  	[tilespmem:s10], [sflag:$0x1] =	stream.linear.gather [hbm4b:s6+s3], $0x2800, $0x38;
	[tilespmem:$0x16100] =	vst v63  }
0x19: {  	_ =	swait.ge [sflag:s9], $0x2800  }
0x1a: {  	[sflag:s9] =	ssyncset.done $0x0  }
0x1b: {  	[sflag:s9] =	ssyncadd.s32 $0xFFFFD800  }
0x1c: {  	[spmem:s2] =	stream.indirect.scatter.add.f32 [tilespmem:s10], [sflag:$0x1], $0x80, s3, s11, $0xb8;
	[tilespmem:$0x16100] =	vst v63  }
0x1d: {  	s14 =	simm.s32 $0xA;
	_ =	swait.ge [sflag:s9], $0x2800  }
0x1e: {  	s15 =	simm.s32 $0x14;
	s13 =	sadd.s32 $0x500, s6;
	[sflag:s9] =	ssyncset.done $0x0  }
.LBB2_2:
0x1f: {  	s16 =	sadd.s32 s14, s7  }
0x20: {  	[sflag:s9] =	ssyncadd.s32 $0xFFFFD800;
	s14 =	smov.u32 s15;
	s17 =	sadd.s32 $0xA, s15  }
0x21: {  	[tilespmem:s3], [sflag:$0x1] =	stream.linear.gather [hbm4b:s16+s3], $0x50, $0x38;
	[tilespmem:$0x16100] =	vst v63  }
0x22: {  	p1 =	sne.s32 s15, $0x12C;
	_ =	swait.ge [sflag:s9], $0x50  }
0x23: {  	[sflag:s9] =	ssyncset.done $0x0  }
0x24: {  	[sflag:s9] =	ssyncadd.s32 $0xFFFFFFB0  }
0x25: {  	[tilespmem:s10], [sflag:$0x1] =	stream.linear.gather [hbm4b:s13+s3], $0x2800, $0x38;
	[tilespmem:$0x16100] =	vst v63  }
0x26: {  	_ =	swait.ge [sflag:s9], $0x2800  }
.Ltmp0:
0x27: {  	[sflag:s9] =	ssyncset.done $0x0;
	(pc) =	sbr.rel @p1 .LBB2_2-.Ltmp0, $4  }
0x28: {  	[sflag:s9] =	ssyncadd.s32 $0xFFFFD800  }
0x29: {  	[spmem:s2] =	stream.indirect.scatter.add.f32 [tilespmem:s10], [sflag:$0x1], $0x80, s3, s11, $0xb8;
	[tilespmem:$0x16100] =	vst v63  }
0x2a: {  	_ =	swait.ge [sflag:s9], $0x2800  }
0x2b: {  	s15 =	smov.u32 s17;
	s13 =	sadd.s32 $0x500, s13;
	[sflag:s9] =	ssyncset.done $0x0  }
0x2c: {  	s14 =	sadd.s32 s14, s7;
	[sflag:s9] =	ssyncadd.s32 $0xFFFFD800  }
0x2d: {  	[tilespmem:s3], [sflag:$0x1] =	stream.linear.gather [hbm4b:s14+s3], $0x50, $0x38;
	[tilespmem:$0x16100] =	vst v63  }
0x2e: {  	_ =	swait.ge [sflag:s9], $0x50  }
0x2f: {  	[sflag:s9] =	ssyncset.done $0x0  }
0x30: {  	[sflag:s9] =	ssyncadd.s32 $0xFFFFFFB0  }
0x31: {  	[tilespmem:s10], [sflag:$0x1] =	stream.linear.gather [hbm4b:s13+s3], $0x2800, $0x38;
	[tilespmem:$0x16100] =	vst v63  }
0x32: {  	_ =	swait.ge [sflag:s9], $0x2800  }
0x33: {  	[sflag:s9] =	ssyncset.done $0x0  }
0x34: {  	[sflag:s9] =	ssyncadd.s32 $0xFFFFD800  }
0x35: {  	[spmem:s2] =	stream.indirect.scatter.add.f32 [tilespmem:s10], [sflag:$0x1], $0x80, s3, s11, $0xb8;
	[tilespmem:$0x16100] =	vst v63  }
0x36: {  	_ =	swait.ge [sflag:s9], $0x2800  }
0x37: {  	[sflag:s9] =	ssyncset.done $0x0  }
0x38: {  	s12 =	sadd.s32 $0x1, s12;
	[sflag:s9] =	ssyncadd.s32 $0xFFFFD800  }
0x39: {  	p1 =	sne.s32 s12, s5;
	s13 =	simm.s32 @!p0 $0x1C01;
	[bflag:$0x0] =	sbarrier.arrive $0xFFFF  }
0x3a: {  	[hbm:s4], [sflag:s13] =	dma.local @!p0 [spmem:s8], $0x27100  }
.Ltmp1:
0x3b: {  	_ = 	snop;
	(pc) =	sbr.rel @p1 .LBB2_1-.Ltmp1, $4  }
0x3c: {  	s13 =	simm.s32 @!p0 $0x1  }
0x3d: {  	_ =	swait.ge @!p0 [sflag:s13], $0x27100  }
0x3e: {  	[sflag:s13] =	ssyncset.done @!p0 $0x0  }
0x3f: {  	[sflag:s13] =	ssyncadd.s32 @!p0 $0xFFFD8F00  }
0x40: {  	_ =	sfence.sel $0x180000  }
0x41: {  	[bflag:$0x0] =	sbarrier.arrive $0xFFFF  }
0x42: {  	_ =	strace $0x90000065  }
0x43: {  	s0 =	sadd.s32 @!p0 $0x100000, s0;
	[bflag:$0x2] =	sbarrier.arrive $0xFFFF  }
0x44: {  	[sflag:s0] =	ssyncadd.tile.s32 @!p0 $0x1;
	_ =	shalt  }
.Lfunc_end2:
_tile_overlayer_lowered:
.L_overlay_start_2:
0x45: {  	(tag) =	ssettag $0x2  }
0x46: {  	s0 =	rddreg [dreg:$0x0];
	s2 =	stileid.u32  }
0x47: {  	s1 =	rddreg [dreg:$0x1];
	p0 =	sne.s32 s2, $0x0  }
0x48: {  	s3 =	rddreg [dreg:$0x2];
	[bflag:$0x3] =	sbarrier.arrive $0xFFFF;
	s2 =	simm.s32 @!p0 $0x1C01  }
0x49: {  	[timem:s3], [sflag:s2] =	dma.local @!p0 [hbm:s0], s1  }
0x4a: {  	s0 =	simm.s32 @!p0 $0x1  }
0x4b: {  	_ =	swait.ge @!p0 [sflag:s0], s1  }
0x4c: {  	s1 =	ssub.s32 @!p0 $0x0, s1;
	[sflag:s0] =	ssyncset.done @!p0 $0x0  }
0x4d: {  	[sflag:s0] =	ssyncadd.s32 @!p0 s1  }
0x4e: {  	[bflag:$0x3] =	sbarrier.arrive $0xFFFF  }
0x4f: {  	_ =	shalt  }

// kernel: kernel.34.cloned.1.call-start
scs
__scs_entry_jumppad:
0x0: {  	(pc) =	sbr.rel $0x88, $3  }
0x1: {  	(tag) =	ssettag $0x0;
	lr =	simm.s32 $0x1  }
0x2: {  	[smem:$0x3F91] =	sst lr;
	_ =	strace $0xD0000000  }
0x3: {  	_ = 	snop  }
0x4: {  	_ = 	snop  }
0x5: {  	_ = 	snop  }
0x6: {  	_ = 	snop  }
0x7: {  	_ = 	snop  }
__scs_overlays_trampoline_lowered:
0x8: {  	[smem:$0x3FA0] =	sst s0  }
0x9: {  	[smem:$0x3FA1] =	sst s1  }
0xa: {  	[smem:$0x3FA2] =	sst s2  }
0xb: {  	[smem:$0x3FA3] =	sst s3  }
0xc: {  	[smem:$0x3FA4] =	sst s4  }
0xd: {  	[smem:$0x3FA5] =	sst s5  }
0xe: {  	[smem:$0x3FA6] =	sst s6  }
0xf: {  	[smem:$0x3FA7] =	sst s7  }
0x10: {  	[smem:$0x3FA8] =	sst s8  }
0x11: {  	[smem:$0x3FA9] =	sst s9;
	s0 =	simm.s32 @!p0 $0x0  }
0x12: {  	s1 =	sld [smem:$0x3F8F];
	s0 =	simm.s32 @p0 $0x1  }
0x13: {  	[smem:$0x3FAA] =	sst s0;
	s0 =	simm.s32 @!p1 $0x0  }
0x14: {  	s2 =	sld [smem:$0x3F8E];
	s0 =	simm.s32 @p1 $0x1  }
0x15: {  	[smem:$0x3FAB] =	sst s0;
	s0 =	simm.s32 @!p2 $0x0  }
0x16: {  	s3 =	sld [smem:$0x3FDB];
	s0 =	simm.s32 @p2 $0x1  }
0x17: {  	s4 =	simm.s32 $0x1BF5;
	[smem:$0x3FAD] =	sst s0  }
0x18: {  	s0 =	sld [smem:$0x3F90];
	_ =	swait.ge [sflag:s4], $0x0  }
0x19: {  	s7 =	sld [smem:$0x3F91]  }
0x1a: {  	s8 =	sadd.s32 $0xFFFFE003, lr  }
0x1b: {  	s9 =	sadd.s32 $0xFFFFFEF7, lr;
	s5 =	simm.s32 $0xFFFFFFFF;
	p2 =	slt.u32 s8, $0xFFFFF086  }
0x1c: {  	p1 =	slt.u32 s9, $0xF7A;
	s5 =	simm.s32 @!p2 $0x0  }
0x1d: {  	s5 =	simm.s32 @p1 $0x1;
	p0 =	seq.s32 s7, s2  }
0x1e: {  	s7 =	smul.u32 @!p0 $0xF7A, s2;
	p2 =	seq.s32 @!p0 s5, $0x0  }
0x1f: {  	s9 =	smul.u32 $0xF7A, s1;
	s8 =	simm.s32 @!p0 $0x1BF5;
	p2 =	por !p2, p0  }
0x20: {  	[sflag:s8] =	ssyncset.s32 @!p0 $0xFFFFF086;
	s6 =	sadd.s32 @!p0 s3, s7;
	s7 =	simm.s32 @!p0 $0x108  }
0x21: {  	s3 =	sadd.s32 s3, s9;
	s6 =	sadd.s32 @!p0 $0x88, s6;
	s7 =	simm.s32 @p2 $0x1082  }
0x22: {  	[simem:s7], [sflag:s8] =	dma.local @!p0 [hbm:s6], $0xF7A  }
0x23: {  	s9 =	sor.u32 $0xD0000000, s2;
	s6 =	simm.s32 $0x108;
	_ =	swait.ge @!p0 [sflag:s8], $0x0  }
0x24: {  	s3 =	sadd.s32 $0x88, s3;
	s6 =	simm.s32 @!p1 $0x1082;
	[sflag:s4] =	ssyncset.s32 $0xFFFFF086  }
0x25: {  	[simem:s6], [sflag:s4] =	dma.local [hbm:s3], $0xF7A  }
0x26: {  	[smem:$0x3F91] =	sst s1;
	(tag) =	ssettag s2;
	_ =	strace s9  }
0x27: {  	s1 =	sld [smem:$0x3FA1]  }
0x28: {  	s2 =	sld [smem:$0x3FA2]  }
0x29: {  	s4 =	sld [smem:$0x3FA4]  }
0x2a: {  	p0 =	seq.s32 s5, $0x0;
	s5 =	sld [smem:$0x3FA5]  }
0x2b: {  	s6 =	sld [smem:$0x3FA6]  }
0x2c: {  	s7 =	sld [smem:$0x3FA7]  }
0x2d: {  	s3 =	simm.s32 $0x108;
	s8 =	sld [smem:$0x3FA8]  }
0x2e: {  	s3 =	simm.s32 @!p0 $0x1082;
	s9 =	sld [smem:$0x3FA9]  }
0x2f: {  	lr =	sadd.s32 s0, s3;
	s0 =	sld [smem:$0x3FA0]  }
0x30: {  	s3 =	sld [smem:$0x3FA3]  }
0x31: {  	[smem:$0x3FAC] =	sst s10  }
0x32: {  	s10 =	sld [smem:$0x3FAA];
	_ =	sdelay $0x3  }
0x33: {  	p0 =	seq.s32 s10, $0x1;
	s10 =	sld [smem:$0x3FAC];
	_ =	sdelay $0x3  }
0x34: {  	[smem:$0x3FAC] =	sst s10  }
0x35: {  	s10 =	sld [smem:$0x3FAB];
	_ =	sdelay $0x3  }
0x36: {  	p1 =	seq.s32 s10, $0x1;
	s10 =	sld [smem:$0x3FAC];
	_ =	sdelay $0x3  }
0x37: {  	[smem:$0x3FAC] =	sst s10  }
0x38: {  	s10 =	sld [smem:$0x3FAD]  }
0x39: {  	_ = 	snop;
	(pc) =	sbr.ind lr, $3  }
0x3a: {  	_ = 	snop  }
0x3b: {  	_ = 	snop  }
0x3c: {  	p2 =	seq.s32 s10, $0x1;
	s10 =	sld [smem:$0x3FAC]  }
0x3d: {  	_ =	shalt  }
0x3e: {  	_ =	shalt  }
0x3f: {  	_ =	shalt  }
0x40: {  	_ =	shalt  }
0x41: {  	_ =	shalt  }
0x42: {  	_ =	shalt  }
0x43: {  	_ =	shalt  }
0x44: {  	_ =	shalt  }
0x45: {  	_ =	shalt  }
0x46: {  	_ =	shalt  }
0x47: {  	_ =	shalt  }
0x48: {  	_ =	shalt  }
0x49: {  	_ =	shalt  }
0x4a: {  	_ =	shalt  }
0x4b: {  	_ =	shalt  }
0x4c: {  	_ =	shalt  }
0x4d: {  	_ =	shalt  }
0x4e: {  	_ =	shalt  }
0x4f: {  	_ =	shalt  }
0x50: {  	_ =	shalt  }
0x51: {  	_ =	shalt  }
0x52: {  	_ =	shalt  }
0x53: {  	_ =	shalt  }
0x54: {  	_ =	shalt  }
0x55: {  	_ =	shalt  }
0x56: {  	_ =	shalt  }
0x57: {  	_ =	shalt  }
0x58: {  	_ =	shalt  }
0x59: {  	_ =	shalt  }
0x5a: {  	_ =	shalt  }
0x5b: {  	_ =	shalt  }
0x5c: {  	_ =	shalt  }
0x5d: {  	_ =	shalt  }
0x5e: {  	_ =	shalt  }
0x5f: {  	_ =	shalt  }
0x60: {  	_ =	shalt  }
0x61: {  	_ =	shalt  }
0x62: {  	_ =	shalt  }
0x63: {  	_ =	shalt  }
0x64: {  	_ =	shalt  }
0x65: {  	_ =	shalt  }
0x66: {  	_ =	shalt  }
0x67: {  	_ =	shalt  }
0x68: {  	_ =	shalt  }
0x69: {  	_ =	shalt  }
0x6a: {  	_ =	shalt  }
0x6b: {  	_ =	shalt  }
0x6c: {  	_ =	shalt  }
0x6d: {  	_ =	shalt  }
0x6e: {  	_ =	shalt  }
0x6f: {  	_ =	shalt  }
0x70: {  	_ =	shalt  }
0x71: {  	_ =	shalt  }
0x72: {  	_ =	shalt  }
0x73: {  	_ =	shalt  }
0x74: {  	_ =	shalt  }
0x75: {  	_ =	shalt  }
0x76: {  	_ =	shalt  }
0x77: {  	_ =	shalt  }
0x78: {  	_ =	shalt  }
0x79: {  	_ =	shalt  }
0x7a: {  	_ =	shalt  }
0x7b: {  	_ =	shalt  }
0x7c: {  	_ =	shalt  }
0x7d: {  	_ =	shalt  }
0x7e: {  	_ =	shalt  }
0x7f: {  	_ =	shalt  }
0x80: {  	_ =	shalt  }
0x81: {  	_ =	shalt  }
0x82: {  	_ =	shalt  }
0x83: {  	_ =	shalt  }
0x84: {  	_ =	shalt  }
0x85: {  	_ =	shalt  }
0x86: {  	_ =	shalt  }
0x87: {  	_ =	shalt  }
.Lfunc_end0:
.L_simem_size_0:
called_computation.5_lowered:
.L_overlay_start_0:
0x88: {  	s2 =	sld [smem:$0x3FD9]  }
0x89: {  	s3 =	sld [smem:$0x3FFE];
	_ =	sdelay $0x1  }
0x8a: {  	s1 =	srdreg.scid  }
0x8b: {  	s0 =	sand.u32 $0x1, s1  }
0x8c: {  	s16 =	sshll.u32 s0, $0xA;
	s2 =	sadd.s32 s3, s2  }
0x8d: {  	s2 =	sadd.s32 s2, s16  }
0x8e: {  	[smem:$0x3FB8] =	sst s2  }
0x8f: {  	_ = 	snop  }
0x90: {  	s2 =	sld [smem:$0x3FD0];
	_ =	sdelay $0x2  }
0x91: {  	s17 =	simm.s32 $0x11;
	s4 =	simm.s32 $0x10  }
0x92: {  	[smem:s4], [sflag:s17] =	dma.local [hbm:s2], $0x1  }
0x93: {  	_ =	swait.eq [sflag:s17], $0x1  }
0x94: {  	[sflag:s17] =	ssyncset.done $0x0  }
0x95: {  	[sflag:s17] =	ssyncadd.s32 $0xFFFFFFFF  }
0x96: {  	s3 =	sld [smem:$0x11];
	(tm) =	ssettm $0x1  }
0x97: {  	s18 =	sld [smem:$0x3FFB];
	_ =	sdelay $0x3  }
0x98: {  	_ =	strace s18  }
0x99: {  	s2 =	sld [smem:$0x3FFC];
	_ =	sdelay $0x3  }
0x9a: {  	_ =	strace s2  }
0x9b: {  	s2 =	sld [smem:$0x3FFD];
	_ =	sdelay $0x3  }
0x9c: {  	_ =	strace s2  }
0x9d: {  	_ =	strace $0x8FFFFFFF  }
0x9e: {  	s19 =	sld [smem:$0x3FDB];
	_ =	sdelay $0x1  }
0x9f: {  	s20 =	simm.s32 $_scs_section_size  }
0xa0: {  	s5 =	simm.s32 $_size__tile_overlayer_lowered;
	s6 =	simm.s32 $_tile_overlayer_lowered  }
0xa1: {  	s7 =	simm.s32 $0x1BFF;
	s21 =	sshll.u32 s6, $0x1;
	s4 =	sadd.s32 s20, s19  }
0xa2: {  	s22 =	simm.s32 $0x0;
	s5 =	sshll.u32 s5, $0x1;
	s6 =	sadd.s32 s21, s4  }
0xa3: {  	[timem:s22], [sflag:s7] =	dma.local [hbm:s6], s5  }
0xa4: {  	_ =	swait.ge [sflag:s7], s5  }
0xa5: {  	s5 =	ssub.s32 $0x0, s5;
	[sflag:s7] =	ssyncset.done $0x0  }
0xa6: {  	[sflag:s7] =	ssyncadd.s32 s5;
	_ =	sdelay $0x1  }
0xa7: {  	s23 =	simm.s32 $0x1B8B  }
0xa8: {  	_ =	swait.ge [sflag:s23], $0x1  }
0xa9: {  	[sflag:s23] =	ssyncset.done $0x0  }
0xaa: {  	[sflag:s23] =	ssyncadd.s32 $0xFFFFFFFF  }
0xab: {  	s5 =	sld [smem:$0x0]  }
0xac: {  	s6 =	sand.u32 $0xFFFFFFFE, s1  }
0xad: {  	p0 =	sne.s32 s1, s6  }
0xae: {  	s6 =	sshll.u32 @p0 s6, $0xE  }
0xaf: {  	s6 =	sadd.s32 @p0 $0x11B8D, s6;
	s7 =	sshll.u32 @p0 s5, $0x11  }
0xb0: {  	s6 =	sor.u32 @p0 s7, s6  }
0xb1: {  	[sflag:s6] =	ssyncadd.remote.s32 @p0 $0x1;
	_ =	sdelay $0x1  }
0xb2: {  	s6 =	simm.s32 @p0 $0x1B8D  }
0xb3: {  	_ =	swait.eq @p0 [sflag:s6], $0x1  }
0xb4: {  	[sflag:s6] =	ssyncadd.s32 @p0 $0xFFFFFFFF  }
0xb5: {  	s7 =	sshll.u32 @!p0 s1, $0xE  }
0xb6: {  	s7 =	sor.u32 @!p0 $0x4000, s7;
	s6 =	simm.s32 @!p0 $0x1B8D  }
0xb7: {  	s5 =	sshll.u32 @!p0 s5, $0x11;
	s7 =	sadd.s32 @!p0 $0x11B8D, s7;
	_ =	swait.eq @!p0 [sflag:s6], $0x1  }
0xb8: {  	s5 =	sor.u32 @!p0 s5, s7;
	[sflag:s6] =	ssyncadd.s32 @!p0 $0xFFFFFFFF  }
0xb9: {  	s25 =	simm.s32 $0x1B8E;
	s24 =	sld [smem:$0x3FFE];
	[sflag:s5] =	ssyncadd.remote.s32 @!p0 $0x1  }
0xba: {  	s26 =	simm.s32 $execute0_lowered;
	[smem:$0x3FD2] =	sst s25  }
0xbb: {  	s6 =	sshll.u32 s26, $0x1;
	_ =	strace $0x80000058;
	[dreg:$0x1] =	wrdreg $0xFFFFFFFF  }
0xbc: {  	s28 =	simm.s32 $_size_execute0_lowered;
	s4 =	sadd.s32 s4, s6;
	[dreg:$0x0] =	wrdreg $0x0  }
0xbd: {  	s6 =	sshll.u32 s28, $0x1;
	[dreg:$0x2] =	wrdreg s4  }
0xbe: {  	[dreg:$0x3] =	wrdreg s6  }
0xbf: {  	[dreg:$0x4] =	wrdreg $0xC0  }
0xc0: {  	_ =	task [dreg:s22], $0x5FFFF  }
0xc1: {  	[dreg:$0x1] =	wrdreg $0xFFFFFFFF  }
0xc2: {  	[dreg:$0x0] =	wrdreg $0x60  }
0xc3: {  	[dreg:$0x2] =	wrdreg s24  }
0xc4: {  	[dreg:$0x3] =	wrdreg s3  }
0xc5: {  	[dreg:$0x4] =	wrdreg $0x97400  }
0xc6: {  	[dreg:$0x5] =	wrdreg $0xB  }
0xc7: {  	_ =	task.clear_ibuf [dreg:s22], $0x6FFFF;
	_ =	strace $0x90000058  }
0xc8: {  	s29 =	simm.s32 $0xB;
	_ =	strace $0x8000005A  }
0xc9: {  	_ =	swait.ge [sflag:s29], $0x1  }
0xca: {  	[sflag:s29] =	ssyncadd.s32 $0xFFFFFFFF  }
0xcb: {  	_ =	strace $0x9000005A  }
0xcc: {  	_ =	sfence  }
0xcd: {  	s30 =	sld [smem:$0x0];
	_ =	sdelay $0x2  }
0xce: {  	s31 =	sshll.u32 s1, $0xD;
	s1 =	sshrl.u32 s1, $0x2  }
0xcf: {  	s4 =	sand.u32 $0x4000, s31;
	s1 =	sadd.s32 s1, s30  }
0xd0: {  	s0 =	sor.u32 s4, s0;
	s1 =	sshll.u32 s1, $0x11  }
0xd1: {  	s0 =	sor.u32 s1, s0  }
0xd2: {  	s0 =	sadd.s32 $0x8F2B, s0  }
0xd3: {  	[sflag:s0] =	ssyncadd.remote.s32 $0x1  }
0xd4: {  	_ =	sfence.sel $0xFFFF  }
0xd5: {  	[dreg:$0x0] =	wrdreg $0xFFFFFFFF;
	(pc) =	sbr.abs _section_cstart, $3  }
0xd6: {  	[dreg:$0x1] =	wrdreg $0xFFFFFFFF  }
0xd7: {  	_ =	task.clear_ibuf [dreg:s22], $0x2FFFF;
	_ =	strace $0x9FFFFFFF  }
0xd8: {  	(tm) =	ssettm $0x7FFFFFFF  }
0xd9: {  	_ =	shalt  }
tec
execute0_lowered:
.L_overlay_start_1:
0x0: {  	(tag) =	ssettag $0x1  }
0x1: {  	s7 =	rddreg [dreg:$0x0]  }
0x2: {  	s0 =	rddreg [dreg:$0x1];
	s1 =	srdreg.scid  }
0x3: {  	s12 =	stileid.u32;
	s2 =	rddreg [dreg:$0x2]  }
0x4: {  	s3 =	simm.s32 $0x0;
	s14 =	simm.s32 $0x4920;
	s15 =	simm.s32 $0x7030  }
0x5: {  	s17 =	simm.s32 $0x1D10;
	s18 =	simm.s32 $0x9B0;
	s19 =	simm.s32 $0x1360  }
0x6: {  	s20 =	simm.s32 $0x50;
	s8 =	sand.u32 $0x1, s1;
	s1 =	rddreg [dreg:$0x3]  }
0x7: {  	v0 =	vlaneseq.u32;
	s21 =	simm.s32 $0x0;
	s4 =	sshll.u32 s12, $0x1;
	[smem:$0x7FF] =	sst s3  }
0x8: {  	s5 =	sadd.s32 $0x9DFA00, s7;
	s6 =	sadd.s32 $0xCA00, s7;
	v0 =	vmul.u32 $0x10, v0;
	s4 =	sor.u32 s8, s4  }
0x9: {  	p0 =	sne.s32 s12, $0x0;
	s12 =	simm.s32 $0x2210;
	s4 =	smul.u32 $0x136, s4  }
0xa: {  	_ =	strace $0x80000059;
	s9 =	smul.u32 $0x4E20, s8;
	s31 =	ssub.s32 $0x2, s8;
	v1 =	vor.u32 $0x1, v0;
	v3 =	vor.u32 $0x100, v0  }
0xb: {  	s16 =	sshrl.u32 @!p0 s2, $0x3;
	s13 =	sshrl.u32 s31, $0x1;
	v4 =	vor.u32 $0x101, v0;
	v5 =	vor.u32 $0x102, v0;
	v6 =	vor.u32 $0x200, v0;
	s10 =	sadd.s32 s4, s7  }
0xc: {  	v7 =	vor.u32 $0x201, v0;
	v8 =	vor.u32 $0x202, v0;
	v9 =	vor.u32 $0x300, v0;
	s11 =	sadd.s32 s9, s7;
	s4 =	sadd.s32 $0x9E0000, s7;
	s7 =	sadd.s32 $0x160600, s10  }
0xd: {  	v2 =	vor.u32 $0x2, v0;
	v10 =	vor.u32 $0x301, v0;
	v11 =	vor.u32 $0x302, v0;
	s13 =	ssub.s32 s31, s13;
	s8 =	sadd.s32 $0x28CA00, s10;
	s9 =	sadd.s32 $0x162E00, s10  }
0xe: {  	v12 =	vor.u32 $0x400, v0;
	v13 =	vor.u32 $0x401, v0;
	v14 =	vor.u32 $0x402, v0;
	s10 =	sadd.s32 $0x165600, s11;
	s11 =	smax.u32 s13, $0x1;
	s13 =	simm.s32 $0x1  }
.LBB2_1:
0xf: {  	[tilespmem:s12], [sflag:$0x1] =	stream.linear.gather [hbm4b:s4+s3], $0x2710, $0x38;
	[tilespmem:$0xBE50] =	vst v63  }
0x10: {  	_ =	swait.ge [sflag:s13], $0x2710  }
0x11: {  	[sflag:s13] =	ssyncset.done $0x0  }
0x12: {  	[sflag:s13] =	ssyncadd.s32 $0xFFFFD8F0  }
0x13: {  	[tilespmem:s14], [sflag:$0x1] =	stream.linear.gather [hbm4b:s5+s3], $0x2710, $0x38;
	[tilespmem:$0xBE50] =	vst v63  }
0x14: {  	_ =	swait.ge [sflag:s13], $0x2710  }
0x15: {  	[sflag:s13] =	ssyncset.done $0x0  }
0x16: {  	[sflag:s13] =	ssyncadd.s32 $0xFFFFD8F0  }
0x17: {  	[tilespmem:s15], [sflag:$0x1] =	stream.linear.gather [hbm4b:s0+s3], $0x2710, $0x38;
	[tilespmem:$0xBE50] =	vst v63  }
0x18: {  	_ =	swait.ge [sflag:s13], $0x2710  }
0x19: {  	[sflag:s13] =	ssyncset.done $0x0  }
0x1a: {  	s22 =	simm.s32 @!p0 $0x1C01;
	[sflag:s13] =	ssyncadd.s32 $0xFFFFD8F0  }
0x1b: {  	[spmem:s16], [sflag:s22] =	dma.local @!p0 [hbm:s6], $0x4E20  }
0x1c: {  	s22 =	simm.s32 @!p0 $0x1  }
0x1d: {  	_ =	swait.ge @!p0 [sflag:s22], $0x4E20  }
0x1e: {  	[sflag:s22] =	ssyncset.done @!p0 $0x0  }
0x1f: {  	[sflag:s22] =	ssyncadd.s32 @!p0 $0xFFFFB1E0  }
0x20: {  	[tilespmem:s17], [sflag:$0x1] =	stream.linear.gather [hbm4b:s6+s3], $0x500, $0x38;
	[tilespmem:$0xBE50] =	vst v63  }
0x21: {  	_ =	swait.ge [sflag:s13], $0x500  }
0x22: {  	[sflag:s13] =	ssyncset.done $0x0  }
0x23: {  	[sflag:s13] =	ssyncadd.s32 $0xFFFFFB00  }
0x24: {  	[tilespmem:s3], [sflag:$0x1] =	stream.linear.gather [hbm4b:s7+s3], $0x9B0, $0x38;
	[tilespmem:$0xBE50] =	vst v63  }
0x25: {  	_ =	swait.ge [sflag:s13], $0x9B0  }
0x26: {  	[sflag:s13] =	ssyncset.done $0x0  }
0x27: {  	[sflag:s13] =	ssyncadd.s32 $0xFFFFF650  }
0x28: {  	[tilespmem:s18], [sflag:$0x1] =	stream.linear.gather [hbm4b:s8+s3], $0x9B0, $0x38;
	[tilespmem:$0xBE50] =	vst v63  }
0x29: {  	_ =	swait.ge [sflag:s13], $0x9B0  }
0x2a: {  	[sflag:s13] =	ssyncset.done $0x0  }
0x2b: {  	[sflag:s13] =	ssyncadd.s32 $0xFFFFF650  }
0x2c: {  	[tilespmem:s19], [sflag:$0x1] =	stream.linear.gather [hbm4b:s9+s3], $0x9B0, $0x38;
	[tilespmem:$0xBE50] =	vst v63  }
0x2d: {  	_ =	swait.ge [sflag:s13], $0x9B0  }
0x2e: {  	[sflag:s13] =	ssyncset.done $0x0  }
0x2f: {  	[sflag:s13] =	ssyncadd.s32 $0xFFFFF650  }
0x30: {  	s22 =	simm.s32 $0x0;
	[bflag:$0x0] =	sbarrier.arrive $0xFFFF  }
.LBB2_2:
0x31: {  	s23 =	sshra.s32 s22, $0x2  }
0x32: {  	v15 =	vld [tilespmem:s23+$0x0]  }
0x33: {  	v16 =	vld [tilespmem:s23+$0x9B0];
	_ =	sdelay $0x5  }
0x34: {  	v17 =	vld [tilespmem:s23+$0x1360]  }
0x35: {  	v18 =	vld.idx.msk [tilespmem:v15+s12+$0x0], $0xffff  }
0x36: {  	v19 =	vld.idx.msk [tilespmem:v16+s12+$0x0], $0xffff  }
0x37: {  	v20 =	vld.idx.msk [tilespmem:v15+s14+$0x0], $0xffff  }
0x38: {  	v21 =	vld.idx.msk [tilespmem:v16+s14+$0x0], $0xffff  }
0x39: {  	v15 =	vld.idx.msk [tilespmem:v15+s15+$0x0], $0xffff  }
0x3a: {  	v16 =	vld.idx.msk [tilespmem:v16+s15+$0x0], $0xffff;
	_ =	sdelay $0x2  }
0x3b: {  	v18 =	vsub.f32 v18, v19  }
0x3c: {  	v33 =	vsub.f32 v20, v21  }
0x3d: {  	v15 =	vsub.f32 v15, v16;
	v34 =	vmul.f32 v18, v17  }
0x3e: {  	v35 =	vmul.f32 v33, v17  }
0x3f: {  	v15 =	vmul.f32 v15, v17;
	[tilespmem:v0+s17+$0x0] =	vst.idx.msk $0xffff, v34  }
0x40: {  	[tilespmem:v1+s17+$0x0] =	vst.idx.msk $0xffff, v35  }
0x41: {  	[tilespmem:v2+s17+$0x0] =	vst.idx.msk $0xffff, v15  }
0x42: {  	v15 =	vld [tilespmem:s23+$0x10]  }
0x43: {  	v16 =	vld [tilespmem:s23+$0x9C0];
	_ =	sdelay $0x5  }
0x44: {  	v36 =	vld [tilespmem:s23+$0x1370]  }
0x45: {  	v18 =	vld.idx.msk [tilespmem:v15+s12+$0x0], $0xffff  }
0x46: {  	v37 =	vld.idx.msk [tilespmem:v16+s12+$0x0], $0xffff  }
0x47: {  	v38 =	vld.idx.msk [tilespmem:v15+s14+$0x0], $0xffff  }
0x48: {  	v39 =	vld.idx.msk [tilespmem:v16+s14+$0x0], $0xffff  }
0x49: {  	v15 =	vld.idx.msk [tilespmem:v15+s15+$0x0], $0xffff  }
0x4a: {  	v16 =	vld.idx.msk [tilespmem:v16+s15+$0x0], $0xffff;
	_ =	sdelay $0x2  }
0x4b: {  	v18 =	vsub.f32 v18, v37  }
0x4c: {  	v40 =	vsub.f32 v38, v39  }
0x4d: {  	v15 =	vsub.f32 v15, v16;
	v41 =	vmul.f32 v18, v36  }
0x4e: {  	v42 =	vmul.f32 v40, v36  }
0x4f: {  	v15 =	vmul.f32 v15, v36;
	[tilespmem:v3+s17+$0x0] =	vst.idx.msk $0xffff, v41  }
0x50: {  	[tilespmem:v4+s17+$0x0] =	vst.idx.msk $0xffff, v42  }
0x51: {  	[tilespmem:v5+s17+$0x0] =	vst.idx.msk $0xffff, v15  }
0x52: {  	v15 =	vld [tilespmem:s23+$0x20]  }
0x53: {  	v16 =	vld [tilespmem:s23+$0x9D0];
	_ =	sdelay $0x5  }
0x54: {  	v43 =	vld [tilespmem:s23+$0x1380]  }
0x55: {  	v18 =	vld.idx.msk [tilespmem:v15+s12+$0x0], $0xffff  }
0x56: {  	v44 =	vld.idx.msk [tilespmem:v16+s12+$0x0], $0xffff  }
0x57: {  	v45 =	vld.idx.msk [tilespmem:v15+s14+$0x0], $0xffff  }
0x58: {  	v46 =	vld.idx.msk [tilespmem:v16+s14+$0x0], $0xffff  }
0x59: {  	v15 =	vld.idx.msk [tilespmem:v15+s15+$0x0], $0xffff  }
0x5a: {  	v16 =	vld.idx.msk [tilespmem:v16+s15+$0x0], $0xffff;
	_ =	sdelay $0x2  }
0x5b: {  	v18 =	vsub.f32 v18, v44  }
0x5c: {  	v47 =	vsub.f32 v45, v46  }
0x5d: {  	v15 =	vsub.f32 v15, v16;
	v48 =	vmul.f32 v18, v43  }
0x5e: {  	v49 =	vmul.f32 v47, v43  }
0x5f: {  	v15 =	vmul.f32 v15, v43;
	[tilespmem:v6+s17+$0x0] =	vst.idx.msk $0xffff, v48  }
0x60: {  	[tilespmem:v7+s17+$0x0] =	vst.idx.msk $0xffff, v49  }
0x61: {  	[tilespmem:v8+s17+$0x0] =	vst.idx.msk $0xffff, v15  }
0x62: {  	v15 =	vld [tilespmem:s23+$0x30]  }
0x63: {  	v16 =	vld [tilespmem:s23+$0x9E0];
	_ =	sdelay $0x5  }
0x64: {  	v50 =	vld [tilespmem:s23+$0x1390]  }
0x65: {  	v18 =	vld.idx.msk [tilespmem:v15+s12+$0x0], $0xffff  }
0x66: {  	v51 =	vld.idx.msk [tilespmem:v16+s12+$0x0], $0xffff  }
0x67: {  	v52 =	vld.idx.msk [tilespmem:v15+s14+$0x0], $0xffff  }
0x68: {  	v53 =	vld.idx.msk [tilespmem:v16+s14+$0x0], $0xffff  }
0x69: {  	v15 =	vld.idx.msk [tilespmem:v15+s15+$0x0], $0xffff  }
0x6a: {  	v16 =	vld.idx.msk [tilespmem:v16+s15+$0x0], $0xffff;
	_ =	sdelay $0x2  }
0x6b: {  	v18 =	vsub.f32 v18, v51  }
0x6c: {  	v54 =	vsub.f32 v52, v53  }
0x6d: {  	v15 =	vsub.f32 v15, v16;
	v55 =	vmul.f32 v18, v50  }
0x6e: {  	v56 =	vmul.f32 v54, v50  }
0x6f: {  	v15 =	vmul.f32 v15, v50;
	[tilespmem:v9+s17+$0x0] =	vst.idx.msk $0xffff, v55  }
0x70: {  	[tilespmem:v10+s17+$0x0] =	vst.idx.msk $0xffff, v56  }
0x71: {  	[tilespmem:v11+s17+$0x0] =	vst.idx.msk $0xffff, v15  }
0x72: {  	v15 =	vld [tilespmem:s23+$0x40]  }
0x73: {  	v16 =	vld [tilespmem:s23+$0x9F0];
	_ =	sdelay $0x5  }
0x74: {  	v57 =	vld [tilespmem:s23+$0x13A0]  }
0x75: {  	v18 =	vld.idx.msk [tilespmem:v15+s12+$0x0], $0xffff  }
0x76: {  	v58 =	vld.idx.msk [tilespmem:v16+s12+$0x0], $0xffff  }
0x77: {  	v59 =	vld.idx.msk [tilespmem:v15+s14+$0x0], $0xffff  }
0x78: {  	v60 =	vld.idx.msk [tilespmem:v16+s14+$0x0], $0xffff  }
0x79: {  	v15 =	vld.idx.msk [tilespmem:v15+s15+$0x0], $0xffff  }
0x7a: {  	v16 =	vld.idx.msk [tilespmem:v16+s15+$0x0], $0xffff;
	_ =	sdelay $0x2  }
0x7b: {  	v18 =	vsub.f32 v18, v58  }
0x7c: {  	v61 =	vsub.f32 v59, v60  }
0x7d: {  	v15 =	vsub.f32 v15, v16;
	v62 =	vmul.f32 v18, v57  }
0x7e: {  	v63 =	vmul.f32 v61, v57  }
0x7f: {  	v15 =	vmul.f32 v15, v57;
	[tilespmem:v12+s17+$0x0] =	vst.idx.msk $0xffff, v62  }
0x80: {  	p1 =	sne.s32 s22, $0x2580;
	[tilespmem:v13+s17+$0x0] =	vst.idx.msk $0xffff, v63  }
.Ltmp0:
0x81: {  	[tilespmem:v14+s17+$0x0] =	vst.idx.msk $0xffff, v15;
	(pc) =	sbr.rel @p1 .LBB2_2-.Ltmp0, $4  }
0x82: {  	[spmem:s2] =	stream.indirect.scatter.add.f32 [tilespmem:s17], [sflag:$0x1], $0x10, s23, s20, $0xb8;
	[tilespmem:$0xBE50] =	vst v63  }
0x83: {  	_ =	swait.ge [sflag:s13], $0x500  }
0x84: {  	[sflag:s13] =	ssyncset.done $0x0  }
0x85: {  	s22 =	sadd.s32 $0x140, s22;
	[sflag:s13] =	ssyncadd.s32 $0xFFFFFB00  }
0x86: {  	[bflag:$0x0] =	sbarrier.arrive $0xFFFF;
	s22 =	simm.s32 @!p0 $0x1C01;
	s21 =	sadd.s32 $0x1, s21  }
0x87: {  	[hbm:s10], [sflag:s22] =	dma.local @!p0 [spmem:s16], $0x4E20  }
0x88: {  	p1 =	sne.s32 s21, s11  }
.Ltmp1:
0x89: {  	_ = 	snop;
	(pc) =	sbr.rel @p1 .LBB2_1-.Ltmp1, $4  }
0x8a: {  	s22 =	simm.s32 @!p0 $0x1  }
0x8b: {  	_ =	swait.ge @!p0 [sflag:s22], $0x4E20  }
0x8c: {  	[sflag:s22] =	ssyncset.done @!p0 $0x0  }
0x8d: {  	[sflag:s22] =	ssyncadd.s32 @!p0 $0xFFFFB1E0  }
0x8e: {  	_ =	sfence.sel $0x180000  }
0x8f: {  	[bflag:$0x0] =	sbarrier.arrive $0xFFFF  }
0x90: {  	_ =	strace $0x90000059  }
0x91: {  	s0 =	sadd.s32 @!p0 $0x100000, s1;
	[bflag:$0x2] =	sbarrier.arrive $0xFFFF  }
0x92: {  	[sflag:s0] =	ssyncadd.tile.s32 @!p0 $0x1;
	_ =	shalt  }
.Lfunc_end2:
_tile_overlayer_lowered:
.L_overlay_start_2:
0x93: {  	(tag) =	ssettag $0x2  }
0x94: {  	s0 =	rddreg [dreg:$0x0];
	s2 =	stileid.u32  }
0x95: {  	s1 =	rddreg [dreg:$0x1];
	p0 =	sne.s32 s2, $0x0  }
0x96: {  	s3 =	rddreg [dreg:$0x2];
	[bflag:$0x3] =	sbarrier.arrive $0xFFFF;
	s2 =	simm.s32 @!p0 $0x1C01  }
0x97: {  	[timem:s3], [sflag:s2] =	dma.local @!p0 [hbm:s0], s1  }
0x98: {  	s0 =	simm.s32 @!p0 $0x1  }
0x99: {  	_ =	swait.ge @!p0 [sflag:s0], s1  }
0x9a: {  	s1 =	ssub.s32 @!p0 $0x0, s1;
	[sflag:s0] =	ssyncset.done @!p0 $0x0  }
0x9b: {  	[sflag:s0] =	ssyncadd.s32 @!p0 s1  }
0x9c: {  	[bflag:$0x3] =	sbarrier.arrive $0xFFFF  }
0x9d: {  	_ =	shalt  }

// kernel: kernel.37.cloned.1.call-start
scs
__scs_entry_jumppad:
0x0: {  	(pc) =	sbr.rel $0x88, $3  }
0x1: {  	(tag) =	ssettag $0x0;
	lr =	simm.s32 $0x1  }
0x2: {  	[smem:$0x3F91] =	sst lr;
	_ =	strace $0xD0000000  }
0x3: {  	_ = 	snop  }
0x4: {  	_ = 	snop  }
0x5: {  	_ = 	snop  }
0x6: {  	_ = 	snop  }
0x7: {  	_ = 	snop  }
__scs_overlays_trampoline_lowered:
0x8: {  	[smem:$0x3FA0] =	sst s0  }
0x9: {  	[smem:$0x3FA1] =	sst s1  }
0xa: {  	[smem:$0x3FA2] =	sst s2  }
0xb: {  	[smem:$0x3FA3] =	sst s3  }
0xc: {  	[smem:$0x3FA4] =	sst s4  }
0xd: {  	[smem:$0x3FA5] =	sst s5  }
0xe: {  	[smem:$0x3FA6] =	sst s6  }
0xf: {  	[smem:$0x3FA7] =	sst s7  }
0x10: {  	[smem:$0x3FA8] =	sst s8  }
0x11: {  	[smem:$0x3FA9] =	sst s9;
	s0 =	simm.s32 @!p0 $0x0  }
0x12: {  	s1 =	sld [smem:$0x3F8F];
	s0 =	simm.s32 @p0 $0x1  }
0x13: {  	[smem:$0x3FAA] =	sst s0;
	s0 =	simm.s32 @!p1 $0x0  }
0x14: {  	s2 =	sld [smem:$0x3F8E];
	s0 =	simm.s32 @p1 $0x1  }
0x15: {  	[smem:$0x3FAB] =	sst s0;
	s0 =	simm.s32 @!p2 $0x0  }
0x16: {  	s3 =	sld [smem:$0x3FDB];
	s0 =	simm.s32 @p2 $0x1  }
0x17: {  	s4 =	simm.s32 $0x1BF5;
	[smem:$0x3FAD] =	sst s0  }
0x18: {  	s0 =	sld [smem:$0x3F90];
	_ =	swait.ge [sflag:s4], $0x0  }
0x19: {  	s7 =	sld [smem:$0x3F91]  }
0x1a: {  	s8 =	sadd.s32 $0xFFFFE003, lr  }
0x1b: {  	s9 =	sadd.s32 $0xFFFFFEF7, lr;
	s5 =	simm.s32 $0xFFFFFFFF;
	p2 =	slt.u32 s8, $0xFFFFF086  }
0x1c: {  	p1 =	slt.u32 s9, $0xF7A;
	s5 =	simm.s32 @!p2 $0x0  }
0x1d: {  	s5 =	simm.s32 @p1 $0x1;
	p0 =	seq.s32 s7, s2  }
0x1e: {  	s7 =	smul.u32 @!p0 $0xF7A, s2;
	p2 =	seq.s32 @!p0 s5, $0x0  }
0x1f: {  	s9 =	smul.u32 $0xF7A, s1;
	s8 =	simm.s32 @!p0 $0x1BF5;
	p2 =	por !p2, p0  }
0x20: {  	[sflag:s8] =	ssyncset.s32 @!p0 $0xFFFFF086;
	s6 =	sadd.s32 @!p0 s3, s7;
	s7 =	simm.s32 @!p0 $0x108  }
0x21: {  	s3 =	sadd.s32 s3, s9;
	s6 =	sadd.s32 @!p0 $0x88, s6;
	s7 =	simm.s32 @p2 $0x1082  }
0x22: {  	[simem:s7], [sflag:s8] =	dma.local @!p0 [hbm:s6], $0xF7A  }
0x23: {  	s9 =	sor.u32 $0xD0000000, s2;
	s6 =	simm.s32 $0x108;
	_ =	swait.ge @!p0 [sflag:s8], $0x0  }
0x24: {  	s3 =	sadd.s32 $0x88, s3;
	s6 =	simm.s32 @!p1 $0x1082;
	[sflag:s4] =	ssyncset.s32 $0xFFFFF086  }
0x25: {  	[simem:s6], [sflag:s4] =	dma.local [hbm:s3], $0xF7A  }
0x26: {  	[smem:$0x3F91] =	sst s1;
	(tag) =	ssettag s2;
	_ =	strace s9  }
0x27: {  	s1 =	sld [smem:$0x3FA1]  }
0x28: {  	s2 =	sld [smem:$0x3FA2]  }
0x29: {  	s4 =	sld [smem:$0x3FA4]  }
0x2a: {  	p0 =	seq.s32 s5, $0x0;
	s5 =	sld [smem:$0x3FA5]  }
0x2b: {  	s6 =	sld [smem:$0x3FA6]  }
0x2c: {  	s7 =	sld [smem:$0x3FA7]  }
0x2d: {  	s3 =	simm.s32 $0x108;
	s8 =	sld [smem:$0x3FA8]  }
0x2e: {  	s3 =	simm.s32 @!p0 $0x1082;
	s9 =	sld [smem:$0x3FA9]  }
0x2f: {  	lr =	sadd.s32 s0, s3;
	s0 =	sld [smem:$0x3FA0]  }
0x30: {  	s3 =	sld [smem:$0x3FA3]  }
0x31: {  	[smem:$0x3FAC] =	sst s10  }
0x32: {  	s10 =	sld [smem:$0x3FAA];
	_ =	sdelay $0x3  }
0x33: {  	p0 =	seq.s32 s10, $0x1;
	s10 =	sld [smem:$0x3FAC];
	_ =	sdelay $0x3  }
0x34: {  	[smem:$0x3FAC] =	sst s10  }
0x35: {  	s10 =	sld [smem:$0x3FAB];
	_ =	sdelay $0x3  }
0x36: {  	p1 =	seq.s32 s10, $0x1;
	s10 =	sld [smem:$0x3FAC];
	_ =	sdelay $0x3  }
0x37: {  	[smem:$0x3FAC] =	sst s10  }
0x38: {  	s10 =	sld [smem:$0x3FAD]  }
0x39: {  	_ = 	snop;
	(pc) =	sbr.ind lr, $3  }
0x3a: {  	_ = 	snop  }
0x3b: {  	_ = 	snop  }
0x3c: {  	p2 =	seq.s32 s10, $0x1;
	s10 =	sld [smem:$0x3FAC]  }
0x3d: {  	_ =	shalt  }
0x3e: {  	_ =	shalt  }
0x3f: {  	_ =	shalt  }
0x40: {  	_ =	shalt  }
0x41: {  	_ =	shalt  }
0x42: {  	_ =	shalt  }
0x43: {  	_ =	shalt  }
0x44: {  	_ =	shalt  }
0x45: {  	_ =	shalt  }
0x46: {  	_ =	shalt  }
0x47: {  	_ =	shalt  }
0x48: {  	_ =	shalt  }
0x49: {  	_ =	shalt  }
0x4a: {  	_ =	shalt  }
0x4b: {  	_ =	shalt  }
0x4c: {  	_ =	shalt  }
0x4d: {  	_ =	shalt  }
0x4e: {  	_ =	shalt  }
0x4f: {  	_ =	shalt  }
0x50: {  	_ =	shalt  }
0x51: {  	_ =	shalt  }
0x52: {  	_ =	shalt  }
0x53: {  	_ =	shalt  }
0x54: {  	_ =	shalt  }
0x55: {  	_ =	shalt  }
0x56: {  	_ =	shalt  }
0x57: {  	_ =	shalt  }
0x58: {  	_ =	shalt  }
0x59: {  	_ =	shalt  }
0x5a: {  	_ =	shalt  }
0x5b: {  	_ =	shalt  }
0x5c: {  	_ =	shalt  }
0x5d: {  	_ =	shalt  }
0x5e: {  	_ =	shalt  }
0x5f: {  	_ =	shalt  }
0x60: {  	_ =	shalt  }
0x61: {  	_ =	shalt  }
0x62: {  	_ =	shalt  }
0x63: {  	_ =	shalt  }
0x64: {  	_ =	shalt  }
0x65: {  	_ =	shalt  }
0x66: {  	_ =	shalt  }
0x67: {  	_ =	shalt  }
0x68: {  	_ =	shalt  }
0x69: {  	_ =	shalt  }
0x6a: {  	_ =	shalt  }
0x6b: {  	_ =	shalt  }
0x6c: {  	_ =	shalt  }
0x6d: {  	_ =	shalt  }
0x6e: {  	_ =	shalt  }
0x6f: {  	_ =	shalt  }
0x70: {  	_ =	shalt  }
0x71: {  	_ =	shalt  }
0x72: {  	_ =	shalt  }
0x73: {  	_ =	shalt  }
0x74: {  	_ =	shalt  }
0x75: {  	_ =	shalt  }
0x76: {  	_ =	shalt  }
0x77: {  	_ =	shalt  }
0x78: {  	_ =	shalt  }
0x79: {  	_ =	shalt  }
0x7a: {  	_ =	shalt  }
0x7b: {  	_ =	shalt  }
0x7c: {  	_ =	shalt  }
0x7d: {  	_ =	shalt  }
0x7e: {  	_ =	shalt  }
0x7f: {  	_ =	shalt  }
0x80: {  	_ =	shalt  }
0x81: {  	_ =	shalt  }
0x82: {  	_ =	shalt  }
0x83: {  	_ =	shalt  }
0x84: {  	_ =	shalt  }
0x85: {  	_ =	shalt  }
0x86: {  	_ =	shalt  }
0x87: {  	_ =	shalt  }
.Lfunc_end0:
.L_simem_size_0:
called_computation.6_lowered:
.L_overlay_start_0:
0x88: {  	s2 =	sld [smem:$0x3FD9]  }
0x89: {  	s3 =	sld [smem:$0x3FFE];
	_ =	sdelay $0x1  }
0x8a: {  	s1 =	srdreg.scid  }
0x8b: {  	s0 =	sand.u32 $0x1, s1  }
0x8c: {  	s16 =	sshll.u32 s0, $0xA;
	s2 =	sadd.s32 s3, s2  }
0x8d: {  	s2 =	sadd.s32 s2, s16  }
0x8e: {  	[smem:$0x3FB8] =	sst s2  }
0x8f: {  	_ = 	snop  }
0x90: {  	s2 =	sld [smem:$0x3FD0];
	_ =	sdelay $0x2  }
0x91: {  	s17 =	simm.s32 $0x11;
	s4 =	simm.s32 $0x10  }
0x92: {  	[smem:s4], [sflag:s17] =	dma.local [hbm:s2], $0x1  }
0x93: {  	_ =	swait.eq [sflag:s17], $0x1  }
0x94: {  	[sflag:s17] =	ssyncset.done $0x0  }
0x95: {  	[sflag:s17] =	ssyncadd.s32 $0xFFFFFFFF  }
0x96: {  	s3 =	sld [smem:$0x10];
	(tm) =	ssettm $0x1  }
0x97: {  	s18 =	sld [smem:$0x3FFB];
	_ =	sdelay $0x3  }
0x98: {  	_ =	strace s18  }
0x99: {  	s2 =	sld [smem:$0x3FFC];
	_ =	sdelay $0x3  }
0x9a: {  	_ =	strace s2  }
0x9b: {  	s2 =	sld [smem:$0x3FFD];
	_ =	sdelay $0x3  }
0x9c: {  	_ =	strace s2  }
0x9d: {  	_ =	strace $0x8FFFFFFF  }
0x9e: {  	s19 =	sld [smem:$0x3FDB];
	_ =	sdelay $0x1  }
0x9f: {  	s20 =	simm.s32 $_scs_section_size  }
0xa0: {  	s5 =	simm.s32 $_size__tile_overlayer_lowered;
	s6 =	simm.s32 $_tile_overlayer_lowered  }
0xa1: {  	s7 =	simm.s32 $0x1BFF;
	s21 =	sshll.u32 s6, $0x1;
	s4 =	sadd.s32 s20, s19  }
0xa2: {  	s22 =	simm.s32 $0x0;
	s5 =	sshll.u32 s5, $0x1;
	s6 =	sadd.s32 s21, s4  }
0xa3: {  	[timem:s22], [sflag:s7] =	dma.local [hbm:s6], s5  }
0xa4: {  	_ =	swait.ge [sflag:s7], s5  }
0xa5: {  	s5 =	ssub.s32 $0x0, s5;
	[sflag:s7] =	ssyncset.done $0x0  }
0xa6: {  	[sflag:s7] =	ssyncadd.s32 s5;
	_ =	sdelay $0x1  }
0xa7: {  	s23 =	simm.s32 $0x1B8B  }
0xa8: {  	_ =	swait.ge [sflag:s23], $0x1  }
0xa9: {  	[sflag:s23] =	ssyncset.done $0x0  }
0xaa: {  	[sflag:s23] =	ssyncadd.s32 $0xFFFFFFFF  }
0xab: {  	s5 =	sld [smem:$0x0]  }
0xac: {  	s6 =	sand.u32 $0xFFFFFFFE, s1  }
0xad: {  	p0 =	sne.s32 s1, s6  }
0xae: {  	s6 =	sshll.u32 @p0 s6, $0xE  }
0xaf: {  	s6 =	sadd.s32 @p0 $0x11B8D, s6;
	s7 =	sshll.u32 @p0 s5, $0x11  }
0xb0: {  	s6 =	sor.u32 @p0 s7, s6  }
0xb1: {  	[sflag:s6] =	ssyncadd.remote.s32 @p0 $0x1;
	_ =	sdelay $0x1  }
0xb2: {  	s6 =	simm.s32 @p0 $0x1B8D  }
0xb3: {  	_ =	swait.eq @p0 [sflag:s6], $0x1  }
0xb4: {  	[sflag:s6] =	ssyncadd.s32 @p0 $0xFFFFFFFF  }
0xb5: {  	s7 =	sshll.u32 @!p0 s1, $0xE  }
0xb6: {  	s7 =	sor.u32 @!p0 $0x4000, s7;
	s6 =	simm.s32 @!p0 $0x1B8D  }
0xb7: {  	s5 =	sshll.u32 @!p0 s5, $0x11;
	s7 =	sadd.s32 @!p0 $0x11B8D, s7;
	_ =	swait.eq @!p0 [sflag:s6], $0x1  }
0xb8: {  	s5 =	sor.u32 @!p0 s5, s7;
	[sflag:s6] =	ssyncadd.s32 @!p0 $0xFFFFFFFF  }
0xb9: {  	s25 =	simm.s32 $0x1B8E;
	s24 =	sld [smem:$0x3FFE];
	[sflag:s5] =	ssyncadd.remote.s32 @!p0 $0x1  }
0xba: {  	s26 =	simm.s32 $execute0_lowered;
	[smem:$0x3FD2] =	sst s25  }
0xbb: {  	s6 =	sshll.u32 s26, $0x1;
	_ =	strace $0x80000049;
	[dreg:$0x1] =	wrdreg $0xFFFFFFFF  }
0xbc: {  	s28 =	simm.s32 $_size_execute0_lowered;
	s4 =	sadd.s32 s4, s6;
	[dreg:$0x0] =	wrdreg $0x0  }
0xbd: {  	s6 =	sshll.u32 s28, $0x1;
	[dreg:$0x2] =	wrdreg s4  }
0xbe: {  	[dreg:$0x3] =	wrdreg s6  }
0xbf: {  	[dreg:$0x4] =	wrdreg $0xC0  }
0xc0: {  	_ =	task [dreg:s22], $0x5FFFF  }
0xc1: {  	[dreg:$0x1] =	wrdreg $0xFFFFFFFF  }
0xc2: {  	[dreg:$0x0] =	wrdreg $0x60  }
0xc3: {  	[dreg:$0x2] =	wrdreg s3  }
0xc4: {  	[dreg:$0x3] =	wrdreg s24  }
0xc5: {  	[dreg:$0x4] =	wrdreg $0xA  }
0xc6: {  	_ =	task.clear_ibuf [dreg:s22], $0x5FFFF;
	_ =	strace $0x90000049  }
0xc7: {  	s29 =	simm.s32 $0xA;
	_ =	strace $0x8000004B  }
0xc8: {  	_ =	swait.ge [sflag:s29], $0x1  }
0xc9: {  	[sflag:s29] =	ssyncadd.s32 $0xFFFFFFFF  }
0xca: {  	_ =	strace $0x9000004B  }
0xcb: {  	_ =	sfence  }
0xcc: {  	s30 =	sld [smem:$0x0];
	_ =	sdelay $0x2  }
0xcd: {  	s31 =	sshll.u32 s1, $0xD;
	s1 =	sshrl.u32 s1, $0x2  }
0xce: {  	s4 =	sand.u32 $0x4000, s31;
	s1 =	sadd.s32 s1, s30  }
0xcf: {  	s0 =	sor.u32 s4, s0;
	s1 =	sshll.u32 s1, $0x11  }
0xd0: {  	s0 =	sor.u32 s1, s0  }
0xd1: {  	s0 =	sadd.s32 $0x8F2B, s0  }
0xd2: {  	[sflag:s0] =	ssyncadd.remote.s32 $0x1  }
0xd3: {  	_ =	sfence.sel $0xFFFF  }
0xd4: {  	[dreg:$0x0] =	wrdreg $0xFFFFFFFF;
	(pc) =	sbr.abs _section_cstart, $3  }
0xd5: {  	[dreg:$0x1] =	wrdreg $0xFFFFFFFF  }
0xd6: {  	_ =	task.clear_ibuf [dreg:s22], $0x2FFFF;
	_ =	strace $0x9FFFFFFF  }
0xd7: {  	(tm) =	ssettm $0x7FFFFFFF  }
tec
execute0_lowered:
.L_overlay_start_1:
0x0: {  	(tag) =	ssettag $0x1  }
0x1: {  	s2 =	rddreg [dreg:$0x0]  }
0x2: {  	s1 =	srdreg.scid;
	s0 =	stileid.u32  }
0x3: {  	s4 =	rddreg [dreg:$0x1];
	s3 =	simm.s32 $0x0;
	s11 =	simm.s32 $0x50  }
0x4: {  	s12 =	simm.s32 $0x1400;
	s13 =	simm.s32 $0x3C00;
	s14 =	simm.s32 $0x1  }
0x5: {  	s15 =	simm.s32 $0x0;
	s5 =	sand.u32 $0x1, s1;
	s6 =	sshll.u32 s0, $0x1  }
0x6: {  	s1 =	rddreg [dreg:$0x2];
	s7 =	smul.u32 $0x13600, s0;
	s6 =	sor.u32 s5, s6  }
0x7: {  	[smem:$0x7FF] =	sst s3;
	s8 =	ssub.s32 $0x2, s5;
	s6 =	smul.u32 $0x9B0, s6  }
0x8: {  	_ =	strace $0x8000004A;
	s10 =	smul.u32 $0x9B00, s5;
	s9 =	sshrl.u32 s8, $0x1  }
0x9: {  	s7 =	sadd.s32 s7, s4;
	s8 =	ssub.s32 s8, s9;
	s6 =	sshrl.u32 s6, $0x3  }
0xa: {  	s31 =	sadd.s32 s10, s7;
	s10 =	simm.s32 $0xA00;
	s6 =	sadd.s32 s6, s4  }
0xb: {  	s9 =	simm.s32 $0x2;
	s7 =	sadd.s32 $0x294200, s31;
	s4 =	sadd.s32 $0x28F200, s6  }
0xc: {  	s5 =	sadd.s32 $0x28A200, s6;
	s6 =	smax.u32 s8, $0x1;
	s8 =	sadd.s32 $0x3CA200, s31  }
.LBB2_1:
0xd: {  	[tilespmem:s3], [sflag:$0x2] =	stream.linear.gather [hbm4b:s4+s3], $0x9B0, $0x38;
	[tilespmem:$0x6400] =	vst v63  }
0xe: {  	_ =	swait.ge [sflag:s9], $0x9B0  }
0xf: {  	[sflag:s9] =	ssyncset.done $0x0  }
0x10: {  	[sflag:s9] =	ssyncadd.s32 $0xFFFFF650  }
0x11: {  	[tilespmem:s10], [sflag:$0x2] =	stream.linear.gather [hbm4b:s5+s3], $0x9B0, $0x38;
	[tilespmem:$0x6400] =	vst v63  }
0x12: {  	_ =	swait.ge [sflag:s9], $0x9B0  }
0x13: {  	[sflag:s9] =	ssyncset.done $0x0  }
0x14: {  	s16 =	simm.s32 $0x0;
	[sflag:s9] =	ssyncadd.s32 $0xFFFFF650  }
0x15: {  	[tilespmem:s12], [sflag:$0x1] =	stream.indirect.gather [hbm4b:s2+s11], $0x80, s16, s11, $0xb8;
	[tilespmem:$0x6400] =	vst v63  }
0x16: {  	s31 =	simm.s32 $0xA00  }
0x17: {  	[tilespmem:s13], [sflag:$0x1] =	stream.indirect.gather [hbm4b:s2+s11], $0x80, s31, s11, $0xb8;
	[tilespmem:$0x6400] =	vst v63  }
0x18: {  	_ =	swait.ge [sflag:s14], $0x2800  }
0x19: {  	[sflag:s14] =	ssyncset.done $0x0  }
0x1a: {  	[sflag:s14] =	ssyncadd.s32 $0xFFFFD800  }
0x1b: {  	_ =	swait.ge [sflag:s14], $0x2800  }
0x1c: {  	[sflag:s14] =	ssyncset.done $0x0  }
0x1d: {  	[sflag:s14] =	ssyncadd.s32 $0xFFFFD800  }
0x1e: {  	[hbm4b:s7+s3] =	stream.linear.scatter [tilespmem:s12], [sflag:$0x2], $0x2800, $0x38;
	[tilespmem:$0x6400] =	vst v63  }
0x1f: {  	_ =	swait.ge [sflag:s9], $0x2800  }
0x20: {  	[sflag:s9] =	ssyncset.done $0x0  }
0x21: {  	[sflag:s9] =	ssyncadd.s32 $0xFFFFD800  }
0x22: {  	[hbm4b:s8+s3] =	stream.linear.scatter [tilespmem:s13], [sflag:$0x2], $0x2800, $0x38;
	[tilespmem:$0x6400] =	vst v63  }
0x23: {  	s18 =	simm.s32 $0x140;
	s19 =	simm.s32 $0x280;
	_ =	swait.ge [sflag:s9], $0x2800  }
0x24: {  	s17 =	sadd.s32 $0x500, s7;
	s16 =	sadd.s32 $0x500, s8;
	[sflag:s9] =	ssyncset.done $0x0  }
.LBB2_2:
0x25: {  	s20 =	sshra.s32 s18, $0x2  }
0x26: {  	[sflag:s9] =	ssyncadd.s32 $0xFFFFD800;
	s18 =	smov.u32 s19;
	s21 =	sadd.s32 $0x140, s19  }
0x27: {  	[tilespmem:s12], [sflag:$0x1] =	stream.indirect.gather [hbm4b:s2+s11], $0x80, s20, s11, $0xb8;
	[tilespmem:$0x6400] =	vst v63  }
0x28: {  	p0 =	sne.s32 s19, $0x2580;
	s19 =	sadd.s32 $0xA00, s20  }
0x29: {  	[tilespmem:s13], [sflag:$0x1] =	stream.indirect.gather [hbm4b:s2+s11], $0x80, s19, s11, $0xb8;
	[tilespmem:$0x6400] =	vst v63  }
0x2a: {  	_ =	swait.ge [sflag:s14], $0x2800  }
0x2b: {  	[sflag:s14] =	ssyncset.done $0x0  }
0x2c: {  	[sflag:s14] =	ssyncadd.s32 $0xFFFFD800  }
0x2d: {  	_ =	swait.ge [sflag:s14], $0x2800  }
0x2e: {  	[sflag:s14] =	ssyncset.done $0x0  }
0x2f: {  	[sflag:s14] =	ssyncadd.s32 $0xFFFFD800  }
0x30: {  	[hbm4b:s17+s3] =	stream.linear.scatter [tilespmem:s12], [sflag:$0x2], $0x2800, $0x38;
	[tilespmem:$0x6400] =	vst v63  }
0x31: {  	_ =	swait.ge [sflag:s9], $0x2800  }
.Ltmp0:
0x32: {  	[sflag:s9] =	ssyncset.done $0x0;
	(pc) =	sbr.rel @p0 .LBB2_2-.Ltmp0, $4  }
0x33: {  	[sflag:s9] =	ssyncadd.s32 $0xFFFFD800  }
0x34: {  	[hbm4b:s16+s3] =	stream.linear.scatter [tilespmem:s13], [sflag:$0x2], $0x2800, $0x38;
	[tilespmem:$0x6400] =	vst v63  }
0x35: {  	s19 =	smov.u32 s21;
	_ =	swait.ge [sflag:s9], $0x2800  }
0x36: {  	s17 =	sadd.s32 $0x500, s17;
	s16 =	sadd.s32 $0x500, s16;
	[sflag:s9] =	ssyncset.done $0x0  }
0x37: {  	s18 =	sshra.s32 s18, $0x2;
	[sflag:s9] =	ssyncadd.s32 $0xFFFFD800  }
0x38: {  	[tilespmem:s12], [sflag:$0x1] =	stream.indirect.gather [hbm4b:s2+s11], $0x80, s18, s11, $0xb8;
	[tilespmem:$0x6400] =	vst v63  }
0x39: {  	s18 =	sadd.s32 $0xA00, s18  }
0x3a: {  	[tilespmem:s13], [sflag:$0x1] =	stream.indirect.gather [hbm4b:s2+s11], $0x80, s18, s11, $0xb8;
	[tilespmem:$0x6400] =	vst v63  }
0x3b: {  	_ =	swait.ge [sflag:s14], $0x2800  }
0x3c: {  	[sflag:s14] =	ssyncset.done $0x0  }
0x3d: {  	[sflag:s14] =	ssyncadd.s32 $0xFFFFD800  }
0x3e: {  	_ =	swait.ge [sflag:s14], $0x2800  }
0x3f: {  	[sflag:s14] =	ssyncset.done $0x0  }
0x40: {  	[sflag:s14] =	ssyncadd.s32 $0xFFFFD800  }
0x41: {  	[hbm4b:s17+s3] =	stream.linear.scatter [tilespmem:s12], [sflag:$0x2], $0x2800, $0x38;
	[tilespmem:$0x6400] =	vst v63  }
0x42: {  	s15 =	sadd.s32 $0x1, s15;
	_ =	swait.ge [sflag:s9], $0x2800  }
0x43: {  	p0 =	sne.s32 s15, s6;
	[sflag:s9] =	ssyncset.done $0x0  }
.Ltmp1:
0x44: {  	[sflag:s9] =	ssyncadd.s32 $0xFFFFD800;
	(pc) =	sbr.rel @p0 .LBB2_1-.Ltmp1, $4  }
0x45: {  	[hbm4b:s16+s3] =	stream.linear.scatter [tilespmem:s13], [sflag:$0x2], $0x2800, $0x38;
	[tilespmem:$0x6400] =	vst v63  }
0x46: {  	_ =	swait.ge [sflag:s9], $0x2800  }
0x47: {  	[sflag:s9] =	ssyncset.done $0x0  }
0x48: {  	[sflag:s9] =	ssyncadd.s32 $0xFFFFD800  }
0x49: {  	_ =	sfence.sel $0x180000  }
0x4a: {  	[bflag:$0x0] =	sbarrier.arrive $0xFFFF  }
0x4b: {  	p0 =	sne.s32 s0, $0x0;
	_ =	strace $0x9000004A  }
0x4c: {  	s0 =	sadd.s32 @!p0 $0x100000, s1;
	[bflag:$0x2] =	sbarrier.arrive $0xFFFF  }
0x4d: {  	[sflag:s0] =	ssyncadd.tile.s32 @!p0 $0x1;
	_ =	shalt  }
.Lfunc_end2:
_tile_overlayer_lowered:
.L_overlay_start_2:
0x4e: {  	(tag) =	ssettag $0x2  }
0x4f: {  	s0 =	rddreg [dreg:$0x0];
	s2 =	stileid.u32  }
0x50: {  	s1 =	rddreg [dreg:$0x1];
	p0 =	sne.s32 s2, $0x0  }
0x51: {  	s3 =	rddreg [dreg:$0x2];
	[bflag:$0x3] =	sbarrier.arrive $0xFFFF;
	s2 =	simm.s32 @!p0 $0x1C02  }
0x52: {  	[timem:s3], [sflag:s2] =	dma.local @!p0 [hbm:s0], s1  }
0x53: {  	s0 =	simm.s32 @!p0 $0x2  }
0x54: {  	_ =	swait.ge @!p0 [sflag:s0], s1  }
0x55: {  	s1 =	ssub.s32 @!p0 $0x0, s1;
	[sflag:s0] =	ssyncset.done @!p0 $0x0  }
0x56: {  	[sflag:s0] =	ssyncadd.s32 @!p0 s1  }
0x57: {  	[bflag:$0x3] =	sbarrier.arrive $0xFFFF  }
0x58: {  	_ =	shalt  }

// kernel: kernel.40.cloned.1.call-start
scs
__scs_entry_jumppad:
0x0: {  	(pc) =	sbr.rel $0x88, $3  }
0x1: {  	(tag) =	ssettag $0x0;
	lr =	simm.s32 $0x1  }
0x2: {  	[smem:$0x3F91] =	sst lr;
	_ =	strace $0xD0000000  }
0x3: {  	_ = 	snop  }
0x4: {  	_ = 	snop  }
0x5: {  	_ = 	snop  }
0x6: {  	_ = 	snop  }
0x7: {  	_ = 	snop  }
__scs_overlays_trampoline_lowered:
0x8: {  	[smem:$0x3FA0] =	sst s0  }
0x9: {  	[smem:$0x3FA1] =	sst s1  }
0xa: {  	[smem:$0x3FA2] =	sst s2  }
0xb: {  	[smem:$0x3FA3] =	sst s3  }
0xc: {  	[smem:$0x3FA4] =	sst s4  }
0xd: {  	[smem:$0x3FA5] =	sst s5  }
0xe: {  	[smem:$0x3FA6] =	sst s6  }
0xf: {  	[smem:$0x3FA7] =	sst s7  }
0x10: {  	[smem:$0x3FA8] =	sst s8  }
0x11: {  	[smem:$0x3FA9] =	sst s9;
	s0 =	simm.s32 @!p0 $0x0  }
0x12: {  	s1 =	sld [smem:$0x3F8F];
	s0 =	simm.s32 @p0 $0x1  }
0x13: {  	[smem:$0x3FAA] =	sst s0;
	s0 =	simm.s32 @!p1 $0x0  }
0x14: {  	s2 =	sld [smem:$0x3F8E];
	s0 =	simm.s32 @p1 $0x1  }
0x15: {  	[smem:$0x3FAB] =	sst s0;
	s0 =	simm.s32 @!p2 $0x0  }
0x16: {  	s3 =	sld [smem:$0x3FDB];
	s0 =	simm.s32 @p2 $0x1  }
0x17: {  	s4 =	simm.s32 $0x1BF5;
	[smem:$0x3FAD] =	sst s0  }
0x18: {  	s0 =	sld [smem:$0x3F90];
	_ =	swait.ge [sflag:s4], $0x0  }
0x19: {  	s7 =	sld [smem:$0x3F91]  }
0x1a: {  	s8 =	sadd.s32 $0xFFFFE003, lr  }
0x1b: {  	s9 =	sadd.s32 $0xFFFFFEF7, lr;
	s5 =	simm.s32 $0xFFFFFFFF;
	p2 =	slt.u32 s8, $0xFFFFF086  }
0x1c: {  	p1 =	slt.u32 s9, $0xF7A;
	s5 =	simm.s32 @!p2 $0x0  }
0x1d: {  	s5 =	simm.s32 @p1 $0x1;
	p0 =	seq.s32 s7, s2  }
0x1e: {  	s7 =	smul.u32 @!p0 $0xF7A, s2;
	p2 =	seq.s32 @!p0 s5, $0x0  }
0x1f: {  	s9 =	smul.u32 $0xF7A, s1;
	s8 =	simm.s32 @!p0 $0x1BF5;
	p2 =	por !p2, p0  }
0x20: {  	[sflag:s8] =	ssyncset.s32 @!p0 $0xFFFFF086;
	s6 =	sadd.s32 @!p0 s3, s7;
	s7 =	simm.s32 @!p0 $0x108  }
0x21: {  	s3 =	sadd.s32 s3, s9;
	s6 =	sadd.s32 @!p0 $0x88, s6;
	s7 =	simm.s32 @p2 $0x1082  }
0x22: {  	[simem:s7], [sflag:s8] =	dma.local @!p0 [hbm:s6], $0xF7A  }
0x23: {  	s9 =	sor.u32 $0xD0000000, s2;
	s6 =	simm.s32 $0x108;
	_ =	swait.ge @!p0 [sflag:s8], $0x0  }
0x24: {  	s3 =	sadd.s32 $0x88, s3;
	s6 =	simm.s32 @!p1 $0x1082;
	[sflag:s4] =	ssyncset.s32 $0xFFFFF086  }
0x25: {  	[simem:s6], [sflag:s4] =	dma.local [hbm:s3], $0xF7A  }
0x26: {  	[smem:$0x3F91] =	sst s1;
	(tag) =	ssettag s2;
	_ =	strace s9  }
0x27: {  	s1 =	sld [smem:$0x3FA1]  }
0x28: {  	s2 =	sld [smem:$0x3FA2]  }
0x29: {  	s4 =	sld [smem:$0x3FA4]  }
0x2a: {  	p0 =	seq.s32 s5, $0x0;
	s5 =	sld [smem:$0x3FA5]  }
0x2b: {  	s6 =	sld [smem:$0x3FA6]  }
0x2c: {  	s7 =	sld [smem:$0x3FA7]  }
0x2d: {  	s3 =	simm.s32 $0x108;
	s8 =	sld [smem:$0x3FA8]  }
0x2e: {  	s3 =	simm.s32 @!p0 $0x1082;
	s9 =	sld [smem:$0x3FA9]  }
0x2f: {  	lr =	sadd.s32 s0, s3;
	s0 =	sld [smem:$0x3FA0]  }
0x30: {  	s3 =	sld [smem:$0x3FA3]  }
0x31: {  	[smem:$0x3FAC] =	sst s10  }
0x32: {  	s10 =	sld [smem:$0x3FAA];
	_ =	sdelay $0x3  }
0x33: {  	p0 =	seq.s32 s10, $0x1;
	s10 =	sld [smem:$0x3FAC];
	_ =	sdelay $0x3  }
0x34: {  	[smem:$0x3FAC] =	sst s10  }
0x35: {  	s10 =	sld [smem:$0x3FAB];
	_ =	sdelay $0x3  }
0x36: {  	p1 =	seq.s32 s10, $0x1;
	s10 =	sld [smem:$0x3FAC];
	_ =	sdelay $0x3  }
0x37: {  	[smem:$0x3FAC] =	sst s10  }
0x38: {  	s10 =	sld [smem:$0x3FAD]  }
0x39: {  	_ = 	snop;
	(pc) =	sbr.ind lr, $3  }
0x3a: {  	_ = 	snop  }
0x3b: {  	_ = 	snop  }
0x3c: {  	p2 =	seq.s32 s10, $0x1;
	s10 =	sld [smem:$0x3FAC]  }
0x3d: {  	_ =	shalt  }
0x3e: {  	_ =	shalt  }
0x3f: {  	_ =	shalt  }
0x40: {  	_ =	shalt  }
0x41: {  	_ =	shalt  }
0x42: {  	_ =	shalt  }
0x43: {  	_ =	shalt  }
0x44: {  	_ =	shalt  }
0x45: {  	_ =	shalt  }
0x46: {  	_ =	shalt  }
0x47: {  	_ =	shalt  }
0x48: {  	_ =	shalt  }
0x49: {  	_ =	shalt  }
0x4a: {  	_ =	shalt  }
0x4b: {  	_ =	shalt  }
0x4c: {  	_ =	shalt  }
0x4d: {  	_ =	shalt  }
0x4e: {  	_ =	shalt  }
0x4f: {  	_ =	shalt  }
0x50: {  	_ =	shalt  }
0x51: {  	_ =	shalt  }
0x52: {  	_ =	shalt  }
0x53: {  	_ =	shalt  }
0x54: {  	_ =	shalt  }
0x55: {  	_ =	shalt  }
0x56: {  	_ =	shalt  }
0x57: {  	_ =	shalt  }
0x58: {  	_ =	shalt  }
0x59: {  	_ =	shalt  }
0x5a: {  	_ =	shalt  }
0x5b: {  	_ =	shalt  }
0x5c: {  	_ =	shalt  }
0x5d: {  	_ =	shalt  }
0x5e: {  	_ =	shalt  }
0x5f: {  	_ =	shalt  }
0x60: {  	_ =	shalt  }
0x61: {  	_ =	shalt  }
0x62: {  	_ =	shalt  }
0x63: {  	_ =	shalt  }
0x64: {  	_ =	shalt  }
0x65: {  	_ =	shalt  }
0x66: {  	_ =	shalt  }
0x67: {  	_ =	shalt  }
0x68: {  	_ =	shalt  }
0x69: {  	_ =	shalt  }
0x6a: {  	_ =	shalt  }
0x6b: {  	_ =	shalt  }
0x6c: {  	_ =	shalt  }
0x6d: {  	_ =	shalt  }
0x6e: {  	_ =	shalt  }
0x6f: {  	_ =	shalt  }
0x70: {  	_ =	shalt  }
0x71: {  	_ =	shalt  }
0x72: {  	_ =	shalt  }
0x73: {  	_ =	shalt  }
0x74: {  	_ =	shalt  }
0x75: {  	_ =	shalt  }
0x76: {  	_ =	shalt  }
0x77: {  	_ =	shalt  }
0x78: {  	_ =	shalt  }
0x79: {  	_ =	shalt  }
0x7a: {  	_ =	shalt  }
0x7b: {  	_ =	shalt  }
0x7c: {  	_ =	shalt  }
0x7d: {  	_ =	shalt  }
0x7e: {  	_ =	shalt  }
0x7f: {  	_ =	shalt  }
0x80: {  	_ =	shalt  }
0x81: {  	_ =	shalt  }
0x82: {  	_ =	shalt  }
0x83: {  	_ =	shalt  }
0x84: {  	_ =	shalt  }
0x85: {  	_ =	shalt  }
0x86: {  	_ =	shalt  }
0x87: {  	_ =	shalt  }
.Lfunc_end0:
.L_simem_size_0:
called_computation.7_lowered:
.L_overlay_start_0:
0x88: {  	s2 =	sld [smem:$0x3FD9]  }
0x89: {  	s3 =	sld [smem:$0x3FFE];
	_ =	sdelay $0x1  }
0x8a: {  	s1 =	srdreg.scid  }
0x8b: {  	s0 =	sand.u32 $0x1, s1  }
0x8c: {  	s16 =	sshll.u32 s0, $0xA;
	s2 =	sadd.s32 s3, s2  }
0x8d: {  	s2 =	sadd.s32 s2, s16  }
0x8e: {  	[smem:$0x3FB8] =	sst s2  }
0x8f: {  	_ = 	snop  }
0x90: {  	s2 =	sld [smem:$0x3FD0];
	_ =	sdelay $0x2  }
0x91: {  	s17 =	simm.s32 $0x11;
	s4 =	simm.s32 $0x10  }
0x92: {  	[smem:s4], [sflag:s17] =	dma.local [hbm:s2], $0x1  }
0x93: {  	_ =	swait.eq [sflag:s17], $0x1  }
0x94: {  	[sflag:s17] =	ssyncset.done $0x0  }
0x95: {  	[sflag:s17] =	ssyncadd.s32 $0xFFFFFFFF  }
0x96: {  	s3 =	sld [smem:$0x10];
	(tm) =	ssettm $0x1  }
0x97: {  	s18 =	sld [smem:$0x3FFB];
	_ =	sdelay $0x3  }
0x98: {  	_ =	strace s18  }
0x99: {  	s2 =	sld [smem:$0x3FFC];
	_ =	sdelay $0x3  }
0x9a: {  	_ =	strace s2  }
0x9b: {  	s2 =	sld [smem:$0x3FFD];
	_ =	sdelay $0x3  }
0x9c: {  	_ =	strace s2  }
0x9d: {  	_ =	strace $0x8FFFFFFF  }
0x9e: {  	s19 =	sld [smem:$0x3FDB];
	_ =	sdelay $0x1  }
0x9f: {  	s20 =	simm.s32 $_scs_section_size  }
0xa0: {  	s5 =	simm.s32 $_size__tile_overlayer_lowered;
	s6 =	simm.s32 $_tile_overlayer_lowered  }
0xa1: {  	s7 =	simm.s32 $0x1BFF;
	s21 =	sshll.u32 s6, $0x1;
	s4 =	sadd.s32 s20, s19  }
0xa2: {  	s22 =	simm.s32 $0x0;
	s5 =	sshll.u32 s5, $0x1;
	s6 =	sadd.s32 s21, s4  }
0xa3: {  	[timem:s22], [sflag:s7] =	dma.local [hbm:s6], s5  }
0xa4: {  	_ =	swait.ge [sflag:s7], s5  }
0xa5: {  	s5 =	ssub.s32 $0x0, s5;
	[sflag:s7] =	ssyncset.done $0x0  }
0xa6: {  	[sflag:s7] =	ssyncadd.s32 s5;
	_ =	sdelay $0x1  }
0xa7: {  	s23 =	simm.s32 $0x1B8B  }
0xa8: {  	_ =	swait.ge [sflag:s23], $0x1  }
0xa9: {  	[sflag:s23] =	ssyncset.done $0x0  }
0xaa: {  	[sflag:s23] =	ssyncadd.s32 $0xFFFFFFFF  }
0xab: {  	s5 =	sld [smem:$0x0]  }
0xac: {  	s6 =	sand.u32 $0xFFFFFFFE, s1  }
0xad: {  	p0 =	sne.s32 s1, s6  }
0xae: {  	s6 =	sshll.u32 @p0 s6, $0xE  }
0xaf: {  	s6 =	sadd.s32 @p0 $0x11B8D, s6;
	s7 =	sshll.u32 @p0 s5, $0x11  }
0xb0: {  	s6 =	sor.u32 @p0 s7, s6  }
0xb1: {  	[sflag:s6] =	ssyncadd.remote.s32 @p0 $0x1;
	_ =	sdelay $0x1  }
0xb2: {  	s6 =	simm.s32 @p0 $0x1B8D  }
0xb3: {  	_ =	swait.eq @p0 [sflag:s6], $0x1  }
0xb4: {  	[sflag:s6] =	ssyncadd.s32 @p0 $0xFFFFFFFF  }
0xb5: {  	s7 =	sshll.u32 @!p0 s1, $0xE  }
0xb6: {  	s7 =	sor.u32 @!p0 $0x4000, s7;
	s6 =	simm.s32 @!p0 $0x1B8D  }
0xb7: {  	s5 =	sshll.u32 @!p0 s5, $0x11;
	s7 =	sadd.s32 @!p0 $0x11B8D, s7;
	_ =	swait.eq @!p0 [sflag:s6], $0x1  }
0xb8: {  	s5 =	sor.u32 @!p0 s5, s7;
	[sflag:s6] =	ssyncadd.s32 @!p0 $0xFFFFFFFF  }
0xb9: {  	s25 =	simm.s32 $0x1B8E;
	s24 =	sld [smem:$0x3FFE];
	[sflag:s5] =	ssyncadd.remote.s32 @!p0 $0x1  }
0xba: {  	s26 =	simm.s32 $execute0_lowered;
	[smem:$0x3FD2] =	sst s25  }
0xbb: {  	s6 =	sshll.u32 s26, $0x1;
	_ =	strace $0x80000061;
	[dreg:$0x1] =	wrdreg $0xFFFFFFFF  }
0xbc: {  	s28 =	simm.s32 $_size_execute0_lowered;
	s4 =	sadd.s32 s4, s6;
	[dreg:$0x0] =	wrdreg $0x0  }
0xbd: {  	s6 =	sshll.u32 s28, $0x1;
	[dreg:$0x2] =	wrdreg s4  }
0xbe: {  	[dreg:$0x3] =	wrdreg s6  }
0xbf: {  	[dreg:$0x4] =	wrdreg $0xC0  }
0xc0: {  	_ =	task [dreg:s22], $0x5FFFF  }
0xc1: {  	[dreg:$0x1] =	wrdreg $0xFFFFFFFF  }
0xc2: {  	[dreg:$0x0] =	wrdreg $0x60  }
0xc3: {  	[dreg:$0x2] =	wrdreg s24  }
0xc4: {  	[dreg:$0x3] =	wrdreg s3  }
0xc5: {  	[dreg:$0x4] =	wrdreg $0x28800  }
0xc6: {  	[dreg:$0x5] =	wrdreg $0xF  }
0xc7: {  	_ =	task.clear_ibuf [dreg:s22], $0x6FFFF;
	_ =	strace $0x90000061  }
0xc8: {  	s29 =	simm.s32 $0xF;
	_ =	strace $0x80000063  }
0xc9: {  	_ =	swait.ge [sflag:s29], $0x1  }
0xca: {  	[sflag:s29] =	ssyncadd.s32 $0xFFFFFFFF  }
0xcb: {  	_ =	strace $0x90000063  }
0xcc: {  	_ =	sfence  }
0xcd: {  	s30 =	sld [smem:$0x0];
	_ =	sdelay $0x2  }
0xce: {  	s31 =	sshll.u32 s1, $0xD;
	s1 =	sshrl.u32 s1, $0x2  }
0xcf: {  	s4 =	sand.u32 $0x4000, s31;
	s1 =	sadd.s32 s1, s30  }
0xd0: {  	s0 =	sor.u32 s4, s0;
	s1 =	sshll.u32 s1, $0x11  }
0xd1: {  	s0 =	sor.u32 s1, s0  }
0xd2: {  	s0 =	sadd.s32 $0x8F2B, s0  }
0xd3: {  	[sflag:s0] =	ssyncadd.remote.s32 $0x1  }
0xd4: {  	_ =	sfence.sel $0xFFFF  }
0xd5: {  	[dreg:$0x0] =	wrdreg $0xFFFFFFFF;
	(pc) =	sbr.abs _section_cstart, $3  }
0xd6: {  	[dreg:$0x1] =	wrdreg $0xFFFFFFFF  }
0xd7: {  	_ =	task.clear_ibuf [dreg:s22], $0x2FFFF;
	_ =	strace $0x9FFFFFFF  }
0xd8: {  	(tm) =	ssettm $0x7FFFFFFF  }
0xd9: {  	_ =	shalt  }
tec
execute0_lowered:
.L_overlay_start_1:
0x0: {  	(tag) =	ssettag $0x1  }
0x1: {  	s4 =	rddreg [dreg:$0x0];
	s0 =	srdreg.scid  }
0x2: {  	s7 =	stileid.u32;
	s1 =	rddreg [dreg:$0x1]  }
0x3: {  	s2 =	rddreg [dreg:$0x2];
	s3 =	simm.s32 $0x0;
	s6 =	smul.u32 $0x1360, s7  }
0x4: {  	s11 =	simm.s32 $0x50;
	s5 =	sand.u32 $0x1, s0;
	s29 =	smul.u32 $0x13600, s7  }
0x5: {  	s12 =	simm.s32 $0x0;
	s0 =	rddreg [dreg:$0x3];
	s8 =	smul.u32 $0x9B0, s5  }
0x6: {  	[smem:$0x7FF] =	sst s3;
	p0 =	sne.s32 s7, $0x0;
	s9 =	smul.u32 $0x27100, s5  }
0x7: {  	s30 =	ssub.s32 $0x2, s5;
	s5 =	smul.u32 $0x9B00, s5;
	s6 =	sadd.s32 s8, s6  }
0x8: {  	_ =	strace $0x80000062;
	s8 =	sadd.s32 s29, s4;
	s6 =	sshrl.u32 s6, $0x3  }
0x9: {  	s31 =	sshrl.u32 s30, $0x1;
	s8 =	sadd.s32 s5, s8;
	s10 =	sadd.s32 s6, s4  }
0xa: {  	s4 =	sadd.s32 s9, s4;
	s6 =	ssub.s32 s30, s31;
	s9 =	simm.s32 $0x1  }
0xb: {  	s4 =	sadd.s32 $0x1C9C00, s4;
	s5 =	smax.u32 s6, $0x1;
	s6 =	sadd.s32 $0x1E000, s8  }
0xc: {  	s7 =	sadd.s32 $0x28F200, s10;
	s8 =	sshrl.u32 @!p0 s2, $0x3;
	s10 =	simm.s32 $0x80  }
.LBB2_1:
0xd: {  	s13 =	simm.s32 @!p0 $0x1C01  }
0xe: {  	[spmem:s8], [sflag:s13] =	dma.local @!p0 [hbm:s1], $0x27100  }
0xf: {  	s13 =	simm.s32 @!p0 $0x1  }
0x10: {  	_ =	swait.ge @!p0 [sflag:s13], $0x27100  }
0x11: {  	[sflag:s13] =	ssyncset.done @!p0 $0x0  }
0x12: {  	[sflag:s13] =	ssyncadd.s32 @!p0 $0xFFFD8F00  }
0x13: {  	s31 =	sadd.s32 $0x0, s7;
	[bflag:$0x0] =	sbarrier.arrive $0xFFFF  }
0x14: {  	[tilespmem:s3], [sflag:$0x1] =	stream.linear.gather [hbm4b:s31+s3], $0x50, $0x38;
	[tilespmem:$0x16100] =	vst v63  }
0x15: {  	_ =	swait.ge [sflag:s9], $0x50  }
0x16: {  	[sflag:s9] =	ssyncset.done $0x0  }
0x17: {  	[sflag:s9] =	ssyncadd.s32 $0xFFFFFFB0  }
0x18: {  	[tilespmem:s10], [sflag:$0x1] =	stream.linear.gather [hbm4b:s6+s3], $0x2800, $0x38;
	[tilespmem:$0x16100] =	vst v63  }
0x19: {  	_ =	swait.ge [sflag:s9], $0x2800  }
0x1a: {  	[sflag:s9] =	ssyncset.done $0x0  }
0x1b: {  	[sflag:s9] =	ssyncadd.s32 $0xFFFFD800  }
0x1c: {  	[spmem:s2] =	stream.indirect.scatter.add.f32 [tilespmem:s10], [sflag:$0x1], $0x80, s3, s11, $0xb8;
	[tilespmem:$0x16100] =	vst v63  }
0x1d: {  	s14 =	simm.s32 $0xA;
	_ =	swait.ge [sflag:s9], $0x2800  }
0x1e: {  	s15 =	simm.s32 $0x14;
	s13 =	sadd.s32 $0x500, s6;
	[sflag:s9] =	ssyncset.done $0x0  }
.LBB2_2:
0x1f: {  	s16 =	sadd.s32 s14, s7  }
0x20: {  	[sflag:s9] =	ssyncadd.s32 $0xFFFFD800;
	s14 =	smov.u32 s15;
	s17 =	sadd.s32 $0xA, s15  }
0x21: {  	[tilespmem:s3], [sflag:$0x1] =	stream.linear.gather [hbm4b:s16+s3], $0x50, $0x38;
	[tilespmem:$0x16100] =	vst v63  }
0x22: {  	p1 =	sne.s32 s15, $0x12C;
	_ =	swait.ge [sflag:s9], $0x50  }
0x23: {  	[sflag:s9] =	ssyncset.done $0x0  }
0x24: {  	[sflag:s9] =	ssyncadd.s32 $0xFFFFFFB0  }
0x25: {  	[tilespmem:s10], [sflag:$0x1] =	stream.linear.gather [hbm4b:s13+s3], $0x2800, $0x38;
	[tilespmem:$0x16100] =	vst v63  }
0x26: {  	_ =	swait.ge [sflag:s9], $0x2800  }
.Ltmp0:
0x27: {  	[sflag:s9] =	ssyncset.done $0x0;
	(pc) =	sbr.rel @p1 .LBB2_2-.Ltmp0, $4  }
0x28: {  	[sflag:s9] =	ssyncadd.s32 $0xFFFFD800  }
0x29: {  	[spmem:s2] =	stream.indirect.scatter.add.f32 [tilespmem:s10], [sflag:$0x1], $0x80, s3, s11, $0xb8;
	[tilespmem:$0x16100] =	vst v63  }
0x2a: {  	_ =	swait.ge [sflag:s9], $0x2800  }
0x2b: {  	s15 =	smov.u32 s17;
	s13 =	sadd.s32 $0x500, s13;
	[sflag:s9] =	ssyncset.done $0x0  }
0x2c: {  	s14 =	sadd.s32 s14, s7;
	[sflag:s9] =	ssyncadd.s32 $0xFFFFD800  }
0x2d: {  	[tilespmem:s3], [sflag:$0x1] =	stream.linear.gather [hbm4b:s14+s3], $0x50, $0x38;
	[tilespmem:$0x16100] =	vst v63  }
0x2e: {  	_ =	swait.ge [sflag:s9], $0x50  }
0x2f: {  	[sflag:s9] =	ssyncset.done $0x0  }
0x30: {  	[sflag:s9] =	ssyncadd.s32 $0xFFFFFFB0  }
0x31: {  	[tilespmem:s10], [sflag:$0x1] =	stream.linear.gather [hbm4b:s13+s3], $0x2800, $0x38;
	[tilespmem:$0x16100] =	vst v63  }
0x32: {  	_ =	swait.ge [sflag:s9], $0x2800  }
0x33: {  	[sflag:s9] =	ssyncset.done $0x0  }
0x34: {  	[sflag:s9] =	ssyncadd.s32 $0xFFFFD800  }
0x35: {  	[spmem:s2] =	stream.indirect.scatter.add.f32 [tilespmem:s10], [sflag:$0x1], $0x80, s3, s11, $0xb8;
	[tilespmem:$0x16100] =	vst v63  }
0x36: {  	_ =	swait.ge [sflag:s9], $0x2800  }
0x37: {  	[sflag:s9] =	ssyncset.done $0x0  }
0x38: {  	s12 =	sadd.s32 $0x1, s12;
	[sflag:s9] =	ssyncadd.s32 $0xFFFFD800  }
0x39: {  	p1 =	sne.s32 s12, s5;
	s13 =	simm.s32 @!p0 $0x1C01;
	[bflag:$0x0] =	sbarrier.arrive $0xFFFF  }
0x3a: {  	[hbm:s4], [sflag:s13] =	dma.local @!p0 [spmem:s8], $0x27100  }
.Ltmp1:
0x3b: {  	_ = 	snop;
	(pc) =	sbr.rel @p1 .LBB2_1-.Ltmp1, $4  }
0x3c: {  	s13 =	simm.s32 @!p0 $0x1  }
0x3d: {  	_ =	swait.ge @!p0 [sflag:s13], $0x27100  }
0x3e: {  	[sflag:s13] =	ssyncset.done @!p0 $0x0  }
0x3f: {  	[sflag:s13] =	ssyncadd.s32 @!p0 $0xFFFD8F00  }
0x40: {  	_ =	sfence.sel $0x180000  }
0x41: {  	[bflag:$0x0] =	sbarrier.arrive $0xFFFF  }
0x42: {  	_ =	strace $0x90000062  }
0x43: {  	s0 =	sadd.s32 @!p0 $0x100000, s0;
	[bflag:$0x2] =	sbarrier.arrive $0xFFFF  }
0x44: {  	[sflag:s0] =	ssyncadd.tile.s32 @!p0 $0x1;
	_ =	shalt  }
.Lfunc_end2:
_tile_overlayer_lowered:
.L_overlay_start_2:
0x45: {  	(tag) =	ssettag $0x2  }
0x46: {  	s0 =	rddreg [dreg:$0x0];
	s2 =	stileid.u32  }
0x47: {  	s1 =	rddreg [dreg:$0x1];
	p0 =	sne.s32 s2, $0x0  }
0x48: {  	s3 =	rddreg [dreg:$0x2];
	[bflag:$0x3] =	sbarrier.arrive $0xFFFF;
	s2 =	simm.s32 @!p0 $0x1C01  }
0x49: {  	[timem:s3], [sflag:s2] =	dma.local @!p0 [hbm:s0], s1  }
0x4a: {  	s0 =	simm.s32 @!p0 $0x1  }
0x4b: {  	_ =	swait.ge @!p0 [sflag:s0], s1  }
0x4c: {  	s1 =	ssub.s32 @!p0 $0x0, s1;
	[sflag:s0] =	ssyncset.done @!p0 $0x0  }
0x4d: {  	[sflag:s0] =	ssyncadd.s32 @!p0 s1  }
0x4e: {  	[bflag:$0x3] =	sbarrier.arrive $0xFFFF  }
0x4f: {  	_ =	shalt  }

// kernel: kernel.43.cloned.1.call-start
scs
__scs_entry_jumppad:
0x0: {  	(pc) =	sbr.rel $0x88, $3  }
0x1: {  	(tag) =	ssettag $0x0;
	lr =	simm.s32 $0x1  }
0x2: {  	[smem:$0x3F91] =	sst lr;
	_ =	strace $0xD0000000  }
0x3: {  	_ = 	snop  }
0x4: {  	_ = 	snop  }
0x5: {  	_ = 	snop  }
0x6: {  	_ = 	snop  }
0x7: {  	_ = 	snop  }
__scs_overlays_trampoline_lowered:
0x8: {  	[smem:$0x3FA0] =	sst s0  }
0x9: {  	[smem:$0x3FA1] =	sst s1  }
0xa: {  	[smem:$0x3FA2] =	sst s2  }
0xb: {  	[smem:$0x3FA3] =	sst s3  }
0xc: {  	[smem:$0x3FA4] =	sst s4  }
0xd: {  	[smem:$0x3FA5] =	sst s5  }
0xe: {  	[smem:$0x3FA6] =	sst s6  }
0xf: {  	[smem:$0x3FA7] =	sst s7  }
0x10: {  	[smem:$0x3FA8] =	sst s8  }
0x11: {  	[smem:$0x3FA9] =	sst s9;
	s0 =	simm.s32 @!p0 $0x0  }
0x12: {  	s1 =	sld [smem:$0x3F8F];
	s0 =	simm.s32 @p0 $0x1  }
0x13: {  	[smem:$0x3FAA] =	sst s0;
	s0 =	simm.s32 @!p1 $0x0  }
0x14: {  	s2 =	sld [smem:$0x3F8E];
	s0 =	simm.s32 @p1 $0x1  }
0x15: {  	[smem:$0x3FAB] =	sst s0;
	s0 =	simm.s32 @!p2 $0x0  }
0x16: {  	s3 =	sld [smem:$0x3FDB];
	s0 =	simm.s32 @p2 $0x1  }
0x17: {  	s4 =	simm.s32 $0x1BF5;
	[smem:$0x3FAD] =	sst s0  }
0x18: {  	s0 =	sld [smem:$0x3F90];
	_ =	swait.ge [sflag:s4], $0x0  }
0x19: {  	s7 =	sld [smem:$0x3F91]  }
0x1a: {  	s8 =	sadd.s32 $0xFFFFE003, lr  }
0x1b: {  	s9 =	sadd.s32 $0xFFFFFEF7, lr;
	s5 =	simm.s32 $0xFFFFFFFF;
	p2 =	slt.u32 s8, $0xFFFFF086  }
0x1c: {  	p1 =	slt.u32 s9, $0xF7A;
	s5 =	simm.s32 @!p2 $0x0  }
0x1d: {  	s5 =	simm.s32 @p1 $0x1;
	p0 =	seq.s32 s7, s2  }
0x1e: {  	s7 =	smul.u32 @!p0 $0xF7A, s2;
	p2 =	seq.s32 @!p0 s5, $0x0  }
0x1f: {  	s9 =	smul.u32 $0xF7A, s1;
	s8 =	simm.s32 @!p0 $0x1BF5;
	p2 =	por !p2, p0  }
0x20: {  	[sflag:s8] =	ssyncset.s32 @!p0 $0xFFFFF086;
	s6 =	sadd.s32 @!p0 s3, s7;
	s7 =	simm.s32 @!p0 $0x108  }
0x21: {  	s3 =	sadd.s32 s3, s9;
	s6 =	sadd.s32 @!p0 $0x88, s6;
	s7 =	simm.s32 @p2 $0x1082  }
0x22: {  	[simem:s7], [sflag:s8] =	dma.local @!p0 [hbm:s6], $0xF7A  }
0x23: {  	s9 =	sor.u32 $0xD0000000, s2;
	s6 =	simm.s32 $0x108;
	_ =	swait.ge @!p0 [sflag:s8], $0x0  }
0x24: {  	s3 =	sadd.s32 $0x88, s3;
	s6 =	simm.s32 @!p1 $0x1082;
	[sflag:s4] =	ssyncset.s32 $0xFFFFF086  }
0x25: {  	[simem:s6], [sflag:s4] =	dma.local [hbm:s3], $0xF7A  }
0x26: {  	[smem:$0x3F91] =	sst s1;
	(tag) =	ssettag s2;
	_ =	strace s9  }
0x27: {  	s1 =	sld [smem:$0x3FA1]  }
0x28: {  	s2 =	sld [smem:$0x3FA2]  }
0x29: {  	s4 =	sld [smem:$0x3FA4]  }
0x2a: {  	p0 =	seq.s32 s5, $0x0;
	s5 =	sld [smem:$0x3FA5]  }
0x2b: {  	s6 =	sld [smem:$0x3FA6]  }
0x2c: {  	s7 =	sld [smem:$0x3FA7]  }
0x2d: {  	s3 =	simm.s32 $0x108;
	s8 =	sld [smem:$0x3FA8]  }
0x2e: {  	s3 =	simm.s32 @!p0 $0x1082;
	s9 =	sld [smem:$0x3FA9]  }
0x2f: {  	lr =	sadd.s32 s0, s3;
	s0 =	sld [smem:$0x3FA0]  }
0x30: {  	s3 =	sld [smem:$0x3FA3]  }
0x31: {  	[smem:$0x3FAC] =	sst s10  }
0x32: {  	s10 =	sld [smem:$0x3FAA];
	_ =	sdelay $0x3  }
0x33: {  	p0 =	seq.s32 s10, $0x1;
	s10 =	sld [smem:$0x3FAC];
	_ =	sdelay $0x3  }
0x34: {  	[smem:$0x3FAC] =	sst s10  }
0x35: {  	s10 =	sld [smem:$0x3FAB];
	_ =	sdelay $0x3  }
0x36: {  	p1 =	seq.s32 s10, $0x1;
	s10 =	sld [smem:$0x3FAC];
	_ =	sdelay $0x3  }
0x37: {  	[smem:$0x3FAC] =	sst s10  }
0x38: {  	s10 =	sld [smem:$0x3FAD]  }
0x39: {  	_ = 	snop;
	(pc) =	sbr.ind lr, $3  }
0x3a: {  	_ = 	snop  }
0x3b: {  	_ = 	snop  }
0x3c: {  	p2 =	seq.s32 s10, $0x1;
	s10 =	sld [smem:$0x3FAC]  }
0x3d: {  	_ =	shalt  }
0x3e: {  	_ =	shalt  }
0x3f: {  	_ =	shalt  }
0x40: {  	_ =	shalt  }
0x41: {  	_ =	shalt  }
0x42: {  	_ =	shalt  }
0x43: {  	_ =	shalt  }
0x44: {  	_ =	shalt  }
0x45: {  	_ =	shalt  }
0x46: {  	_ =	shalt  }
0x47: {  	_ =	shalt  }
0x48: {  	_ =	shalt  }
0x49: {  	_ =	shalt  }
0x4a: {  	_ =	shalt  }
0x4b: {  	_ =	shalt  }
0x4c: {  	_ =	shalt  }
0x4d: {  	_ =	shalt  }
0x4e: {  	_ =	shalt  }
0x4f: {  	_ =	shalt  }
0x50: {  	_ =	shalt  }
0x51: {  	_ =	shalt  }
0x52: {  	_ =	shalt  }
0x53: {  	_ =	shalt  }
0x54: {  	_ =	shalt  }
0x55: {  	_ =	shalt  }
0x56: {  	_ =	shalt  }
0x57: {  	_ =	shalt  }
0x58: {  	_ =	shalt  }
0x59: {  	_ =	shalt  }
0x5a: {  	_ =	shalt  }
0x5b: {  	_ =	shalt  }
0x5c: {  	_ =	shalt  }
0x5d: {  	_ =	shalt  }
0x5e: {  	_ =	shalt  }
0x5f: {  	_ =	shalt  }
0x60: {  	_ =	shalt  }
0x61: {  	_ =	shalt  }
0x62: {  	_ =	shalt  }
0x63: {  	_ =	shalt  }
0x64: {  	_ =	shalt  }
0x65: {  	_ =	shalt  }
0x66: {  	_ =	shalt  }
0x67: {  	_ =	shalt  }
0x68: {  	_ =	shalt  }
0x69: {  	_ =	shalt  }
0x6a: {  	_ =	shalt  }
0x6b: {  	_ =	shalt  }
0x6c: {  	_ =	shalt  }
0x6d: {  	_ =	shalt  }
0x6e: {  	_ =	shalt  }
0x6f: {  	_ =	shalt  }
0x70: {  	_ =	shalt  }
0x71: {  	_ =	shalt  }
0x72: {  	_ =	shalt  }
0x73: {  	_ =	shalt  }
0x74: {  	_ =	shalt  }
0x75: {  	_ =	shalt  }
0x76: {  	_ =	shalt  }
0x77: {  	_ =	shalt  }
0x78: {  	_ =	shalt  }
0x79: {  	_ =	shalt  }
0x7a: {  	_ =	shalt  }
0x7b: {  	_ =	shalt  }
0x7c: {  	_ =	shalt  }
0x7d: {  	_ =	shalt  }
0x7e: {  	_ =	shalt  }
0x7f: {  	_ =	shalt  }
0x80: {  	_ =	shalt  }
0x81: {  	_ =	shalt  }
0x82: {  	_ =	shalt  }
0x83: {  	_ =	shalt  }
0x84: {  	_ =	shalt  }
0x85: {  	_ =	shalt  }
0x86: {  	_ =	shalt  }
0x87: {  	_ =	shalt  }
.Lfunc_end0:
.L_simem_size_0:
called_computation.8_lowered:
.L_overlay_start_0:
0x88: {  	s2 =	sld [smem:$0x3FD9]  }
0x89: {  	s3 =	sld [smem:$0x3FFE];
	_ =	sdelay $0x1  }
0x8a: {  	s1 =	srdreg.scid  }
0x8b: {  	s0 =	sand.u32 $0x1, s1  }
0x8c: {  	s16 =	sshll.u32 s0, $0xA;
	s2 =	sadd.s32 s3, s2  }
0x8d: {  	s2 =	sadd.s32 s2, s16  }
0x8e: {  	[smem:$0x3FB8] =	sst s2  }
0x8f: {  	_ = 	snop  }
0x90: {  	s2 =	sld [smem:$0x3FD0];
	_ =	sdelay $0x2  }
0x91: {  	s17 =	simm.s32 $0x11;
	s4 =	simm.s32 $0x10  }
0x92: {  	[smem:s4], [sflag:s17] =	dma.local [hbm:s2], $0x1  }
0x93: {  	_ =	swait.eq [sflag:s17], $0x1  }
0x94: {  	[sflag:s17] =	ssyncset.done $0x0  }
0x95: {  	[sflag:s17] =	ssyncadd.s32 $0xFFFFFFFF  }
0x96: {  	s3 =	sld [smem:$0x11];
	(tm) =	ssettm $0x1  }
0x97: {  	s18 =	sld [smem:$0x3FFB];
	_ =	sdelay $0x3  }
0x98: {  	_ =	strace s18  }
0x99: {  	s2 =	sld [smem:$0x3FFC];
	_ =	sdelay $0x3  }
0x9a: {  	_ =	strace s2  }
0x9b: {  	s2 =	sld [smem:$0x3FFD];
	_ =	sdelay $0x3  }
0x9c: {  	_ =	strace s2  }
0x9d: {  	_ =	strace $0x8FFFFFFF  }
0x9e: {  	s19 =	sld [smem:$0x3FDB];
	_ =	sdelay $0x1  }
0x9f: {  	s20 =	simm.s32 $_scs_section_size  }
0xa0: {  	s5 =	simm.s32 $_size__tile_overlayer_lowered;
	s6 =	simm.s32 $_tile_overlayer_lowered  }
0xa1: {  	s7 =	simm.s32 $0x1BFF;
	s21 =	sshll.u32 s6, $0x1;
	s4 =	sadd.s32 s20, s19  }
0xa2: {  	s22 =	simm.s32 $0x0;
	s5 =	sshll.u32 s5, $0x1;
	s6 =	sadd.s32 s21, s4  }
0xa3: {  	[timem:s22], [sflag:s7] =	dma.local [hbm:s6], s5  }
0xa4: {  	_ =	swait.ge [sflag:s7], s5  }
0xa5: {  	s5 =	ssub.s32 $0x0, s5;
	[sflag:s7] =	ssyncset.done $0x0  }
0xa6: {  	[sflag:s7] =	ssyncadd.s32 s5;
	_ =	sdelay $0x1  }
0xa7: {  	s23 =	simm.s32 $0x1B8B  }
0xa8: {  	_ =	swait.ge [sflag:s23], $0x1  }
0xa9: {  	[sflag:s23] =	ssyncset.done $0x0  }
0xaa: {  	[sflag:s23] =	ssyncadd.s32 $0xFFFFFFFF  }
0xab: {  	s5 =	sld [smem:$0x0]  }
0xac: {  	s6 =	sand.u32 $0xFFFFFFFE, s1  }
0xad: {  	p0 =	sne.s32 s1, s6  }
0xae: {  	s6 =	sshll.u32 @p0 s6, $0xE  }
0xaf: {  	s6 =	sadd.s32 @p0 $0x11B8D, s6;
	s7 =	sshll.u32 @p0 s5, $0x11  }
0xb0: {  	s6 =	sor.u32 @p0 s7, s6  }
0xb1: {  	[sflag:s6] =	ssyncadd.remote.s32 @p0 $0x1;
	_ =	sdelay $0x1  }
0xb2: {  	s6 =	simm.s32 @p0 $0x1B8D  }
0xb3: {  	_ =	swait.eq @p0 [sflag:s6], $0x1  }
0xb4: {  	[sflag:s6] =	ssyncadd.s32 @p0 $0xFFFFFFFF  }
0xb5: {  	s7 =	sshll.u32 @!p0 s1, $0xE  }
0xb6: {  	s7 =	sor.u32 @!p0 $0x4000, s7;
	s6 =	simm.s32 @!p0 $0x1B8D  }
0xb7: {  	s5 =	sshll.u32 @!p0 s5, $0x11;
	s7 =	sadd.s32 @!p0 $0x11B8D, s7;
	_ =	swait.eq @!p0 [sflag:s6], $0x1  }
0xb8: {  	s5 =	sor.u32 @!p0 s5, s7;
	[sflag:s6] =	ssyncadd.s32 @!p0 $0xFFFFFFFF  }
0xb9: {  	s25 =	simm.s32 $0x1B8E;
	s24 =	sld [smem:$0x3FFE];
	[sflag:s5] =	ssyncadd.remote.s32 @!p0 $0x1  }
0xba: {  	s26 =	simm.s32 $execute0_lowered;
	[smem:$0x3FD2] =	sst s25  }
0xbb: {  	s6 =	sshll.u32 s26, $0x1;
	_ =	strace $0x80000055;
	[dreg:$0x1] =	wrdreg $0xFFFFFFFF  }
0xbc: {  	s28 =	simm.s32 $_size_execute0_lowered;
	s4 =	sadd.s32 s4, s6;
	[dreg:$0x0] =	wrdreg $0x0  }
0xbd: {  	s6 =	sshll.u32 s28, $0x1;
	[dreg:$0x2] =	wrdreg s4  }
0xbe: {  	[dreg:$0x3] =	wrdreg s6  }
0xbf: {  	[dreg:$0x4] =	wrdreg $0xC0  }
0xc0: {  	_ =	task [dreg:s22], $0x5FFFF  }
0xc1: {  	[dreg:$0x1] =	wrdreg $0xFFFFFFFF  }
0xc2: {  	[dreg:$0x0] =	wrdreg $0x60  }
0xc3: {  	[dreg:$0x2] =	wrdreg s24  }
0xc4: {  	[dreg:$0x3] =	wrdreg s3  }
0xc5: {  	[dreg:$0x4] =	wrdreg $0x97400  }
0xc6: {  	[dreg:$0x5] =	wrdreg $0xA  }
0xc7: {  	_ =	task.clear_ibuf [dreg:s22], $0x6FFFF;
	_ =	strace $0x90000055  }
0xc8: {  	s29 =	simm.s32 $0xA;
	_ =	strace $0x80000057  }
0xc9: {  	_ =	swait.ge [sflag:s29], $0x1  }
0xca: {  	[sflag:s29] =	ssyncadd.s32 $0xFFFFFFFF  }
0xcb: {  	_ =	strace $0x90000057  }
0xcc: {  	_ =	sfence  }
0xcd: {  	s30 =	sld [smem:$0x0];
	_ =	sdelay $0x2  }
0xce: {  	s31 =	sshll.u32 s1, $0xD;
	s1 =	sshrl.u32 s1, $0x2  }
0xcf: {  	s4 =	sand.u32 $0x4000, s31;
	s1 =	sadd.s32 s1, s30  }
0xd0: {  	s0 =	sor.u32 s4, s0;
	s1 =	sshll.u32 s1, $0x11  }
0xd1: {  	s0 =	sor.u32 s1, s0  }
0xd2: {  	s0 =	sadd.s32 $0x8F2B, s0  }
0xd3: {  	[sflag:s0] =	ssyncadd.remote.s32 $0x1  }
0xd4: {  	_ =	sfence.sel $0xFFFF  }
0xd5: {  	[dreg:$0x0] =	wrdreg $0xFFFFFFFF;
	(pc) =	sbr.abs _section_cstart, $3  }
0xd6: {  	[dreg:$0x1] =	wrdreg $0xFFFFFFFF  }
0xd7: {  	_ =	task.clear_ibuf [dreg:s22], $0x2FFFF;
	_ =	strace $0x9FFFFFFF  }
0xd8: {  	(tm) =	ssettm $0x7FFFFFFF  }
0xd9: {  	_ =	shalt  }
tec
execute0_lowered:
.L_overlay_start_1:
0x0: {  	(tag) =	ssettag $0x1  }
0x1: {  	s7 =	rddreg [dreg:$0x0]  }
0x2: {  	s0 =	srdreg.scid;
	s1 =	rddreg [dreg:$0x1]  }
0x3: {  	s12 =	stileid.u32;
	s2 =	rddreg [dreg:$0x2]  }
0x4: {  	s3 =	simm.s32 $0x0;
	s14 =	simm.s32 $0x4920;
	s15 =	simm.s32 $0x7030  }
0x5: {  	s17 =	simm.s32 $0x1D10;
	s18 =	simm.s32 $0x9B0;
	s19 =	simm.s32 $0x1360  }
0x6: {  	s20 =	simm.s32 $0x50;
	s5 =	sand.u32 $0x1, s0;
	s0 =	rddreg [dreg:$0x3]  }
0x7: {  	v0 =	vlaneseq.u32;
	s21 =	simm.s32 $0x0;
	s31 =	sshll.u32 s12, $0x1;
	[smem:$0x7FF] =	sst s3  }
0x8: {  	s6 =	sadd.s32 $0xCA00, s7;
	v0 =	vmul.u32 $0x10, v0;
	p0 =	sne.s32 s12, $0x0;
	s12 =	simm.s32 $0x2210  }
0x9: {  	s4 =	sor.u32 s5, s31;
	_ =	strace $0x80000056;
	s8 =	smul.u32 $0x4E20, s5  }
0xa: {  	s10 =	ssub.s32 $0x2, s5;
	s5 =	sadd.s32 $0x9DFA00, s7;
	s4 =	smul.u32 $0x136, s4;
	v1 =	vor.u32 $0x1, v0;
	v3 =	vor.u32 $0x100, v0  }
0xb: {  	s16 =	sshrl.u32 @!p0 s2, $0x3;
	s11 =	sshrl.u32 s10, $0x1;
	v4 =	vor.u32 $0x101, v0;
	v5 =	vor.u32 $0x102, v0;
	v6 =	vor.u32 $0x200, v0;
	s13 =	sadd.s32 s8, s7  }
0xc: {  	v7 =	vor.u32 $0x201, v0;
	v8 =	vor.u32 $0x202, v0;
	v9 =	vor.u32 $0x300, v0;
	s11 =	ssub.s32 s10, s11;
	s9 =	sadd.s32 s4, s7;
	s4 =	sadd.s32 $0x9E0000, s7  }
0xd: {  	v10 =	vor.u32 $0x301, v0;
	v11 =	vor.u32 $0x302, v0;
	v12 =	vor.u32 $0x400, v0;
	s10 =	sadd.s32 $0x156800, s13;
	s11 =	smax.u32 s11, $0x1;
	s13 =	simm.s32 $0x1  }
0xe: {  	v2 =	vor.u32 $0x2, v0;
	v13 =	vor.u32 $0x401, v0;
	v14 =	vor.u32 $0x402, v0;
	s7 =	sadd.s32 $0x28A200, s9;
	s8 =	sadd.s32 $0x1B800, s9;
	s9 =	sadd.s32 $0x154000, s9  }
.LBB2_1:
0xf: {  	[tilespmem:s12], [sflag:$0x1] =	stream.linear.gather [hbm4b:s4+s3], $0x2710, $0x38;
	[tilespmem:$0xBE50] =	vst v63  }
0x10: {  	_ =	swait.ge [sflag:s13], $0x2710  }
0x11: {  	[sflag:s13] =	ssyncset.done $0x0  }
0x12: {  	[sflag:s13] =	ssyncadd.s32 $0xFFFFD8F0  }
0x13: {  	[tilespmem:s14], [sflag:$0x1] =	stream.linear.gather [hbm4b:s5+s3], $0x2710, $0x38;
	[tilespmem:$0xBE50] =	vst v63  }
0x14: {  	_ =	swait.ge [sflag:s13], $0x2710  }
0x15: {  	[sflag:s13] =	ssyncset.done $0x0  }
0x16: {  	[sflag:s13] =	ssyncadd.s32 $0xFFFFD8F0  }
0x17: {  	[tilespmem:s15], [sflag:$0x1] =	stream.linear.gather [hbm4b:s1+s3], $0x2710, $0x38;
	[tilespmem:$0xBE50] =	vst v63  }
0x18: {  	_ =	swait.ge [sflag:s13], $0x2710  }
0x19: {  	[sflag:s13] =	ssyncset.done $0x0  }
0x1a: {  	s22 =	simm.s32 @!p0 $0x1C01;
	[sflag:s13] =	ssyncadd.s32 $0xFFFFD8F0  }
0x1b: {  	[spmem:s16], [sflag:s22] =	dma.local @!p0 [hbm:s6], $0x4E20  }
0x1c: {  	s22 =	simm.s32 @!p0 $0x1  }
0x1d: {  	_ =	swait.ge @!p0 [sflag:s22], $0x4E20  }
0x1e: {  	[sflag:s22] =	ssyncset.done @!p0 $0x0  }
0x1f: {  	[sflag:s22] =	ssyncadd.s32 @!p0 $0xFFFFB1E0  }
0x20: {  	[tilespmem:s17], [sflag:$0x1] =	stream.linear.gather [hbm4b:s6+s3], $0x500, $0x38;
	[tilespmem:$0xBE50] =	vst v63  }
0x21: {  	_ =	swait.ge [sflag:s13], $0x500  }
0x22: {  	[sflag:s13] =	ssyncset.done $0x0  }
0x23: {  	[sflag:s13] =	ssyncadd.s32 $0xFFFFFB00  }
0x24: {  	[tilespmem:s3], [sflag:$0x1] =	stream.linear.gather [hbm4b:s8+s3], $0x9B0, $0x38;
	[tilespmem:$0xBE50] =	vst v63  }
0x25: {  	_ =	swait.ge [sflag:s13], $0x9B0  }
0x26: {  	[sflag:s13] =	ssyncset.done $0x0  }
0x27: {  	[sflag:s13] =	ssyncadd.s32 $0xFFFFF650  }
0x28: {  	[tilespmem:s18], [sflag:$0x1] =	stream.linear.gather [hbm4b:s7+s3], $0x9B0, $0x38;
	[tilespmem:$0xBE50] =	vst v63  }
0x29: {  	_ =	swait.ge [sflag:s13], $0x9B0  }
0x2a: {  	[sflag:s13] =	ssyncset.done $0x0  }
0x2b: {  	[sflag:s13] =	ssyncadd.s32 $0xFFFFF650  }
0x2c: {  	[tilespmem:s19], [sflag:$0x1] =	stream.linear.gather [hbm4b:s9+s3], $0x9B0, $0x38;
	[tilespmem:$0xBE50] =	vst v63  }
0x2d: {  	_ =	swait.ge [sflag:s13], $0x9B0  }
0x2e: {  	[sflag:s13] =	ssyncset.done $0x0  }
0x2f: {  	[sflag:s13] =	ssyncadd.s32 $0xFFFFF650  }
0x30: {  	s22 =	simm.s32 $0x0;
	[bflag:$0x0] =	sbarrier.arrive $0xFFFF  }
.LBB2_2:
0x31: {  	s23 =	sshra.s32 s22, $0x2  }
0x32: {  	v15 =	vld [tilespmem:s23+$0x0]  }
0x33: {  	v16 =	vld [tilespmem:s23+$0x9B0];
	_ =	sdelay $0x5  }
0x34: {  	v17 =	vld [tilespmem:s23+$0x1360]  }
0x35: {  	v18 =	vld.idx.msk [tilespmem:v15+s12+$0x0], $0xffff  }
0x36: {  	v19 =	vld.idx.msk [tilespmem:v16+s12+$0x0], $0xffff  }
0x37: {  	v20 =	vld.idx.msk [tilespmem:v15+s14+$0x0], $0xffff  }
0x38: {  	v21 =	vld.idx.msk [tilespmem:v16+s14+$0x0], $0xffff  }
0x39: {  	v15 =	vld.idx.msk [tilespmem:v15+s15+$0x0], $0xffff  }
0x3a: {  	v16 =	vld.idx.msk [tilespmem:v16+s15+$0x0], $0xffff;
	_ =	sdelay $0x2  }
0x3b: {  	v18 =	vsub.f32 v18, v19  }
0x3c: {  	v33 =	vsub.f32 v20, v21  }
0x3d: {  	v15 =	vsub.f32 v15, v16;
	v34 =	vmul.f32 v18, v17  }
0x3e: {  	v35 =	vmul.f32 v33, v17  }
0x3f: {  	v15 =	vmul.f32 v15, v17;
	[tilespmem:v0+s17+$0x0] =	vst.idx.msk $0xffff, v34  }
0x40: {  	[tilespmem:v1+s17+$0x0] =	vst.idx.msk $0xffff, v35  }
0x41: {  	[tilespmem:v2+s17+$0x0] =	vst.idx.msk $0xffff, v15  }
0x42: {  	v15 =	vld [tilespmem:s23+$0x10]  }
0x43: {  	v16 =	vld [tilespmem:s23+$0x9C0];
	_ =	sdelay $0x5  }
0x44: {  	v36 =	vld [tilespmem:s23+$0x1370]  }
0x45: {  	v18 =	vld.idx.msk [tilespmem:v15+s12+$0x0], $0xffff  }
0x46: {  	v37 =	vld.idx.msk [tilespmem:v16+s12+$0x0], $0xffff  }
0x47: {  	v38 =	vld.idx.msk [tilespmem:v15+s14+$0x0], $0xffff  }
0x48: {  	v39 =	vld.idx.msk [tilespmem:v16+s14+$0x0], $0xffff  }
0x49: {  	v15 =	vld.idx.msk [tilespmem:v15+s15+$0x0], $0xffff  }
0x4a: {  	v16 =	vld.idx.msk [tilespmem:v16+s15+$0x0], $0xffff;
	_ =	sdelay $0x2  }
0x4b: {  	v18 =	vsub.f32 v18, v37  }
0x4c: {  	v40 =	vsub.f32 v38, v39  }
0x4d: {  	v15 =	vsub.f32 v15, v16;
	v41 =	vmul.f32 v18, v36  }
0x4e: {  	v42 =	vmul.f32 v40, v36  }
0x4f: {  	v15 =	vmul.f32 v15, v36;
	[tilespmem:v3+s17+$0x0] =	vst.idx.msk $0xffff, v41  }
0x50: {  	[tilespmem:v4+s17+$0x0] =	vst.idx.msk $0xffff, v42  }
0x51: {  	[tilespmem:v5+s17+$0x0] =	vst.idx.msk $0xffff, v15  }
0x52: {  	v15 =	vld [tilespmem:s23+$0x20]  }
0x53: {  	v16 =	vld [tilespmem:s23+$0x9D0];
	_ =	sdelay $0x5  }
0x54: {  	v43 =	vld [tilespmem:s23+$0x1380]  }
0x55: {  	v18 =	vld.idx.msk [tilespmem:v15+s12+$0x0], $0xffff  }
0x56: {  	v44 =	vld.idx.msk [tilespmem:v16+s12+$0x0], $0xffff  }
0x57: {  	v45 =	vld.idx.msk [tilespmem:v15+s14+$0x0], $0xffff  }
0x58: {  	v46 =	vld.idx.msk [tilespmem:v16+s14+$0x0], $0xffff  }
0x59: {  	v15 =	vld.idx.msk [tilespmem:v15+s15+$0x0], $0xffff  }
0x5a: {  	v16 =	vld.idx.msk [tilespmem:v16+s15+$0x0], $0xffff;
	_ =	sdelay $0x2  }
0x5b: {  	v18 =	vsub.f32 v18, v44  }
0x5c: {  	v47 =	vsub.f32 v45, v46  }
0x5d: {  	v15 =	vsub.f32 v15, v16;
	v48 =	vmul.f32 v18, v43  }
0x5e: {  	v49 =	vmul.f32 v47, v43  }
0x5f: {  	v15 =	vmul.f32 v15, v43;
	[tilespmem:v6+s17+$0x0] =	vst.idx.msk $0xffff, v48  }
0x60: {  	[tilespmem:v7+s17+$0x0] =	vst.idx.msk $0xffff, v49  }
0x61: {  	[tilespmem:v8+s17+$0x0] =	vst.idx.msk $0xffff, v15  }
0x62: {  	v15 =	vld [tilespmem:s23+$0x30]  }
0x63: {  	v16 =	vld [tilespmem:s23+$0x9E0];
	_ =	sdelay $0x5  }
0x64: {  	v50 =	vld [tilespmem:s23+$0x1390]  }
0x65: {  	v18 =	vld.idx.msk [tilespmem:v15+s12+$0x0], $0xffff  }
0x66: {  	v51 =	vld.idx.msk [tilespmem:v16+s12+$0x0], $0xffff  }
0x67: {  	v52 =	vld.idx.msk [tilespmem:v15+s14+$0x0], $0xffff  }
0x68: {  	v53 =	vld.idx.msk [tilespmem:v16+s14+$0x0], $0xffff  }
0x69: {  	v15 =	vld.idx.msk [tilespmem:v15+s15+$0x0], $0xffff  }
0x6a: {  	v16 =	vld.idx.msk [tilespmem:v16+s15+$0x0], $0xffff;
	_ =	sdelay $0x2  }
0x6b: {  	v18 =	vsub.f32 v18, v51  }
0x6c: {  	v54 =	vsub.f32 v52, v53  }
0x6d: {  	v15 =	vsub.f32 v15, v16;
	v55 =	vmul.f32 v18, v50  }
0x6e: {  	v56 =	vmul.f32 v54, v50  }
0x6f: {  	v15 =	vmul.f32 v15, v50;
	[tilespmem:v9+s17+$0x0] =	vst.idx.msk $0xffff, v55  }
0x70: {  	[tilespmem:v10+s17+$0x0] =	vst.idx.msk $0xffff, v56  }
0x71: {  	[tilespmem:v11+s17+$0x0] =	vst.idx.msk $0xffff, v15  }
0x72: {  	v15 =	vld [tilespmem:s23+$0x40]  }
0x73: {  	v16 =	vld [tilespmem:s23+$0x9F0];
	_ =	sdelay $0x5  }
0x74: {  	v57 =	vld [tilespmem:s23+$0x13A0]  }
0x75: {  	v18 =	vld.idx.msk [tilespmem:v15+s12+$0x0], $0xffff  }
0x76: {  	v58 =	vld.idx.msk [tilespmem:v16+s12+$0x0], $0xffff  }
0x77: {  	v59 =	vld.idx.msk [tilespmem:v15+s14+$0x0], $0xffff  }
0x78: {  	v60 =	vld.idx.msk [tilespmem:v16+s14+$0x0], $0xffff  }
0x79: {  	v15 =	vld.idx.msk [tilespmem:v15+s15+$0x0], $0xffff  }
0x7a: {  	v16 =	vld.idx.msk [tilespmem:v16+s15+$0x0], $0xffff;
	_ =	sdelay $0x2  }
0x7b: {  	v18 =	vsub.f32 v18, v58  }
0x7c: {  	v61 =	vsub.f32 v59, v60  }
0x7d: {  	v15 =	vsub.f32 v15, v16;
	v62 =	vmul.f32 v18, v57  }
0x7e: {  	v63 =	vmul.f32 v61, v57  }
0x7f: {  	v15 =	vmul.f32 v15, v57;
	[tilespmem:v12+s17+$0x0] =	vst.idx.msk $0xffff, v62  }
0x80: {  	p1 =	sne.s32 s22, $0x2580;
	[tilespmem:v13+s17+$0x0] =	vst.idx.msk $0xffff, v63  }
.Ltmp0:
0x81: {  	[tilespmem:v14+s17+$0x0] =	vst.idx.msk $0xffff, v15;
	(pc) =	sbr.rel @p1 .LBB2_2-.Ltmp0, $4  }
0x82: {  	[spmem:s2] =	stream.indirect.scatter.add.f32 [tilespmem:s17], [sflag:$0x1], $0x10, s23, s20, $0xb8;
	[tilespmem:$0xBE50] =	vst v63  }
0x83: {  	_ =	swait.ge [sflag:s13], $0x500  }
0x84: {  	[sflag:s13] =	ssyncset.done $0x0  }
0x85: {  	s22 =	sadd.s32 $0x140, s22;
	[sflag:s13] =	ssyncadd.s32 $0xFFFFFB00  }
0x86: {  	[bflag:$0x0] =	sbarrier.arrive $0xFFFF;
	s22 =	simm.s32 @!p0 $0x1C01;
	s21 =	sadd.s32 $0x1, s21  }
0x87: {  	[hbm:s10], [sflag:s22] =	dma.local @!p0 [spmem:s16], $0x4E20  }
0x88: {  	p1 =	sne.s32 s21, s11  }
.Ltmp1:
0x89: {  	_ = 	snop;
	(pc) =	sbr.rel @p1 .LBB2_1-.Ltmp1, $4  }
0x8a: {  	s22 =	simm.s32 @!p0 $0x1  }
0x8b: {  	_ =	swait.ge @!p0 [sflag:s22], $0x4E20  }
0x8c: {  	[sflag:s22] =	ssyncset.done @!p0 $0x0  }
0x8d: {  	[sflag:s22] =	ssyncadd.s32 @!p0 $0xFFFFB1E0  }
0x8e: {  	_ =	sfence.sel $0x180000  }
0x8f: {  	[bflag:$0x0] =	sbarrier.arrive $0xFFFF  }
0x90: {  	_ =	strace $0x90000056  }
0x91: {  	s0 =	sadd.s32 @!p0 $0x100000, s0;
	[bflag:$0x2] =	sbarrier.arrive $0xFFFF  }
0x92: {  	[sflag:s0] =	ssyncadd.tile.s32 @!p0 $0x1;
	_ =	shalt  }
.Lfunc_end2:
_tile_overlayer_lowered:
.L_overlay_start_2:
0x93: {  	(tag) =	ssettag $0x2  }
0x94: {  	s0 =	rddreg [dreg:$0x0];
	s2 =	stileid.u32  }
0x95: {  	s1 =	rddreg [dreg:$0x1];
	p0 =	sne.s32 s2, $0x0  }
0x96: {  	s3 =	rddreg [dreg:$0x2];
	[bflag:$0x3] =	sbarrier.arrive $0xFFFF;
	s2 =	simm.s32 @!p0 $0x1C01  }
0x97: {  	[timem:s3], [sflag:s2] =	dma.local @!p0 [hbm:s0], s1  }
0x98: {  	s0 =	simm.s32 @!p0 $0x1  }
0x99: {  	_ =	swait.ge @!p0 [sflag:s0], s1  }
0x9a: {  	s1 =	ssub.s32 @!p0 $0x0, s1;
	[sflag:s0] =	ssyncset.done @!p0 $0x0  }
0x9b: {  	[sflag:s0] =	ssyncadd.s32 @!p0 s1  }
0x9c: {  	[bflag:$0x3] =	sbarrier.arrive $0xFFFF  }
0x9d: {  	_ =	shalt  }

// kernel: kernel.46.cloned.1.call-start
scs
__scs_entry_jumppad:
0x0: {  	(pc) =	sbr.rel $0x88, $3  }
0x1: {  	(tag) =	ssettag $0x0;
	lr =	simm.s32 $0x1  }
0x2: {  	[smem:$0x3F91] =	sst lr;
	_ =	strace $0xD0000000  }
0x3: {  	_ = 	snop  }
0x4: {  	_ = 	snop  }
0x5: {  	_ = 	snop  }
0x6: {  	_ = 	snop  }
0x7: {  	_ = 	snop  }
__scs_overlays_trampoline_lowered:
0x8: {  	[smem:$0x3FA0] =	sst s0  }
0x9: {  	[smem:$0x3FA1] =	sst s1  }
0xa: {  	[smem:$0x3FA2] =	sst s2  }
0xb: {  	[smem:$0x3FA3] =	sst s3  }
0xc: {  	[smem:$0x3FA4] =	sst s4  }
0xd: {  	[smem:$0x3FA5] =	sst s5  }
0xe: {  	[smem:$0x3FA6] =	sst s6  }
0xf: {  	[smem:$0x3FA7] =	sst s7  }
0x10: {  	[smem:$0x3FA8] =	sst s8  }
0x11: {  	[smem:$0x3FA9] =	sst s9;
	s0 =	simm.s32 @!p0 $0x0  }
0x12: {  	s1 =	sld [smem:$0x3F8F];
	s0 =	simm.s32 @p0 $0x1  }
0x13: {  	[smem:$0x3FAA] =	sst s0;
	s0 =	simm.s32 @!p1 $0x0  }
0x14: {  	s2 =	sld [smem:$0x3F8E];
	s0 =	simm.s32 @p1 $0x1  }
0x15: {  	[smem:$0x3FAB] =	sst s0;
	s0 =	simm.s32 @!p2 $0x0  }
0x16: {  	s3 =	sld [smem:$0x3FDB];
	s0 =	simm.s32 @p2 $0x1  }
0x17: {  	s4 =	simm.s32 $0x1BF5;
	[smem:$0x3FAD] =	sst s0  }
0x18: {  	s0 =	sld [smem:$0x3F90];
	_ =	swait.ge [sflag:s4], $0x0  }
0x19: {  	s7 =	sld [smem:$0x3F91]  }
0x1a: {  	s8 =	sadd.s32 $0xFFFFE003, lr  }
0x1b: {  	s9 =	sadd.s32 $0xFFFFFEF7, lr;
	s5 =	simm.s32 $0xFFFFFFFF;
	p2 =	slt.u32 s8, $0xFFFFF086  }
0x1c: {  	p1 =	slt.u32 s9, $0xF7A;
	s5 =	simm.s32 @!p2 $0x0  }
0x1d: {  	s5 =	simm.s32 @p1 $0x1;
	p0 =	seq.s32 s7, s2  }
0x1e: {  	s7 =	smul.u32 @!p0 $0xF7A, s2;
	p2 =	seq.s32 @!p0 s5, $0x0  }
0x1f: {  	s9 =	smul.u32 $0xF7A, s1;
	s8 =	simm.s32 @!p0 $0x1BF5;
	p2 =	por !p2, p0  }
0x20: {  	[sflag:s8] =	ssyncset.s32 @!p0 $0xFFFFF086;
	s6 =	sadd.s32 @!p0 s3, s7;
	s7 =	simm.s32 @!p0 $0x108  }
0x21: {  	s3 =	sadd.s32 s3, s9;
	s6 =	sadd.s32 @!p0 $0x88, s6;
	s7 =	simm.s32 @p2 $0x1082  }
0x22: {  	[simem:s7], [sflag:s8] =	dma.local @!p0 [hbm:s6], $0xF7A  }
0x23: {  	s9 =	sor.u32 $0xD0000000, s2;
	s6 =	simm.s32 $0x108;
	_ =	swait.ge @!p0 [sflag:s8], $0x0  }
0x24: {  	s3 =	sadd.s32 $0x88, s3;
	s6 =	simm.s32 @!p1 $0x1082;
	[sflag:s4] =	ssyncset.s32 $0xFFFFF086  }
0x25: {  	[simem:s6], [sflag:s4] =	dma.local [hbm:s3], $0xF7A  }
0x26: {  	[smem:$0x3F91] =	sst s1;
	(tag) =	ssettag s2;
	_ =	strace s9  }
0x27: {  	s1 =	sld [smem:$0x3FA1]  }
0x28: {  	s2 =	sld [smem:$0x3FA2]  }
0x29: {  	s4 =	sld [smem:$0x3FA4]  }
0x2a: {  	p0 =	seq.s32 s5, $0x0;
	s5 =	sld [smem:$0x3FA5]  }
0x2b: {  	s6 =	sld [smem:$0x3FA6]  }
0x2c: {  	s7 =	sld [smem:$0x3FA7]  }
0x2d: {  	s3 =	simm.s32 $0x108;
	s8 =	sld [smem:$0x3FA8]  }
0x2e: {  	s3 =	simm.s32 @!p0 $0x1082;
	s9 =	sld [smem:$0x3FA9]  }
0x2f: {  	lr =	sadd.s32 s0, s3;
	s0 =	sld [smem:$0x3FA0]  }
0x30: {  	s3 =	sld [smem:$0x3FA3]  }
0x31: {  	[smem:$0x3FAC] =	sst s10  }
0x32: {  	s10 =	sld [smem:$0x3FAA];
	_ =	sdelay $0x3  }
0x33: {  	p0 =	seq.s32 s10, $0x1;
	s10 =	sld [smem:$0x3FAC];
	_ =	sdelay $0x3  }
0x34: {  	[smem:$0x3FAC] =	sst s10  }
0x35: {  	s10 =	sld [smem:$0x3FAB];
	_ =	sdelay $0x3  }
0x36: {  	p1 =	seq.s32 s10, $0x1;
	s10 =	sld [smem:$0x3FAC];
	_ =	sdelay $0x3  }
0x37: {  	[smem:$0x3FAC] =	sst s10  }
0x38: {  	s10 =	sld [smem:$0x3FAD]  }
0x39: {  	_ = 	snop;
	(pc) =	sbr.ind lr, $3  }
0x3a: {  	_ = 	snop  }
0x3b: {  	_ = 	snop  }
0x3c: {  	p2 =	seq.s32 s10, $0x1;
	s10 =	sld [smem:$0x3FAC]  }
0x3d: {  	_ =	shalt  }
0x3e: {  	_ =	shalt  }
0x3f: {  	_ =	shalt  }
0x40: {  	_ =	shalt  }
0x41: {  	_ =	shalt  }
0x42: {  	_ =	shalt  }
0x43: {  	_ =	shalt  }
0x44: {  	_ =	shalt  }
0x45: {  	_ =	shalt  }
0x46: {  	_ =	shalt  }
0x47: {  	_ =	shalt  }
0x48: {  	_ =	shalt  }
0x49: {  	_ =	shalt  }
0x4a: {  	_ =	shalt  }
0x4b: {  	_ =	shalt  }
0x4c: {  	_ =	shalt  }
0x4d: {  	_ =	shalt  }
0x4e: {  	_ =	shalt  }
0x4f: {  	_ =	shalt  }
0x50: {  	_ =	shalt  }
0x51: {  	_ =	shalt  }
0x52: {  	_ =	shalt  }
0x53: {  	_ =	shalt  }
0x54: {  	_ =	shalt  }
0x55: {  	_ =	shalt  }
0x56: {  	_ =	shalt  }
0x57: {  	_ =	shalt  }
0x58: {  	_ =	shalt  }
0x59: {  	_ =	shalt  }
0x5a: {  	_ =	shalt  }
0x5b: {  	_ =	shalt  }
0x5c: {  	_ =	shalt  }
0x5d: {  	_ =	shalt  }
0x5e: {  	_ =	shalt  }
0x5f: {  	_ =	shalt  }
0x60: {  	_ =	shalt  }
0x61: {  	_ =	shalt  }
0x62: {  	_ =	shalt  }
0x63: {  	_ =	shalt  }
0x64: {  	_ =	shalt  }
0x65: {  	_ =	shalt  }
0x66: {  	_ =	shalt  }
0x67: {  	_ =	shalt  }
0x68: {  	_ =	shalt  }
0x69: {  	_ =	shalt  }
0x6a: {  	_ =	shalt  }
0x6b: {  	_ =	shalt  }
0x6c: {  	_ =	shalt  }
0x6d: {  	_ =	shalt  }
0x6e: {  	_ =	shalt  }
0x6f: {  	_ =	shalt  }
0x70: {  	_ =	shalt  }
0x71: {  	_ =	shalt  }
0x72: {  	_ =	shalt  }
0x73: {  	_ =	shalt  }
0x74: {  	_ =	shalt  }
0x75: {  	_ =	shalt  }
0x76: {  	_ =	shalt  }
0x77: {  	_ =	shalt  }
0x78: {  	_ =	shalt  }
0x79: {  	_ =	shalt  }
0x7a: {  	_ =	shalt  }
0x7b: {  	_ =	shalt  }
0x7c: {  	_ =	shalt  }
0x7d: {  	_ =	shalt  }
0x7e: {  	_ =	shalt  }
0x7f: {  	_ =	shalt  }
0x80: {  	_ =	shalt  }
0x81: {  	_ =	shalt  }
0x82: {  	_ =	shalt  }
0x83: {  	_ =	shalt  }
0x84: {  	_ =	shalt  }
0x85: {  	_ =	shalt  }
0x86: {  	_ =	shalt  }
0x87: {  	_ =	shalt  }
.Lfunc_end0:
.L_simem_size_0:
called_computation.9_lowered:
.L_overlay_start_0:
0x88: {  	s2 =	sld [smem:$0x3FD9]  }
0x89: {  	s3 =	sld [smem:$0x3FFE];
	_ =	sdelay $0x1  }
0x8a: {  	s1 =	srdreg.scid  }
0x8b: {  	s0 =	sand.u32 $0x1, s1  }
0x8c: {  	s14 =	sshll.u32 s0, $0xA;
	s2 =	sadd.s32 s3, s2  }
0x8d: {  	s2 =	sadd.s32 s2, s14  }
0x8e: {  	[smem:$0x3FB8] =	sst s2  }
0x8f: {  	_ = 	snop  }
0x90: {  	s2 =	sld [smem:$0x3FD0];
	_ =	sdelay $0x2  }
0x91: {  	s15 =	simm.s32 $0x11;
	s4 =	simm.s32 $0x10  }
0x92: {  	[smem:s4], [sflag:s15] =	dma.local [hbm:s2], $0x1  }
0x93: {  	_ =	swait.eq [sflag:s15], $0x1  }
0x94: {  	[sflag:s15] =	ssyncset.done $0x0  }
0x95: {  	[sflag:s15] =	ssyncadd.s32 $0xFFFFFFFF  }
0x96: {  	s16 =	sld [smem:$0x10];
	(tm) =	ssettm $0x1  }
0x97: {  	s17 =	sld [smem:$0x3FFB];
	_ =	sdelay $0x3  }
0x98: {  	_ =	strace s17  }
0x99: {  	s3 =	sld [smem:$0x3FFC];
	_ =	sdelay $0x3  }
0x9a: {  	_ =	strace s3  }
0x9b: {  	s3 =	sld [smem:$0x3FFD];
	_ =	sdelay $0x3  }
0x9c: {  	_ =	strace s3  }
0x9d: {  	_ =	strace $0x8FFFFFFF  }
0x9e: {  	s18 =	sld [smem:$0x3FDB];
	_ =	sdelay $0x1  }
0x9f: {  	s19 =	simm.s32 $_scs_section_size  }
0xa0: {  	s5 =	simm.s32 $_size__tile_overlayer_lowered;
	s6 =	simm.s32 $_tile_overlayer_lowered  }
0xa1: {  	s22 =	simm.s32 $0x1BFF;
	s21 =	sshll.u32 s6, $0x1;
	s3 =	sadd.s32 s19, s18  }
0xa2: {  	s7 =	simm.s32 $0x0;
	s20 =	sshll.u32 s5, $0x1;
	s5 =	sadd.s32 s21, s3  }
0xa3: {  	[timem:s7], [sflag:s22] =	dma.local [hbm:s5], s20  }
0xa4: {  	_ =	swait.ge [sflag:s22], s20  }
0xa5: {  	s4 =	ssub.s32 $0x0, s20;
	[sflag:s22] =	ssyncset.done $0x0  }
0xa6: {  	[sflag:s22] =	ssyncadd.s32 s4;
	_ =	sdelay $0x1  }
0xa7: {  	s23 =	simm.s32 $0x1B8B  }
0xa8: {  	_ =	swait.ge [sflag:s23], $0x1  }
0xa9: {  	[sflag:s23] =	ssyncset.done $0x0  }
0xaa: {  	s25 =	simm.s32 $0x1B8E;
	s24 =	sld [smem:$0x3FFE];
	[sflag:s23] =	ssyncadd.s32 $0xFFFFFFFF  }
0xab: {  	s26 =	simm.s32 $execute0_lowered;
	[smem:$0x3FD2] =	sst s25  }
0xac: {  	s5 =	sshll.u32 s26, $0x1;
	_ =	strace $0x80000046;
	[dreg:$0x1] =	wrdreg $0xFFFFFFFF  }
0xad: {  	s28 =	simm.s32 $_size_execute0_lowered;
	s3 =	sadd.s32 s3, s5;
	[dreg:$0x0] =	wrdreg $0x0  }
0xae: {  	s5 =	sshll.u32 s28, $0x1;
	[dreg:$0x2] =	wrdreg s3  }
0xaf: {  	[dreg:$0x3] =	wrdreg s5  }
0xb0: {  	[dreg:$0x4] =	wrdreg $0xC0  }
0xb1: {  	_ =	task [dreg:s7], $0x5FFFF  }
0xb2: {  	[dreg:$0x1] =	wrdreg $0xFFFFFFFF  }
0xb3: {  	[dreg:$0x0] =	wrdreg $0x60  }
0xb4: {  	[dreg:$0x2] =	wrdreg s16  }
0xb5: {  	[dreg:$0x3] =	wrdreg s24  }
0xb6: {  	[dreg:$0x4] =	wrdreg $0x9  }
0xb7: {  	_ =	task.clear_ibuf [dreg:s7], $0x5FFFF;
	_ =	strace $0x90000046  }
0xb8: {  	s29 =	simm.s32 $0x9;
	_ =	strace $0x80000048  }
0xb9: {  	_ =	swait.ge [sflag:s29], $0x1  }
0xba: {  	[sflag:s29] =	ssyncadd.s32 $0xFFFFFFFF  }
0xbb: {  	_ =	strace $0x90000048  }
0xbc: {  	_ =	sfence  }
0xbd: {  	s30 =	sld [smem:$0x0];
	_ =	sdelay $0x2  }
0xbe: {  	s31 =	sshll.u32 s1, $0xD;
	s1 =	sshrl.u32 s1, $0x2  }
0xbf: {  	s3 =	sand.u32 $0x4000, s31;
	s1 =	sadd.s32 s1, s30  }
0xc0: {  	s0 =	sor.u32 s3, s0;
	s1 =	sshll.u32 s1, $0x11  }
0xc1: {  	s0 =	sor.u32 s1, s0  }
0xc2: {  	s0 =	sadd.s32 $0x8F2B, s0  }
0xc3: {  	[sflag:s0] =	ssyncadd.remote.s32 $0x1  }
0xc4: {  	_ =	sfence.sel $0xFFFF  }
0xc5: {  	[dreg:$0x0] =	wrdreg $0xFFFFFFFF;
	(pc) =	sbr.abs _section_cstart, $3  }
0xc6: {  	[dreg:$0x1] =	wrdreg $0xFFFFFFFF  }
0xc7: {  	_ =	task.clear_ibuf [dreg:s7], $0x2FFFF;
	_ =	strace $0x9FFFFFFF  }
0xc8: {  	(tm) =	ssettm $0x7FFFFFFF  }
0xc9: {  	_ =	shalt  }
tec
execute0_lowered:
.L_overlay_start_1:
0x0: {  	(tag) =	ssettag $0x1  }
0x1: {  	s2 =	rddreg [dreg:$0x0]  }
0x2: {  	s1 =	srdreg.scid;
	s0 =	stileid.u32  }
0x3: {  	s4 =	rddreg [dreg:$0x1];
	s3 =	simm.s32 $0x0;
	s11 =	simm.s32 $0x50  }
0x4: {  	s12 =	simm.s32 $0x1400;
	s13 =	simm.s32 $0x3C00;
	s14 =	simm.s32 $0x1  }
0x5: {  	s15 =	simm.s32 $0x0;
	s5 =	sand.u32 $0x1, s1;
	s6 =	sshll.u32 s0, $0x1  }
0x6: {  	s1 =	rddreg [dreg:$0x2];
	s7 =	smul.u32 $0x14000, s0;
	s6 =	sor.u32 s5, s6  }
0x7: {  	[smem:$0x7FF] =	sst s3;
	s8 =	ssub.s32 $0x2, s5;
	s6 =	smul.u32 $0xA00, s6  }
0x8: {  	_ =	strace $0x80000047;
	s10 =	smul.u32 $0xA000, s5;
	s9 =	sshrl.u32 s8, $0x1  }
0x9: {  	s7 =	sadd.s32 s7, s4;
	s8 =	ssub.s32 s8, s9;
	s6 =	sshrl.u32 s6, $0x3  }
0xa: {  	s31 =	sadd.s32 s10, s7;
	s9 =	simm.s32 $0x2;
	s6 =	sadd.s32 s6, s4  }
0xb: {  	s10 =	simm.s32 $0xA00;
	s7 =	sadd.s32 $0xA200, s31;
	s4 =	sadd.s32 $0x5200, s6  }
0xc: {  	s5 =	sadd.s32 $0x7A00, s6;
	s6 =	smax.u32 s8, $0x1;
	s8 =	sadd.s32 $0x14A200, s31  }
.LBB2_1:
0xd: {  	[tilespmem:s3], [sflag:$0x2] =	stream.linear.gather [hbm4b:s4+s3], $0xA00, $0x38;
	[tilespmem:$0x6400] =	vst v63  }
0xe: {  	_ =	swait.ge [sflag:s9], $0xA00  }
0xf: {  	[sflag:s9] =	ssyncset.done $0x0  }
0x10: {  	[sflag:s9] =	ssyncadd.s32 $0xFFFFF600  }
0x11: {  	[tilespmem:s10], [sflag:$0x2] =	stream.linear.gather [hbm4b:s5+s3], $0xA00, $0x38;
	[tilespmem:$0x6400] =	vst v63  }
0x12: {  	_ =	swait.ge [sflag:s9], $0xA00  }
0x13: {  	[sflag:s9] =	ssyncset.done $0x0  }
0x14: {  	s16 =	simm.s32 $0x0;
	[sflag:s9] =	ssyncadd.s32 $0xFFFFF600  }
0x15: {  	[tilespmem:s12], [sflag:$0x1] =	stream.indirect.gather [hbm4b:s2+s11], $0x80, s16, s11, $0xb8;
	[tilespmem:$0x6400] =	vst v63  }
0x16: {  	s31 =	simm.s32 $0xA00  }
0x17: {  	[tilespmem:s13], [sflag:$0x1] =	stream.indirect.gather [hbm4b:s2+s11], $0x80, s31, s11, $0xb8;
	[tilespmem:$0x6400] =	vst v63  }
0x18: {  	_ =	swait.ge [sflag:s14], $0x2800  }
0x19: {  	[sflag:s14] =	ssyncset.done $0x0  }
0x1a: {  	[sflag:s14] =	ssyncadd.s32 $0xFFFFD800  }
0x1b: {  	_ =	swait.ge [sflag:s14], $0x2800  }
0x1c: {  	[sflag:s14] =	ssyncset.done $0x0  }
0x1d: {  	[sflag:s14] =	ssyncadd.s32 $0xFFFFD800  }
0x1e: {  	[hbm4b:s7+s3] =	stream.linear.scatter [tilespmem:s12], [sflag:$0x2], $0x2800, $0x38;
	[tilespmem:$0x6400] =	vst v63  }
0x1f: {  	_ =	swait.ge [sflag:s9], $0x2800  }
0x20: {  	[sflag:s9] =	ssyncset.done $0x0  }
0x21: {  	[sflag:s9] =	ssyncadd.s32 $0xFFFFD800  }
0x22: {  	[hbm4b:s8+s3] =	stream.linear.scatter [tilespmem:s13], [sflag:$0x2], $0x2800, $0x38;
	[tilespmem:$0x6400] =	vst v63  }
0x23: {  	s18 =	simm.s32 $0x140;
	s19 =	simm.s32 $0x280;
	_ =	swait.ge [sflag:s9], $0x2800  }
0x24: {  	s17 =	sadd.s32 $0x500, s7;
	s16 =	sadd.s32 $0x500, s8;
	[sflag:s9] =	ssyncset.done $0x0  }
.LBB2_2:
0x25: {  	s20 =	sshra.s32 s18, $0x2  }
0x26: {  	[sflag:s9] =	ssyncadd.s32 $0xFFFFD800;
	s18 =	smov.u32 s19;
	s21 =	sadd.s32 $0x140, s19  }
0x27: {  	[tilespmem:s12], [sflag:$0x1] =	stream.indirect.gather [hbm4b:s2+s11], $0x80, s20, s11, $0xb8;
	[tilespmem:$0x6400] =	vst v63  }
0x28: {  	p0 =	sne.s32 s19, $0x26C0;
	s19 =	sadd.s32 $0xA00, s20  }
0x29: {  	[tilespmem:s13], [sflag:$0x1] =	stream.indirect.gather [hbm4b:s2+s11], $0x80, s19, s11, $0xb8;
	[tilespmem:$0x6400] =	vst v63  }
0x2a: {  	_ =	swait.ge [sflag:s14], $0x2800  }
0x2b: {  	[sflag:s14] =	ssyncset.done $0x0  }
0x2c: {  	[sflag:s14] =	ssyncadd.s32 $0xFFFFD800  }
0x2d: {  	_ =	swait.ge [sflag:s14], $0x2800  }
0x2e: {  	[sflag:s14] =	ssyncset.done $0x0  }
0x2f: {  	[sflag:s14] =	ssyncadd.s32 $0xFFFFD800  }
0x30: {  	[hbm4b:s17+s3] =	stream.linear.scatter [tilespmem:s12], [sflag:$0x2], $0x2800, $0x38;
	[tilespmem:$0x6400] =	vst v63  }
0x31: {  	_ =	swait.ge [sflag:s9], $0x2800  }
.Ltmp0:
0x32: {  	[sflag:s9] =	ssyncset.done $0x0;
	(pc) =	sbr.rel @p0 .LBB2_2-.Ltmp0, $4  }
0x33: {  	[sflag:s9] =	ssyncadd.s32 $0xFFFFD800  }
0x34: {  	[hbm4b:s16+s3] =	stream.linear.scatter [tilespmem:s13], [sflag:$0x2], $0x2800, $0x38;
	[tilespmem:$0x6400] =	vst v63  }
0x35: {  	s19 =	smov.u32 s21;
	_ =	swait.ge [sflag:s9], $0x2800  }
0x36: {  	s17 =	sadd.s32 $0x500, s17;
	s16 =	sadd.s32 $0x500, s16;
	[sflag:s9] =	ssyncset.done $0x0  }
0x37: {  	s18 =	sshra.s32 s18, $0x2;
	[sflag:s9] =	ssyncadd.s32 $0xFFFFD800  }
0x38: {  	[tilespmem:s12], [sflag:$0x1] =	stream.indirect.gather [hbm4b:s2+s11], $0x80, s18, s11, $0xb8;
	[tilespmem:$0x6400] =	vst v63  }
0x39: {  	s18 =	sadd.s32 $0xA00, s18  }
0x3a: {  	[tilespmem:s13], [sflag:$0x1] =	stream.indirect.gather [hbm4b:s2+s11], $0x80, s18, s11, $0xb8;
	[tilespmem:$0x6400] =	vst v63  }
0x3b: {  	_ =	swait.ge [sflag:s14], $0x2800  }
0x3c: {  	[sflag:s14] =	ssyncset.done $0x0  }
0x3d: {  	[sflag:s14] =	ssyncadd.s32 $0xFFFFD800  }
0x3e: {  	_ =	swait.ge [sflag:s14], $0x2800  }
0x3f: {  	[sflag:s14] =	ssyncset.done $0x0  }
0x40: {  	[sflag:s14] =	ssyncadd.s32 $0xFFFFD800  }
0x41: {  	[hbm4b:s17+s3] =	stream.linear.scatter [tilespmem:s12], [sflag:$0x2], $0x2800, $0x38;
	[tilespmem:$0x6400] =	vst v63  }
0x42: {  	s15 =	sadd.s32 $0x1, s15;
	_ =	swait.ge [sflag:s9], $0x2800  }
0x43: {  	p0 =	sne.s32 s15, s6;
	[sflag:s9] =	ssyncset.done $0x0  }
.Ltmp1:
0x44: {  	[sflag:s9] =	ssyncadd.s32 $0xFFFFD800;
	(pc) =	sbr.rel @p0 .LBB2_1-.Ltmp1, $4  }
0x45: {  	[hbm4b:s16+s3] =	stream.linear.scatter [tilespmem:s13], [sflag:$0x2], $0x2800, $0x38;
	[tilespmem:$0x6400] =	vst v63  }
0x46: {  	_ =	swait.ge [sflag:s9], $0x2800  }
0x47: {  	[sflag:s9] =	ssyncset.done $0x0  }
0x48: {  	[sflag:s9] =	ssyncadd.s32 $0xFFFFD800  }
0x49: {  	_ =	sfence.sel $0x180000  }
0x4a: {  	[bflag:$0x0] =	sbarrier.arrive $0xFFFF  }
0x4b: {  	p0 =	sne.s32 s0, $0x0;
	_ =	strace $0x90000047  }
0x4c: {  	s0 =	sadd.s32 @!p0 $0x100000, s1;
	[bflag:$0x2] =	sbarrier.arrive $0xFFFF  }
0x4d: {  	[sflag:s0] =	ssyncadd.tile.s32 @!p0 $0x1;
	_ =	shalt  }
.Lfunc_end2:
_tile_overlayer_lowered:
.L_overlay_start_2:
0x4e: {  	(tag) =	ssettag $0x2  }
0x4f: {  	s0 =	rddreg [dreg:$0x0];
	s2 =	stileid.u32  }
0x50: {  	s1 =	rddreg [dreg:$0x1];
	p0 =	sne.s32 s2, $0x0  }
0x51: {  	s3 =	rddreg [dreg:$0x2];
	[bflag:$0x3] =	sbarrier.arrive $0xFFFF;
	s2 =	simm.s32 @!p0 $0x1C02  }
0x52: {  	[timem:s3], [sflag:s2] =	dma.local @!p0 [hbm:s0], s1  }
0x53: {  	s0 =	simm.s32 @!p0 $0x2  }
0x54: {  	_ =	swait.ge @!p0 [sflag:s0], s1  }
0x55: {  	s1 =	ssub.s32 @!p0 $0x0, s1;
	[sflag:s0] =	ssyncset.done @!p0 $0x0  }
0x56: {  	[sflag:s0] =	ssyncadd.s32 @!p0 s1  }
0x57: {  	[bflag:$0x3] =	sbarrier.arrive $0xFFFF  }
0x58: {  	_ =	shalt  }

// kernel: kernel.49.cloned.1.call-start
scs
__scs_entry_jumppad:
0x0: {  	(pc) =	sbr.rel $0x88, $3  }
0x1: {  	(tag) =	ssettag $0x0;
	lr =	simm.s32 $0x1  }
0x2: {  	[smem:$0x3F91] =	sst lr;
	_ =	strace $0xD0000000  }
0x3: {  	_ = 	snop  }
0x4: {  	_ = 	snop  }
0x5: {  	_ = 	snop  }
0x6: {  	_ = 	snop  }
0x7: {  	_ = 	snop  }
__scs_overlays_trampoline_lowered:
0x8: {  	[smem:$0x3FA0] =	sst s0  }
0x9: {  	[smem:$0x3FA1] =	sst s1  }
0xa: {  	[smem:$0x3FA2] =	sst s2  }
0xb: {  	[smem:$0x3FA3] =	sst s3  }
0xc: {  	[smem:$0x3FA4] =	sst s4  }
0xd: {  	[smem:$0x3FA5] =	sst s5  }
0xe: {  	[smem:$0x3FA6] =	sst s6  }
0xf: {  	[smem:$0x3FA7] =	sst s7  }
0x10: {  	[smem:$0x3FA8] =	sst s8  }
0x11: {  	[smem:$0x3FA9] =	sst s9;
	s0 =	simm.s32 @!p0 $0x0  }
0x12: {  	s1 =	sld [smem:$0x3F8F];
	s0 =	simm.s32 @p0 $0x1  }
0x13: {  	[smem:$0x3FAA] =	sst s0;
	s0 =	simm.s32 @!p1 $0x0  }
0x14: {  	s2 =	sld [smem:$0x3F8E];
	s0 =	simm.s32 @p1 $0x1  }
0x15: {  	[smem:$0x3FAB] =	sst s0;
	s0 =	simm.s32 @!p2 $0x0  }
0x16: {  	s3 =	sld [smem:$0x3FDB];
	s0 =	simm.s32 @p2 $0x1  }
0x17: {  	s4 =	simm.s32 $0x1BF5;
	[smem:$0x3FAD] =	sst s0  }
0x18: {  	s0 =	sld [smem:$0x3F90];
	_ =	swait.ge [sflag:s4], $0x0  }
0x19: {  	s7 =	sld [smem:$0x3F91]  }
0x1a: {  	s8 =	sadd.s32 $0xFFFFE003, lr  }
0x1b: {  	s9 =	sadd.s32 $0xFFFFFEF7, lr;
	s5 =	simm.s32 $0xFFFFFFFF;
	p2 =	slt.u32 s8, $0xFFFFF086  }
0x1c: {  	p1 =	slt.u32 s9, $0xF7A;
	s5 =	simm.s32 @!p2 $0x0  }
0x1d: {  	s5 =	simm.s32 @p1 $0x1;
	p0 =	seq.s32 s7, s2  }
0x1e: {  	s7 =	smul.u32 @!p0 $0xF7A, s2;
	p2 =	seq.s32 @!p0 s5, $0x0  }
0x1f: {  	s9 =	smul.u32 $0xF7A, s1;
	s8 =	simm.s32 @!p0 $0x1BF5;
	p2 =	por !p2, p0  }
0x20: {  	[sflag:s8] =	ssyncset.s32 @!p0 $0xFFFFF086;
	s6 =	sadd.s32 @!p0 s3, s7;
	s7 =	simm.s32 @!p0 $0x108  }
0x21: {  	s3 =	sadd.s32 s3, s9;
	s6 =	sadd.s32 @!p0 $0x88, s6;
	s7 =	simm.s32 @p2 $0x1082  }
0x22: {  	[simem:s7], [sflag:s8] =	dma.local @!p0 [hbm:s6], $0xF7A  }
0x23: {  	s9 =	sor.u32 $0xD0000000, s2;
	s6 =	simm.s32 $0x108;
	_ =	swait.ge @!p0 [sflag:s8], $0x0  }
0x24: {  	s3 =	sadd.s32 $0x88, s3;
	s6 =	simm.s32 @!p1 $0x1082;
	[sflag:s4] =	ssyncset.s32 $0xFFFFF086  }
0x25: {  	[simem:s6], [sflag:s4] =	dma.local [hbm:s3], $0xF7A  }
0x26: {  	[smem:$0x3F91] =	sst s1;
	(tag) =	ssettag s2;
	_ =	strace s9  }
0x27: {  	s1 =	sld [smem:$0x3FA1]  }
0x28: {  	s2 =	sld [smem:$0x3FA2]  }
0x29: {  	s4 =	sld [smem:$0x3FA4]  }
0x2a: {  	p0 =	seq.s32 s5, $0x0;
	s5 =	sld [smem:$0x3FA5]  }
0x2b: {  	s6 =	sld [smem:$0x3FA6]  }
0x2c: {  	s7 =	sld [smem:$0x3FA7]  }
0x2d: {  	s3 =	simm.s32 $0x108;
	s8 =	sld [smem:$0x3FA8]  }
0x2e: {  	s3 =	simm.s32 @!p0 $0x1082;
	s9 =	sld [smem:$0x3FA9]  }
0x2f: {  	lr =	sadd.s32 s0, s3;
	s0 =	sld [smem:$0x3FA0]  }
0x30: {  	s3 =	sld [smem:$0x3FA3]  }
0x31: {  	[smem:$0x3FAC] =	sst s10  }
0x32: {  	s10 =	sld [smem:$0x3FAA];
	_ =	sdelay $0x3  }
0x33: {  	p0 =	seq.s32 s10, $0x1;
	s10 =	sld [smem:$0x3FAC];
	_ =	sdelay $0x3  }
0x34: {  	[smem:$0x3FAC] =	sst s10  }
0x35: {  	s10 =	sld [smem:$0x3FAB];
	_ =	sdelay $0x3  }
0x36: {  	p1 =	seq.s32 s10, $0x1;
	s10 =	sld [smem:$0x3FAC];
	_ =	sdelay $0x3  }
0x37: {  	[smem:$0x3FAC] =	sst s10  }
0x38: {  	s10 =	sld [smem:$0x3FAD]  }
0x39: {  	_ = 	snop;
	(pc) =	sbr.ind lr, $3  }
0x3a: {  	_ = 	snop  }
0x3b: {  	_ = 	snop  }
0x3c: {  	p2 =	seq.s32 s10, $0x1;
	s10 =	sld [smem:$0x3FAC]  }
0x3d: {  	_ =	shalt  }
0x3e: {  	_ =	shalt  }
0x3f: {  	_ =	shalt  }
0x40: {  	_ =	shalt  }
0x41: {  	_ =	shalt  }
0x42: {  	_ =	shalt  }
0x43: {  	_ =	shalt  }
0x44: {  	_ =	shalt  }
0x45: {  	_ =	shalt  }
0x46: {  	_ =	shalt  }
0x47: {  	_ =	shalt  }
0x48: {  	_ =	shalt  }
0x49: {  	_ =	shalt  }
0x4a: {  	_ =	shalt  }
0x4b: {  	_ =	shalt  }
0x4c: {  	_ =	shalt  }
0x4d: {  	_ =	shalt  }
0x4e: {  	_ =	shalt  }
0x4f: {  	_ =	shalt  }
0x50: {  	_ =	shalt  }
0x51: {  	_ =	shalt  }
0x52: {  	_ =	shalt  }
0x53: {  	_ =	shalt  }
0x54: {  	_ =	shalt  }
0x55: {  	_ =	shalt  }
0x56: {  	_ =	shalt  }
0x57: {  	_ =	shalt  }
0x58: {  	_ =	shalt  }
0x59: {  	_ =	shalt  }
0x5a: {  	_ =	shalt  }
0x5b: {  	_ =	shalt  }
0x5c: {  	_ =	shalt  }
0x5d: {  	_ =	shalt  }
0x5e: {  	_ =	shalt  }
0x5f: {  	_ =	shalt  }
0x60: {  	_ =	shalt  }
0x61: {  	_ =	shalt  }
0x62: {  	_ =	shalt  }
0x63: {  	_ =	shalt  }
0x64: {  	_ =	shalt  }
0x65: {  	_ =	shalt  }
0x66: {  	_ =	shalt  }
0x67: {  	_ =	shalt  }
0x68: {  	_ =	shalt  }
0x69: {  	_ =	shalt  }
0x6a: {  	_ =	shalt  }
0x6b: {  	_ =	shalt  }
0x6c: {  	_ =	shalt  }
0x6d: {  	_ =	shalt  }
0x6e: {  	_ =	shalt  }
0x6f: {  	_ =	shalt  }
0x70: {  	_ =	shalt  }
0x71: {  	_ =	shalt  }
0x72: {  	_ =	shalt  }
0x73: {  	_ =	shalt  }
0x74: {  	_ =	shalt  }
0x75: {  	_ =	shalt  }
0x76: {  	_ =	shalt  }
0x77: {  	_ =	shalt  }
0x78: {  	_ =	shalt  }
0x79: {  	_ =	shalt  }
0x7a: {  	_ =	shalt  }
0x7b: {  	_ =	shalt  }
0x7c: {  	_ =	shalt  }
0x7d: {  	_ =	shalt  }
0x7e: {  	_ =	shalt  }
0x7f: {  	_ =	shalt  }
0x80: {  	_ =	shalt  }
0x81: {  	_ =	shalt  }
0x82: {  	_ =	shalt  }
0x83: {  	_ =	shalt  }
0x84: {  	_ =	shalt  }
0x85: {  	_ =	shalt  }
0x86: {  	_ =	shalt  }
0x87: {  	_ =	shalt  }
.Lfunc_end0:
.L_simem_size_0:
called_computation.10_lowered:
.L_overlay_start_0:
0x88: {  	s2 =	sld [smem:$0x3FD9]  }
0x89: {  	s3 =	sld [smem:$0x3FFE];
	_ =	sdelay $0x1  }
0x8a: {  	s1 =	srdreg.scid  }
0x8b: {  	s0 =	sand.u32 $0x1, s1  }
0x8c: {  	s17 =	sshll.u32 s0, $0xA;
	s2 =	sadd.s32 s3, s2  }
0x8d: {  	s2 =	sadd.s32 s2, s17  }
0x8e: {  	[smem:$0x3FB8] =	sst s2  }
0x8f: {  	_ = 	snop  }
0x90: {  	s18 =	sld [smem:$0x3FD0];
	_ =	sdelay $0x2  }
0x91: {  	s4 =	simm.s32 $0x11;
	s19 =	simm.s32 $0x10  }
0x92: {  	[smem:s19], [sflag:s4] =	dma.local [hbm:s18], $0x1  }
0x93: {  	_ =	swait.eq [sflag:s4], $0x1  }
0x94: {  	[sflag:s4] =	ssyncset.done $0x0  }
0x95: {  	[sflag:s4] =	ssyncadd.s32 $0xFFFFFFFF  }
0x96: {  	s4 =	sld [smem:$0x10];
	(tm) =	ssettm $0x1  }
0x97: {  	s20 =	sld [smem:$0x3FFB];
	_ =	sdelay $0x3  }
0x98: {  	_ =	strace s20  }
0x99: {  	s3 =	sld [smem:$0x3FFC];
	_ =	sdelay $0x3  }
0x9a: {  	_ =	strace s3  }
0x9b: {  	s3 =	sld [smem:$0x3FFD];
	_ =	sdelay $0x3  }
0x9c: {  	_ =	strace s3  }
0x9d: {  	_ =	strace $0x8FFFFFFF  }
0x9e: {  	s21 =	sld [smem:$0x3FDB];
	_ =	sdelay $0x1  }
0x9f: {  	s5 =	simm.s32 $_scs_section_size  }
0xa0: {  	s6 =	simm.s32 $_size__tile_overlayer_lowered;
	s7 =	simm.s32 $_tile_overlayer_lowered  }
0xa1: {  	s8 =	simm.s32 $0x1BFF;
	s22 =	sshll.u32 s7, $0x1;
	s5 =	sadd.s32 s5, s21  }
0xa2: {  	s23 =	simm.s32 $0x0;
	s6 =	sshll.u32 s6, $0x1;
	s7 =	sadd.s32 s22, s5  }
0xa3: {  	[timem:s23], [sflag:s8] =	dma.local [hbm:s7], s6  }
0xa4: {  	_ =	swait.ge [sflag:s8], s6  }
0xa5: {  	s6 =	ssub.s32 $0x0, s6;
	[sflag:s8] =	ssyncset.done $0x0  }
0xa6: {  	[sflag:s8] =	ssyncadd.s32 s6;
	_ =	sdelay $0x1  }
0xa7: {  	s24 =	simm.s32 $0x1B8B  }
0xa8: {  	_ =	swait.ge [sflag:s24], $0x1  }
0xa9: {  	[sflag:s24] =	ssyncset.done $0x0  }
0xaa: {  	[sflag:s24] =	ssyncadd.s32 $0xFFFFFFFF  }
0xab: {  	s6 =	sld [smem:$0x0]  }
0xac: {  	s7 =	sand.u32 $0xFFFFFFFE, s1  }
0xad: {  	p0 =	sne.s32 s1, s7  }
0xae: {  	s7 =	sshll.u32 @p0 s7, $0xE  }
0xaf: {  	s7 =	sadd.s32 @p0 $0x11B8D, s7;
	s8 =	sshll.u32 @p0 s6, $0x11  }
0xb0: {  	s7 =	sor.u32 @p0 s8, s7  }
0xb1: {  	[sflag:s7] =	ssyncadd.remote.s32 @p0 $0x1;
	_ =	sdelay $0x1  }
0xb2: {  	s7 =	simm.s32 @p0 $0x1B8D  }
0xb3: {  	_ =	swait.eq @p0 [sflag:s7], $0x1  }
0xb4: {  	[sflag:s7] =	ssyncadd.s32 @p0 $0xFFFFFFFF  }
0xb5: {  	s8 =	sshll.u32 @!p0 s1, $0xE  }
0xb6: {  	s8 =	sor.u32 @!p0 $0x4000, s8;
	s7 =	simm.s32 @!p0 $0x1B8D  }
0xb7: {  	s6 =	sshll.u32 @!p0 s6, $0x11;
	s8 =	sadd.s32 @!p0 $0x11B8D, s8;
	_ =	swait.eq @!p0 [sflag:s7], $0x1  }
0xb8: {  	s6 =	sor.u32 @!p0 s6, s8;
	[sflag:s7] =	ssyncadd.s32 @!p0 $0xFFFFFFFF  }
0xb9: {  	s26 =	simm.s32 $0x1B8E;
	s25 =	sld [smem:$0x3FFE];
	[sflag:s6] =	ssyncadd.remote.s32 @!p0 $0x1  }
0xba: {  	s28 =	simm.s32 $execute0_lowered;
	[smem:$0x3FD2] =	sst s26  }
0xbb: {  	s7 =	sshll.u32 s28, $0x1;
	_ =	strace $0x8000005E;
	[dreg:$0x1] =	wrdreg $0xFFFFFFFF  }
0xbc: {  	s29 =	simm.s32 $_size_execute0_lowered;
	s5 =	sadd.s32 s5, s7;
	[dreg:$0x0] =	wrdreg $0x0  }
0xbd: {  	s7 =	sshll.u32 s29, $0x1;
	[dreg:$0x2] =	wrdreg s5  }
0xbe: {  	[dreg:$0x3] =	wrdreg s7  }
0xbf: {  	[dreg:$0x4] =	wrdreg $0xC0  }
0xc0: {  	_ =	task [dreg:s23], $0x5FFFF  }
0xc1: {  	[dreg:$0x1] =	wrdreg $0xFFFFFFFF  }
0xc2: {  	[dreg:$0x0] =	wrdreg $0x60  }
0xc3: {  	[dreg:$0x2] =	wrdreg s25  }
0xc4: {  	[dreg:$0x3] =	wrdreg s4  }
0xc5: {  	[dreg:$0x4] =	wrdreg $0x28800  }
0xc6: {  	[dreg:$0x5] =	wrdreg $0x10  }
0xc7: {  	_ =	task.clear_ibuf [dreg:s23], $0x6FFFF;
	_ =	strace $0x9000005E  }
0xc8: {  	_ =	strace $0x80000060  }
0xc9: {  	_ =	swait.ge [sflag:s19], $0x1  }
0xca: {  	[sflag:s19] =	ssyncadd.s32 $0xFFFFFFFF  }
0xcb: {  	_ =	strace $0x90000060  }
0xcc: {  	_ =	sfence  }
0xcd: {  	s30 =	sld [smem:$0x0];
	_ =	sdelay $0x2  }
0xce: {  	s31 =	sshll.u32 s1, $0xD;
	s1 =	sshrl.u32 s1, $0x2  }
0xcf: {  	s4 =	sand.u32 $0x4000, s31;
	s1 =	sadd.s32 s1, s30  }
0xd0: {  	s0 =	sor.u32 s4, s0;
	s1 =	sshll.u32 s1, $0x11  }
0xd1: {  	s0 =	sor.u32 s1, s0  }
0xd2: {  	s0 =	sadd.s32 $0x8F2B, s0  }
0xd3: {  	[sflag:s0] =	ssyncadd.remote.s32 $0x1  }
0xd4: {  	_ =	sfence.sel $0xFFFF  }
0xd5: {  	[dreg:$0x0] =	wrdreg $0xFFFFFFFF;
	(pc) =	sbr.abs _section_cstart, $3  }
0xd6: {  	[dreg:$0x1] =	wrdreg $0xFFFFFFFF  }
0xd7: {  	_ =	task.clear_ibuf [dreg:s23], $0x2FFFF;
	_ =	strace $0x9FFFFFFF  }
0xd8: {  	(tm) =	ssettm $0x7FFFFFFF  }
0xd9: {  	_ =	shalt  }
tec
execute0_lowered:
.L_overlay_start_1:
0x0: {  	(tag) =	ssettag $0x1  }
0x1: {  	s4 =	rddreg [dreg:$0x0];
	s0 =	srdreg.scid  }
0x2: {  	s7 =	stileid.u32;
	s1 =	rddreg [dreg:$0x1]  }
0x3: {  	s2 =	rddreg [dreg:$0x2];
	s3 =	simm.s32 $0x0;
	s6 =	smul.u32 $0x1400, s7  }
0x4: {  	s11 =	simm.s32 $0x50;
	s5 =	sand.u32 $0x1, s0;
	s29 =	smul.u32 $0x14000, s7  }
0x5: {  	s12 =	simm.s32 $0x0;
	s0 =	rddreg [dreg:$0x3];
	s8 =	smul.u32 $0xA00, s5  }
0x6: {  	[smem:$0x7FF] =	sst s3;
	p0 =	sne.s32 s7, $0x0;
	s9 =	smul.u32 $0x27100, s5  }
0x7: {  	s30 =	ssub.s32 $0x2, s5;
	s5 =	smul.u32 $0xA000, s5;
	s6 =	sadd.s32 s8, s6  }
0x8: {  	_ =	strace $0x8000005F;
	s8 =	sadd.s32 s29, s4;
	s6 =	sshrl.u32 s6, $0x3  }
0x9: {  	s31 =	sshrl.u32 s30, $0x1;
	s8 =	sadd.s32 s5, s8;
	s10 =	sadd.s32 s6, s4  }
0xa: {  	s4 =	sadd.s32 s9, s4;
	s6 =	ssub.s32 s30, s31;
	s9 =	simm.s32 $0x1  }
0xb: {  	s4 =	sadd.s32 $0x17BA00, s4;
	s5 =	smax.u32 s6, $0x1;
	s6 =	sadd.s32 $0x9E0600, s8  }
0xc: {  	s7 =	sadd.s32 $0x5200, s10;
	s8 =	sshrl.u32 @!p0 s2, $0x3;
	s10 =	simm.s32 $0x80  }
.LBB2_1:
0xd: {  	s13 =	simm.s32 @!p0 $0x1C01  }
0xe: {  	[spmem:s8], [sflag:s13] =	dma.local @!p0 [hbm:s1], $0x27100  }
0xf: {  	s13 =	simm.s32 @!p0 $0x1  }
0x10: {  	_ =	swait.ge @!p0 [sflag:s13], $0x27100  }
0x11: {  	[sflag:s13] =	ssyncset.done @!p0 $0x0  }
0x12: {  	[sflag:s13] =	ssyncadd.s32 @!p0 $0xFFFD8F00  }
0x13: {  	s31 =	sadd.s32 $0x0, s7;
	[bflag:$0x0] =	sbarrier.arrive $0xFFFF  }
0x14: {  	[tilespmem:s3], [sflag:$0x1] =	stream.linear.gather [hbm4b:s31+s3], $0x50, $0x38;
	[tilespmem:$0x16100] =	vst v63  }
0x15: {  	_ =	swait.ge [sflag:s9], $0x50  }
0x16: {  	[sflag:s9] =	ssyncset.done $0x0  }
0x17: {  	[sflag:s9] =	ssyncadd.s32 $0xFFFFFFB0  }
0x18: {  	[tilespmem:s10], [sflag:$0x1] =	stream.linear.gather [hbm4b:s6+s3], $0x2800, $0x38;
	[tilespmem:$0x16100] =	vst v63  }
0x19: {  	_ =	swait.ge [sflag:s9], $0x2800  }
0x1a: {  	[sflag:s9] =	ssyncset.done $0x0  }
0x1b: {  	[sflag:s9] =	ssyncadd.s32 $0xFFFFD800  }
0x1c: {  	[spmem:s2] =	stream.indirect.scatter.add.f32 [tilespmem:s10], [sflag:$0x1], $0x80, s3, s11, $0xb8;
	[tilespmem:$0x16100] =	vst v63  }
0x1d: {  	s14 =	simm.s32 $0xA;
	_ =	swait.ge [sflag:s9], $0x2800  }
0x1e: {  	s15 =	simm.s32 $0x14;
	s13 =	sadd.s32 $0x500, s6;
	[sflag:s9] =	ssyncset.done $0x0  }
.LBB2_2:
0x1f: {  	s16 =	sadd.s32 s14, s7  }
0x20: {  	[sflag:s9] =	ssyncadd.s32 $0xFFFFD800;
	s14 =	smov.u32 s15;
	s17 =	sadd.s32 $0xA, s15  }
0x21: {  	[tilespmem:s3], [sflag:$0x1] =	stream.linear.gather [hbm4b:s16+s3], $0x50, $0x38;
	[tilespmem:$0x16100] =	vst v63  }
0x22: {  	p1 =	sne.s32 s15, $0x136;
	_ =	swait.ge [sflag:s9], $0x50  }
0x23: {  	[sflag:s9] =	ssyncset.done $0x0  }
0x24: {  	[sflag:s9] =	ssyncadd.s32 $0xFFFFFFB0  }
0x25: {  	[tilespmem:s10], [sflag:$0x1] =	stream.linear.gather [hbm4b:s13+s3], $0x2800, $0x38;
	[tilespmem:$0x16100] =	vst v63  }
0x26: {  	_ =	swait.ge [sflag:s9], $0x2800  }
.Ltmp0:
0x27: {  	[sflag:s9] =	ssyncset.done $0x0;
	(pc) =	sbr.rel @p1 .LBB2_2-.Ltmp0, $4  }
0x28: {  	[sflag:s9] =	ssyncadd.s32 $0xFFFFD800  }
0x29: {  	[spmem:s2] =	stream.indirect.scatter.add.f32 [tilespmem:s10], [sflag:$0x1], $0x80, s3, s11, $0xb8;
	[tilespmem:$0x16100] =	vst v63  }
0x2a: {  	_ =	swait.ge [sflag:s9], $0x2800  }
0x2b: {  	s15 =	smov.u32 s17;
	s13 =	sadd.s32 $0x500, s13;
	[sflag:s9] =	ssyncset.done $0x0  }
0x2c: {  	s14 =	sadd.s32 s14, s7;
	[sflag:s9] =	ssyncadd.s32 $0xFFFFD800  }
0x2d: {  	[tilespmem:s3], [sflag:$0x1] =	stream.linear.gather [hbm4b:s14+s3], $0x50, $0x38;
	[tilespmem:$0x16100] =	vst v63  }
0x2e: {  	_ =	swait.ge [sflag:s9], $0x50  }
0x2f: {  	[sflag:s9] =	ssyncset.done $0x0  }
0x30: {  	[sflag:s9] =	ssyncadd.s32 $0xFFFFFFB0  }
0x31: {  	[tilespmem:s10], [sflag:$0x1] =	stream.linear.gather [hbm4b:s13+s3], $0x2800, $0x38;
	[tilespmem:$0x16100] =	vst v63  }
0x32: {  	_ =	swait.ge [sflag:s9], $0x2800  }
0x33: {  	[sflag:s9] =	ssyncset.done $0x0  }
0x34: {  	[sflag:s9] =	ssyncadd.s32 $0xFFFFD800  }
0x35: {  	[spmem:s2] =	stream.indirect.scatter.add.f32 [tilespmem:s10], [sflag:$0x1], $0x80, s3, s11, $0xb8;
	[tilespmem:$0x16100] =	vst v63  }
0x36: {  	_ =	swait.ge [sflag:s9], $0x2800  }
0x37: {  	[sflag:s9] =	ssyncset.done $0x0  }
0x38: {  	s12 =	sadd.s32 $0x1, s12;
	[sflag:s9] =	ssyncadd.s32 $0xFFFFD800  }
0x39: {  	p1 =	sne.s32 s12, s5;
	s13 =	simm.s32 @!p0 $0x1C01;
	[bflag:$0x0] =	sbarrier.arrive $0xFFFF  }
0x3a: {  	[hbm:s4], [sflag:s13] =	dma.local @!p0 [spmem:s8], $0x27100  }
.Ltmp1:
0x3b: {  	_ = 	snop;
	(pc) =	sbr.rel @p1 .LBB2_1-.Ltmp1, $4  }
0x3c: {  	s13 =	simm.s32 @!p0 $0x1  }
0x3d: {  	_ =	swait.ge @!p0 [sflag:s13], $0x27100  }
0x3e: {  	[sflag:s13] =	ssyncset.done @!p0 $0x0  }
0x3f: {  	[sflag:s13] =	ssyncadd.s32 @!p0 $0xFFFD8F00  }
0x40: {  	_ =	sfence.sel $0x180000  }
0x41: {  	[bflag:$0x0] =	sbarrier.arrive $0xFFFF  }
0x42: {  	_ =	strace $0x9000005F  }
0x43: {  	s0 =	sadd.s32 @!p0 $0x100000, s0;
	[bflag:$0x2] =	sbarrier.arrive $0xFFFF  }
0x44: {  	[sflag:s0] =	ssyncadd.tile.s32 @!p0 $0x1;
	_ =	shalt  }
.Lfunc_end2:
_tile_overlayer_lowered:
.L_overlay_start_2:
0x45: {  	(tag) =	ssettag $0x2  }
0x46: {  	s0 =	rddreg [dreg:$0x0];
	s2 =	stileid.u32  }
0x47: {  	s1 =	rddreg [dreg:$0x1];
	p0 =	sne.s32 s2, $0x0  }
0x48: {  	s3 =	rddreg [dreg:$0x2];
	[bflag:$0x3] =	sbarrier.arrive $0xFFFF;
	s2 =	simm.s32 @!p0 $0x1C01  }
0x49: {  	[timem:s3], [sflag:s2] =	dma.local @!p0 [hbm:s0], s1  }
0x4a: {  	s0 =	simm.s32 @!p0 $0x1  }
0x4b: {  	_ =	swait.ge @!p0 [sflag:s0], s1  }
0x4c: {  	s1 =	ssub.s32 @!p0 $0x0, s1;
	[sflag:s0] =	ssyncset.done @!p0 $0x0  }
0x4d: {  	[sflag:s0] =	ssyncadd.s32 @!p0 s1  }
0x4e: {  	[bflag:$0x3] =	sbarrier.arrive $0xFFFF  }
0x4f: {  	_ =	shalt  }

// kernel: kernel.52.cloned.1.call-start
scs
__scs_entry_jumppad:
0x0: {  	(pc) =	sbr.rel $0x88, $3  }
0x1: {  	(tag) =	ssettag $0x0;
	lr =	simm.s32 $0x1  }
0x2: {  	[smem:$0x3F91] =	sst lr;
	_ =	strace $0xD0000000  }
0x3: {  	_ = 	snop  }
0x4: {  	_ = 	snop  }
0x5: {  	_ = 	snop  }
0x6: {  	_ = 	snop  }
0x7: {  	_ = 	snop  }
__scs_overlays_trampoline_lowered:
0x8: {  	[smem:$0x3FA0] =	sst s0  }
0x9: {  	[smem:$0x3FA1] =	sst s1  }
0xa: {  	[smem:$0x3FA2] =	sst s2  }
0xb: {  	[smem:$0x3FA3] =	sst s3  }
0xc: {  	[smem:$0x3FA4] =	sst s4  }
0xd: {  	[smem:$0x3FA5] =	sst s5  }
0xe: {  	[smem:$0x3FA6] =	sst s6  }
0xf: {  	[smem:$0x3FA7] =	sst s7  }
0x10: {  	[smem:$0x3FA8] =	sst s8  }
0x11: {  	[smem:$0x3FA9] =	sst s9;
	s0 =	simm.s32 @!p0 $0x0  }
0x12: {  	s1 =	sld [smem:$0x3F8F];
	s0 =	simm.s32 @p0 $0x1  }
0x13: {  	[smem:$0x3FAA] =	sst s0;
	s0 =	simm.s32 @!p1 $0x0  }
0x14: {  	s2 =	sld [smem:$0x3F8E];
	s0 =	simm.s32 @p1 $0x1  }
0x15: {  	[smem:$0x3FAB] =	sst s0;
	s0 =	simm.s32 @!p2 $0x0  }
0x16: {  	s3 =	sld [smem:$0x3FDB];
	s0 =	simm.s32 @p2 $0x1  }
0x17: {  	s4 =	simm.s32 $0x1BF5;
	[smem:$0x3FAD] =	sst s0  }
0x18: {  	s0 =	sld [smem:$0x3F90];
	_ =	swait.ge [sflag:s4], $0x0  }
0x19: {  	s7 =	sld [smem:$0x3F91]  }
0x1a: {  	s8 =	sadd.s32 $0xFFFFE003, lr  }
0x1b: {  	s9 =	sadd.s32 $0xFFFFFEF7, lr;
	s5 =	simm.s32 $0xFFFFFFFF;
	p2 =	slt.u32 s8, $0xFFFFF086  }
0x1c: {  	p1 =	slt.u32 s9, $0xF7A;
	s5 =	simm.s32 @!p2 $0x0  }
0x1d: {  	s5 =	simm.s32 @p1 $0x1;
	p0 =	seq.s32 s7, s2  }
0x1e: {  	s7 =	smul.u32 @!p0 $0xF7A, s2;
	p2 =	seq.s32 @!p0 s5, $0x0  }
0x1f: {  	s9 =	smul.u32 $0xF7A, s1;
	s8 =	simm.s32 @!p0 $0x1BF5;
	p2 =	por !p2, p0  }
0x20: {  	[sflag:s8] =	ssyncset.s32 @!p0 $0xFFFFF086;
	s6 =	sadd.s32 @!p0 s3, s7;
	s7 =	simm.s32 @!p0 $0x108  }
0x21: {  	s3 =	sadd.s32 s3, s9;
	s6 =	sadd.s32 @!p0 $0x88, s6;
	s7 =	simm.s32 @p2 $0x1082  }
0x22: {  	[simem:s7], [sflag:s8] =	dma.local @!p0 [hbm:s6], $0xF7A  }
0x23: {  	s9 =	sor.u32 $0xD0000000, s2;
	s6 =	simm.s32 $0x108;
	_ =	swait.ge @!p0 [sflag:s8], $0x0  }
0x24: {  	s3 =	sadd.s32 $0x88, s3;
	s6 =	simm.s32 @!p1 $0x1082;
	[sflag:s4] =	ssyncset.s32 $0xFFFFF086  }
0x25: {  	[simem:s6], [sflag:s4] =	dma.local [hbm:s3], $0xF7A  }
0x26: {  	[smem:$0x3F91] =	sst s1;
	(tag) =	ssettag s2;
	_ =	strace s9  }
0x27: {  	s1 =	sld [smem:$0x3FA1]  }
0x28: {  	s2 =	sld [smem:$0x3FA2]  }
0x29: {  	s4 =	sld [smem:$0x3FA4]  }
0x2a: {  	p0 =	seq.s32 s5, $0x0;
	s5 =	sld [smem:$0x3FA5]  }
0x2b: {  	s6 =	sld [smem:$0x3FA6]  }
0x2c: {  	s7 =	sld [smem:$0x3FA7]  }
0x2d: {  	s3 =	simm.s32 $0x108;
	s8 =	sld [smem:$0x3FA8]  }
0x2e: {  	s3 =	simm.s32 @!p0 $0x1082;
	s9 =	sld [smem:$0x3FA9]  }
0x2f: {  	lr =	sadd.s32 s0, s3;
	s0 =	sld [smem:$0x3FA0]  }
0x30: {  	s3 =	sld [smem:$0x3FA3]  }
0x31: {  	[smem:$0x3FAC] =	sst s10  }
0x32: {  	s10 =	sld [smem:$0x3FAA];
	_ =	sdelay $0x3  }
0x33: {  	p0 =	seq.s32 s10, $0x1;
	s10 =	sld [smem:$0x3FAC];
	_ =	sdelay $0x3  }
0x34: {  	[smem:$0x3FAC] =	sst s10  }
0x35: {  	s10 =	sld [smem:$0x3FAB];
	_ =	sdelay $0x3  }
0x36: {  	p1 =	seq.s32 s10, $0x1;
	s10 =	sld [smem:$0x3FAC];
	_ =	sdelay $0x3  }
0x37: {  	[smem:$0x3FAC] =	sst s10  }
0x38: {  	s10 =	sld [smem:$0x3FAD]  }
0x39: {  	_ = 	snop;
	(pc) =	sbr.ind lr, $3  }
0x3a: {  	_ = 	snop  }
0x3b: {  	_ = 	snop  }
0x3c: {  	p2 =	seq.s32 s10, $0x1;
	s10 =	sld [smem:$0x3FAC]  }
0x3d: {  	_ =	shalt  }
0x3e: {  	_ =	shalt  }
0x3f: {  	_ =	shalt  }
0x40: {  	_ =	shalt  }
0x41: {  	_ =	shalt  }
0x42: {  	_ =	shalt  }
0x43: {  	_ =	shalt  }
0x44: {  	_ =	shalt  }
0x45: {  	_ =	shalt  }
0x46: {  	_ =	shalt  }
0x47: {  	_ =	shalt  }
0x48: {  	_ =	shalt  }
0x49: {  	_ =	shalt  }
0x4a: {  	_ =	shalt  }
0x4b: {  	_ =	shalt  }
0x4c: {  	_ =	shalt  }
0x4d: {  	_ =	shalt  }
0x4e: {  	_ =	shalt  }
0x4f: {  	_ =	shalt  }
0x50: {  	_ =	shalt  }
0x51: {  	_ =	shalt  }
0x52: {  	_ =	shalt  }
0x53: {  	_ =	shalt  }
0x54: {  	_ =	shalt  }
0x55: {  	_ =	shalt  }
0x56: {  	_ =	shalt  }
0x57: {  	_ =	shalt  }
0x58: {  	_ =	shalt  }
0x59: {  	_ =	shalt  }
0x5a: {  	_ =	shalt  }
0x5b: {  	_ =	shalt  }
0x5c: {  	_ =	shalt  }
0x5d: {  	_ =	shalt  }
0x5e: {  	_ =	shalt  }
0x5f: {  	_ =	shalt  }
0x60: {  	_ =	shalt  }
0x61: {  	_ =	shalt  }
0x62: {  	_ =	shalt  }
0x63: {  	_ =	shalt  }
0x64: {  	_ =	shalt  }
0x65: {  	_ =	shalt  }
0x66: {  	_ =	shalt  }
0x67: {  	_ =	shalt  }
0x68: {  	_ =	shalt  }
0x69: {  	_ =	shalt  }
0x6a: {  	_ =	shalt  }
0x6b: {  	_ =	shalt  }
0x6c: {  	_ =	shalt  }
0x6d: {  	_ =	shalt  }
0x6e: {  	_ =	shalt  }
0x6f: {  	_ =	shalt  }
0x70: {  	_ =	shalt  }
0x71: {  	_ =	shalt  }
0x72: {  	_ =	shalt  }
0x73: {  	_ =	shalt  }
0x74: {  	_ =	shalt  }
0x75: {  	_ =	shalt  }
0x76: {  	_ =	shalt  }
0x77: {  	_ =	shalt  }
0x78: {  	_ =	shalt  }
0x79: {  	_ =	shalt  }
0x7a: {  	_ =	shalt  }
0x7b: {  	_ =	shalt  }
0x7c: {  	_ =	shalt  }
0x7d: {  	_ =	shalt  }
0x7e: {  	_ =	shalt  }
0x7f: {  	_ =	shalt  }
0x80: {  	_ =	shalt  }
0x81: {  	_ =	shalt  }
0x82: {  	_ =	shalt  }
0x83: {  	_ =	shalt  }
0x84: {  	_ =	shalt  }
0x85: {  	_ =	shalt  }
0x86: {  	_ =	shalt  }
0x87: {  	_ =	shalt  }
.Lfunc_end0:
.L_simem_size_0:
called_computation.11_lowered:
.L_overlay_start_0:
0x88: {  	s2 =	sld [smem:$0x3FD9]  }
0x89: {  	s3 =	sld [smem:$0x3FFE];
	_ =	sdelay $0x1  }
0x8a: {  	s1 =	srdreg.scid  }
0x8b: {  	s0 =	sand.u32 $0x1, s1  }
0x8c: {  	s16 =	sshll.u32 s0, $0xA;
	s2 =	sadd.s32 s3, s2  }
0x8d: {  	s2 =	sadd.s32 s2, s16  }
0x8e: {  	[smem:$0x3FB8] =	sst s2  }
0x8f: {  	_ = 	snop  }
0x90: {  	s2 =	sld [smem:$0x3FD0];
	_ =	sdelay $0x2  }
0x91: {  	s17 =	simm.s32 $0x11;
	s4 =	simm.s32 $0x10  }
0x92: {  	[smem:s4], [sflag:s17] =	dma.local [hbm:s2], $0x1  }
0x93: {  	_ =	swait.eq [sflag:s17], $0x1  }
0x94: {  	[sflag:s17] =	ssyncset.done $0x0  }
0x95: {  	[sflag:s17] =	ssyncadd.s32 $0xFFFFFFFF  }
0x96: {  	s3 =	sld [smem:$0x11];
	(tm) =	ssettm $0x1  }
0x97: {  	s18 =	sld [smem:$0x3FFB];
	_ =	sdelay $0x3  }
0x98: {  	_ =	strace s18  }
0x99: {  	s2 =	sld [smem:$0x3FFC];
	_ =	sdelay $0x3  }
0x9a: {  	_ =	strace s2  }
0x9b: {  	s2 =	sld [smem:$0x3FFD];
	_ =	sdelay $0x3  }
0x9c: {  	_ =	strace s2  }
0x9d: {  	_ =	strace $0x8FFFFFFF  }
0x9e: {  	s19 =	sld [smem:$0x3FDB];
	_ =	sdelay $0x1  }
0x9f: {  	s20 =	simm.s32 $_scs_section_size  }
0xa0: {  	s5 =	simm.s32 $_size__tile_overlayer_lowered;
	s6 =	simm.s32 $_tile_overlayer_lowered  }
0xa1: {  	s7 =	simm.s32 $0x1BFF;
	s21 =	sshll.u32 s6, $0x1;
	s4 =	sadd.s32 s20, s19  }
0xa2: {  	s22 =	simm.s32 $0x0;
	s5 =	sshll.u32 s5, $0x1;
	s6 =	sadd.s32 s21, s4  }
0xa3: {  	[timem:s22], [sflag:s7] =	dma.local [hbm:s6], s5  }
0xa4: {  	_ =	swait.ge [sflag:s7], s5  }
0xa5: {  	s5 =	ssub.s32 $0x0, s5;
	[sflag:s7] =	ssyncset.done $0x0  }
0xa6: {  	[sflag:s7] =	ssyncadd.s32 s5;
	_ =	sdelay $0x1  }
0xa7: {  	s23 =	simm.s32 $0x1B8B  }
0xa8: {  	_ =	swait.ge [sflag:s23], $0x1  }
0xa9: {  	[sflag:s23] =	ssyncset.done $0x0  }
0xaa: {  	[sflag:s23] =	ssyncadd.s32 $0xFFFFFFFF  }
0xab: {  	s5 =	sld [smem:$0x0]  }
0xac: {  	s6 =	sand.u32 $0xFFFFFFFE, s1  }
0xad: {  	p0 =	sne.s32 s1, s6  }
0xae: {  	s6 =	sshll.u32 @p0 s6, $0xE  }
0xaf: {  	s6 =	sadd.s32 @p0 $0x11B8D, s6;
	s7 =	sshll.u32 @p0 s5, $0x11  }
0xb0: {  	s6 =	sor.u32 @p0 s7, s6  }
0xb1: {  	[sflag:s6] =	ssyncadd.remote.s32 @p0 $0x1;
	_ =	sdelay $0x1  }
0xb2: {  	s6 =	simm.s32 @p0 $0x1B8D  }
0xb3: {  	_ =	swait.eq @p0 [sflag:s6], $0x1  }
0xb4: {  	[sflag:s6] =	ssyncadd.s32 @p0 $0xFFFFFFFF  }
0xb5: {  	s7 =	sshll.u32 @!p0 s1, $0xE  }
0xb6: {  	s7 =	sor.u32 @!p0 $0x4000, s7;
	s6 =	simm.s32 @!p0 $0x1B8D  }
0xb7: {  	s5 =	sshll.u32 @!p0 s5, $0x11;
	s7 =	sadd.s32 @!p0 $0x11B8D, s7;
	_ =	swait.eq @!p0 [sflag:s6], $0x1  }
0xb8: {  	s5 =	sor.u32 @!p0 s5, s7;
	[sflag:s6] =	ssyncadd.s32 @!p0 $0xFFFFFFFF  }
0xb9: {  	s25 =	simm.s32 $0x1B8E;
	s24 =	sld [smem:$0x3FFE];
	[sflag:s5] =	ssyncadd.remote.s32 @!p0 $0x1  }
0xba: {  	s26 =	simm.s32 $execute0_lowered;
	[smem:$0x3FD2] =	sst s25  }
0xbb: {  	s6 =	sshll.u32 s26, $0x1;
	_ =	strace $0x80000052;
	[dreg:$0x1] =	wrdreg $0xFFFFFFFF  }
0xbc: {  	s28 =	simm.s32 $_size_execute0_lowered;
	s4 =	sadd.s32 s4, s6;
	[dreg:$0x0] =	wrdreg $0x0  }
0xbd: {  	s6 =	sshll.u32 s28, $0x1;
	[dreg:$0x2] =	wrdreg s4  }
0xbe: {  	[dreg:$0x3] =	wrdreg s6  }
0xbf: {  	[dreg:$0x4] =	wrdreg $0xC0  }
0xc0: {  	_ =	task [dreg:s22], $0x5FFFF  }
0xc1: {  	[dreg:$0x1] =	wrdreg $0xFFFFFFFF  }
0xc2: {  	[dreg:$0x0] =	wrdreg $0x60  }
0xc3: {  	[dreg:$0x2] =	wrdreg s24  }
0xc4: {  	[dreg:$0x3] =	wrdreg s3  }
0xc5: {  	[dreg:$0x4] =	wrdreg $0x98300  }
0xc6: {  	[dreg:$0x5] =	wrdreg $0x9  }
0xc7: {  	_ =	task.clear_ibuf [dreg:s22], $0x6FFFF;
	_ =	strace $0x90000052  }
0xc8: {  	s29 =	simm.s32 $0x9;
	_ =	strace $0x80000054  }
0xc9: {  	_ =	swait.ge [sflag:s29], $0x1  }
0xca: {  	[sflag:s29] =	ssyncadd.s32 $0xFFFFFFFF  }
0xcb: {  	_ =	strace $0x90000054  }
0xcc: {  	_ =	sfence  }
0xcd: {  	s30 =	sld [smem:$0x0];
	_ =	sdelay $0x2  }
0xce: {  	s31 =	sshll.u32 s1, $0xD;
	s1 =	sshrl.u32 s1, $0x2  }
0xcf: {  	s4 =	sand.u32 $0x4000, s31;
	s1 =	sadd.s32 s1, s30  }
0xd0: {  	s0 =	sor.u32 s4, s0;
	s1 =	sshll.u32 s1, $0x11  }
0xd1: {  	s0 =	sor.u32 s1, s0  }
0xd2: {  	s0 =	sadd.s32 $0x8F2B, s0  }
0xd3: {  	[sflag:s0] =	ssyncadd.remote.s32 $0x1  }
0xd4: {  	_ =	sfence.sel $0xFFFF  }
0xd5: {  	[dreg:$0x0] =	wrdreg $0xFFFFFFFF;
	(pc) =	sbr.abs _section_cstart, $3  }
0xd6: {  	[dreg:$0x1] =	wrdreg $0xFFFFFFFF  }
0xd7: {  	_ =	task.clear_ibuf [dreg:s22], $0x2FFFF;
	_ =	strace $0x9FFFFFFF  }
0xd8: {  	(tm) =	ssettm $0x7FFFFFFF  }
0xd9: {  	_ =	shalt  }
tec
execute0_lowered:
.L_overlay_start_1:
0x0: {  	(tag) =	ssettag $0x1  }
0x1: {  	s7 =	rddreg [dreg:$0x0]  }
0x2: {  	s0 =	srdreg.scid;
	s1 =	rddreg [dreg:$0x1]  }
0x3: {  	s12 =	stileid.u32;
	s2 =	rddreg [dreg:$0x2]  }
0x4: {  	s3 =	simm.s32 $0x0;
	s14 =	simm.s32 $0x4A10;
	s15 =	simm.s32 $0x7120  }
0x5: {  	s17 =	simm.s32 $0x1E00;
	s18 =	simm.s32 $0xA00;
	s19 =	simm.s32 $0x1400  }
0x6: {  	s20 =	simm.s32 $0x50;
	s5 =	sand.u32 $0x1, s0;
	s0 =	rddreg [dreg:$0x3]  }
0x7: {  	v0 =	vlaneseq.u32;
	s21 =	simm.s32 $0x0;
	s31 =	sshll.u32 s12, $0x1;
	[smem:$0x7FF] =	sst s3  }
0x8: {  	s6 =	sadd.s32 $0xCA00, s7;
	v0 =	vmul.u32 $0x10, v0;
	p0 =	sne.s32 s12, $0x0;
	s12 =	simm.s32 $0x2300  }
0x9: {  	s4 =	sor.u32 s5, s31;
	_ =	strace $0x80000053;
	s8 =	smul.u32 $0x4E20, s5  }
0xa: {  	s10 =	ssub.s32 $0x2, s5;
	s5 =	sadd.s32 $0x9DFA00, s7;
	s4 =	smul.u32 $0x140, s4;
	v1 =	vor.u32 $0x1, v0;
	v3 =	vor.u32 $0x100, v0  }
0xb: {  	s16 =	sshrl.u32 @!p0 s2, $0x3;
	s11 =	sshrl.u32 s10, $0x1;
	v4 =	vor.u32 $0x101, v0;
	v5 =	vor.u32 $0x102, v0;
	v6 =	vor.u32 $0x200, v0;
	s13 =	sadd.s32 s8, s7  }
0xc: {  	v7 =	vor.u32 $0x201, v0;
	v8 =	vor.u32 $0x202, v0;
	v9 =	vor.u32 $0x300, v0;
	s11 =	ssub.s32 s10, s11;
	s9 =	sadd.s32 s4, s7;
	s4 =	sadd.s32 $0x9E0000, s7  }
0xd: {  	v10 =	vor.u32 $0x301, v0;
	v11 =	vor.u32 $0x302, v0;
	v12 =	vor.u32 $0x400, v0;
	s10 =	sadd.s32 $0x11A00, s13;
	s11 =	smax.u32 s11, $0x1;
	s13 =	simm.s32 $0x1  }
0xe: {  	v2 =	vor.u32 $0x2, v0;
	v13 =	vor.u32 $0x401, v0;
	v14 =	vor.u32 $0x402, v0;
	s7 =	sadd.s32 $0x9DD200, s9;
	s8 =	sadd.s32 $0x7A00, s9;
	s9 =	sadd.s32 $0xA200, s9  }
.LBB2_1:
0xf: {  	[tilespmem:s12], [sflag:$0x1] =	stream.linear.gather [hbm4b:s4+s3], $0x2710, $0x38;
	[tilespmem:$0xBF40] =	vst v63  }
0x10: {  	_ =	swait.ge [sflag:s13], $0x2710  }
0x11: {  	[sflag:s13] =	ssyncset.done $0x0  }
0x12: {  	[sflag:s13] =	ssyncadd.s32 $0xFFFFD8F0  }
0x13: {  	[tilespmem:s14], [sflag:$0x1] =	stream.linear.gather [hbm4b:s5+s3], $0x2710, $0x38;
	[tilespmem:$0xBF40] =	vst v63  }
0x14: {  	_ =	swait.ge [sflag:s13], $0x2710  }
0x15: {  	[sflag:s13] =	ssyncset.done $0x0  }
0x16: {  	[sflag:s13] =	ssyncadd.s32 $0xFFFFD8F0  }
0x17: {  	[tilespmem:s15], [sflag:$0x1] =	stream.linear.gather [hbm4b:s1+s3], $0x2710, $0x38;
	[tilespmem:$0xBF40] =	vst v63  }
0x18: {  	_ =	swait.ge [sflag:s13], $0x2710  }
0x19: {  	[sflag:s13] =	ssyncset.done $0x0  }
0x1a: {  	s22 =	simm.s32 @!p0 $0x1C01;
	[sflag:s13] =	ssyncadd.s32 $0xFFFFD8F0  }
0x1b: {  	[spmem:s16], [sflag:s22] =	dma.local @!p0 [hbm:s6], $0x4E20  }
0x1c: {  	s22 =	simm.s32 @!p0 $0x1  }
0x1d: {  	_ =	swait.ge @!p0 [sflag:s22], $0x4E20  }
0x1e: {  	[sflag:s22] =	ssyncset.done @!p0 $0x0  }
0x1f: {  	[sflag:s22] =	ssyncadd.s32 @!p0 $0xFFFFB1E0  }
0x20: {  	[tilespmem:s17], [sflag:$0x1] =	stream.linear.gather [hbm4b:s6+s3], $0x500, $0x38;
	[tilespmem:$0xBF40] =	vst v63  }
0x21: {  	_ =	swait.ge [sflag:s13], $0x500  }
0x22: {  	[sflag:s13] =	ssyncset.done $0x0  }
0x23: {  	[sflag:s13] =	ssyncadd.s32 $0xFFFFFB00  }
0x24: {  	[tilespmem:s3], [sflag:$0x1] =	stream.linear.gather [hbm4b:s7+s3], $0xA00, $0x38;
	[tilespmem:$0xBF40] =	vst v63  }
0x25: {  	_ =	swait.ge [sflag:s13], $0xA00  }
0x26: {  	[sflag:s13] =	ssyncset.done $0x0  }
0x27: {  	[sflag:s13] =	ssyncadd.s32 $0xFFFFF600  }
0x28: {  	[tilespmem:s18], [sflag:$0x1] =	stream.linear.gather [hbm4b:s8+s3], $0xA00, $0x38;
	[tilespmem:$0xBF40] =	vst v63  }
0x29: {  	_ =	swait.ge [sflag:s13], $0xA00  }
0x2a: {  	[sflag:s13] =	ssyncset.done $0x0  }
0x2b: {  	[sflag:s13] =	ssyncadd.s32 $0xFFFFF600  }
0x2c: {  	[tilespmem:s19], [sflag:$0x1] =	stream.linear.gather [hbm4b:s9+s3], $0xA00, $0x38;
	[tilespmem:$0xBF40] =	vst v63  }
0x2d: {  	_ =	swait.ge [sflag:s13], $0xA00  }
0x2e: {  	[sflag:s13] =	ssyncset.done $0x0  }
0x2f: {  	[sflag:s13] =	ssyncadd.s32 $0xFFFFF600  }
0x30: {  	s22 =	simm.s32 $0x0;
	[bflag:$0x0] =	sbarrier.arrive $0xFFFF  }
.LBB2_2:
0x31: {  	s23 =	sshra.s32 s22, $0x2  }
0x32: {  	v15 =	vld [tilespmem:s23+$0x0]  }
0x33: {  	v16 =	vld [tilespmem:s23+$0xA00];
	_ =	sdelay $0x5  }
0x34: {  	v17 =	vld [tilespmem:s23+$0x1400]  }
0x35: {  	v18 =	vld.idx.msk [tilespmem:v15+s12+$0x0], $0xffff  }
0x36: {  	v19 =	vld.idx.msk [tilespmem:v16+s12+$0x0], $0xffff  }
0x37: {  	v20 =	vld.idx.msk [tilespmem:v15+s14+$0x0], $0xffff  }
0x38: {  	v21 =	vld.idx.msk [tilespmem:v16+s14+$0x0], $0xffff  }
0x39: {  	v15 =	vld.idx.msk [tilespmem:v15+s15+$0x0], $0xffff  }
0x3a: {  	v16 =	vld.idx.msk [tilespmem:v16+s15+$0x0], $0xffff;
	_ =	sdelay $0x2  }
0x3b: {  	v18 =	vsub.f32 v18, v19  }
0x3c: {  	v33 =	vsub.f32 v20, v21  }
0x3d: {  	v15 =	vsub.f32 v15, v16;
	v34 =	vmul.f32 v18, v17  }
0x3e: {  	v35 =	vmul.f32 v33, v17  }
0x3f: {  	v15 =	vmul.f32 v15, v17;
	[tilespmem:v0+s17+$0x0] =	vst.idx.msk $0xffff, v34  }
0x40: {  	[tilespmem:v1+s17+$0x0] =	vst.idx.msk $0xffff, v35  }
0x41: {  	[tilespmem:v2+s17+$0x0] =	vst.idx.msk $0xffff, v15  }
0x42: {  	v15 =	vld [tilespmem:s23+$0x10]  }
0x43: {  	v16 =	vld [tilespmem:s23+$0xA10];
	_ =	sdelay $0x5  }
0x44: {  	v36 =	vld [tilespmem:s23+$0x1410]  }
0x45: {  	v18 =	vld.idx.msk [tilespmem:v15+s12+$0x0], $0xffff  }
0x46: {  	v37 =	vld.idx.msk [tilespmem:v16+s12+$0x0], $0xffff  }
0x47: {  	v38 =	vld.idx.msk [tilespmem:v15+s14+$0x0], $0xffff  }
0x48: {  	v39 =	vld.idx.msk [tilespmem:v16+s14+$0x0], $0xffff  }
0x49: {  	v15 =	vld.idx.msk [tilespmem:v15+s15+$0x0], $0xffff  }
0x4a: {  	v16 =	vld.idx.msk [tilespmem:v16+s15+$0x0], $0xffff;
	_ =	sdelay $0x2  }
0x4b: {  	v18 =	vsub.f32 v18, v37  }
0x4c: {  	v40 =	vsub.f32 v38, v39  }
0x4d: {  	v15 =	vsub.f32 v15, v16;
	v41 =	vmul.f32 v18, v36  }
0x4e: {  	v42 =	vmul.f32 v40, v36  }
0x4f: {  	v15 =	vmul.f32 v15, v36;
	[tilespmem:v3+s17+$0x0] =	vst.idx.msk $0xffff, v41  }
0x50: {  	[tilespmem:v4+s17+$0x0] =	vst.idx.msk $0xffff, v42  }
0x51: {  	[tilespmem:v5+s17+$0x0] =	vst.idx.msk $0xffff, v15  }
0x52: {  	v15 =	vld [tilespmem:s23+$0x20]  }
0x53: {  	v16 =	vld [tilespmem:s23+$0xA20];
	_ =	sdelay $0x5  }
0x54: {  	v43 =	vld [tilespmem:s23+$0x1420]  }
0x55: {  	v18 =	vld.idx.msk [tilespmem:v15+s12+$0x0], $0xffff  }
0x56: {  	v44 =	vld.idx.msk [tilespmem:v16+s12+$0x0], $0xffff  }
0x57: {  	v45 =	vld.idx.msk [tilespmem:v15+s14+$0x0], $0xffff  }
0x58: {  	v46 =	vld.idx.msk [tilespmem:v16+s14+$0x0], $0xffff  }
0x59: {  	v15 =	vld.idx.msk [tilespmem:v15+s15+$0x0], $0xffff  }
0x5a: {  	v16 =	vld.idx.msk [tilespmem:v16+s15+$0x0], $0xffff;
	_ =	sdelay $0x2  }
0x5b: {  	v18 =	vsub.f32 v18, v44  }
0x5c: {  	v47 =	vsub.f32 v45, v46  }
0x5d: {  	v15 =	vsub.f32 v15, v16;
	v48 =	vmul.f32 v18, v43  }
0x5e: {  	v49 =	vmul.f32 v47, v43  }
0x5f: {  	v15 =	vmul.f32 v15, v43;
	[tilespmem:v6+s17+$0x0] =	vst.idx.msk $0xffff, v48  }
0x60: {  	[tilespmem:v7+s17+$0x0] =	vst.idx.msk $0xffff, v49  }
0x61: {  	[tilespmem:v8+s17+$0x0] =	vst.idx.msk $0xffff, v15  }
0x62: {  	v15 =	vld [tilespmem:s23+$0x30]  }
0x63: {  	v16 =	vld [tilespmem:s23+$0xA30];
	_ =	sdelay $0x5  }
0x64: {  	v50 =	vld [tilespmem:s23+$0x1430]  }
0x65: {  	v18 =	vld.idx.msk [tilespmem:v15+s12+$0x0], $0xffff  }
0x66: {  	v51 =	vld.idx.msk [tilespmem:v16+s12+$0x0], $0xffff  }
0x67: {  	v52 =	vld.idx.msk [tilespmem:v15+s14+$0x0], $0xffff  }
0x68: {  	v53 =	vld.idx.msk [tilespmem:v16+s14+$0x0], $0xffff  }
0x69: {  	v15 =	vld.idx.msk [tilespmem:v15+s15+$0x0], $0xffff  }
0x6a: {  	v16 =	vld.idx.msk [tilespmem:v16+s15+$0x0], $0xffff;
	_ =	sdelay $0x2  }
0x6b: {  	v18 =	vsub.f32 v18, v51  }
0x6c: {  	v54 =	vsub.f32 v52, v53  }
0x6d: {  	v15 =	vsub.f32 v15, v16;
	v55 =	vmul.f32 v18, v50  }
0x6e: {  	v56 =	vmul.f32 v54, v50  }
0x6f: {  	v15 =	vmul.f32 v15, v50;
	[tilespmem:v9+s17+$0x0] =	vst.idx.msk $0xffff, v55  }
0x70: {  	[tilespmem:v10+s17+$0x0] =	vst.idx.msk $0xffff, v56  }
0x71: {  	[tilespmem:v11+s17+$0x0] =	vst.idx.msk $0xffff, v15  }
0x72: {  	v15 =	vld [tilespmem:s23+$0x40]  }
0x73: {  	v16 =	vld [tilespmem:s23+$0xA40];
	_ =	sdelay $0x5  }
0x74: {  	v57 =	vld [tilespmem:s23+$0x1440]  }
0x75: {  	v18 =	vld.idx.msk [tilespmem:v15+s12+$0x0], $0xffff  }
0x76: {  	v58 =	vld.idx.msk [tilespmem:v16+s12+$0x0], $0xffff  }
0x77: {  	v59 =	vld.idx.msk [tilespmem:v15+s14+$0x0], $0xffff  }
0x78: {  	v60 =	vld.idx.msk [tilespmem:v16+s14+$0x0], $0xffff  }
0x79: {  	v15 =	vld.idx.msk [tilespmem:v15+s15+$0x0], $0xffff  }
0x7a: {  	v16 =	vld.idx.msk [tilespmem:v16+s15+$0x0], $0xffff;
	_ =	sdelay $0x2  }
0x7b: {  	v18 =	vsub.f32 v18, v58  }
0x7c: {  	v61 =	vsub.f32 v59, v60  }
0x7d: {  	v15 =	vsub.f32 v15, v16;
	v62 =	vmul.f32 v18, v57  }
0x7e: {  	v63 =	vmul.f32 v61, v57  }
0x7f: {  	v15 =	vmul.f32 v15, v57;
	[tilespmem:v12+s17+$0x0] =	vst.idx.msk $0xffff, v62  }
0x80: {  	p1 =	sne.s32 s22, $0x26C0;
	[tilespmem:v13+s17+$0x0] =	vst.idx.msk $0xffff, v63  }
.Ltmp0:
0x81: {  	[tilespmem:v14+s17+$0x0] =	vst.idx.msk $0xffff, v15;
	(pc) =	sbr.rel @p1 .LBB2_2-.Ltmp0, $4  }
0x82: {  	[spmem:s2] =	stream.indirect.scatter.add.f32 [tilespmem:s17], [sflag:$0x1], $0x10, s23, s20, $0xb8;
	[tilespmem:$0xBF40] =	vst v63  }
0x83: {  	_ =	swait.ge [sflag:s13], $0x500  }
0x84: {  	[sflag:s13] =	ssyncset.done $0x0  }
0x85: {  	s22 =	sadd.s32 $0x140, s22;
	[sflag:s13] =	ssyncadd.s32 $0xFFFFFB00  }
0x86: {  	[bflag:$0x0] =	sbarrier.arrive $0xFFFF;
	s22 =	simm.s32 @!p0 $0x1C01;
	s21 =	sadd.s32 $0x1, s21  }
0x87: {  	[hbm:s10], [sflag:s22] =	dma.local @!p0 [spmem:s16], $0x4E20  }
0x88: {  	p1 =	sne.s32 s21, s11  }
.Ltmp1:
0x89: {  	_ = 	snop;
	(pc) =	sbr.rel @p1 .LBB2_1-.Ltmp1, $4  }
0x8a: {  	s22 =	simm.s32 @!p0 $0x1  }
0x8b: {  	_ =	swait.ge @!p0 [sflag:s22], $0x4E20  }
0x8c: {  	[sflag:s22] =	ssyncset.done @!p0 $0x0  }
0x8d: {  	[sflag:s22] =	ssyncadd.s32 @!p0 $0xFFFFB1E0  }
0x8e: {  	_ =	sfence.sel $0x180000  }
0x8f: {  	[bflag:$0x0] =	sbarrier.arrive $0xFFFF  }
0x90: {  	_ =	strace $0x90000053  }
0x91: {  	s0 =	sadd.s32 @!p0 $0x100000, s0;
	[bflag:$0x2] =	sbarrier.arrive $0xFFFF  }
0x92: {  	[sflag:s0] =	ssyncadd.tile.s32 @!p0 $0x1;
	_ =	shalt  }
.Lfunc_end2:
_tile_overlayer_lowered:
.L_overlay_start_2:
0x93: {  	(tag) =	ssettag $0x2  }
0x94: {  	s0 =	rddreg [dreg:$0x0];
	s2 =	stileid.u32  }
0x95: {  	s1 =	rddreg [dreg:$0x1];
	p0 =	sne.s32 s2, $0x0  }
0x96: {  	s3 =	rddreg [dreg:$0x2];
	[bflag:$0x3] =	sbarrier.arrive $0xFFFF;
	s2 =	simm.s32 @!p0 $0x1C01  }
0x97: {  	[timem:s3], [sflag:s2] =	dma.local @!p0 [hbm:s0], s1  }
0x98: {  	s0 =	simm.s32 @!p0 $0x1  }
0x99: {  	_ =	swait.ge @!p0 [sflag:s0], s1  }
0x9a: {  	s1 =	ssub.s32 @!p0 $0x0, s1;
	[sflag:s0] =	ssyncset.done @!p0 $0x0  }
0x9b: {  	[sflag:s0] =	ssyncadd.s32 @!p0 s1  }
0x9c: {  	[bflag:$0x3] =	sbarrier.arrive $0xFFFF  }
0x9d: {  	_ =	shalt  }

</sc_bundles>
